<compile_context>
chip_gen: v7x
topology: tpu7x:2x2x1
jax: 0.10.2.dev20260603
libtpu: 0.0.44.dev20260713+nightly
codegen_flags: <defaults>
</compile_context>

<pallas_src>
import functools

import jax
import jax.numpy as jnp
from jax import lax
from jax.experimental import pallas as pl
from jax.experimental.pallas import tpu as pltpu
from jax.experimental.pallas import tpu_sc as plsc

_B = 8
_C = 21
_H = 512
_W = 512
_R = 128

_NW = 32
_PROWS = _B * _H
_ROWS_PER_W = _PROWS // _NW
_SUBROWS = 16


def _maxarg_body(x_ref, p_ref):
    x = x_ref[0]
    m = x[0]
    a = jnp.zeros(m.shape, jnp.int32)
    for c in range(1, _C):
        xc = x[c]
        upd = xc > m
        m = jnp.where(upd, xc, m)
        a = jnp.where(upd, c, a)
    mi = lax.bitcast_convert_type(m, jnp.int32)
    p_ref[0] = (mi & -32) | a


def _stage1(x):
    return pl.pallas_call(
        _maxarg_body,
        grid=(_B, _H // _R),
        in_specs=[pl.BlockSpec((1, _C, _R, _W), lambda b, t: (b, 0, t, 0))],
        out_specs=pl.BlockSpec((1, _R, _W), lambda b, t: (b, t, 0)),
        out_shape=jax.ShapeDtypeStruct((_B, _H, _W), jnp.int32),
    )(x)


def _make_stage2():
    mesh = plsc.VectorSubcoreMesh(core_axis_name="c", subcore_axis_name="s")

    @functools.partial(
        pl.kernel,
        mesh=mesh,
        out_type=jax.ShapeDtypeStruct((_NW, 32), jnp.float32),
        compiler_params=pltpu.CompilerParams(needs_layout_passes=False),
        scratch_types=[
            pltpu.VMEM((_SUBROWS, _W), jnp.int32),
            pltpu.VMEM((_SUBROWS, _W), jnp.int32),
            pltpu.VMEM((16, 32), jnp.float32),
            pltpu.VMEM((32,), jnp.float32),
            pltpu.SemaphoreType.DMA,
            pltpu.SemaphoreType.DMA,
        ],
    )
    def segsum(p_hbm, out_hbm, pv0, pv1, acc2, acc, sem0, sem1):
        wid = lax.axis_index("s") * 2 + lax.axis_index("c")
        base = wid * _ROWS_PER_W
        bufs = (pv0, pv1)
        sems = (sem0, sem1)
        zeros = jnp.zeros((16,), jnp.float32)
        for r in range(16):
            acc2[r, pl.ds(0, 16)] = zeros
            acc2[r, pl.ds(16, 16)] = zeros
        rows = lax.iota(jnp.int32, 16)
        n_sub = _ROWS_PER_W // _SUBROWS

        copies = [
            pltpu.make_async_copy(
                p_hbm.at[pl.ds(base + s * _SUBROWS, _SUBROWS), :],
                bufs[s % 2],
                sems[s % 2],
            )
            for s in range(n_sub)
        ]
        copies[0].start()
        for sub in range(n_sub):
            if sub + 1 < n_sub:
                copies[sub + 1].start()
            copies[sub].wait()
            buf = bufs[sub % 2]

            def body(r, carry, buf=buf):
                for u in range(_W // 16):
                    p = buf[r, pl.ds(u * 16, 16)]
                    ids = p & 31
                    vals = plsc.bitcast(p & -32, jnp.float32)
                    plsc.addupdate_scatter(acc2, [rows, ids], vals)
                return carry

            lax.fori_loop(0, _SUBROWS, body, 0)

        lo = acc2[0, pl.ds(0, 16)]
        hi = acc2[0, pl.ds(16, 16)]
        for r in range(1, 16):
            lo = lo + acc2[r, pl.ds(0, 16)]
            hi = hi + acc2[r, pl.ds(16, 16)]
        acc[pl.ds(0, 16)] = lo
        acc[pl.ds(16, 16)] = hi
        pltpu.sync_copy(acc, out_hbm.at[wid])

    return segsum


@functools.cache
def _stage2():
    return _make_stage2()


def kernel(x):
    p = _stage1(x)
    partials = _stage2()(p.reshape(_PROWS, _W))
    return partials.reshape(_B, _NW // _B, 32).sum(axis=1)[:, :_C]

# --- scband reference (transcript-rebuilt; emitter-appended) ---
"""Pipeline reference for scband-multi-class-segment-wrapper-17428977287719 (READ-ONLY COPY).

The authoritative reference and input builder live on the scoring server;
editing this copy changes nothing except your own understanding.
"""

import jax, jax.numpy as jnp
import numpy as np


def setup_inputs(seed: int = 0) -> dict:
    key = jax.random.key(seed)
    x = jax.random.normal(key, (8, 21, 512, 512), dtype=jnp.float32)
    return {"x": x}


def reference(x):
    # base model is Identity, so out = x
    out = x
    # torch.argmax(out, dim=1, keepdim=True)
    op_max = jnp.argmax(out, axis=1, keepdims=True)  # [B, 1, H, W] int
    # torch.zeros_like(out).scatter_(1, op_max, 1) -> one-hot along channel dim
    C = out.shape[1]
    selected_inds = (jnp.arange(C, dtype=op_max.dtype)[None, :, None, None] == op_max).astype(out.dtype)
    # (out * selected_inds).sum(dim=(-2, -1)) -> [B, C]
    return (out * selected_inds).sum(axis=(-2, -1))

if __name__ == "__main__":
    import jax
    _d = setup_inputs()
    print(jax.jit(kernel)(*tuple(_d.values())))

</pallas_src>

<mosaic_0001>
#map = affine_map<(d0, d1) -> (0, 0)>
module attributes {stable_mosaic.version = 14 : i64} {
  func.func @segsum(%arg0: i32, %arg1: i32, %arg2: memref<4096x512xi32, #tpu.memory_space<hbm>>, %arg3: memref<32x32xf32, #tpu.memory_space<hbm>>, %arg4: memref<16x512xi32, #tpu.memory_space<vmem>>, %arg5: memref<16x512xi32, #tpu.memory_space<vmem>>, %arg6: memref<16x32xf32, #tpu.memory_space<vmem>>, %arg7: memref<32xf32, #tpu.memory_space<vmem>>, %arg8: memref<!tpu.dma_semaphore, #tpu.memory_space<semaphore_mem>>, %arg9: memref<!tpu.dma_semaphore, #tpu.memory_space<semaphore_mem>>) attributes {dimension_semantics = [#tpu.dimension_semantics<core_parallel>, #tpu.dimension_semantics<subcore_parallel>], iteration_bounds = array<i64: 2, 16>, scalar_prefetch = 0 : i64, scratch_operands = 6 : i64, tpu.core_type = #tpu.core_type<sc_vector_subcore>, window_params = [{transform_indices = #map}, {transform_indices = #map}]} {
    %mul3A = arith.constant 2 : i32
    %mul3A_0 = arith.muli %arg1, %mul3A : i32
    %add3A = arith.addi %mul3A_0, %arg0 : i32
    %mul3A_1 = arith.constant 128 : i32
    %mul3A_2 = arith.muli %add3A, %mul3A_1 : i32
    %broadcast_in_dim3A = arith.constant 0.000000e+00 : f32
    %broadcast_in_dim3A_3 = vector.broadcast %broadcast_in_dim3A : f32 to vector<16xf32>
    %swap3A = arith.constant 0 : i32
    %swap3A_4 = arith.index_cast %swap3A : i32 to index
    %swap3A_5 = arith.constant 0 : index
    %swap3A_6 = tpu.vector_load %arg6[%swap3A_4, %swap3A_5] {strides = array<i32>} : memref<16x32xf32, #tpu.memory_space<vmem>>, vector<16xf32>,
    tpu.vector_store %arg6[%swap3A_4, %swap3A_5], %broadcast_in_dim3A_3 {strides = array<i32>} : memref<16x32xf32, #tpu.memory_space<vmem>>, vector<16xf32>,
    %swap3A_7 = arith.constant 0 : i32
    %swap3A_8 = arith.index_cast %swap3A_7 : i32 to index
    %swap3A_9 = arith.constant 16 : index
    %swap3A_10 = tpu.vector_load %arg6[%swap3A_8, %swap3A_9] {strides = array<i32>} : memref<16x32xf32, #tpu.memory_space<vmem>>, vector<16xf32>,
    tpu.vector_store %arg6[%swap3A_8, %swap3A_9], %broadcast_in_dim3A_3 {strides = array<i32>} : memref<16x32xf32, #tpu.memory_space<vmem>>, vector<16xf32>,
    %swap3A_11 = arith.constant 1 : i32
    %swap3A_12 = arith.index_cast %swap3A_11 : i32 to index
    %swap3A_13 = arith.constant 0 : index
    %swap3A_14 = tpu.vector_load %arg6[%swap3A_12, %swap3A_13] {strides = array<i32>} : memref<16x32xf32, #tpu.memory_space<vmem>>, vector<16xf32>,
    tpu.vector_store %arg6[%swap3A_12, %swap3A_13], %broadcast_in_dim3A_3 {strides = array<i32>} : memref<16x32xf32, #tpu.memory_space<vmem>>, vector<16xf32>,
    %swap3A_15 = arith.constant 1 : i32
    %swap3A_16 = arith.index_cast %swap3A_15 : i32 to index
    %swap3A_17 = arith.constant 16 : index
    %swap3A_18 = tpu.vector_load %arg6[%swap3A_16, %swap3A_17] {strides = array<i32>} : memref<16x32xf32, #tpu.memory_space<vmem>>, vector<16xf32>,
    tpu.vector_store %arg6[%swap3A_16, %swap3A_17], %broadcast_in_dim3A_3 {strides = array<i32>} : memref<16x32xf32, #tpu.memory_space<vmem>>, vector<16xf32>,
    %swap3A_19 = arith.constant 2 : i32
    %swap3A_20 = arith.index_cast %swap3A_19 : i32 to index
    %swap3A_21 = arith.constant 0 : index
    %swap3A_22 = tpu.vector_load %arg6[%swap3A_20, %swap3A_21] {strides = array<i32>} : memref<16x32xf32, #tpu.memory_space<vmem>>, vector<16xf32>,
    tpu.vector_store %arg6[%swap3A_20, %swap3A_21], %broadcast_in_dim3A_3 {strides = array<i32>} : memref<16x32xf32, #tpu.memory_space<vmem>>, vector<16xf32>,
    %swap3A_23 = arith.constant 2 : i32
    %swap3A_24 = arith.index_cast %swap3A_23 : i32 to index
    %swap3A_25 = arith.constant 16 : index
    %swap3A_26 = tpu.vector_load %arg6[%swap3A_24, %swap3A_25] {strides = array<i32>} : memref<16x32xf32, #tpu.memory_space<vmem>>, vector<16xf32>,
    tpu.vector_store %arg6[%swap3A_24, %swap3A_25], %broadcast_in_dim3A_3 {strides = array<i32>} : memref<16x32xf32, #tpu.memory_space<vmem>>, vector<16xf32>,
    %swap3A_27 = arith.constant 3 : i32
    %swap3A_28 = arith.index_cast %swap3A_27 : i32 to index
    %swap3A_29 = arith.constant 0 : index
    %swap3A_30 = tpu.vector_load %arg6[%swap3A_28, %swap3A_29] {strides = array<i32>} : memref<16x32xf32, #tpu.memory_space<vmem>>, vector<16xf32>,
    tpu.vector_store %arg6[%swap3A_28, %swap3A_29], %broadcast_in_dim3A_3 {strides = array<i32>} : memref<16x32xf32, #tpu.memory_space<vmem>>, vector<16xf32>,
    %swap3A_31 = arith.constant 3 : i32
    %swap3A_32 = arith.index_cast %swap3A_31 : i32 to index
    %swap3A_33 = arith.constant 16 : index
    %swap3A_34 = tpu.vector_load %arg6[%swap3A_32, %swap3A_33] {strides = array<i32>} : memref<16x32xf32, #tpu.memory_space<vmem>>, vector<16xf32>,
    tpu.vector_store %arg6[%swap3A_32, %swap3A_33], %broadcast_in_dim3A_3 {strides = array<i32>} : memref<16x32xf32, #tpu.memory_space<vmem>>, vector<16xf32>,
    %swap3A_35 = arith.constant 4 : i32
    %swap3A_36 = arith.index_cast %swap3A_35 : i32 to index
    %swap3A_37 = arith.constant 0 : index
    %swap3A_38 = tpu.vector_load %arg6[%swap3A_36, %swap3A_37] {strides = array<i32>} : memref<16x32xf32, #tpu.memory_space<vmem>>, vector<16xf32>,
    tpu.vector_store %arg6[%swap3A_36, %swap3A_37], %broadcast_in_dim3A_3 {strides = array<i32>} : memref<16x32xf32, #tpu.memory_space<vmem>>, vector<16xf32>,
    %swap3A_39 = arith.constant 4 : i32
    %swap3A_40 = arith.index_cast %swap3A_39 : i32 to index
    %swap3A_41 = arith.constant 16 : index
    %swap3A_42 = tpu.vector_load %arg6[%swap3A_40, %swap3A_41] {strides = array<i32>} : memref<16x32xf32, #tpu.memory_space<vmem>>, vector<16xf32>,
    tpu.vector_store %arg6[%swap3A_40, %swap3A_41], %broadcast_in_dim3A_3 {strides = array<i32>} : memref<16x32xf32, #tpu.memory_space<vmem>>, vector<16xf32>,
    %swap3A_43 = arith.constant 5 : i32
    %swap3A_44 = arith.index_cast %swap3A_43 : i32 to index
    %swap3A_45 = arith.constant 0 : index
    %swap3A_46 = tpu.vector_load %arg6[%swap3A_44, %swap3A_45] {strides = array<i32>} : memref<16x32xf32, #tpu.memory_space<vmem>>, vector<16xf32>,
    tpu.vector_store %arg6[%swap3A_44, %swap3A_45], %broadcast_in_dim3A_3 {strides = array<i32>} : memref<16x32xf32, #tpu.memory_space<vmem>>, vector<16xf32>,
    %swap3A_47 = arith.constant 5 : i32
    %swap3A_48 = arith.index_cast %swap3A_47 : i32 to index
    %swap3A_49 = arith.constant 16 : index
    %swap3A_50 = tpu.vector_load %arg6[%swap3A_48, %swap3A_49] {strides = array<i32>} : memref<16x32xf32, #tpu.memory_space<vmem>>, vector<16xf32>,
    tpu.vector_store %arg6[%swap3A_48, %swap3A_49], %broadcast_in_dim3A_3 {strides = array<i32>} : memref<16x32xf32, #tpu.memory_space<vmem>>, vector<16xf32>,
    %swap3A_51 = arith.constant 6 : i32
    %swap3A_52 = arith.index_cast %swap3A_51 : i32 to index
    %swap3A_53 = arith.constant 0 : index
    %swap3A_54 = tpu.vector_load %arg6[%swap3A_52, %swap3A_53] {strides = array<i32>} : memref<16x32xf32, #tpu.memory_space<vmem>>, vector<16xf32>,
    tpu.vector_store %arg6[%swap3A_52, %swap3A_53], %broadcast_in_dim3A_3 {strides = array<i32>} : memref<16x32xf32, #tpu.memory_space<vmem>>, vector<16xf32>,
    %swap3A_55 = arith.constant 6 : i32
    %swap3A_56 = arith.index_cast %swap3A_55 : i32 to index
    %swap3A_57 = arith.constant 16 : index
    %swap3A_58 = tpu.vector_load %arg6[%swap3A_56, %swap3A_57] {strides = array<i32>} : memref<16x32xf32, #tpu.memory_space<vmem>>, vector<16xf32>,
    tpu.vector_store %arg6[%swap3A_56, %swap3A_57], %broadcast_in_dim3A_3 {strides = array<i32>} : memref<16x32xf32, #tpu.memory_space<vmem>>, vector<16xf32>,
    %swap3A_59 = arith.constant 7 : i32
    %swap3A_60 = arith.index_cast %swap3A_59 : i32 to index
    %swap3A_61 = arith.constant 0 : index
    %swap3A_62 = tpu.vector_load %arg6[%swap3A_60, %swap3A_61] {strides = array<i32>} : memref<16x32xf32, #tpu.memory_space<vmem>>, vector<16xf32>,
    tpu.vector_store %arg6[%swap3A_60, %swap3A_61], %broadcast_in_dim3A_3 {strides = array<i32>} : memref<16x32xf32, #tpu.memory_space<vmem>>, vector<16xf32>,
    %swap3A_63 = arith.constant 7 : i32
    %swap3A_64 = arith.index_cast %swap3A_63 : i32 to index
    %swap3A_65 = arith.constant 16 : index
    %swap3A_66 = tpu.vector_load %arg6[%swap3A_64, %swap3A_65] {strides = array<i32>} : memref<16x32xf32, #tpu.memory_space<vmem>>, vector<16xf32>,
    tpu.vector_store %arg6[%swap3A_64, %swap3A_65], %broadcast_in_dim3A_3 {strides = array<i32>} : memref<16x32xf32, #tpu.memory_space<vmem>>, vector<16xf32>,
    %swap3A_67 = arith.constant 8 : i32
    %swap3A_68 = arith.index_cast %swap3A_67 : i32 to index
    %swap3A_69 = arith.constant 0 : index
    %swap3A_70 = tpu.vector_load %arg6[%swap3A_68, %swap3A_69] {strides = array<i32>} : memref<16x32xf32, #tpu.memory_space<vmem>>, vector<16xf32>,
    tpu.vector_store %arg6[%swap3A_68, %swap3A_69], %broadcast_in_dim3A_3 {strides = array<i32>} : memref<16x32xf32, #tpu.memory_space<vmem>>, vector<16xf32>,
    %swap3A_71 = arith.constant 8 : i32
    %swap3A_72 = arith.index_cast %swap3A_71 : i32 to index
    %swap3A_73 = arith.constant 16 : index
    %swap3A_74 = tpu.vector_load %arg6[%swap3A_72, %swap3A_73] {strides = array<i32>} : memref<16x32xf32, #tpu.memory_space<vmem>>, vector<16xf32>,
    tpu.vector_store %arg6[%swap3A_72, %swap3A_73], %broadcast_in_dim3A_3 {strides = array<i32>} : memref<16x32xf32, #tpu.memory_space<vmem>>, vector<16xf32>,
    %swap3A_75 = arith.constant 9 : i32
    %swap3A_76 = arith.index_cast %swap3A_75 : i32 to index
    %swap3A_77 = arith.constant 0 : index
    %swap3A_78 = tpu.vector_load %arg6[%swap3A_76, %swap3A_77] {strides = array<i32>} : memref<16x32xf32, #tpu.memory_space<vmem>>, vector<16xf32>,
    tpu.vector_store %arg6[%swap3A_76, %swap3A_77], %broadcast_in_dim3A_3 {strides = array<i32>} : memref<16x32xf32, #tpu.memory_space<vmem>>, vector<16xf32>,
    %swap3A_79 = arith.constant 9 : i32
    %swap3A_80 = arith.index_cast %swap3A_79 : i32 to index
    %swap3A_81 = arith.constant 16 : index
    %swap3A_82 = tpu.vector_load %arg6[%swap3A_80, %swap3A_81] {strides = array<i32>} : memref<16x32xf32, #tpu.memory_space<vmem>>, vector<16xf32>,
    tpu.vector_store %arg6[%swap3A_80, %swap3A_81], %broadcast_in_dim3A_3 {strides = array<i32>} : memref<16x32xf32, #tpu.memory_space<vmem>>, vector<16xf32>,
    %swap3A_83 = arith.constant 10 : i32
    %swap3A_84 = arith.index_cast %swap3A_83 : i32 to index
    %swap3A_85 = arith.constant 0 : index
    %swap3A_86 = tpu.vector_load %arg6[%swap3A_84, %swap3A_85] {strides = array<i32>} : memref<16x32xf32, #tpu.memory_space<vmem>>, vector<16xf32>,
    tpu.vector_store %arg6[%swap3A_84, %swap3A_85], %broadcast_in_dim3A_3 {strides = array<i32>} : memref<16x32xf32, #tpu.memory_space<vmem>>, vector<16xf32>,
    %swap3A_87 = arith.constant 10 : i32
    %swap3A_88 = arith.index_cast %swap3A_87 : i32 to index
    %swap3A_89 = arith.constant 16 : index
    %swap3A_90 = tpu.vector_load %arg6[%swap3A_88, %swap3A_89] {strides = array<i32>} : memref<16x32xf32, #tpu.memory_space<vmem>>, vector<16xf32>,
    tpu.vector_store %arg6[%swap3A_88, %swap3A_89], %broadcast_in_dim3A_3 {strides = array<i32>} : memref<16x32xf32, #tpu.memory_space<vmem>>, vector<16xf32>,
    %swap3A_91 = arith.constant 11 : i32
    %swap3A_92 = arith.index_cast %swap3A_91 : i32 to index
    %swap3A_93 = arith.constant 0 : index
    %swap3A_94 = tpu.vector_load %arg6[%swap3A_92, %swap3A_93] {strides = array<i32>} : memref<16x32xf32, #tpu.memory_space<vmem>>, vector<16xf32>,
    tpu.vector_store %arg6[%swap3A_92, %swap3A_93], %broadcast_in_dim3A_3 {strides = array<i32>} : memref<16x32xf32, #tpu.memory_space<vmem>>, vector<16xf32>,
    %swap3A_95 = arith.constant 11 : i32
    %swap3A_96 = arith.index_cast %swap3A_95 : i32 to index
    %swap3A_97 = arith.constant 16 : index
    %swap3A_98 = tpu.vector_load %arg6[%swap3A_96, %swap3A_97] {strides = array<i32>} : memref<16x32xf32, #tpu.memory_space<vmem>>, vector<16xf32>,
    tpu.vector_store %arg6[%swap3A_96, %swap3A_97], %broadcast_in_dim3A_3 {strides = array<i32>} : memref<16x32xf32, #tpu.memory_space<vmem>>, vector<16xf32>,
    %swap3A_99 = arith.constant 12 : i32
    %swap3A_100 = arith.index_cast %swap3A_99 : i32 to index
    %swap3A_101 = arith.constant 0 : index
    %swap3A_102 = tpu.vector_load %arg6[%swap3A_100, %swap3A_101] {strides = array<i32>} : memref<16x32xf32, #tpu.memory_space<vmem>>, vector<16xf32>,
    tpu.vector_store %arg6[%swap3A_100, %swap3A_101], %broadcast_in_dim3A_3 {strides = array<i32>} : memref<16x32xf32, #tpu.memory_space<vmem>>, vector<16xf32>,
    %swap3A_103 = arith.constant 12 : i32
    %swap3A_104 = arith.index_cast %swap3A_103 : i32 to index
    %swap3A_105 = arith.constant 16 : index
    %swap3A_106 = tpu.vector_load %arg6[%swap3A_104, %swap3A_105] {strides = array<i32>} : memref<16x32xf32, #tpu.memory_space<vmem>>, vector<16xf32>,
    tpu.vector_store %arg6[%swap3A_104, %swap3A_105], %broadcast_in_dim3A_3 {strides = array<i32>} : memref<16x32xf32, #tpu.memory_space<vmem>>, vector<16xf32>,
    %swap3A_107 = arith.constant 13 : i32
    %swap3A_108 = arith.index_cast %swap3A_107 : i32 to index
    %swap3A_109 = arith.constant 0 : index
    %swap3A_110 = tpu.vector_load %arg6[%swap3A_108, %swap3A_109] {strides = array<i32>} : memref<16x32xf32, #tpu.memory_space<vmem>>, vector<16xf32>,
    tpu.vector_store %arg6[%swap3A_108, %swap3A_109], %broadcast_in_dim3A_3 {strides = array<i32>} : memref<16x32xf32, #tpu.memory_space<vmem>>, vector<16xf32>,
    %swap3A_111 = arith.constant 13 : i32
    %swap3A_112 = arith.index_cast %swap3A_111 : i32 to index
    %swap3A_113 = arith.constant 16 : index
    %swap3A_114 = tpu.vector_load %arg6[%swap3A_112, %swap3A_113] {strides = array<i32>} : memref<16x32xf32, #tpu.memory_space<vmem>>, vector<16xf32>,
    tpu.vector_store %arg6[%swap3A_112, %swap3A_113], %broadcast_in_dim3A_3 {strides = array<i32>} : memref<16x32xf32, #tpu.memory_space<vmem>>, vector<16xf32>,
    %swap3A_115 = arith.constant 14 : i32
    %swap3A_116 = arith.index_cast %swap3A_115 : i32 to index
    %swap3A_117 = arith.constant 0 : index
    %swap3A_118 = tpu.vector_load %arg6[%swap3A_116, %swap3A_117] {strides = array<i32>} : memref<16x32xf32, #tpu.memory_space<vmem>>, vector<16xf32>,
    tpu.vector_store %arg6[%swap3A_116, %swap3A_117], %broadcast_in_dim3A_3 {strides = array<i32>} : memref<16x32xf32, #tpu.memory_space<vmem>>, vector<16xf32>,
    %swap3A_119 = arith.constant 14 : i32
    %swap3A_120 = arith.index_cast %swap3A_119 : i32 to index
    %swap3A_121 = arith.constant 16 : index
    %swap3A_122 = tpu.vector_load %arg6[%swap3A_120, %swap3A_121] {strides = array<i32>} : memref<16x32xf32, #tpu.memory_space<vmem>>, vector<16xf32>,
    tpu.vector_store %arg6[%swap3A_120, %swap3A_121], %broadcast_in_dim3A_3 {strides = array<i32>} : memref<16x32xf32, #tpu.memory_space<vmem>>, vector<16xf32>,
    %swap3A_123 = arith.constant 15 : i32
    %swap3A_124 = arith.index_cast %swap3A_123 : i32 to index
    %swap3A_125 = arith.constant 0 : index
    %swap3A_126 = tpu.vector_load %arg6[%swap3A_124, %swap3A_125] {strides = array<i32>} : memref<16x32xf32, #tpu.memory_space<vmem>>, vector<16xf32>,
    tpu.vector_store %arg6[%swap3A_124, %swap3A_125], %broadcast_in_dim3A_3 {strides = array<i32>} : memref<16x32xf32, #tpu.memory_space<vmem>>, vector<16xf32>,
    %swap3A_127 = arith.constant 15 : i32
    %swap3A_128 = arith.index_cast %swap3A_127 : i32 to index
    %swap3A_129 = arith.constant 16 : index
    %swap3A_130 = tpu.vector_load %arg6[%swap3A_128, %swap3A_129] {strides = array<i32>} : memref<16x32xf32, #tpu.memory_space<vmem>>, vector<16xf32>,
    tpu.vector_store %arg6[%swap3A_128, %swap3A_129], %broadcast_in_dim3A_3 {strides = array<i32>} : memref<16x32xf32, #tpu.memory_space<vmem>>, vector<16xf32>,
    %iota3A = tpu.iota {dimensions = array<i32: 0>} : vector<16xi32>
    %add3A_131 = arith.constant 0 : i32
    %add3A_132 = arith.addi %mul3A_2, %add3A_131 : i32
    %add3A_133 = arith.constant 16 : i32
    %add3A_134 = arith.addi %mul3A_2, %add3A_133 : i32
    %add3A_135 = arith.constant 32 : i32
    %add3A_136 = arith.addi %mul3A_2, %add3A_135 : i32
    %add3A_137 = arith.constant 48 : i32
    %add3A_138 = arith.addi %mul3A_2, %add3A_137 : i32
    %add3A_139 = arith.constant 64 : i32
    %add3A_140 = arith.addi %mul3A_2, %add3A_139 : i32
    %add3A_141 = arith.constant 80 : i32
    %add3A_142 = arith.addi %mul3A_2, %add3A_141 : i32
    %add3A_143 = arith.constant 96 : i32
    %add3A_144 = arith.addi %mul3A_2, %add3A_143 : i32
    %add3A_145 = arith.constant 112 : i32
    %add3A_146 = arith.addi %mul3A_2, %add3A_145 : i32
    %dma_start3A = arith.constant 0 : i32
    %dma_start3A_147 = tpu.memref_slice %arg2[%add3A_132, %dma_start3A] : memref<4096x512xi32, #tpu.memory_space<hbm>> -> memref<16x512xi32, #tpu.memory_space<hbm>>
    %dma_start3A_148 = arith.constant 0 : i32
    %dma_start3A_149 = tpu.memref_slice %arg2[%add3A_132, %dma_start3A_148] : memref<4096x512xi32, #tpu.memory_space<hbm>> -> memref<16x512xi32, #tpu.memory_space<hbm>>
    tpu.enqueue_dma source(%dma_start3A_149 : memref<16x512xi32, #tpu.memory_space<hbm>>) target(%arg4 : memref<16x512xi32, #tpu.memory_space<vmem>>) target_semaphore(%arg8 : memref<!tpu.dma_semaphore, #tpu.memory_space<semaphore_mem>>)
    %dma_start3A_150 = arith.constant 0 : i32
    %dma_start3A_151 = tpu.memref_slice %arg2[%add3A_134, %dma_start3A_150] : memref<4096x512xi32, #tpu.memory_space<hbm>> -> memref<16x512xi32, #tpu.memory_space<hbm>>
    %dma_start3A_152 = arith.constant 0 : i32
    %dma_start3A_153 = tpu.memref_slice %arg2[%add3A_134, %dma_start3A_152] : memref<4096x512xi32, #tpu.memory_space<hbm>> -> memref<16x512xi32, #tpu.memory_space<hbm>>
    tpu.enqueue_dma source(%dma_start3A_153 : memref<16x512xi32, #tpu.memory_space<hbm>>) target(%arg5 : memref<16x512xi32, #tpu.memory_space<vmem>>) target_semaphore(%arg9 : memref<!tpu.dma_semaphore, #tpu.memory_space<semaphore_mem>>)
    %dma_wait3A = arith.constant 0 : i32
    %dma_wait3A_154 = tpu.memref_slice %arg2[%add3A_132, %dma_wait3A] : memref<4096x512xi32, #tpu.memory_space<hbm>> -> memref<16x512xi32, #tpu.memory_space<hbm>>
    %dma_wait3A_155 = arith.constant 0 : i32
    %dma_wait3A_156 = tpu.memref_slice %arg2[%add3A_132, %dma_wait3A_155] : memref<4096x512xi32, #tpu.memory_space<hbm>> -> memref<16x512xi32, #tpu.memory_space<hbm>>
    tpu.wait_dma2 semaphore(%arg8 : memref<!tpu.dma_semaphore, #tpu.memory_space<semaphore_mem>>) src(%dma_wait3A_156 : memref<16x512xi32, #tpu.memory_space<hbm>>) dst(%arg4 : memref<16x512xi32, #tpu.memory_space<vmem>>)
    %scan3A = arith.constant 0 : i32
    %scan3A_157 = arith.constant 0 : i32
    %scan3A_158 = arith.constant 16 : i32
    %scan3A_159 = arith.addi %scan3A_157, %scan3A_158 : i32
    %scan3A_160 = arith.constant 1 : i32
    scf.for %scan3A_417 = %scan3A_157 to %scan3A_159 step %scan3A_160  : i32 {
      %get3A_418 = arith.index_cast %scan3A_417 : i32 to index
      %get3A_419 = arith.constant 0 : index
      %get3A_420 = tpu.vector_load %arg4[%get3A_418, %get3A_419] {strides = array<i32>} : memref<16x512xi32, #tpu.memory_space<vmem>>, vector<16xi32>,
      %and3A = arith.constant 31 : i32
      %and3A_421 = vector.broadcast %and3A : i32 to vector<16xi32>
      %and3A_422 = arith.andi %get3A_420, %and3A_421 : vector<16xi32>
      %and3A_423 = arith.constant -32 : i32
      %and3A_424 = vector.broadcast %and3A_423 : i32 to vector<16xi32>
      %and3A_425 = arith.andi %get3A_420, %and3A_424 : vector<16xi32>
      %bitcast3A = vector.bitcast %and3A_425 : vector<16xi32> to vector<16xf32>
      tpu.vector_store_idx %arg6[%iota3A, %and3A_422], %bitcast3A {add = true} : memref<16x32xf32, #tpu.memory_space<vmem>>[vector<16xi32>, vector<16xi32>], vector<16xf32>,
      %get3A_426 = arith.index_cast %scan3A_417 : i32 to index
      %get3A_427 = arith.constant 16 : index
      %get3A_428 = tpu.vector_load %arg4[%get3A_426, %get3A_427] {strides = array<i32>} : memref<16x512xi32, #tpu.memory_space<vmem>>, vector<16xi32>,
      %and3A_429 = arith.constant 31 : i32
      %and3A_430 = vector.broadcast %and3A_429 : i32 to vector<16xi32>
      %and3A_431 = arith.andi %get3A_428, %and3A_430 : vector<16xi32>
      %and3A_432 = arith.constant -32 : i32
      %and3A_433 = vector.broadcast %and3A_432 : i32 to vector<16xi32>
      %and3A_434 = arith.andi %get3A_428, %and3A_433 : vector<16xi32>
      %bitcast3A_435 = vector.bitcast %and3A_434 : vector<16xi32> to vector<16xf32>
      tpu.vector_store_idx %arg6[%iota3A, %and3A_431], %bitcast3A_435 {add = true} : memref<16x32xf32, #tpu.memory_space<vmem>>[vector<16xi32>, vector<16xi32>], vector<16xf32>,
      %get3A_436 = arith.index_cast %scan3A_417 : i32 to index
      %get3A_437 = arith.constant 32 : index
      %get3A_438 = tpu.vector_load %arg4[%get3A_436, %get3A_437] {strides = array<i32>} : memref<16x512xi32, #tpu.memory_space<vmem>>, vector<16xi32>,
      %and3A_439 = arith.constant 31 : i32
      %and3A_440 = vector.broadcast %and3A_439 : i32 to vector<16xi32>
      %and3A_441 = arith.andi %get3A_438, %and3A_440 : vector<16xi32>
      %and3A_442 = arith.constant -32 : i32
      %and3A_443 = vector.broadcast %and3A_442 : i32 to vector<16xi32>
      %and3A_444 = arith.andi %get3A_438, %and3A_443 : vector<16xi32>
      %bitcast3A_445 = vector.bitcast %and3A_444 : vector<16xi32> to vector<16xf32>
      tpu.vector_store_idx %arg6[%iota3A, %and3A_441], %bitcast3A_445 {add = true} : memref<16x32xf32, #tpu.memory_space<vmem>>[vector<16xi32>, vector<16xi32>], vector<16xf32>,
      %get3A_446 = arith.index_cast %scan3A_417 : i32 to index
      %get3A_447 = arith.constant 48 : index
      %get3A_448 = tpu.vector_load %arg4[%get3A_446, %get3A_447] {strides = array<i32>} : memref<16x512xi32, #tpu.memory_space<vmem>>, vector<16xi32>,
      %and3A_449 = arith.constant 31 : i32
      %and3A_450 = vector.broadcast %and3A_449 : i32 to vector<16xi32>
      %and3A_451 = arith.andi %get3A_448, %and3A_450 : vector<16xi32>
      %and3A_452 = arith.constant -32 : i32
      %and3A_453 = vector.broadcast %and3A_452 : i32 to vector<16xi32>
      %and3A_454 = arith.andi %get3A_448, %and3A_453 : vector<16xi32>
      %bitcast3A_455 = vector.bitcast %and3A_454 : vector<16xi32> to vector<16xf32>
      tpu.vector_store_idx %arg6[%iota3A, %and3A_451], %bitcast3A_455 {add = true} : memref<16x32xf32, #tpu.memory_space<vmem>>[vector<16xi32>, vector<16xi32>], vector<16xf32>,
      %get3A_456 = arith.index_cast %scan3A_417 : i32 to index
      %get3A_457 = arith.constant 64 : index
      %get3A_458 = tpu.vector_load %arg4[%get3A_456, %get3A_457] {strides = array<i32>} : memref<16x512xi32, #tpu.memory_space<vmem>>, vector<16xi32>,
      %and3A_459 = arith.constant 31 : i32
      %and3A_460 = vector.broadcast %and3A_459 : i32 to vector<16xi32>
      %and3A_461 = arith.andi %get3A_458, %and3A_460 : vector<16xi32>
      %and3A_462 = arith.constant -32 : i32
      %and3A_463 = vector.broadcast %and3A_462 : i32 to vector<16xi32>
      %and3A_464 = arith.andi %get3A_458, %and3A_463 : vector<16xi32>
      %bitcast3A_465 = vector.bitcast %and3A_464 : vector<16xi32> to vector<16xf32>
      tpu.vector_store_idx %arg6[%iota3A, %and3A_461], %bitcast3A_465 {add = true} : memref<16x32xf32, #tpu.memory_space<vmem>>[vector<16xi32>, vector<16xi32>], vector<16xf32>,
      %get3A_466 = arith.index_cast %scan3A_417 : i32 to index
      %get3A_467 = arith.constant 80 : index
      %get3A_468 = tpu.vector_load %arg4[%get3A_466, %get3A_467] {strides = array<i32>} : memref<16x512xi32, #tpu.memory_space<vmem>>, vector<16xi32>,
      %and3A_469 = arith.constant 31 : i32
      %and3A_470 = vector.broadcast %and3A_469 : i32 to vector<16xi32>
      %and3A_471 = arith.andi %get3A_468, %and3A_470 : vector<16xi32>
      %and3A_472 = arith.constant -32 : i32
      %and3A_473 = vector.broadcast %and3A_472 : i32 to vector<16xi32>
      %and3A_474 = arith.andi %get3A_468, %and3A_473 : vector<16xi32>
      %bitcast3A_475 = vector.bitcast %and3A_474 : vector<16xi32> to vector<16xf32>
      tpu.vector_store_idx %arg6[%iota3A, %and3A_471], %bitcast3A_475 {add = true} : memref<16x32xf32, #tpu.memory_space<vmem>>[vector<16xi32>, vector<16xi32>], vector<16xf32>,
      %get3A_476 = arith.index_cast %scan3A_417 : i32 to index
      %get3A_477 = arith.constant 96 : index
      %get3A_478 = tpu.vector_load %arg4[%get3A_476, %get3A_477] {strides = array<i32>} : memref<16x512xi32, #tpu.memory_space<vmem>>, vector<16xi32>,
      %and3A_479 = arith.constant 31 : i32
      %and3A_480 = vector.broadcast %and3A_479 : i32 to vector<16xi32>
      %and3A_481 = arith.andi %get3A_478, %and3A_480 : vector<16xi32>
      %and3A_482 = arith.constant -32 : i32
      %and3A_483 = vector.broadcast %and3A_482 : i32 to vector<16xi32>
      %and3A_484 = arith.andi %get3A_478, %and3A_483 : vector<16xi32>
      %bitcast3A_485 = vector.bitcast %and3A_484 : vector<16xi32> to vector<16xf32>
      tpu.vector_store_idx %arg6[%iota3A, %and3A_481], %bitcast3A_485 {add = true} : memref<16x32xf32, #tpu.memory_space<vmem>>[vector<16xi32>, vector<16xi32>], vector<16xf32>,
      %get3A_486 = arith.index_cast %scan3A_417 : i32 to index
      %get3A_487 = arith.constant 112 : index
      %get3A_488 = tpu.vector_load %arg4[%get3A_486, %get3A_487] {strides = array<i32>} : memref<16x512xi32, #tpu.memory_space<vmem>>, vector<16xi32>,
      %and3A_489 = arith.constant 31 : i32
      %and3A_490 = vector.broadcast %and3A_489 : i32 to vector<16xi32>
      %and3A_491 = arith.andi %get3A_488, %and3A_490 : vector<16xi32>
      %and3A_492 = arith.constant -32 : i32
      %and3A_493 = vector.broadcast %and3A_492 : i32 to vector<16xi32>
      %and3A_494 = arith.andi %get3A_488, %and3A_493 : vector<16xi32>
      %bitcast3A_495 = vector.bitcast %and3A_494 : vector<16xi32> to vector<16xf32>
      tpu.vector_store_idx %arg6[%iota3A, %and3A_491], %bitcast3A_495 {add = true} : memref<16x32xf32, #tpu.memory_space<vmem>>[vector<16xi32>, vector<16xi32>], vector<16xf32>,
      %get3A_496 = arith.index_cast %scan3A_417 : i32 to index
      %get3A_497 = arith.constant 128 : index
      %get3A_498 = tpu.vector_load %arg4[%get3A_496, %get3A_497] {strides = array<i32>} : memref<16x512xi32, #tpu.memory_space<vmem>>, vector<16xi32>,
      %and3A_499 = arith.constant 31 : i32
      %and3A_500 = vector.broadcast %and3A_499 : i32 to vector<16xi32>
      %and3A_501 = arith.andi %get3A_498, %and3A_500 : vector<16xi32>
      %and3A_502 = arith.constant -32 : i32
      %and3A_503 = vector.broadcast %and3A_502 : i32 to vector<16xi32>
      %and3A_504 = arith.andi %get3A_498, %and3A_503 : vector<16xi32>
      %bitcast3A_505 = vector.bitcast %and3A_504 : vector<16xi32> to vector<16xf32>
      tpu.vector_store_idx %arg6[%iota3A, %and3A_501], %bitcast3A_505 {add = true} : memref<16x32xf32, #tpu.memory_space<vmem>>[vector<16xi32>, vector<16xi32>], vector<16xf32>,
      %get3A_506 = arith.index_cast %scan3A_417 : i32 to index
      %get3A_507 = arith.constant 144 : index
      %get3A_508 = tpu.vector_load %arg4[%get3A_506, %get3A_507] {strides = array<i32>} : memref<16x512xi32, #tpu.memory_space<vmem>>, vector<16xi32>,
      %and3A_509 = arith.constant 31 : i32
      %and3A_510 = vector.broadcast %and3A_509 : i32 to vector<16xi32>
      %and3A_511 = arith.andi %get3A_508, %and3A_510 : vector<16xi32>
      %and3A_512 = arith.constant -32 : i32
      %and3A_513 = vector.broadcast %and3A_512 : i32 to vector<16xi32>
      %and3A_514 = arith.andi %get3A_508, %and3A_513 : vector<16xi32>
      %bitcast3A_515 = vector.bitcast %and3A_514 : vector<16xi32> to vector<16xf32>
      tpu.vector_store_idx %arg6[%iota3A, %and3A_511], %bitcast3A_515 {add = true} : memref<16x32xf32, #tpu.memory_space<vmem>>[vector<16xi32>, vector<16xi32>], vector<16xf32>,
      %get3A_516 = arith.index_cast %scan3A_417 : i32 to index
      %get3A_517 = arith.constant 160 : index
      %get3A_518 = tpu.vector_load %arg4[%get3A_516, %get3A_517] {strides = array<i32>} : memref<16x512xi32, #tpu.memory_space<vmem>>, vector<16xi32>,
      %and3A_519 = arith.constant 31 : i32
      %and3A_520 = vector.broadcast %and3A_519 : i32 to vector<16xi32>
      %and3A_521 = arith.andi %get3A_518, %and3A_520 : vector<16xi32>
      %and3A_522 = arith.constant -32 : i32
      %and3A_523 = vector.broadcast %and3A_522 : i32 to vector<16xi32>
      %and3A_524 = arith.andi %get3A_518, %and3A_523 : vector<16xi32>
      %bitcast3A_525 = vector.bitcast %and3A_524 : vector<16xi32> to vector<16xf32>
      tpu.vector_store_idx %arg6[%iota3A, %and3A_521], %bitcast3A_525 {add = true} : memref<16x32xf32, #tpu.memory_space<vmem>>[vector<16xi32>, vector<16xi32>], vector<16xf32>,
      %get3A_526 = arith.index_cast %scan3A_417 : i32 to index
      %get3A_527 = arith.constant 176 : index
      %get3A_528 = tpu.vector_load %arg4[%get3A_526, %get3A_527] {strides = array<i32>} : memref<16x512xi32, #tpu.memory_space<vmem>>, vector<16xi32>,
      %and3A_529 = arith.constant 31 : i32
      %and3A_530 = vector.broadcast %and3A_529 : i32 to vector<16xi32>
      %and3A_531 = arith.andi %get3A_528, %and3A_530 : vector<16xi32>
      %and3A_532 = arith.constant -32 : i32
      %and3A_533 = vector.broadcast %and3A_532 : i32 to vector<16xi32>
      %and3A_534 = arith.andi %get3A_528, %and3A_533 : vector<16xi32>
      %bitcast3A_535 = vector.bitcast %and3A_534 : vector<16xi32> to vector<16xf32>
      tpu.vector_store_idx %arg6[%iota3A, %and3A_531], %bitcast3A_535 {add = true} : memref<16x32xf32, #tpu.memory_space<vmem>>[vector<16xi32>, vector<16xi32>], vector<16xf32>,
      %get3A_536 = arith.index_cast %scan3A_417 : i32 to index
      %get3A_537 = arith.constant 192 : index
      %get3A_538 = tpu.vector_load %arg4[%get3A_536, %get3A_537] {strides = array<i32>} : memref<16x512xi32, #tpu.memory_space<vmem>>, vector<16xi32>,
      %and3A_539 = arith.constant 31 : i32
      %and3A_540 = vector.broadcast %and3A_539 : i32 to vector<16xi32>
      %and3A_541 = arith.andi %get3A_538, %and3A_540 : vector<16xi32>
      %and3A_542 = arith.constant -32 : i32
      %and3A_543 = vector.broadcast %and3A_542 : i32 to vector<16xi32>
      %and3A_544 = arith.andi %get3A_538, %and3A_543 : vector<16xi32>
      %bitcast3A_545 = vector.bitcast %and3A_544 : vector<16xi32> to vector<16xf32>
      tpu.vector_store_idx %arg6[%iota3A, %and3A_541], %bitcast3A_545 {add = true} : memref<16x32xf32, #tpu.memory_space<vmem>>[vector<16xi32>, vector<16xi32>], vector<16xf32>,
      %get3A_546 = arith.index_cast %scan3A_417 : i32 to index
      %get3A_547 = arith.constant 208 : index
      %get3A_548 = tpu.vector_load %arg4[%get3A_546, %get3A_547] {strides = array<i32>} : memref<16x512xi32, #tpu.memory_space<vmem>>, vector<16xi32>,
      %and3A_549 = arith.constant 31 : i32
      %and3A_550 = vector.broadcast %and3A_549 : i32 to vector<16xi32>
      %and3A_551 = arith.andi %get3A_548, %and3A_550 : vector<16xi32>
      %and3A_552 = arith.constant -32 : i32
      %and3A_553 = vector.broadcast %and3A_552 : i32 to vector<16xi32>
      %and3A_554 = arith.andi %get3A_548, %and3A_553 : vector<16xi32>
      %bitcast3A_555 = vector.bitcast %and3A_554 : vector<16xi32> to vector<16xf32>
      tpu.vector_store_idx %arg6[%iota3A, %and3A_551], %bitcast3A_555 {add = true} : memref<16x32xf32, #tpu.memory_space<vmem>>[vector<16xi32>, vector<16xi32>], vector<16xf32>,
      %get3A_556 = arith.index_cast %scan3A_417 : i32 to index
      %get3A_557 = arith.constant 224 : index
      %get3A_558 = tpu.vector_load %arg4[%get3A_556, %get3A_557] {strides = array<i32>} : memref<16x512xi32, #tpu.memory_space<vmem>>, vector<16xi32>,
      %and3A_559 = arith.constant 31 : i32
      %and3A_560 = vector.broadcast %and3A_559 : i32 to vector<16xi32>
      %and3A_561 = arith.andi %get3A_558, %and3A_560 : vector<16xi32>
      %and3A_562 = arith.constant -32 : i32
      %and3A_563 = vector.broadcast %and3A_562 : i32 to vector<16xi32>
      %and3A_564 = arith.andi %get3A_558, %and3A_563 : vector<16xi32>
      %bitcast3A_565 = vector.bitcast %and3A_564 : vector<16xi32> to vector<16xf32>
      tpu.vector_store_idx %arg6[%iota3A, %and3A_561], %bitcast3A_565 {add = true} : memref<16x32xf32, #tpu.memory_space<vmem>>[vector<16xi32>, vector<16xi32>], vector<16xf32>,
      %get3A_566 = arith.index_cast %scan3A_417 : i32 to index
      %get3A_567 = arith.constant 240 : index
      %get3A_568 = tpu.vector_load %arg4[%get3A_566, %get3A_567] {strides = array<i32>} : memref<16x512xi32, #tpu.memory_space<vmem>>, vector<16xi32>,
      %and3A_569 = arith.constant 31 : i32
      %and3A_570 = vector.broadcast %and3A_569 : i32 to vector<16xi32>
      %and3A_571 = arith.andi %get3A_568, %and3A_570 : vector<16xi32>
      %and3A_572 = arith.constant -32 : i32
      %and3A_573 = vector.broadcast %and3A_572 : i32 to vector<16xi32>
      %and3A_574 = arith.andi %get3A_568, %and3A_573 : vector<16xi32>
      %bitcast3A_575 = vector.bitcast %and3A_574 : vector<16xi32> to vector<16xf32>
      tpu.vector_store_idx %arg6[%iota3A, %and3A_571], %bitcast3A_575 {add = true} : memref<16x32xf32, #tpu.memory_space<vmem>>[vector<16xi32>, vector<16xi32>], vector<16xf32>,
      %get3A_576 = arith.index_cast %scan3A_417 : i32 to index
      %get3A_577 = arith.constant 256 : index
      %get3A_578 = tpu.vector_load %arg4[%get3A_576, %get3A_577] {strides = array<i32>} : memref<16x512xi32, #tpu.memory_space<vmem>>, vector<16xi32>,
      %and3A_579 = arith.constant 31 : i32
      %and3A_580 = vector.broadcast %and3A_579 : i32 to vector<16xi32>
      %and3A_581 = arith.andi %get3A_578, %and3A_580 : vector<16xi32>
      %and3A_582 = arith.constant -32 : i32
      %and3A_583 = vector.broadcast %and3A_582 : i32 to vector<16xi32>
      %and3A_584 = arith.andi %get3A_578, %and3A_583 : vector<16xi32>
      %bitcast3A_585 = vector.bitcast %and3A_584 : vector<16xi32> to vector<16xf32>
      tpu.vector_store_idx %arg6[%iota3A, %and3A_581], %bitcast3A_585 {add = true} : memref<16x32xf32, #tpu.memory_space<vmem>>[vector<16xi32>, vector<16xi32>], vector<16xf32>,
      %get3A_586 = arith.index_cast %scan3A_417 : i32 to index
      %get3A_587 = arith.constant 272 : index
      %get3A_588 = tpu.vector_load %arg4[%get3A_586, %get3A_587] {strides = array<i32>} : memref<16x512xi32, #tpu.memory_space<vmem>>, vector<16xi32>,
      %and3A_589 = arith.constant 31 : i32
      %and3A_590 = vector.broadcast %and3A_589 : i32 to vector<16xi32>
      %and3A_591 = arith.andi %get3A_588, %and3A_590 : vector<16xi32>
      %and3A_592 = arith.constant -32 : i32
      %and3A_593 = vector.broadcast %and3A_592 : i32 to vector<16xi32>
      %and3A_594 = arith.andi %get3A_588, %and3A_593 : vector<16xi32>
      %bitcast3A_595 = vector.bitcast %and3A_594 : vector<16xi32> to vector<16xf32>
      tpu.vector_store_idx %arg6[%iota3A, %and3A_591], %bitcast3A_595 {add = true} : memref<16x32xf32, #tpu.memory_space<vmem>>[vector<16xi32>, vector<16xi32>], vector<16xf32>,
      %get3A_596 = arith.index_cast %scan3A_417 : i32 to index
      %get3A_597 = arith.constant 288 : index
      %get3A_598 = tpu.vector_load %arg4[%get3A_596, %get3A_597] {strides = array<i32>} : memref<16x512xi32, #tpu.memory_space<vmem>>, vector<16xi32>,
      %and3A_599 = arith.constant 31 : i32
      %and3A_600 = vector.broadcast %and3A_599 : i32 to vector<16xi32>
      %and3A_601 = arith.andi %get3A_598, %and3A_600 : vector<16xi32>
      %and3A_602 = arith.constant -32 : i32
      %and3A_603 = vector.broadcast %and3A_602 : i32 to vector<16xi32>
      %and3A_604 = arith.andi %get3A_598, %and3A_603 : vector<16xi32>
      %bitcast3A_605 = vector.bitcast %and3A_604 : vector<16xi32> to vector<16xf32>
      tpu.vector_store_idx %arg6[%iota3A, %and3A_601], %bitcast3A_605 {add = true} : memref<16x32xf32, #tpu.memory_space<vmem>>[vector<16xi32>, vector<16xi32>], vector<16xf32>,
      %get3A_606 = arith.index_cast %scan3A_417 : i32 to index
      %get3A_607 = arith.constant 304 : index
      %get3A_608 = tpu.vector_load %arg4[%get3A_606, %get3A_607] {strides = array<i32>} : memref<16x512xi32, #tpu.memory_space<vmem>>, vector<16xi32>,
      %and3A_609 = arith.constant 31 : i32
      %and3A_610 = vector.broadcast %and3A_609 : i32 to vector<16xi32>
      %and3A_611 = arith.andi %get3A_608, %and3A_610 : vector<16xi32>
      %and3A_612 = arith.constant -32 : i32
      %and3A_613 = vector.broadcast %and3A_612 : i32 to vector<16xi32>
      %and3A_614 = arith.andi %get3A_608, %and3A_613 : vector<16xi32>
      %bitcast3A_615 = vector.bitcast %and3A_614 : vector<16xi32> to vector<16xf32>
      tpu.vector_store_idx %arg6[%iota3A, %and3A_611], %bitcast3A_615 {add = true} : memref<16x32xf32, #tpu.memory_space<vmem>>[vector<16xi32>, vector<16xi32>], vector<16xf32>,
      %get3A_616 = arith.index_cast %scan3A_417 : i32 to index
      %get3A_617 = arith.constant 320 : index
      %get3A_618 = tpu.vector_load %arg4[%get3A_616, %get3A_617] {strides = array<i32>} : memref<16x512xi32, #tpu.memory_space<vmem>>, vector<16xi32>,
      %and3A_619 = arith.constant 31 : i32
      %and3A_620 = vector.broadcast %and3A_619 : i32 to vector<16xi32>
      %and3A_621 = arith.andi %get3A_618, %and3A_620 : vector<16xi32>
      %and3A_622 = arith.constant -32 : i32
      %and3A_623 = vector.broadcast %and3A_622 : i32 to vector<16xi32>
      %and3A_624 = arith.andi %get3A_618, %and3A_623 : vector<16xi32>
      %bitcast3A_625 = vector.bitcast %and3A_624 : vector<16xi32> to vector<16xf32>
      tpu.vector_store_idx %arg6[%iota3A, %and3A_621], %bitcast3A_625 {add = true} : memref<16x32xf32, #tpu.memory_space<vmem>>[vector<16xi32>, vector<16xi32>], vector<16xf32>,
      %get3A_626 = arith.index_cast %scan3A_417 : i32 to index
      %get3A_627 = arith.constant 336 : index
      %get3A_628 = tpu.vector_load %arg4[%get3A_626, %get3A_627] {strides = array<i32>} : memref<16x512xi32, #tpu.memory_space<vmem>>, vector<16xi32>,
      %and3A_629 = arith.constant 31 : i32
      %and3A_630 = vector.broadcast %and3A_629 : i32 to vector<16xi32>
      %and3A_631 = arith.andi %get3A_628, %and3A_630 : vector<16xi32>
      %and3A_632 = arith.constant -32 : i32
      %and3A_633 = vector.broadcast %and3A_632 : i32 to vector<16xi32>
      %and3A_634 = arith.andi %get3A_628, %and3A_633 : vector<16xi32>
      %bitcast3A_635 = vector.bitcast %and3A_634 : vector<16xi32> to vector<16xf32>
      tpu.vector_store_idx %arg6[%iota3A, %and3A_631], %bitcast3A_635 {add = true} : memref<16x32xf32, #tpu.memory_space<vmem>>[vector<16xi32>, vector<16xi32>], vector<16xf32>,
      %get3A_636 = arith.index_cast %scan3A_417 : i32 to index
      %get3A_637 = arith.constant 352 : index
      %get3A_638 = tpu.vector_load %arg4[%get3A_636, %get3A_637] {strides = array<i32>} : memref<16x512xi32, #tpu.memory_space<vmem>>, vector<16xi32>,
      %and3A_639 = arith.constant 31 : i32
      %and3A_640 = vector.broadcast %and3A_639 : i32 to vector<16xi32>
      %and3A_641 = arith.andi %get3A_638, %and3A_640 : vector<16xi32>
      %and3A_642 = arith.constant -32 : i32
      %and3A_643 = vector.broadcast %and3A_642 : i32 to vector<16xi32>
      %and3A_644 = arith.andi %get3A_638, %and3A_643 : vector<16xi32>
      %bitcast3A_645 = vector.bitcast %and3A_644 : vector<16xi32> to vector<16xf32>
      tpu.vector_store_idx %arg6[%iota3A, %and3A_641], %bitcast3A_645 {add = true} : memref<16x32xf32, #tpu.memory_space<vmem>>[vector<16xi32>, vector<16xi32>], vector<16xf32>,
      %get3A_646 = arith.index_cast %scan3A_417 : i32 to index
      %get3A_647 = arith.constant 368 : index
      %get3A_648 = tpu.vector_load %arg4[%get3A_646, %get3A_647] {strides = array<i32>} : memref<16x512xi32, #tpu.memory_space<vmem>>, vector<16xi32>,
      %and3A_649 = arith.constant 31 : i32
      %and3A_650 = vector.broadcast %and3A_649 : i32 to vector<16xi32>
      %and3A_651 = arith.andi %get3A_648, %and3A_650 : vector<16xi32>
      %and3A_652 = arith.constant -32 : i32
      %and3A_653 = vector.broadcast %and3A_652 : i32 to vector<16xi32>
      %and3A_654 = arith.andi %get3A_648, %and3A_653 : vector<16xi32>
      %bitcast3A_655 = vector.bitcast %and3A_654 : vector<16xi32> to vector<16xf32>
      tpu.vector_store_idx %arg6[%iota3A, %and3A_651], %bitcast3A_655 {add = true} : memref<16x32xf32, #tpu.memory_space<vmem>>[vector<16xi32>, vector<16xi32>], vector<16xf32>,
      %get3A_656 = arith.index_cast %scan3A_417 : i32 to index
      %get3A_657 = arith.constant 384 : index
      %get3A_658 = tpu.vector_load %arg4[%get3A_656, %get3A_657] {strides = array<i32>} : memref<16x512xi32, #tpu.memory_space<vmem>>, vector<16xi32>,
      %and3A_659 = arith.constant 31 : i32
      %and3A_660 = vector.broadcast %and3A_659 : i32 to vector<16xi32>
      %and3A_661 = arith.andi %get3A_658, %and3A_660 : vector<16xi32>
      %and3A_662 = arith.constant -32 : i32
      %and3A_663 = vector.broadcast %and3A_662 : i32 to vector<16xi32>
      %and3A_664 = arith.andi %get3A_658, %and3A_663 : vector<16xi32>
      %bitcast3A_665 = vector.bitcast %and3A_664 : vector<16xi32> to vector<16xf32>
      tpu.vector_store_idx %arg6[%iota3A, %and3A_661], %bitcast3A_665 {add = true} : memref<16x32xf32, #tpu.memory_space<vmem>>[vector<16xi32>, vector<16xi32>], vector<16xf32>,
      %get3A_666 = arith.index_cast %scan3A_417 : i32 to index
      %get3A_667 = arith.constant 400 : index
      %get3A_668 = tpu.vector_load %arg4[%get3A_666, %get3A_667] {strides = array<i32>} : memref<16x512xi32, #tpu.memory_space<vmem>>, vector<16xi32>,
      %and3A_669 = arith.constant 31 : i32
      %and3A_670 = vector.broadcast %and3A_669 : i32 to vector<16xi32>
      %and3A_671 = arith.andi %get3A_668, %and3A_670 : vector<16xi32>
      %and3A_672 = arith.constant -32 : i32
      %and3A_673 = vector.broadcast %and3A_672 : i32 to vector<16xi32>
      %and3A_674 = arith.andi %get3A_668, %and3A_673 : vector<16xi32>
      %bitcast3A_675 = vector.bitcast %and3A_674 : vector<16xi32> to vector<16xf32>
      tpu.vector_store_idx %arg6[%iota3A, %and3A_671], %bitcast3A_675 {add = true} : memref<16x32xf32, #tpu.memory_space<vmem>>[vector<16xi32>, vector<16xi32>], vector<16xf32>,
      %get3A_676 = arith.index_cast %scan3A_417 : i32 to index
      %get3A_677 = arith.constant 416 : index
      %get3A_678 = tpu.vector_load %arg4[%get3A_676, %get3A_677] {strides = array<i32>} : memref<16x512xi32, #tpu.memory_space<vmem>>, vector<16xi32>,
      %and3A_679 = arith.constant 31 : i32
      %and3A_680 = vector.broadcast %and3A_679 : i32 to vector<16xi32>
      %and3A_681 = arith.andi %get3A_678, %and3A_680 : vector<16xi32>
      %and3A_682 = arith.constant -32 : i32
      %and3A_683 = vector.broadcast %and3A_682 : i32 to vector<16xi32>
      %and3A_684 = arith.andi %get3A_678, %and3A_683 : vector<16xi32>
      %bitcast3A_685 = vector.bitcast %and3A_684 : vector<16xi32> to vector<16xf32>
      tpu.vector_store_idx %arg6[%iota3A, %and3A_681], %bitcast3A_685 {add = true} : memref<16x32xf32, #tpu.memory_space<vmem>>[vector<16xi32>, vector<16xi32>], vector<16xf32>,
      %get3A_686 = arith.index_cast %scan3A_417 : i32 to index
      %get3A_687 = arith.constant 432 : index
      %get3A_688 = tpu.vector_load %arg4[%get3A_686, %get3A_687] {strides = array<i32>} : memref<16x512xi32, #tpu.memory_space<vmem>>, vector<16xi32>,
      %and3A_689 = arith.constant 31 : i32
      %and3A_690 = vector.broadcast %and3A_689 : i32 to vector<16xi32>
      %and3A_691 = arith.andi %get3A_688, %and3A_690 : vector<16xi32>
      %and3A_692 = arith.constant -32 : i32
      %and3A_693 = vector.broadcast %and3A_692 : i32 to vector<16xi32>
      %and3A_694 = arith.andi %get3A_688, %and3A_693 : vector<16xi32>
      %bitcast3A_695 = vector.bitcast %and3A_694 : vector<16xi32> to vector<16xf32>
      tpu.vector_store_idx %arg6[%iota3A, %and3A_691], %bitcast3A_695 {add = true} : memref<16x32xf32, #tpu.memory_space<vmem>>[vector<16xi32>, vector<16xi32>], vector<16xf32>,
      %get3A_696 = arith.index_cast %scan3A_417 : i32 to index
      %get3A_697 = arith.constant 448 : index
      %get3A_698 = tpu.vector_load %arg4[%get3A_696, %get3A_697] {strides = array<i32>} : memref<16x512xi32, #tpu.memory_space<vmem>>, vector<16xi32>,
      %and3A_699 = arith.constant 31 : i32
      %and3A_700 = vector.broadcast %and3A_699 : i32 to vector<16xi32>
      %and3A_701 = arith.andi %get3A_698, %and3A_700 : vector<16xi32>
      %and3A_702 = arith.constant -32 : i32
      %and3A_703 = vector.broadcast %and3A_702 : i32 to vector<16xi32>
      %and3A_704 = arith.andi %get3A_698, %and3A_703 : vector<16xi32>
      %bitcast3A_705 = vector.bitcast %and3A_704 : vector<16xi32> to vector<16xf32>
      tpu.vector_store_idx %arg6[%iota3A, %and3A_701], %bitcast3A_705 {add = true} : memref<16x32xf32, #tpu.memory_space<vmem>>[vector<16xi32>, vector<16xi32>], vector<16xf32>,
      %get3A_706 = arith.index_cast %scan3A_417 : i32 to index
      %get3A_707 = arith.constant 464 : index
      %get3A_708 = tpu.vector_load %arg4[%get3A_706, %get3A_707] {strides = array<i32>} : memref<16x512xi32, #tpu.memory_space<vmem>>, vector<16xi32>,
      %and3A_709 = arith.constant 31 : i32
      %and3A_710 = vector.broadcast %and3A_709 : i32 to vector<16xi32>
      %and3A_711 = arith.andi %get3A_708, %and3A_710 : vector<16xi32>
      %and3A_712 = arith.constant -32 : i32
      %and3A_713 = vector.broadcast %and3A_712 : i32 to vector<16xi32>
      %and3A_714 = arith.andi %get3A_708, %and3A_713 : vector<16xi32>
      %bitcast3A_715 = vector.bitcast %and3A_714 : vector<16xi32> to vector<16xf32>
      tpu.vector_store_idx %arg6[%iota3A, %and3A_711], %bitcast3A_715 {add = true} : memref<16x32xf32, #tpu.memory_space<vmem>>[vector<16xi32>, vector<16xi32>], vector<16xf32>,
      %get3A_716 = arith.index_cast %scan3A_417 : i32 to index
      %get3A_717 = arith.constant 480 : index
      %get3A_718 = tpu.vector_load %arg4[%get3A_716, %get3A_717] {strides = array<i32>} : memref<16x512xi32, #tpu.memory_space<vmem>>, vector<16xi32>,
      %and3A_719 = arith.constant 31 : i32
      %and3A_720 = vector.broadcast %and3A_719 : i32 to vector<16xi32>
      %and3A_721 = arith.andi %get3A_718, %and3A_720 : vector<16xi32>
      %and3A_722 = arith.constant -32 : i32
      %and3A_723 = vector.broadcast %and3A_722 : i32 to vector<16xi32>
      %and3A_724 = arith.andi %get3A_718, %and3A_723 : vector<16xi32>
      %bitcast3A_725 = vector.bitcast %and3A_724 : vector<16xi32> to vector<16xf32>
      tpu.vector_store_idx %arg6[%iota3A, %and3A_721], %bitcast3A_725 {add = true} : memref<16x32xf32, #tpu.memory_space<vmem>>[vector<16xi32>, vector<16xi32>], vector<16xf32>,
      %get3A_726 = arith.index_cast %scan3A_417 : i32 to index
      %get3A_727 = arith.constant 496 : index
      %get3A_728 = tpu.vector_load %arg4[%get3A_726, %get3A_727] {strides = array<i32>} : memref<16x512xi32, #tpu.memory_space<vmem>>, vector<16xi32>,
      %and3A_729 = arith.constant 31 : i32
      %and3A_730 = vector.broadcast %and3A_729 : i32 to vector<16xi32>
      %and3A_731 = arith.andi %get3A_728, %and3A_730 : vector<16xi32>
      %and3A_732 = arith.constant -32 : i32
      %and3A_733 = vector.broadcast %and3A_732 : i32 to vector<16xi32>
      %and3A_734 = arith.andi %get3A_728, %and3A_733 : vector<16xi32>
      %bitcast3A_735 = vector.bitcast %and3A_734 : vector<16xi32> to vector<16xf32>
      tpu.vector_store_idx %arg6[%iota3A, %and3A_731], %bitcast3A_735 {add = true} : memref<16x32xf32, #tpu.memory_space<vmem>>[vector<16xi32>, vector<16xi32>], vector<16xf32>,
    }
    %scan3A_161 = arith.constant 16 : i32
    %dma_start3A_162 = arith.constant 0 : i32
    %dma_start3A_163 = tpu.memref_slice %arg2[%add3A_136, %dma_start3A_162] : memref<4096x512xi32, #tpu.memory_space<hbm>> -> memref<16x512xi32, #tpu.memory_space<hbm>>
    %dma_start3A_164 = arith.constant 0 : i32
    %dma_start3A_165 = tpu.memref_slice %arg2[%add3A_136, %dma_start3A_164] : memref<4096x512xi32, #tpu.memory_space<hbm>> -> memref<16x512xi32, #tpu.memory_space<hbm>>
    tpu.enqueue_dma source(%dma_start3A_165 : memref<16x512xi32, #tpu.memory_space<hbm>>) target(%arg4 : memref<16x512xi32, #tpu.memory_space<vmem>>) target_semaphore(%arg8 : memref<!tpu.dma_semaphore, #tpu.memory_space<semaphore_mem>>)
    %dma_wait3A_166 = arith.constant 0 : i32
    %dma_wait3A_167 = tpu.memref_slice %arg2[%add3A_134, %dma_wait3A_166] : memref<4096x512xi32, #tpu.memory_space<hbm>> -> memref<16x512xi32, #tpu.memory_space<hbm>>
    %dma_wait3A_168 = arith.constant 0 : i32
    %dma_wait3A_169 = tpu.memref_slice %arg2[%add3A_134, %dma_wait3A_168] : memref<4096x512xi32, #tpu.memory_space<hbm>> -> memref<16x512xi32, #tpu.memory_space<hbm>>
    tpu.wait_dma2 semaphore(%arg9 : memref<!tpu.dma_semaphore, #tpu.memory_space<semaphore_mem>>) src(%dma_wait3A_169 : memref<16x512xi32, #tpu.memory_space<hbm>>) dst(%arg5 : memref<16x512xi32, #tpu.memory_space<vmem>>)
    %scan3A_170 = arith.constant 0 : i32
    %scan3A_171 = arith.constant 0 : i32
    %scan3A_172 = arith.constant 16 : i32
    %scan3A_173 = arith.addi %scan3A_171, %scan3A_172 : i32
    %scan3A_174 = arith.constant 1 : i32
    scf.for %scan3A_417 = %scan3A_171 to %scan3A_173 step %scan3A_174  : i32 {
      %get3A_418 = arith.index_cast %scan3A_417 : i32 to index
      %get3A_419 = arith.constant 0 : index
      %get3A_420 = tpu.vector_load %arg5[%get3A_418, %get3A_419] {strides = array<i32>} : memref<16x512xi32, #tpu.memory_space<vmem>>, vector<16xi32>,
      %and3A = arith.constant 31 : i32
      %and3A_421 = vector.broadcast %and3A : i32 to vector<16xi32>
      %and3A_422 = arith.andi %get3A_420, %and3A_421 : vector<16xi32>
      %and3A_423 = arith.constant -32 : i32
      %and3A_424 = vector.broadcast %and3A_423 : i32 to vector<16xi32>
      %and3A_425 = arith.andi %get3A_420, %and3A_424 : vector<16xi32>
      %bitcast3A = vector.bitcast %and3A_425 : vector<16xi32> to vector<16xf32>
      tpu.vector_store_idx %arg6[%iota3A, %and3A_422], %bitcast3A {add = true} : memref<16x32xf32, #tpu.memory_space<vmem>>[vector<16xi32>, vector<16xi32>], vector<16xf32>,
      %get3A_426 = arith.index_cast %scan3A_417 : i32 to index
      %get3A_427 = arith.constant 16 : index
      %get3A_428 = tpu.vector_load %arg5[%get3A_426, %get3A_427] {strides = array<i32>} : memref<16x512xi32, #tpu.memory_space<vmem>>, vector<16xi32>,
      %and3A_429 = arith.constant 31 : i32
      %and3A_430 = vector.broadcast %and3A_429 : i32 to vector<16xi32>
      %and3A_431 = arith.andi %get3A_428, %and3A_430 : vector<16xi32>
      %and3A_432 = arith.constant -32 : i32
      %and3A_433 = vector.broadcast %and3A_432 : i32 to vector<16xi32>
      %and3A_434 = arith.andi %get3A_428, %and3A_433 : vector<16xi32>
      %bitcast3A_435 = vector.bitcast %and3A_434 : vector<16xi32> to vector<16xf32>
      tpu.vector_store_idx %arg6[%iota3A, %and3A_431], %bitcast3A_435 {add = true} : memref<16x32xf32, #tpu.memory_space<vmem>>[vector<16xi32>, vector<16xi32>], vector<16xf32>,
      %get3A_436 = arith.index_cast %scan3A_417 : i32 to index
      %get3A_437 = arith.constant 32 : index
      %get3A_438 = tpu.vector_load %arg5[%get3A_436, %get3A_437] {strides = array<i32>} : memref<16x512xi32, #tpu.memory_space<vmem>>, vector<16xi32>,
      %and3A_439 = arith.constant 31 : i32
      %and3A_440 = vector.broadcast %and3A_439 : i32 to vector<16xi32>
      %and3A_441 = arith.andi %get3A_438, %and3A_440 : vector<16xi32>
      %and3A_442 = arith.constant -32 : i32
      %and3A_443 = vector.broadcast %and3A_442 : i32 to vector<16xi32>
      %and3A_444 = arith.andi %get3A_438, %and3A_443 : vector<16xi32>
      %bitcast3A_445 = vector.bitcast %and3A_444 : vector<16xi32> to vector<16xf32>
      tpu.vector_store_idx %arg6[%iota3A, %and3A_441], %bitcast3A_445 {add = true} : memref<16x32xf32, #tpu.memory_space<vmem>>[vector<16xi32>, vector<16xi32>], vector<16xf32>,
      %get3A_446 = arith.index_cast %scan3A_417 : i32 to index
      %get3A_447 = arith.constant 48 : index
      %get3A_448 = tpu.vector_load %arg5[%get3A_446, %get3A_447] {strides = array<i32>} : memref<16x512xi32, #tpu.memory_space<vmem>>, vector<16xi32>,
      %and3A_449 = arith.constant 31 : i32
      %and3A_450 = vector.broadcast %and3A_449 : i32 to vector<16xi32>
      %and3A_451 = arith.andi %get3A_448, %and3A_450 : vector<16xi32>
      %and3A_452 = arith.constant -32 : i32
      %and3A_453 = vector.broadcast %and3A_452 : i32 to vector<16xi32>
      %and3A_454 = arith.andi %get3A_448, %and3A_453 : vector<16xi32>
      %bitcast3A_455 = vector.bitcast %and3A_454 : vector<16xi32> to vector<16xf32>
      tpu.vector_store_idx %arg6[%iota3A, %and3A_451], %bitcast3A_455 {add = true} : memref<16x32xf32, #tpu.memory_space<vmem>>[vector<16xi32>, vector<16xi32>], vector<16xf32>,
      %get3A_456 = arith.index_cast %scan3A_417 : i32 to index
      %get3A_457 = arith.constant 64 : index
      %get3A_458 = tpu.vector_load %arg5[%get3A_456, %get3A_457] {strides = array<i32>} : memref<16x512xi32, #tpu.memory_space<vmem>>, vector<16xi32>,
      %and3A_459 = arith.constant 31 : i32
      %and3A_460 = vector.broadcast %and3A_459 : i32 to vector<16xi32>
      %and3A_461 = arith.andi %get3A_458, %and3A_460 : vector<16xi32>
      %and3A_462 = arith.constant -32 : i32
      %and3A_463 = vector.broadcast %and3A_462 : i32 to vector<16xi32>
      %and3A_464 = arith.andi %get3A_458, %and3A_463 : vector<16xi32>
      %bitcast3A_465 = vector.bitcast %and3A_464 : vector<16xi32> to vector<16xf32>
      tpu.vector_store_idx %arg6[%iota3A, %and3A_461], %bitcast3A_465 {add = true} : memref<16x32xf32, #tpu.memory_space<vmem>>[vector<16xi32>, vector<16xi32>], vector<16xf32>,
      %get3A_466 = arith.index_cast %scan3A_417 : i32 to index
      %get3A_467 = arith.constant 80 : index
      %get3A_468 = tpu.vector_load %arg5[%get3A_466, %get3A_467] {strides = array<i32>} : memref<16x512xi32, #tpu.memory_space<vmem>>, vector<16xi32>,
      %and3A_469 = arith.constant 31 : i32
      %and3A_470 = vector.broadcast %and3A_469 : i32 to vector<16xi32>
      %and3A_471 = arith.andi %get3A_468, %and3A_470 : vector<16xi32>
      %and3A_472 = arith.constant -32 : i32
      %and3A_473 = vector.broadcast %and3A_472 : i32 to vector<16xi32>
      %and3A_474 = arith.andi %get3A_468, %and3A_473 : vector<16xi32>
      %bitcast3A_475 = vector.bitcast %and3A_474 : vector<16xi32> to vector<16xf32>
      tpu.vector_store_idx %arg6[%iota3A, %and3A_471], %bitcast3A_475 {add = true} : memref<16x32xf32, #tpu.memory_space<vmem>>[vector<16xi32>, vector<16xi32>], vector<16xf32>,
      %get3A_476 = arith.index_cast %scan3A_417 : i32 to index
      %get3A_477 = arith.constant 96 : index
      %get3A_478 = tpu.vector_load %arg5[%get3A_476, %get3A_477] {strides = array<i32>} : memref<16x512xi32, #tpu.memory_space<vmem>>, vector<16xi32>,
      %and3A_479 = arith.constant 31 : i32
      %and3A_480 = vector.broadcast %and3A_479 : i32 to vector<16xi32>
      %and3A_481 = arith.andi %get3A_478, %and3A_480 : vector<16xi32>
      %and3A_482 = arith.constant -32 : i32
      %and3A_483 = vector.broadcast %and3A_482 : i32 to vector<16xi32>
      %and3A_484 = arith.andi %get3A_478, %and3A_483 : vector<16xi32>
      %bitcast3A_485 = vector.bitcast %and3A_484 : vector<16xi32> to vector<16xf32>
      tpu.vector_store_idx %arg6[%iota3A, %and3A_481], %bitcast3A_485 {add = true} : memref<16x32xf32, #tpu.memory_space<vmem>>[vector<16xi32>, vector<16xi32>], vector<16xf32>,
      %get3A_486 = arith.index_cast %scan3A_417 : i32 to index
      %get3A_487 = arith.constant 112 : index
      %get3A_488 = tpu.vector_load %arg5[%get3A_486, %get3A_487] {strides = array<i32>} : memref<16x512xi32, #tpu.memory_space<vmem>>, vector<16xi32>,
      %and3A_489 = arith.constant 31 : i32
      %and3A_490 = vector.broadcast %and3A_489 : i32 to vector<16xi32>
      %and3A_491 = arith.andi %get3A_488, %and3A_490 : vector<16xi32>
      %and3A_492 = arith.constant -32 : i32
      %and3A_493 = vector.broadcast %and3A_492 : i32 to vector<16xi32>
      %and3A_494 = arith.andi %get3A_488, %and3A_493 : vector<16xi32>
      %bitcast3A_495 = vector.bitcast %and3A_494 : vector<16xi32> to vector<16xf32>
      tpu.vector_store_idx %arg6[%iota3A, %and3A_491], %bitcast3A_495 {add = true} : memref<16x32xf32, #tpu.memory_space<vmem>>[vector<16xi32>, vector<16xi32>], vector<16xf32>,
      %get3A_496 = arith.index_cast %scan3A_417 : i32 to index
      %get3A_497 = arith.constant 128 : index
      %get3A_498 = tpu.vector_load %arg5[%get3A_496, %get3A_497] {strides = array<i32>} : memref<16x512xi32, #tpu.memory_space<vmem>>, vector<16xi32>,
      %and3A_499 = arith.constant 31 : i32
      %and3A_500 = vector.broadcast %and3A_499 : i32 to vector<16xi32>
      %and3A_501 = arith.andi %get3A_498, %and3A_500 : vector<16xi32>
      %and3A_502 = arith.constant -32 : i32
      %and3A_503 = vector.broadcast %and3A_502 : i32 to vector<16xi32>
      %and3A_504 = arith.andi %get3A_498, %and3A_503 : vector<16xi32>
      %bitcast3A_505 = vector.bitcast %and3A_504 : vector<16xi32> to vector<16xf32>
      tpu.vector_store_idx %arg6[%iota3A, %and3A_501], %bitcast3A_505 {add = true} : memref<16x32xf32, #tpu.memory_space<vmem>>[vector<16xi32>, vector<16xi32>], vector<16xf32>,
      %get3A_506 = arith.index_cast %scan3A_417 : i32 to index
      %get3A_507 = arith.constant 144 : index
      %get3A_508 = tpu.vector_load %arg5[%get3A_506, %get3A_507] {strides = array<i32>} : memref<16x512xi32, #tpu.memory_space<vmem>>, vector<16xi32>,
      %and3A_509 = arith.constant 31 : i32
      %and3A_510 = vector.broadcast %and3A_509 : i32 to vector<16xi32>
      %and3A_511 = arith.andi %get3A_508, %and3A_510 : vector<16xi32>
      %and3A_512 = arith.constant -32 : i32
      %and3A_513 = vector.broadcast %and3A_512 : i32 to vector<16xi32>
      %and3A_514 = arith.andi %get3A_508, %and3A_513 : vector<16xi32>
      %bitcast3A_515 = vector.bitcast %and3A_514 : vector<16xi32> to vector<16xf32>
      tpu.vector_store_idx %arg6[%iota3A, %and3A_511], %bitcast3A_515 {add = true} : memref<16x32xf32, #tpu.memory_space<vmem>>[vector<16xi32>, vector<16xi32>], vector<16xf32>,
      %get3A_516 = arith.index_cast %scan3A_417 : i32 to index
      %get3A_517 = arith.constant 160 : index
      %get3A_518 = tpu.vector_load %arg5[%get3A_516, %get3A_517] {strides = array<i32>} : memref<16x512xi32, #tpu.memory_space<vmem>>, vector<16xi32>,
      %and3A_519 = arith.constant 31 : i32
      %and3A_520 = vector.broadcast %and3A_519 : i32 to vector<16xi32>
      %and3A_521 = arith.andi %get3A_518, %and3A_520 : vector<16xi32>
      %and3A_522 = arith.constant -32 : i32
      %and3A_523 = vector.broadcast %and3A_522 : i32 to vector<16xi32>
      %and3A_524 = arith.andi %get3A_518, %and3A_523 : vector<16xi32>
      %bitcast3A_525 = vector.bitcast %and3A_524 : vector<16xi32> to vector<16xf32>
      tpu.vector_store_idx %arg6[%iota3A, %and3A_521], %bitcast3A_525 {add = true} : memref<16x32xf32, #tpu.memory_space<vmem>>[vector<16xi32>, vector<16xi32>], vector<16xf32>,
      %get3A_526 = arith.index_cast %scan3A_417 : i32 to index
      %get3A_527 = arith.constant 176 : index
      %get3A_528 = tpu.vector_load %arg5[%get3A_526, %get3A_527] {strides = array<i32>} : memref<16x512xi32, #tpu.memory_space<vmem>>, vector<16xi32>,
      %and3A_529 = arith.constant 31 : i32
      %and3A_530 = vector.broadcast %and3A_529 : i32 to vector<16xi32>
      %and3A_531 = arith.andi %get3A_528, %and3A_530 : vector<16xi32>
      %and3A_532 = arith.constant -32 : i32
      %and3A_533 = vector.broadcast %and3A_532 : i32 to vector<16xi32>
      %and3A_534 = arith.andi %get3A_528, %and3A_533 : vector<16xi32>
      %bitcast3A_535 = vector.bitcast %and3A_534 : vector<16xi32> to vector<16xf32>
      tpu.vector_store_idx %arg6[%iota3A, %and3A_531], %bitcast3A_535 {add = true} : memref<16x32xf32, #tpu.memory_space<vmem>>[vector<16xi32>, vector<16xi32>], vector<16xf32>,
      %get3A_536 = arith.index_cast %scan3A_417 : i32 to index
      %get3A_537 = arith.constant 192 : index
      %get3A_538 = tpu.vector_load %arg5[%get3A_536, %get3A_537] {strides = array<i32>} : memref<16x512xi32, #tpu.memory_space<vmem>>, vector<16xi32>,
      %and3A_539 = arith.constant 31 : i32
      %and3A_540 = vector.broadcast %and3A_539 : i32 to vector<16xi32>
      %and3A_541 = arith.andi %get3A_538, %and3A_540 : vector<16xi32>
      %and3A_542 = arith.constant -32 : i32
      %and3A_543 = vector.broadcast %and3A_542 : i32 to vector<16xi32>
      %and3A_544 = arith.andi %get3A_538, %and3A_543 : vector<16xi32>
      %bitcast3A_545 = vector.bitcast %and3A_544 : vector<16xi32> to vector<16xf32>
      tpu.vector_store_idx %arg6[%iota3A, %and3A_541], %bitcast3A_545 {add = true} : memref<16x32xf32, #tpu.memory_space<vmem>>[vector<16xi32>, vector<16xi32>], vector<16xf32>,
      %get3A_546 = arith.index_cast %scan3A_417 : i32 to index
      %get3A_547 = arith.constant 208 : index
      %get3A_548 = tpu.vector_load %arg5[%get3A_546, %get3A_547] {strides = array<i32>} : memref<16x512xi32, #tpu.memory_space<vmem>>, vector<16xi32>,
      %and3A_549 = arith.constant 31 : i32
      %and3A_550 = vector.broadcast %and3A_549 : i32 to vector<16xi32>
      %and3A_551 = arith.andi %get3A_548, %and3A_550 : vector<16xi32>
      %and3A_552 = arith.constant -32 : i32
      %and3A_553 = vector.broadcast %and3A_552 : i32 to vector<16xi32>
      %and3A_554 = arith.andi %get3A_548, %and3A_553 : vector<16xi32>
      %bitcast3A_555 = vector.bitcast %and3A_554 : vector<16xi32> to vector<16xf32>
      tpu.vector_store_idx %arg6[%iota3A, %and3A_551], %bitcast3A_555 {add = true} : memref<16x32xf32, #tpu.memory_space<vmem>>[vector<16xi32>, vector<16xi32>], vector<16xf32>,
      %get3A_556 = arith.index_cast %scan3A_417 : i32 to index
      %get3A_557 = arith.constant 224 : index
      %get3A_558 = tpu.vector_load %arg5[%get3A_556, %get3A_557] {strides = array<i32>} : memref<16x512xi32, #tpu.memory_space<vmem>>, vector<16xi32>,
      %and3A_559 = arith.constant 31 : i32
      %and3A_560 = vector.broadcast %and3A_559 : i32 to vector<16xi32>
      %and3A_561 = arith.andi %get3A_558, %and3A_560 : vector<16xi32>
      %and3A_562 = arith.constant -32 : i32
      %and3A_563 = vector.broadcast %and3A_562 : i32 to vector<16xi32>
      %and3A_564 = arith.andi %get3A_558, %and3A_563 : vector<16xi32>
      %bitcast3A_565 = vector.bitcast %and3A_564 : vector<16xi32> to vector<16xf32>
      tpu.vector_store_idx %arg6[%iota3A, %and3A_561], %bitcast3A_565 {add = true} : memref<16x32xf32, #tpu.memory_space<vmem>>[vector<16xi32>, vector<16xi32>], vector<16xf32>,
      %get3A_566 = arith.index_cast %scan3A_417 : i32 to index
      %get3A_567 = arith.constant 240 : index
      %get3A_568 = tpu.vector_load %arg5[%get3A_566, %get3A_567] {strides = array<i32>} : memref<16x512xi32, #tpu.memory_space<vmem>>, vector<16xi32>,
      %and3A_569 = arith.constant 31 : i32
      %and3A_570 = vector.broadcast %and3A_569 : i32 to vector<16xi32>
      %and3A_571 = arith.andi %get3A_568, %and3A_570 : vector<16xi32>
      %and3A_572 = arith.constant -32 : i32
      %and3A_573 = vector.broadcast %and3A_572 : i32 to vector<16xi32>
      %and3A_574 = arith.andi %get3A_568, %and3A_573 : vector<16xi32>
      %bitcast3A_575 = vector.bitcast %and3A_574 : vector<16xi32> to vector<16xf32>
      tpu.vector_store_idx %arg6[%iota3A, %and3A_571], %bitcast3A_575 {add = true} : memref<16x32xf32, #tpu.memory_space<vmem>>[vector<16xi32>, vector<16xi32>], vector<16xf32>,
      %get3A_576 = arith.index_cast %scan3A_417 : i32 to index
      %get3A_577 = arith.constant 256 : index
      %get3A_578 = tpu.vector_load %arg5[%get3A_576, %get3A_577] {strides = array<i32>} : memref<16x512xi32, #tpu.memory_space<vmem>>, vector<16xi32>,
      %and3A_579 = arith.constant 31 : i32
      %and3A_580 = vector.broadcast %and3A_579 : i32 to vector<16xi32>
      %and3A_581 = arith.andi %get3A_578, %and3A_580 : vector<16xi32>
      %and3A_582 = arith.constant -32 : i32
      %and3A_583 = vector.broadcast %and3A_582 : i32 to vector<16xi32>
      %and3A_584 = arith.andi %get3A_578, %and3A_583 : vector<16xi32>
      %bitcast3A_585 = vector.bitcast %and3A_584 : vector<16xi32> to vector<16xf32>
      tpu.vector_store_idx %arg6[%iota3A, %and3A_581], %bitcast3A_585 {add = true} : memref<16x32xf32, #tpu.memory_space<vmem>>[vector<16xi32>, vector<16xi32>], vector<16xf32>,
      %get3A_586 = arith.index_cast %scan3A_417 : i32 to index
      %get3A_587 = arith.constant 272 : index
      %get3A_588 = tpu.vector_load %arg5[%get3A_586, %get3A_587] {strides = array<i32>} : memref<16x512xi32, #tpu.memory_space<vmem>>, vector<16xi32>,
      %and3A_589 = arith.constant 31 : i32
      %and3A_590 = vector.broadcast %and3A_589 : i32 to vector<16xi32>
      %and3A_591 = arith.andi %get3A_588, %and3A_590 : vector<16xi32>
      %and3A_592 = arith.constant -32 : i32
      %and3A_593 = vector.broadcast %and3A_592 : i32 to vector<16xi32>
      %and3A_594 = arith.andi %get3A_588, %and3A_593 : vector<16xi32>
      %bitcast3A_595 = vector.bitcast %and3A_594 : vector<16xi32> to vector<16xf32>
      tpu.vector_store_idx %arg6[%iota3A, %and3A_591], %bitcast3A_595 {add = true} : memref<16x32xf32, #tpu.memory_space<vmem>>[vector<16xi32>, vector<16xi32>], vector<16xf32>,
      %get3A_596 = arith.index_cast %scan3A_417 : i32 to index
      %get3A_597 = arith.constant 288 : index
      %get3A_598 = tpu.vector_load %arg5[%get3A_596, %get3A_597] {strides = array<i32>} : memref<16x512xi32, #tpu.memory_space<vmem>>, vector<16xi32>,
      %and3A_599 = arith.constant 31 : i32
      %and3A_600 = vector.broadcast %and3A_599 : i32 to vector<16xi32>
      %and3A_601 = arith.andi %get3A_598, %and3A_600 : vector<16xi32>
      %and3A_602 = arith.constant -32 : i32
      %and3A_603 = vector.broadcast %and3A_602 : i32 to vector<16xi32>
      %and3A_604 = arith.andi %get3A_598, %and3A_603 : vector<16xi32>
      %bitcast3A_605 = vector.bitcast %and3A_604 : vector<16xi32> to vector<16xf32>
      tpu.vector_store_idx %arg6[%iota3A, %and3A_601], %bitcast3A_605 {add = true} : memref<16x32xf32, #tpu.memory_space<vmem>>[vector<16xi32>, vector<16xi32>], vector<16xf32>,
      %get3A_606 = arith.index_cast %scan3A_417 : i32 to index
      %get3A_607 = arith.constant 304 : index
      %get3A_608 = tpu.vector_load %arg5[%get3A_606, %get3A_607] {strides = array<i32>} : memref<16x512xi32, #tpu.memory_space<vmem>>, vector<16xi32>,
      %and3A_609 = arith.constant 31 : i32
      %and3A_610 = vector.broadcast %and3A_609 : i32 to vector<16xi32>
      %and3A_611 = arith.andi %get3A_608, %and3A_610 : vector<16xi32>
      %and3A_612 = arith.constant -32 : i32
      %and3A_613 = vector.broadcast %and3A_612 : i32 to vector<16xi32>
      %and3A_614 = arith.andi %get3A_608, %and3A_613 : vector<16xi32>
      %bitcast3A_615 = vector.bitcast %and3A_614 : vector<16xi32> to vector<16xf32>
      tpu.vector_store_idx %arg6[%iota3A, %and3A_611], %bitcast3A_615 {add = true} : memref<16x32xf32, #tpu.memory_space<vmem>>[vector<16xi32>, vector<16xi32>], vector<16xf32>,
      %get3A_616 = arith.index_cast %scan3A_417 : i32 to index
      %get3A_617 = arith.constant 320 : index
      %get3A_618 = tpu.vector_load %arg5[%get3A_616, %get3A_617] {strides = array<i32>} : memref<16x512xi32, #tpu.memory_space<vmem>>, vector<16xi32>,
      %and3A_619 = arith.constant 31 : i32
      %and3A_620 = vector.broadcast %and3A_619 : i32 to vector<16xi32>
      %and3A_621 = arith.andi %get3A_618, %and3A_620 : vector<16xi32>
      %and3A_622 = arith.constant -32 : i32
      %and3A_623 = vector.broadcast %and3A_622 : i32 to vector<16xi32>
      %and3A_624 = arith.andi %get3A_618, %and3A_623 : vector<16xi32>
      %bitcast3A_625 = vector.bitcast %and3A_624 : vector<16xi32> to vector<16xf32>
      tpu.vector_store_idx %arg6[%iota3A, %and3A_621], %bitcast3A_625 {add = true} : memref<16x32xf32, #tpu.memory_space<vmem>>[vector<16xi32>, vector<16xi32>], vector<16xf32>,
      %get3A_626 = arith.index_cast %scan3A_417 : i32 to index
      %get3A_627 = arith.constant 336 : index
      %get3A_628 = tpu.vector_load %arg5[%get3A_626, %get3A_627] {strides = array<i32>} : memref<16x512xi32, #tpu.memory_space<vmem>>, vector<16xi32>,
      %and3A_629 = arith.constant 31 : i32
      %and3A_630 = vector.broadcast %and3A_629 : i32 to vector<16xi32>
      %and3A_631 = arith.andi %get3A_628, %and3A_630 : vector<16xi32>
      %and3A_632 = arith.constant -32 : i32
      %and3A_633 = vector.broadcast %and3A_632 : i32 to vector<16xi32>
      %and3A_634 = arith.andi %get3A_628, %and3A_633 : vector<16xi32>
      %bitcast3A_635 = vector.bitcast %and3A_634 : vector<16xi32> to vector<16xf32>
      tpu.vector_store_idx %arg6[%iota3A, %and3A_631], %bitcast3A_635 {add = true} : memref<16x32xf32, #tpu.memory_space<vmem>>[vector<16xi32>, vector<16xi32>], vector<16xf32>,
      %get3A_636 = arith.index_cast %scan3A_417 : i32 to index
      %get3A_637 = arith.constant 352 : index
      %get3A_638 = tpu.vector_load %arg5[%get3A_636, %get3A_637] {strides = array<i32>} : memref<16x512xi32, #tpu.memory_space<vmem>>, vector<16xi32>,
      %and3A_639 = arith.constant 31 : i32
      %and3A_640 = vector.broadcast %and3A_639 : i32 to vector<16xi32>
      %and3A_641 = arith.andi %get3A_638, %and3A_640 : vector<16xi32>
      %and3A_642 = arith.constant -32 : i32
      %and3A_643 = vector.broadcast %and3A_642 : i32 to vector<16xi32>
      %and3A_644 = arith.andi %get3A_638, %and3A_643 : vector<16xi32>
      %bitcast3A_645 = vector.bitcast %and3A_644 : vector<16xi32> to vector<16xf32>
      tpu.vector_store_idx %arg6[%iota3A, %and3A_641], %bitcast3A_645 {add = true} : memref<16x32xf32, #tpu.memory_space<vmem>>[vector<16xi32>, vector<16xi32>], vector<16xf32>,
      %get3A_646 = arith.index_cast %scan3A_417 : i32 to index
      %get3A_647 = arith.constant 368 : index
      %get3A_648 = tpu.vector_load %arg5[%get3A_646, %get3A_647] {strides = array<i32>} : memref<16x512xi32, #tpu.memory_space<vmem>>, vector<16xi32>,
      %and3A_649 = arith.constant 31 : i32
      %and3A_650 = vector.broadcast %and3A_649 : i32 to vector<16xi32>
      %and3A_651 = arith.andi %get3A_648, %and3A_650 : vector<16xi32>
      %and3A_652 = arith.constant -32 : i32
      %and3A_653 = vector.broadcast %and3A_652 : i32 to vector<16xi32>
      %and3A_654 = arith.andi %get3A_648, %and3A_653 : vector<16xi32>
      %bitcast3A_655 = vector.bitcast %and3A_654 : vector<16xi32> to vector<16xf32>
      tpu.vector_store_idx %arg6[%iota3A, %and3A_651], %bitcast3A_655 {add = true} : memref<16x32xf32, #tpu.memory_space<vmem>>[vector<16xi32>, vector<16xi32>], vector<16xf32>,
      %get3A_656 = arith.index_cast %scan3A_417 : i32 to index
      %get3A_657 = arith.constant 384 : index
      %get3A_658 = tpu.vector_load %arg5[%get3A_656, %get3A_657] {strides = array<i32>} : memref<16x512xi32, #tpu.memory_space<vmem>>, vector<16xi32>,
      %and3A_659 = arith.constant 31 : i32
      %and3A_660 = vector.broadcast %and3A_659 : i32 to vector<16xi32>
      %and3A_661 = arith.andi %get3A_658, %and3A_660 : vector<16xi32>
      %and3A_662 = arith.constant -32 : i32
      %and3A_663 = vector.broadcast %and3A_662 : i32 to vector<16xi32>
      %and3A_664 = arith.andi %get3A_658, %and3A_663 : vector<16xi32>
      %bitcast3A_665 = vector.bitcast %and3A_664 : vector<16xi32> to vector<16xf32>
      tpu.vector_store_idx %arg6[%iota3A, %and3A_661], %bitcast3A_665 {add = true} : memref<16x32xf32, #tpu.memory_space<vmem>>[vector<16xi32>, vector<16xi32>], vector<16xf32>,
      %get3A_666 = arith.index_cast %scan3A_417 : i32 to index
      %get3A_667 = arith.constant 400 : index
      %get3A_668 = tpu.vector_load %arg5[%get3A_666, %get3A_667] {strides = array<i32>} : memref<16x512xi32, #tpu.memory_space<vmem>>, vector<16xi32>,
      %and3A_669 = arith.constant 31 : i32
      %and3A_670 = vector.broadcast %and3A_669 : i32 to vector<16xi32>
      %and3A_671 = arith.andi %get3A_668, %and3A_670 : vector<16xi32>
      %and3A_672 = arith.constant -32 : i32
      %and3A_673 = vector.broadcast %and3A_672 : i32 to vector<16xi32>
      %and3A_674 = arith.andi %get3A_668, %and3A_673 : vector<16xi32>
      %bitcast3A_675 = vector.bitcast %and3A_674 : vector<16xi32> to vector<16xf32>
      tpu.vector_store_idx %arg6[%iota3A, %and3A_671], %bitcast3A_675 {add = true} : memref<16x32xf32, #tpu.memory_space<vmem>>[vector<16xi32>, vector<16xi32>], vector<16xf32>,
      %get3A_676 = arith.index_cast %scan3A_417 : i32 to index
      %get3A_677 = arith.constant 416 : index
      %get3A_678 = tpu.vector_load %arg5[%get3A_676, %get3A_677] {strides = array<i32>} : memref<16x512xi32, #tpu.memory_space<vmem>>, vector<16xi32>,
      %and3A_679 = arith.constant 31 : i32
      %and3A_680 = vector.broadcast %and3A_679 : i32 to vector<16xi32>
      %and3A_681 = arith.andi %get3A_678, %and3A_680 : vector<16xi32>
      %and3A_682 = arith.constant -32 : i32
      %and3A_683 = vector.broadcast %and3A_682 : i32 to vector<16xi32>
      %and3A_684 = arith.andi %get3A_678, %and3A_683 : vector<16xi32>
      %bitcast3A_685 = vector.bitcast %and3A_684 : vector<16xi32> to vector<16xf32>
      tpu.vector_store_idx %arg6[%iota3A, %and3A_681], %bitcast3A_685 {add = true} : memref<16x32xf32, #tpu.memory_space<vmem>>[vector<16xi32>, vector<16xi32>], vector<16xf32>,
      %get3A_686 = arith.index_cast %scan3A_417 : i32 to index
      %get3A_687 = arith.constant 432 : index
      %get3A_688 = tpu.vector_load %arg5[%get3A_686, %get3A_687] {strides = array<i32>} : memref<16x512xi32, #tpu.memory_space<vmem>>, vector<16xi32>,
      %and3A_689 = arith.constant 31 : i32
      %and3A_690 = vector.broadcast %and3A_689 : i32 to vector<16xi32>
      %and3A_691 = arith.andi %get3A_688, %and3A_690 : vector<16xi32>
      %and3A_692 = arith.constant -32 : i32
      %and3A_693 = vector.broadcast %and3A_692 : i32 to vector<16xi32>
      %and3A_694 = arith.andi %get3A_688, %and3A_693 : vector<16xi32>
      %bitcast3A_695 = vector.bitcast %and3A_694 : vector<16xi32> to vector<16xf32>
      tpu.vector_store_idx %arg6[%iota3A, %and3A_691], %bitcast3A_695 {add = true} : memref<16x32xf32, #tpu.memory_space<vmem>>[vector<16xi32>, vector<16xi32>], vector<16xf32>,
      %get3A_696 = arith.index_cast %scan3A_417 : i32 to index
      %get3A_697 = arith.constant 448 : index
      %get3A_698 = tpu.vector_load %arg5[%get3A_696, %get3A_697] {strides = array<i32>} : memref<16x512xi32, #tpu.memory_space<vmem>>, vector<16xi32>,
      %and3A_699 = arith.constant 31 : i32
      %and3A_700 = vector.broadcast %and3A_699 : i32 to vector<16xi32>
      %and3A_701 = arith.andi %get3A_698, %and3A_700 : vector<16xi32>
      %and3A_702 = arith.constant -32 : i32
      %and3A_703 = vector.broadcast %and3A_702 : i32 to vector<16xi32>
      %and3A_704 = arith.andi %get3A_698, %and3A_703 : vector<16xi32>
      %bitcast3A_705 = vector.bitcast %and3A_704 : vector<16xi32> to vector<16xf32>
      tpu.vector_store_idx %arg6[%iota3A, %and3A_701], %bitcast3A_705 {add = true} : memref<16x32xf32, #tpu.memory_space<vmem>>[vector<16xi32>, vector<16xi32>], vector<16xf32>,
      %get3A_706 = arith.index_cast %scan3A_417 : i32 to index
      %get3A_707 = arith.constant 464 : index
      %get3A_708 = tpu.vector_load %arg5[%get3A_706, %get3A_707] {strides = array<i32>} : memref<16x512xi32, #tpu.memory_space<vmem>>, vector<16xi32>,
      %and3A_709 = arith.constant 31 : i32
      %and3A_710 = vector.broadcast %and3A_709 : i32 to vector<16xi32>
      %and3A_711 = arith.andi %get3A_708, %and3A_710 : vector<16xi32>
      %and3A_712 = arith.constant -32 : i32
      %and3A_713 = vector.broadcast %and3A_712 : i32 to vector<16xi32>
      %and3A_714 = arith.andi %get3A_708, %and3A_713 : vector<16xi32>
      %bitcast3A_715 = vector.bitcast %and3A_714 : vector<16xi32> to vector<16xf32>
      tpu.vector_store_idx %arg6[%iota3A, %and3A_711], %bitcast3A_715 {add = true} : memref<16x32xf32, #tpu.memory_space<vmem>>[vector<16xi32>, vector<16xi32>], vector<16xf32>,
      %get3A_716 = arith.index_cast %scan3A_417 : i32 to index
      %get3A_717 = arith.constant 480 : index
      %get3A_718 = tpu.vector_load %arg5[%get3A_716, %get3A_717] {strides = array<i32>} : memref<16x512xi32, #tpu.memory_space<vmem>>, vector<16xi32>,
      %and3A_719 = arith.constant 31 : i32
      %and3A_720 = vector.broadcast %and3A_719 : i32 to vector<16xi32>
      %and3A_721 = arith.andi %get3A_718, %and3A_720 : vector<16xi32>
      %and3A_722 = arith.constant -32 : i32
      %and3A_723 = vector.broadcast %and3A_722 : i32 to vector<16xi32>
      %and3A_724 = arith.andi %get3A_718, %and3A_723 : vector<16xi32>
      %bitcast3A_725 = vector.bitcast %and3A_724 : vector<16xi32> to vector<16xf32>
      tpu.vector_store_idx %arg6[%iota3A, %and3A_721], %bitcast3A_725 {add = true} : memref<16x32xf32, #tpu.memory_space<vmem>>[vector<16xi32>, vector<16xi32>], vector<16xf32>,
      %get3A_726 = arith.index_cast %scan3A_417 : i32 to index
      %get3A_727 = arith.constant 496 : index
      %get3A_728 = tpu.vector_load %arg5[%get3A_726, %get3A_727] {strides = array<i32>} : memref<16x512xi32, #tpu.memory_space<vmem>>, vector<16xi32>,
      %and3A_729 = arith.constant 31 : i32
      %and3A_730 = vector.broadcast %and3A_729 : i32 to vector<16xi32>
      %and3A_731 = arith.andi %get3A_728, %and3A_730 : vector<16xi32>
      %and3A_732 = arith.constant -32 : i32
      %and3A_733 = vector.broadcast %and3A_732 : i32 to vector<16xi32>
      %and3A_734 = arith.andi %get3A_728, %and3A_733 : vector<16xi32>
      %bitcast3A_735 = vector.bitcast %and3A_734 : vector<16xi32> to vector<16xf32>
      tpu.vector_store_idx %arg6[%iota3A, %and3A_731], %bitcast3A_735 {add = true} : memref<16x32xf32, #tpu.memory_space<vmem>>[vector<16xi32>, vector<16xi32>], vector<16xf32>,
    }
    %scan3A_175 = arith.constant 16 : i32
    %dma_start3A_176 = arith.constant 0 : i32
    %dma_start3A_177 = tpu.memref_slice %arg2[%add3A_138, %dma_start3A_176] : memref<4096x512xi32, #tpu.memory_space<hbm>> -> memref<16x512xi32, #tpu.memory_space<hbm>>
    %dma_start3A_178 = arith.constant 0 : i32
    %dma_start3A_179 = tpu.memref_slice %arg2[%add3A_138, %dma_start3A_178] : memref<4096x512xi32, #tpu.memory_space<hbm>> -> memref<16x512xi32, #tpu.memory_space<hbm>>
    tpu.enqueue_dma source(%dma_start3A_179 : memref<16x512xi32, #tpu.memory_space<hbm>>) target(%arg5 : memref<16x512xi32, #tpu.memory_space<vmem>>) target_semaphore(%arg9 : memref<!tpu.dma_semaphore, #tpu.memory_space<semaphore_mem>>)
    %dma_wait3A_180 = arith.constant 0 : i32
    %dma_wait3A_181 = tpu.memref_slice %arg2[%add3A_136, %dma_wait3A_180] : memref<4096x512xi32, #tpu.memory_space<hbm>> -> memref<16x512xi32, #tpu.memory_space<hbm>>
    %dma_wait3A_182 = arith.constant 0 : i32
    %dma_wait3A_183 = tpu.memref_slice %arg2[%add3A_136, %dma_wait3A_182] : memref<4096x512xi32, #tpu.memory_space<hbm>> -> memref<16x512xi32, #tpu.memory_space<hbm>>
    tpu.wait_dma2 semaphore(%arg8 : memref<!tpu.dma_semaphore, #tpu.memory_space<semaphore_mem>>) src(%dma_wait3A_183 : memref<16x512xi32, #tpu.memory_space<hbm>>) dst(%arg4 : memref<16x512xi32, #tpu.memory_space<vmem>>)
    %scan3A_184 = arith.constant 0 : i32
    %scan3A_185 = arith.constant 0 : i32
    %scan3A_186 = arith.constant 16 : i32
    %scan3A_187 = arith.addi %scan3A_185, %scan3A_186 : i32
    %scan3A_188 = arith.constant 1 : i32
    scf.for %scan3A_417 = %scan3A_185 to %scan3A_187 step %scan3A_188  : i32 {
      %get3A_418 = arith.index_cast %scan3A_417 : i32 to index
      %get3A_419 = arith.constant 0 : index
      %get3A_420 = tpu.vector_load %arg4[%get3A_418, %get3A_419] {strides = array<i32>} : memref<16x512xi32, #tpu.memory_space<vmem>>, vector<16xi32>,
      %and3A = arith.constant 31 : i32
      %and3A_421 = vector.broadcast %and3A : i32 to vector<16xi32>
      %and3A_422 = arith.andi %get3A_420, %and3A_421 : vector<16xi32>
      %and3A_423 = arith.constant -32 : i32
      %and3A_424 = vector.broadcast %and3A_423 : i32 to vector<16xi32>
      %and3A_425 = arith.andi %get3A_420, %and3A_424 : vector<16xi32>
      %bitcast3A = vector.bitcast %and3A_425 : vector<16xi32> to vector<16xf32>
      tpu.vector_store_idx %arg6[%iota3A, %and3A_422], %bitcast3A {add = true} : memref<16x32xf32, #tpu.memory_space<vmem>>[vector<16xi32>, vector<16xi32>], vector<16xf32>,
      %get3A_426 = arith.index_cast %scan3A_417 : i32 to index
      %get3A_427 = arith.constant 16 : index
      %get3A_428 = tpu.vector_load %arg4[%get3A_426, %get3A_427] {strides = array<i32>} : memref<16x512xi32, #tpu.memory_space<vmem>>, vector<16xi32>,
      %and3A_429 = arith.constant 31 : i32
      %and3A_430 = vector.broadcast %and3A_429 : i32 to vector<16xi32>
      %and3A_431 = arith.andi %get3A_428, %and3A_430 : vector<16xi32>
      %and3A_432 = arith.constant -32 : i32
      %and3A_433 = vector.broadcast %and3A_432 : i32 to vector<16xi32>
      %and3A_434 = arith.andi %get3A_428, %and3A_433 : vector<16xi32>
      %bitcast3A_435 = vector.bitcast %and3A_434 : vector<16xi32> to vector<16xf32>
      tpu.vector_store_idx %arg6[%iota3A, %and3A_431], %bitcast3A_435 {add = true} : memref<16x32xf32, #tpu.memory_space<vmem>>[vector<16xi32>, vector<16xi32>], vector<16xf32>,
      %get3A_436 = arith.index_cast %scan3A_417 : i32 to index
      %get3A_437 = arith.constant 32 : index
      %get3A_438 = tpu.vector_load %arg4[%get3A_436, %get3A_437] {strides = array<i32>} : memref<16x512xi32, #tpu.memory_space<vmem>>, vector<16xi32>,
      %and3A_439 = arith.constant 31 : i32
      %and3A_440 = vector.broadcast %and3A_439 : i32 to vector<16xi32>
      %and3A_441 = arith.andi %get3A_438, %and3A_440 : vector<16xi32>
      %and3A_442 = arith.constant -32 : i32
      %and3A_443 = vector.broadcast %and3A_442 : i32 to vector<16xi32>
      %and3A_444 = arith.andi %get3A_438, %and3A_443 : vector<16xi32>
      %bitcast3A_445 = vector.bitcast %and3A_444 : vector<16xi32> to vector<16xf32>
      tpu.vector_store_idx %arg6[%iota3A, %and3A_441], %bitcast3A_445 {add = true} : memref<16x32xf32, #tpu.memory_space<vmem>>[vector<16xi32>, vector<16xi32>], vector<16xf32>,
      %get3A_446 = arith.index_cast %scan3A_417 : i32 to index
      %get3A_447 = arith.constant 48 : index
      %get3A_448 = tpu.vector_load %arg4[%get3A_446, %get3A_447] {strides = array<i32>} : memref<16x512xi32, #tpu.memory_space<vmem>>, vector<16xi32>,
      %and3A_449 = arith.constant 31 : i32
      %and3A_450 = vector.broadcast %and3A_449 : i32 to vector<16xi32>
      %and3A_451 = arith.andi %get3A_448, %and3A_450 : vector<16xi32>
      %and3A_452 = arith.constant -32 : i32
      %and3A_453 = vector.broadcast %and3A_452 : i32 to vector<16xi32>
      %and3A_454 = arith.andi %get3A_448, %and3A_453 : vector<16xi32>
      %bitcast3A_455 = vector.bitcast %and3A_454 : vector<16xi32> to vector<16xf32>
      tpu.vector_store_idx %arg6[%iota3A, %and3A_451], %bitcast3A_455 {add = true} : memref<16x32xf32, #tpu.memory_space<vmem>>[vector<16xi32>, vector<16xi32>], vector<16xf32>,
      %get3A_456 = arith.index_cast %scan3A_417 : i32 to index
      %get3A_457 = arith.constant 64 : index
      %get3A_458 = tpu.vector_load %arg4[%get3A_456, %get3A_457] {strides = array<i32>} : memref<16x512xi32, #tpu.memory_space<vmem>>, vector<16xi32>,
      %and3A_459 = arith.constant 31 : i32
      %and3A_460 = vector.broadcast %and3A_459 : i32 to vector<16xi32>
      %and3A_461 = arith.andi %get3A_458, %and3A_460 : vector<16xi32>
      %and3A_462 = arith.constant -32 : i32
      %and3A_463 = vector.broadcast %and3A_462 : i32 to vector<16xi32>
      %and3A_464 = arith.andi %get3A_458, %and3A_463 : vector<16xi32>
      %bitcast3A_465 = vector.bitcast %and3A_464 : vector<16xi32> to vector<16xf32>
      tpu.vector_store_idx %arg6[%iota3A, %and3A_461], %bitcast3A_465 {add = true} : memref<16x32xf32, #tpu.memory_space<vmem>>[vector<16xi32>, vector<16xi32>], vector<16xf32>,
      %get3A_466 = arith.index_cast %scan3A_417 : i32 to index
      %get3A_467 = arith.constant 80 : index
      %get3A_468 = tpu.vector_load %arg4[%get3A_466, %get3A_467] {strides = array<i32>} : memref<16x512xi32, #tpu.memory_space<vmem>>, vector<16xi32>,
      %and3A_469 = arith.constant 31 : i32
      %and3A_470 = vector.broadcast %and3A_469 : i32 to vector<16xi32>
      %and3A_471 = arith.andi %get3A_468, %and3A_470 : vector<16xi32>
      %and3A_472 = arith.constant -32 : i32
      %and3A_473 = vector.broadcast %and3A_472 : i32 to vector<16xi32>
      %and3A_474 = arith.andi %get3A_468, %and3A_473 : vector<16xi32>
      %bitcast3A_475 = vector.bitcast %and3A_474 : vector<16xi32> to vector<16xf32>
      tpu.vector_store_idx %arg6[%iota3A, %and3A_471], %bitcast3A_475 {add = true} : memref<16x32xf32, #tpu.memory_space<vmem>>[vector<16xi32>, vector<16xi32>], vector<16xf32>,
      %get3A_476 = arith.index_cast %scan3A_417 : i32 to index
      %get3A_477 = arith.constant 96 : index
      %get3A_478 = tpu.vector_load %arg4[%get3A_476, %get3A_477] {strides = array<i32>} : memref<16x512xi32, #tpu.memory_space<vmem>>, vector<16xi32>,
      %and3A_479 = arith.constant 31 : i32
      %and3A_480 = vector.broadcast %and3A_479 : i32 to vector<16xi32>
      %and3A_481 = arith.andi %get3A_478, %and3A_480 : vector<16xi32>
      %and3A_482 = arith.constant -32 : i32
      %and3A_483 = vector.broadcast %and3A_482 : i32 to vector<16xi32>
      %and3A_484 = arith.andi %get3A_478, %and3A_483 : vector<16xi32>
      %bitcast3A_485 = vector.bitcast %and3A_484 : vector<16xi32> to vector<16xf32>
      tpu.vector_store_idx %arg6[%iota3A, %and3A_481], %bitcast3A_485 {add = true} : memref<16x32xf32, #tpu.memory_space<vmem>>[vector<16xi32>, vector<16xi32>], vector<16xf32>,
      %get3A_486 = arith.index_cast %scan3A_417 : i32 to index
      %get3A_487 = arith.constant 112 : index
      %get3A_488 = tpu.vector_load %arg4[%get3A_486, %get3A_487] {strides = array<i32>} : memref<16x512xi32, #tpu.memory_space<vmem>>, vector<16xi32>,
      %and3A_489 = arith.constant 31 : i32
      %and3A_490 = vector.broadcast %and3A_489 : i32 to vector<16xi32>
      %and3A_491 = arith.andi %get3A_488, %and3A_490 : vector<16xi32>
      %and3A_492 = arith.constant -32 : i32
      %and3A_493 = vector.broadcast %and3A_492 : i32 to vector<16xi32>
      %and3A_494 = arith.andi %get3A_488, %and3A_493 : vector<16xi32>
      %bitcast3A_495 = vector.bitcast %and3A_494 : vector<16xi32> to vector<16xf32>
      tpu.vector_store_idx %arg6[%iota3A, %and3A_491], %bitcast3A_495 {add = true} : memref<16x32xf32, #tpu.memory_space<vmem>>[vector<16xi32>, vector<16xi32>], vector<16xf32>,
      %get3A_496 = arith.index_cast %scan3A_417 : i32 to index
      %get3A_497 = arith.constant 128 : index
      %get3A_498 = tpu.vector_load %arg4[%get3A_496, %get3A_497] {strides = array<i32>} : memref<16x512xi32, #tpu.memory_space<vmem>>, vector<16xi32>,
      %and3A_499 = arith.constant 31 : i32
      %and3A_500 = vector.broadcast %and3A_499 : i32 to vector<16xi32>
      %and3A_501 = arith.andi %get3A_498, %and3A_500 : vector<16xi32>
      %and3A_502 = arith.constant -32 : i32
      %and3A_503 = vector.broadcast %and3A_502 : i32 to vector<16xi32>
      %and3A_504 = arith.andi %get3A_498, %and3A_503 : vector<16xi32>
      %bitcast3A_505 = vector.bitcast %and3A_504 : vector<16xi32> to vector<16xf32>
      tpu.vector_store_idx %arg6[%iota3A, %and3A_501], %bitcast3A_505 {add = true} : memref<16x32xf32, #tpu.memory_space<vmem>>[vector<16xi32>, vector<16xi32>], vector<16xf32>,
      %get3A_506 = arith.index_cast %scan3A_417 : i32 to index
      %get3A_507 = arith.constant 144 : index
      %get3A_508 = tpu.vector_load %arg4[%get3A_506, %get3A_507] {strides = array<i32>} : memref<16x512xi32, #tpu.memory_space<vmem>>, vector<16xi32>,
      %and3A_509 = arith.constant 31 : i32
      %and3A_510 = vector.broadcast %and3A_509 : i32 to vector<16xi32>
      %and3A_511 = arith.andi %get3A_508, %and3A_510 : vector<16xi32>
      %and3A_512 = arith.constant -32 : i32
      %and3A_513 = vector.broadcast %and3A_512 : i32 to vector<16xi32>
      %and3A_514 = arith.andi %get3A_508, %and3A_513 : vector<16xi32>
      %bitcast3A_515 = vector.bitcast %and3A_514 : vector<16xi32> to vector<16xf32>
      tpu.vector_store_idx %arg6[%iota3A, %and3A_511], %bitcast3A_515 {add = true} : memref<16x32xf32, #tpu.memory_space<vmem>>[vector<16xi32>, vector<16xi32>], vector<16xf32>,
      %get3A_516 = arith.index_cast %scan3A_417 : i32 to index
      %get3A_517 = arith.constant 160 : index
      %get3A_518 = tpu.vector_load %arg4[%get3A_516, %get3A_517] {strides = array<i32>} : memref<16x512xi32, #tpu.memory_space<vmem>>, vector<16xi32>,
      %and3A_519 = arith.constant 31 : i32
      %and3A_520 = vector.broadcast %and3A_519 : i32 to vector<16xi32>
      %and3A_521 = arith.andi %get3A_518, %and3A_520 : vector<16xi32>
      %and3A_522 = arith.constant -32 : i32
      %and3A_523 = vector.broadcast %and3A_522 : i32 to vector<16xi32>
      %and3A_524 = arith.andi %get3A_518, %and3A_523 : vector<16xi32>
      %bitcast3A_525 = vector.bitcast %and3A_524 : vector<16xi32> to vector<16xf32>
      tpu.vector_store_idx %arg6[%iota3A, %and3A_521], %bitcast3A_525 {add = true} : memref<16x32xf32, #tpu.memory_space<vmem>>[vector<16xi32>, vector<16xi32>], vector<16xf32>,
      %get3A_526 = arith.index_cast %scan3A_417 : i32 to index
      %get3A_527 = arith.constant 176 : index
      %get3A_528 = tpu.vector_load %arg4[%get3A_526, %get3A_527] {strides = array<i32>} : memref<16x512xi32, #tpu.memory_space<vmem>>, vector<16xi32>,
      %and3A_529 = arith.constant 31 : i32
      %and3A_530 = vector.broadcast %and3A_529 : i32 to vector<16xi32>
      %and3A_531 = arith.andi %get3A_528, %and3A_530 : vector<16xi32>
      %and3A_532 = arith.constant -32 : i32
      %and3A_533 = vector.broadcast %and3A_532 : i32 to vector<16xi32>
      %and3A_534 = arith.andi %get3A_528, %and3A_533 : vector<16xi32>
      %bitcast3A_535 = vector.bitcast %and3A_534 : vector<16xi32> to vector<16xf32>
      tpu.vector_store_idx %arg6[%iota3A, %and3A_531], %bitcast3A_535 {add = true} : memref<16x32xf32, #tpu.memory_space<vmem>>[vector<16xi32>, vector<16xi32>], vector<16xf32>,
      %get3A_536 = arith.index_cast %scan3A_417 : i32 to index
      %get3A_537 = arith.constant 192 : index
      %get3A_538 = tpu.vector_load %arg4[%get3A_536, %get3A_537] {strides = array<i32>} : memref<16x512xi32, #tpu.memory_space<vmem>>, vector<16xi32>,
      %and3A_539 = arith.constant 31 : i32
      %and3A_540 = vector.broadcast %and3A_539 : i32 to vector<16xi32>
      %and3A_541 = arith.andi %get3A_538, %and3A_540 : vector<16xi32>
      %and3A_542 = arith.constant -32 : i32
      %and3A_543 = vector.broadcast %and3A_542 : i32 to vector<16xi32>
      %and3A_544 = arith.andi %get3A_538, %and3A_543 : vector<16xi32>
      %bitcast3A_545 = vector.bitcast %and3A_544 : vector<16xi32> to vector<16xf32>
      tpu.vector_store_idx %arg6[%iota3A, %and3A_541], %bitcast3A_545 {add = true} : memref<16x32xf32, #tpu.memory_space<vmem>>[vector<16xi32>, vector<16xi32>], vector<16xf32>,
      %get3A_546 = arith.index_cast %scan3A_417 : i32 to index
      %get3A_547 = arith.constant 208 : index
      %get3A_548 = tpu.vector_load %arg4[%get3A_546, %get3A_547] {strides = array<i32>} : memref<16x512xi32, #tpu.memory_space<vmem>>, vector<16xi32>,
      %and3A_549 = arith.constant 31 : i32
      %and3A_550 = vector.broadcast %and3A_549 : i32 to vector<16xi32>
      %and3A_551 = arith.andi %get3A_548, %and3A_550 : vector<16xi32>
      %and3A_552 = arith.constant -32 : i32
      %and3A_553 = vector.broadcast %and3A_552 : i32 to vector<16xi32>
      %and3A_554 = arith.andi %get3A_548, %and3A_553 : vector<16xi32>
      %bitcast3A_555 = vector.bitcast %and3A_554 : vector<16xi32> to vector<16xf32>
      tpu.vector_store_idx %arg6[%iota3A, %and3A_551], %bitcast3A_555 {add = true} : memref<16x32xf32, #tpu.memory_space<vmem>>[vector<16xi32>, vector<16xi32>], vector<16xf32>,
      %get3A_556 = arith.index_cast %scan3A_417 : i32 to index
      %get3A_557 = arith.constant 224 : index
      %get3A_558 = tpu.vector_load %arg4[%get3A_556, %get3A_557] {strides = array<i32>} : memref<16x512xi32, #tpu.memory_space<vmem>>, vector<16xi32>,
      %and3A_559 = arith.constant 31 : i32
      %and3A_560 = vector.broadcast %and3A_559 : i32 to vector<16xi32>
      %and3A_561 = arith.andi %get3A_558, %and3A_560 : vector<16xi32>
      %and3A_562 = arith.constant -32 : i32
      %and3A_563 = vector.broadcast %and3A_562 : i32 to vector<16xi32>
      %and3A_564 = arith.andi %get3A_558, %and3A_563 : vector<16xi32>
      %bitcast3A_565 = vector.bitcast %and3A_564 : vector<16xi32> to vector<16xf32>
      tpu.vector_store_idx %arg6[%iota3A, %and3A_561], %bitcast3A_565 {add = true} : memref<16x32xf32, #tpu.memory_space<vmem>>[vector<16xi32>, vector<16xi32>], vector<16xf32>,
      %get3A_566 = arith.index_cast %scan3A_417 : i32 to index
      %get3A_567 = arith.constant 240 : index
      %get3A_568 = tpu.vector_load %arg4[%get3A_566, %get3A_567] {strides = array<i32>} : memref<16x512xi32, #tpu.memory_space<vmem>>, vector<16xi32>,
      %and3A_569 = arith.constant 31 : i32
      %and3A_570 = vector.broadcast %and3A_569 : i32 to vector<16xi32>
      %and3A_571 = arith.andi %get3A_568, %and3A_570 : vector<16xi32>
      %and3A_572 = arith.constant -32 : i32
      %and3A_573 = vector.broadcast %and3A_572 : i32 to vector<16xi32>
      %and3A_574 = arith.andi %get3A_568, %and3A_573 : vector<16xi32>
      %bitcast3A_575 = vector.bitcast %and3A_574 : vector<16xi32> to vector<16xf32>
      tpu.vector_store_idx %arg6[%iota3A, %and3A_571], %bitcast3A_575 {add = true} : memref<16x32xf32, #tpu.memory_space<vmem>>[vector<16xi32>, vector<16xi32>], vector<16xf32>,
      %get3A_576 = arith.index_cast %scan3A_417 : i32 to index
      %get3A_577 = arith.constant 256 : index
      %get3A_578 = tpu.vector_load %arg4[%get3A_576, %get3A_577] {strides = array<i32>} : memref<16x512xi32, #tpu.memory_space<vmem>>, vector<16xi32>,
      %and3A_579 = arith.constant 31 : i32
      %and3A_580 = vector.broadcast %and3A_579 : i32 to vector<16xi32>
      %and3A_581 = arith.andi %get3A_578, %and3A_580 : vector<16xi32>
      %and3A_582 = arith.constant -32 : i32
      %and3A_583 = vector.broadcast %and3A_582 : i32 to vector<16xi32>
      %and3A_584 = arith.andi %get3A_578, %and3A_583 : vector<16xi32>
      %bitcast3A_585 = vector.bitcast %and3A_584 : vector<16xi32> to vector<16xf32>
      tpu.vector_store_idx %arg6[%iota3A, %and3A_581], %bitcast3A_585 {add = true} : memref<16x32xf32, #tpu.memory_space<vmem>>[vector<16xi32>, vector<16xi32>], vector<16xf32>,
      %get3A_586 = arith.index_cast %scan3A_417 : i32 to index
      %get3A_587 = arith.constant 272 : index
      %get3A_588 = tpu.vector_load %arg4[%get3A_586, %get3A_587] {strides = array<i32>} : memref<16x512xi32, #tpu.memory_space<vmem>>, vector<16xi32>,
      %and3A_589 = arith.constant 31 : i32
      %and3A_590 = vector.broadcast %and3A_589 : i32 to vector<16xi32>
      %and3A_591 = arith.andi %get3A_588, %and3A_590 : vector<16xi32>
      %and3A_592 = arith.constant -32 : i32
      %and3A_593 = vector.broadcast %and3A_592 : i32 to vector<16xi32>
      %and3A_594 = arith.andi %get3A_588, %and3A_593 : vector<16xi32>
      %bitcast3A_595 = vector.bitcast %and3A_594 : vector<16xi32> to vector<16xf32>
      tpu.vector_store_idx %arg6[%iota3A, %and3A_591], %bitcast3A_595 {add = true} : memref<16x32xf32, #tpu.memory_space<vmem>>[vector<16xi32>, vector<16xi32>], vector<16xf32>,
      %get3A_596 = arith.index_cast %scan3A_417 : i32 to index
      %get3A_597 = arith.constant 288 : index
      %get3A_598 = tpu.vector_load %arg4[%get3A_596, %get3A_597] {strides = array<i32>} : memref<16x512xi32, #tpu.memory_space<vmem>>, vector<16xi32>,
      %and3A_599 = arith.constant 31 : i32
      %and3A_600 = vector.broadcast %and3A_599 : i32 to vector<16xi32>
      %and3A_601 = arith.andi %get3A_598, %and3A_600 : vector<16xi32>
      %and3A_602 = arith.constant -32 : i32
      %and3A_603 = vector.broadcast %and3A_602 : i32 to vector<16xi32>
      %and3A_604 = arith.andi %get3A_598, %and3A_603 : vector<16xi32>
      %bitcast3A_605 = vector.bitcast %and3A_604 : vector<16xi32> to vector<16xf32>
      tpu.vector_store_idx %arg6[%iota3A, %and3A_601], %bitcast3A_605 {add = true} : memref<16x32xf32, #tpu.memory_space<vmem>>[vector<16xi32>, vector<16xi32>], vector<16xf32>,
      %get3A_606 = arith.index_cast %scan3A_417 : i32 to index
      %get3A_607 = arith.constant 304 : index
      %get3A_608 = tpu.vector_load %arg4[%get3A_606, %get3A_607] {strides = array<i32>} : memref<16x512xi32, #tpu.memory_space<vmem>>, vector<16xi32>,
      %and3A_609 = arith.constant 31 : i32
      %and3A_610 = vector.broadcast %and3A_609 : i32 to vector<16xi32>
      %and3A_611 = arith.andi %get3A_608, %and3A_610 : vector<16xi32>
      %and3A_612 = arith.constant -32 : i32
      %and3A_613 = vector.broadcast %and3A_612 : i32 to vector<16xi32>
      %and3A_614 = arith.andi %get3A_608, %and3A_613 : vector<16xi32>
      %bitcast3A_615 = vector.bitcast %and3A_614 : vector<16xi32> to vector<16xf32>
      tpu.vector_store_idx %arg6[%iota3A, %and3A_611], %bitcast3A_615 {add = true} : memref<16x32xf32, #tpu.memory_space<vmem>>[vector<16xi32>, vector<16xi32>], vector<16xf32>,
      %get3A_616 = arith.index_cast %scan3A_417 : i32 to index
      %get3A_617 = arith.constant 320 : index
      %get3A_618 = tpu.vector_load %arg4[%get3A_616, %get3A_617] {strides = array<i32>} : memref<16x512xi32, #tpu.memory_space<vmem>>, vector<16xi32>,
      %and3A_619 = arith.constant 31 : i32
      %and3A_620 = vector.broadcast %and3A_619 : i32 to vector<16xi32>
      %and3A_621 = arith.andi %get3A_618, %and3A_620 : vector<16xi32>
      %and3A_622 = arith.constant -32 : i32
      %and3A_623 = vector.broadcast %and3A_622 : i32 to vector<16xi32>
      %and3A_624 = arith.andi %get3A_618, %and3A_623 : vector<16xi32>
      %bitcast3A_625 = vector.bitcast %and3A_624 : vector<16xi32> to vector<16xf32>
      tpu.vector_store_idx %arg6[%iota3A, %and3A_621], %bitcast3A_625 {add = true} : memref<16x32xf32, #tpu.memory_space<vmem>>[vector<16xi32>, vector<16xi32>], vector<16xf32>,
      %get3A_626 = arith.index_cast %scan3A_417 : i32 to index
      %get3A_627 = arith.constant 336 : index
      %get3A_628 = tpu.vector_load %arg4[%get3A_626, %get3A_627] {strides = array<i32>} : memref<16x512xi32, #tpu.memory_space<vmem>>, vector<16xi32>,
      %and3A_629 = arith.constant 31 : i32
      %and3A_630 = vector.broadcast %and3A_629 : i32 to vector<16xi32>
      %and3A_631 = arith.andi %get3A_628, %and3A_630 : vector<16xi32>
      %and3A_632 = arith.constant -32 : i32
      %and3A_633 = vector.broadcast %and3A_632 : i32 to vector<16xi32>
      %and3A_634 = arith.andi %get3A_628, %and3A_633 : vector<16xi32>
      %bitcast3A_635 = vector.bitcast %and3A_634 : vector<16xi32> to vector<16xf32>
      tpu.vector_store_idx %arg6[%iota3A, %and3A_631], %bitcast3A_635 {add = true} : memref<16x32xf32, #tpu.memory_space<vmem>>[vector<16xi32>, vector<16xi32>], vector<16xf32>,
      %get3A_636 = arith.index_cast %scan3A_417 : i32 to index
      %get3A_637 = arith.constant 352 : index
      %get3A_638 = tpu.vector_load %arg4[%get3A_636, %get3A_637] {strides = array<i32>} : memref<16x512xi32, #tpu.memory_space<vmem>>, vector<16xi32>,
      %and3A_639 = arith.constant 31 : i32
      %and3A_640 = vector.broadcast %and3A_639 : i32 to vector<16xi32>
      %and3A_641 = arith.andi %get3A_638, %and3A_640 : vector<16xi32>
      %and3A_642 = arith.constant -32 : i32
      %and3A_643 = vector.broadcast %and3A_642 : i32 to vector<16xi32>
      %and3A_644 = arith.andi %get3A_638, %and3A_643 : vector<16xi32>
      %bitcast3A_645 = vector.bitcast %and3A_644 : vector<16xi32> to vector<16xf32>
      tpu.vector_store_idx %arg6[%iota3A, %and3A_641], %bitcast3A_645 {add = true} : memref<16x32xf32, #tpu.memory_space<vmem>>[vector<16xi32>, vector<16xi32>], vector<16xf32>,
      %get3A_646 = arith.index_cast %scan3A_417 : i32 to index
      %get3A_647 = arith.constant 368 : index
      %get3A_648 = tpu.vector_load %arg4[%get3A_646, %get3A_647] {strides = array<i32>} : memref<16x512xi32, #tpu.memory_space<vmem>>, vector<16xi32>,
      %and3A_649 = arith.constant 31 : i32
      %and3A_650 = vector.broadcast %and3A_649 : i32 to vector<16xi32>
      %and3A_651 = arith.andi %get3A_648, %and3A_650 : vector<16xi32>
      %and3A_652 = arith.constant -32 : i32
      %and3A_653 = vector.broadcast %and3A_652 : i32 to vector<16xi32>
      %and3A_654 = arith.andi %get3A_648, %and3A_653 : vector<16xi32>
      %bitcast3A_655 = vector.bitcast %and3A_654 : vector<16xi32> to vector<16xf32>
      tpu.vector_store_idx %arg6[%iota3A, %and3A_651], %bitcast3A_655 {add = true} : memref<16x32xf32, #tpu.memory_space<vmem>>[vector<16xi32>, vector<16xi32>], vector<16xf32>,
      %get3A_656 = arith.index_cast %scan3A_417 : i32 to index
      %get3A_657 = arith.constant 384 : index
      %get3A_658 = tpu.vector_load %arg4[%get3A_656, %get3A_657] {strides = array<i32>} : memref<16x512xi32, #tpu.memory_space<vmem>>, vector<16xi32>,
      %and3A_659 = arith.constant 31 : i32
      %and3A_660 = vector.broadcast %and3A_659 : i32 to vector<16xi32>
      %and3A_661 = arith.andi %get3A_658, %and3A_660 : vector<16xi32>
      %and3A_662 = arith.constant -32 : i32
      %and3A_663 = vector.broadcast %and3A_662 : i32 to vector<16xi32>
      %and3A_664 = arith.andi %get3A_658, %and3A_663 : vector<16xi32>
      %bitcast3A_665 = vector.bitcast %and3A_664 : vector<16xi32> to vector<16xf32>
      tpu.vector_store_idx %arg6[%iota3A, %and3A_661], %bitcast3A_665 {add = true} : memref<16x32xf32, #tpu.memory_space<vmem>>[vector<16xi32>, vector<16xi32>], vector<16xf32>,
      %get3A_666 = arith.index_cast %scan3A_417 : i32 to index
      %get3A_667 = arith.constant 400 : index
      %get3A_668 = tpu.vector_load %arg4[%get3A_666, %get3A_667] {strides = array<i32>} : memref<16x512xi32, #tpu.memory_space<vmem>>, vector<16xi32>,
      %and3A_669 = arith.constant 31 : i32
      %and3A_670 = vector.broadcast %and3A_669 : i32 to vector<16xi32>
      %and3A_671 = arith.andi %get3A_668, %and3A_670 : vector<16xi32>
      %and3A_672 = arith.constant -32 : i32
      %and3A_673 = vector.broadcast %and3A_672 : i32 to vector<16xi32>
      %and3A_674 = arith.andi %get3A_668, %and3A_673 : vector<16xi32>
      %bitcast3A_675 = vector.bitcast %and3A_674 : vector<16xi32> to vector<16xf32>
      tpu.vector_store_idx %arg6[%iota3A, %and3A_671], %bitcast3A_675 {add = true} : memref<16x32xf32, #tpu.memory_space<vmem>>[vector<16xi32>, vector<16xi32>], vector<16xf32>,
      %get3A_676 = arith.index_cast %scan3A_417 : i32 to index
      %get3A_677 = arith.constant 416 : index
      %get3A_678 = tpu.vector_load %arg4[%get3A_676, %get3A_677] {strides = array<i32>} : memref<16x512xi32, #tpu.memory_space<vmem>>, vector<16xi32>,
      %and3A_679 = arith.constant 31 : i32
      %and3A_680 = vector.broadcast %and3A_679 : i32 to vector<16xi32>
      %and3A_681 = arith.andi %get3A_678, %and3A_680 : vector<16xi32>
      %and3A_682 = arith.constant -32 : i32
      %and3A_683 = vector.broadcast %and3A_682 : i32 to vector<16xi32>
      %and3A_684 = arith.andi %get3A_678, %and3A_683 : vector<16xi32>
      %bitcast3A_685 = vector.bitcast %and3A_684 : vector<16xi32> to vector<16xf32>
      tpu.vector_store_idx %arg6[%iota3A, %and3A_681], %bitcast3A_685 {add = true} : memref<16x32xf32, #tpu.memory_space<vmem>>[vector<16xi32>, vector<16xi32>], vector<16xf32>,
      %get3A_686 = arith.index_cast %scan3A_417 : i32 to index
      %get3A_687 = arith.constant 432 : index
      %get3A_688 = tpu.vector_load %arg4[%get3A_686, %get3A_687] {strides = array<i32>} : memref<16x512xi32, #tpu.memory_space<vmem>>, vector<16xi32>,
      %and3A_689 = arith.constant 31 : i32
      %and3A_690 = vector.broadcast %and3A_689 : i32 to vector<16xi32>
      %and3A_691 = arith.andi %get3A_688, %and3A_690 : vector<16xi32>
      %and3A_692 = arith.constant -32 : i32
      %and3A_693 = vector.broadcast %and3A_692 : i32 to vector<16xi32>
      %and3A_694 = arith.andi %get3A_688, %and3A_693 : vector<16xi32>
      %bitcast3A_695 = vector.bitcast %and3A_694 : vector<16xi32> to vector<16xf32>
      tpu.vector_store_idx %arg6[%iota3A, %and3A_691], %bitcast3A_695 {add = true} : memref<16x32xf32, #tpu.memory_space<vmem>>[vector<16xi32>, vector<16xi32>], vector<16xf32>,
      %get3A_696 = arith.index_cast %scan3A_417 : i32 to index
      %get3A_697 = arith.constant 448 : index
      %get3A_698 = tpu.vector_load %arg4[%get3A_696, %get3A_697] {strides = array<i32>} : memref<16x512xi32, #tpu.memory_space<vmem>>, vector<16xi32>,
      %and3A_699 = arith.constant 31 : i32
      %and3A_700 = vector.broadcast %and3A_699 : i32 to vector<16xi32>
      %and3A_701 = arith.andi %get3A_698, %and3A_700 : vector<16xi32>
      %and3A_702 = arith.constant -32 : i32
      %and3A_703 = vector.broadcast %and3A_702 : i32 to vector<16xi32>
      %and3A_704 = arith.andi %get3A_698, %and3A_703 : vector<16xi32>
      %bitcast3A_705 = vector.bitcast %and3A_704 : vector<16xi32> to vector<16xf32>
      tpu.vector_store_idx %arg6[%iota3A, %and3A_701], %bitcast3A_705 {add = true} : memref<16x32xf32, #tpu.memory_space<vmem>>[vector<16xi32>, vector<16xi32>], vector<16xf32>,
      %get3A_706 = arith.index_cast %scan3A_417 : i32 to index
      %get3A_707 = arith.constant 464 : index
      %get3A_708 = tpu.vector_load %arg4[%get3A_706, %get3A_707] {strides = array<i32>} : memref<16x512xi32, #tpu.memory_space<vmem>>, vector<16xi32>,
      %and3A_709 = arith.constant 31 : i32
      %and3A_710 = vector.broadcast %and3A_709 : i32 to vector<16xi32>
      %and3A_711 = arith.andi %get3A_708, %and3A_710 : vector<16xi32>
      %and3A_712 = arith.constant -32 : i32
      %and3A_713 = vector.broadcast %and3A_712 : i32 to vector<16xi32>
      %and3A_714 = arith.andi %get3A_708, %and3A_713 : vector<16xi32>
      %bitcast3A_715 = vector.bitcast %and3A_714 : vector<16xi32> to vector<16xf32>
      tpu.vector_store_idx %arg6[%iota3A, %and3A_711], %bitcast3A_715 {add = true} : memref<16x32xf32, #tpu.memory_space<vmem>>[vector<16xi32>, vector<16xi32>], vector<16xf32>,
      %get3A_716 = arith.index_cast %scan3A_417 : i32 to index
      %get3A_717 = arith.constant 480 : index
      %get3A_718 = tpu.vector_load %arg4[%get3A_716, %get3A_717] {strides = array<i32>} : memref<16x512xi32, #tpu.memory_space<vmem>>, vector<16xi32>,
      %and3A_719 = arith.constant 31 : i32
      %and3A_720 = vector.broadcast %and3A_719 : i32 to vector<16xi32>
      %and3A_721 = arith.andi %get3A_718, %and3A_720 : vector<16xi32>
      %and3A_722 = arith.constant -32 : i32
      %and3A_723 = vector.broadcast %and3A_722 : i32 to vector<16xi32>
      %and3A_724 = arith.andi %get3A_718, %and3A_723 : vector<16xi32>
      %bitcast3A_725 = vector.bitcast %and3A_724 : vector<16xi32> to vector<16xf32>
      tpu.vector_store_idx %arg6[%iota3A, %and3A_721], %bitcast3A_725 {add = true} : memref<16x32xf32, #tpu.memory_space<vmem>>[vector<16xi32>, vector<16xi32>], vector<16xf32>,
      %get3A_726 = arith.index_cast %scan3A_417 : i32 to index
      %get3A_727 = arith.constant 496 : index
      %get3A_728 = tpu.vector_load %arg4[%get3A_726, %get3A_727] {strides = array<i32>} : memref<16x512xi32, #tpu.memory_space<vmem>>, vector<16xi32>,
      %and3A_729 = arith.constant 31 : i32
      %and3A_730 = vector.broadcast %and3A_729 : i32 to vector<16xi32>
      %and3A_731 = arith.andi %get3A_728, %and3A_730 : vector<16xi32>
      %and3A_732 = arith.constant -32 : i32
      %and3A_733 = vector.broadcast %and3A_732 : i32 to vector<16xi32>
      %and3A_734 = arith.andi %get3A_728, %and3A_733 : vector<16xi32>
      %bitcast3A_735 = vector.bitcast %and3A_734 : vector<16xi32> to vector<16xf32>
      tpu.vector_store_idx %arg6[%iota3A, %and3A_731], %bitcast3A_735 {add = true} : memref<16x32xf32, #tpu.memory_space<vmem>>[vector<16xi32>, vector<16xi32>], vector<16xf32>,
    }
    %scan3A_189 = arith.constant 16 : i32
    %dma_start3A_190 = arith.constant 0 : i32
    %dma_start3A_191 = tpu.memref_slice %arg2[%add3A_140, %dma_start3A_190] : memref<4096x512xi32, #tpu.memory_space<hbm>> -> memref<16x512xi32, #tpu.memory_space<hbm>>
    %dma_start3A_192 = arith.constant 0 : i32
    %dma_start3A_193 = tpu.memref_slice %arg2[%add3A_140, %dma_start3A_192] : memref<4096x512xi32, #tpu.memory_space<hbm>> -> memref<16x512xi32, #tpu.memory_space<hbm>>
    tpu.enqueue_dma source(%dma_start3A_193 : memref<16x512xi32, #tpu.memory_space<hbm>>) target(%arg4 : memref<16x512xi32, #tpu.memory_space<vmem>>) target_semaphore(%arg8 : memref<!tpu.dma_semaphore, #tpu.memory_space<semaphore_mem>>)
    %dma_wait3A_194 = arith.constant 0 : i32
    %dma_wait3A_195 = tpu.memref_slice %arg2[%add3A_138, %dma_wait3A_194] : memref<4096x512xi32, #tpu.memory_space<hbm>> -> memref<16x512xi32, #tpu.memory_space<hbm>>
    %dma_wait3A_196 = arith.constant 0 : i32
    %dma_wait3A_197 = tpu.memref_slice %arg2[%add3A_138, %dma_wait3A_196] : memref<4096x512xi32, #tpu.memory_space<hbm>> -> memref<16x512xi32, #tpu.memory_space<hbm>>
    tpu.wait_dma2 semaphore(%arg9 : memref<!tpu.dma_semaphore, #tpu.memory_space<semaphore_mem>>) src(%dma_wait3A_197 : memref<16x512xi32, #tpu.memory_space<hbm>>) dst(%arg5 : memref<16x512xi32, #tpu.memory_space<vmem>>)
    %scan3A_198 = arith.constant 0 : i32
    %scan3A_199 = arith.constant 0 : i32
    %scan3A_200 = arith.constant 16 : i32
    %scan3A_201 = arith.addi %scan3A_199, %scan3A_200 : i32
    %scan3A_202 = arith.constant 1 : i32
    scf.for %scan3A_417 = %scan3A_199 to %scan3A_201 step %scan3A_202  : i32 {
      %get3A_418 = arith.index_cast %scan3A_417 : i32 to index
      %get3A_419 = arith.constant 0 : index
      %get3A_420 = tpu.vector_load %arg5[%get3A_418, %get3A_419] {strides = array<i32>} : memref<16x512xi32, #tpu.memory_space<vmem>>, vector<16xi32>,
      %and3A = arith.constant 31 : i32
      %and3A_421 = vector.broadcast %and3A : i32 to vector<16xi32>
      %and3A_422 = arith.andi %get3A_420, %and3A_421 : vector<16xi32>
      %and3A_423 = arith.constant -32 : i32
      %and3A_424 = vector.broadcast %and3A_423 : i32 to vector<16xi32>
      %and3A_425 = arith.andi %get3A_420, %and3A_424 : vector<16xi32>
      %bitcast3A = vector.bitcast %and3A_425 : vector<16xi32> to vector<16xf32>
      tpu.vector_store_idx %arg6[%iota3A, %and3A_422], %bitcast3A {add = true} : memref<16x32xf32, #tpu.memory_space<vmem>>[vector<16xi32>, vector<16xi32>], vector<16xf32>,
      %get3A_426 = arith.index_cast %scan3A_417 : i32 to index
      %get3A_427 = arith.constant 16 : index
      %get3A_428 = tpu.vector_load %arg5[%get3A_426, %get3A_427] {strides = array<i32>} : memref<16x512xi32, #tpu.memory_space<vmem>>, vector<16xi32>,
      %and3A_429 = arith.constant 31 : i32
      %and3A_430 = vector.broadcast %and3A_429 : i32 to vector<16xi32>
      %and3A_431 = arith.andi %get3A_428, %and3A_430 : vector<16xi32>
      %and3A_432 = arith.constant -32 : i32
      %and3A_433 = vector.broadcast %and3A_432 : i32 to vector<16xi32>
      %and3A_434 = arith.andi %get3A_428, %and3A_433 : vector<16xi32>
      %bitcast3A_435 = vector.bitcast %and3A_434 : vector<16xi32> to vector<16xf32>
      tpu.vector_store_idx %arg6[%iota3A, %and3A_431], %bitcast3A_435 {add = true} : memref<16x32xf32, #tpu.memory_space<vmem>>[vector<16xi32>, vector<16xi32>], vector<16xf32>,
      %get3A_436 = arith.index_cast %scan3A_417 : i32 to index
      %get3A_437 = arith.constant 32 : index
      %get3A_438 = tpu.vector_load %arg5[%get3A_436, %get3A_437] {strides = array<i32>} : memref<16x512xi32, #tpu.memory_space<vmem>>, vector<16xi32>,
      %and3A_439 = arith.constant 31 : i32
      %and3A_440 = vector.broadcast %and3A_439 : i32 to vector<16xi32>
      %and3A_441 = arith.andi %get3A_438, %and3A_440 : vector<16xi32>
      %and3A_442 = arith.constant -32 : i32
      %and3A_443 = vector.broadcast %and3A_442 : i32 to vector<16xi32>
      %and3A_444 = arith.andi %get3A_438, %and3A_443 : vector<16xi32>
      %bitcast3A_445 = vector.bitcast %and3A_444 : vector<16xi32> to vector<16xf32>
      tpu.vector_store_idx %arg6[%iota3A, %and3A_441], %bitcast3A_445 {add = true} : memref<16x32xf32, #tpu.memory_space<vmem>>[vector<16xi32>, vector<16xi32>], vector<16xf32>,
      %get3A_446 = arith.index_cast %scan3A_417 : i32 to index
      %get3A_447 = arith.constant 48 : index
      %get3A_448 = tpu.vector_load %arg5[%get3A_446, %get3A_447] {strides = array<i32>} : memref<16x512xi32, #tpu.memory_space<vmem>>, vector<16xi32>,
      %and3A_449 = arith.constant 31 : i32
      %and3A_450 = vector.broadcast %and3A_449 : i32 to vector<16xi32>
      %and3A_451 = arith.andi %get3A_448, %and3A_450 : vector<16xi32>
      %and3A_452 = arith.constant -32 : i32
      %and3A_453 = vector.broadcast %and3A_452 : i32 to vector<16xi32>
      %and3A_454 = arith.andi %get3A_448, %and3A_453 : vector<16xi32>
      %bitcast3A_455 = vector.bitcast %and3A_454 : vector<16xi32> to vector<16xf32>
      tpu.vector_store_idx %arg6[%iota3A, %and3A_451], %bitcast3A_455 {add = true} : memref<16x32xf32, #tpu.memory_space<vmem>>[vector<16xi32>, vector<16xi32>], vector<16xf32>,
      %get3A_456 = arith.index_cast %scan3A_417 : i32 to index
      %get3A_457 = arith.constant 64 : index
      %get3A_458 = tpu.vector_load %arg5[%get3A_456, %get3A_457] {strides = array<i32>} : memref<16x512xi32, #tpu.memory_space<vmem>>, vector<16xi32>,
      %and3A_459 = arith.constant 31 : i32
      %and3A_460 = vector.broadcast %and3A_459 : i32 to vector<16xi32>
      %and3A_461 = arith.andi %get3A_458, %and3A_460 : vector<16xi32>
      %and3A_462 = arith.constant -32 : i32
      %and3A_463 = vector.broadcast %and3A_462 : i32 to vector<16xi32>
      %and3A_464 = arith.andi %get3A_458, %and3A_463 : vector<16xi32>
      %bitcast3A_465 = vector.bitcast %and3A_464 : vector<16xi32> to vector<16xf32>
      tpu.vector_store_idx %arg6[%iota3A, %and3A_461], %bitcast3A_465 {add = true} : memref<16x32xf32, #tpu.memory_space<vmem>>[vector<16xi32>, vector<16xi32>], vector<16xf32>,
      %get3A_466 = arith.index_cast %scan3A_417 : i32 to index
      %get3A_467 = arith.constant 80 : index
      %get3A_468 = tpu.vector_load %arg5[%get3A_466, %get3A_467] {strides = array<i32>} : memref<16x512xi32, #tpu.memory_space<vmem>>, vector<16xi32>,
      %and3A_469 = arith.constant 31 : i32
      %and3A_470 = vector.broadcast %and3A_469 : i32 to vector<16xi32>
      %and3A_471 = arith.andi %get3A_468, %and3A_470 : vector<16xi32>
      %and3A_472 = arith.constant -32 : i32
      %and3A_473 = vector.broadcast %and3A_472 : i32 to vector<16xi32>
      %and3A_474 = arith.andi %get3A_468, %and3A_473 : vector<16xi32>
      %bitcast3A_475 = vector.bitcast %and3A_474 : vector<16xi32> to vector<16xf32>
      tpu.vector_store_idx %arg6[%iota3A, %and3A_471], %bitcast3A_475 {add = true} : memref<16x32xf32, #tpu.memory_space<vmem>>[vector<16xi32>, vector<16xi32>], vector<16xf32>,
      %get3A_476 = arith.index_cast %scan3A_417 : i32 to index
      %get3A_477 = arith.constant 96 : index
      %get3A_478 = tpu.vector_load %arg5[%get3A_476, %get3A_477] {strides = array<i32>} : memref<16x512xi32, #tpu.memory_space<vmem>>, vector<16xi32>,
      %and3A_479 = arith.constant 31 : i32
      %and3A_480 = vector.broadcast %and3A_479 : i32 to vector<16xi32>
      %and3A_481 = arith.andi %get3A_478, %and3A_480 : vector<16xi32>
      %and3A_482 = arith.constant -32 : i32
      %and3A_483 = vector.broadcast %and3A_482 : i32 to vector<16xi32>
      %and3A_484 = arith.andi %get3A_478, %and3A_483 : vector<16xi32>
      %bitcast3A_485 = vector.bitcast %and3A_484 : vector<16xi32> to vector<16xf32>
      tpu.vector_store_idx %arg6[%iota3A, %and3A_481], %bitcast3A_485 {add = true} : memref<16x32xf32, #tpu.memory_space<vmem>>[vector<16xi32>, vector<16xi32>], vector<16xf32>,
      %get3A_486 = arith.index_cast %scan3A_417 : i32 to index
      %get3A_487 = arith.constant 112 : index
      %get3A_488 = tpu.vector_load %arg5[%get3A_486, %get3A_487] {strides = array<i32>} : memref<16x512xi32, #tpu.memory_space<vmem>>, vector<16xi32>,
      %and3A_489 = arith.constant 31 : i32
      %and3A_490 = vector.broadcast %and3A_489 : i32 to vector<16xi32>
      %and3A_491 = arith.andi %get3A_488, %and3A_490 : vector<16xi32>
      %and3A_492 = arith.constant -32 : i32
      %and3A_493 = vector.broadcast %and3A_492 : i32 to vector<16xi32>
      %and3A_494 = arith.andi %get3A_488, %and3A_493 : vector<16xi32>
      %bitcast3A_495 = vector.bitcast %and3A_494 : vector<16xi32> to vector<16xf32>
      tpu.vector_store_idx %arg6[%iota3A, %and3A_491], %bitcast3A_495 {add = true} : memref<16x32xf32, #tpu.memory_space<vmem>>[vector<16xi32>, vector<16xi32>], vector<16xf32>,
      %get3A_496 = arith.index_cast %scan3A_417 : i32 to index
      %get3A_497 = arith.constant 128 : index
      %get3A_498 = tpu.vector_load %arg5[%get3A_496, %get3A_497] {strides = array<i32>} : memref<16x512xi32, #tpu.memory_space<vmem>>, vector<16xi32>,
      %and3A_499 = arith.constant 31 : i32
      %and3A_500 = vector.broadcast %and3A_499 : i32 to vector<16xi32>
      %and3A_501 = arith.andi %get3A_498, %and3A_500 : vector<16xi32>
      %and3A_502 = arith.constant -32 : i32
      %and3A_503 = vector.broadcast %and3A_502 : i32 to vector<16xi32>
      %and3A_504 = arith.andi %get3A_498, %and3A_503 : vector<16xi32>
      %bitcast3A_505 = vector.bitcast %and3A_504 : vector<16xi32> to vector<16xf32>
      tpu.vector_store_idx %arg6[%iota3A, %and3A_501], %bitcast3A_505 {add = true} : memref<16x32xf32, #tpu.memory_space<vmem>>[vector<16xi32>, vector<16xi32>], vector<16xf32>,
      %get3A_506 = arith.index_cast %scan3A_417 : i32 to index
      %get3A_507 = arith.constant 144 : index
      %get3A_508 = tpu.vector_load %arg5[%get3A_506, %get3A_507] {strides = array<i32>} : memref<16x512xi32, #tpu.memory_space<vmem>>, vector<16xi32>,
      %and3A_509 = arith.constant 31 : i32
      %and3A_510 = vector.broadcast %and3A_509 : i32 to vector<16xi32>
      %and3A_511 = arith.andi %get3A_508, %and3A_510 : vector<16xi32>
      %and3A_512 = arith.constant -32 : i32
      %and3A_513 = vector.broadcast %and3A_512 : i32 to vector<16xi32>
      %and3A_514 = arith.andi %get3A_508, %and3A_513 : vector<16xi32>
      %bitcast3A_515 = vector.bitcast %and3A_514 : vector<16xi32> to vector<16xf32>
      tpu.vector_store_idx %arg6[%iota3A, %and3A_511], %bitcast3A_515 {add = true} : memref<16x32xf32, #tpu.memory_space<vmem>>[vector<16xi32>, vector<16xi32>], vector<16xf32>,
      %get3A_516 = arith.index_cast %scan3A_417 : i32 to index
      %get3A_517 = arith.constant 160 : index
      %get3A_518 = tpu.vector_load %arg5[%get3A_516, %get3A_517] {strides = array<i32>} : memref<16x512xi32, #tpu.memory_space<vmem>>, vector<16xi32>,
      %and3A_519 = arith.constant 31 : i32
      %and3A_520 = vector.broadcast %and3A_519 : i32 to vector<16xi32>
      %and3A_521 = arith.andi %get3A_518, %and3A_520 : vector<16xi32>
      %and3A_522 = arith.constant -32 : i32
      %and3A_523 = vector.broadcast %and3A_522 : i32 to vector<16xi32>
      %and3A_524 = arith.andi %get3A_518, %and3A_523 : vector<16xi32>
      %bitcast3A_525 = vector.bitcast %and3A_524 : vector<16xi32> to vector<16xf32>
      tpu.vector_store_idx %arg6[%iota3A, %and3A_521], %bitcast3A_525 {add = true} : memref<16x32xf32, #tpu.memory_space<vmem>>[vector<16xi32>, vector<16xi32>], vector<16xf32>,
      %get3A_526 = arith.index_cast %scan3A_417 : i32 to index
      %get3A_527 = arith.constant 176 : index
      %get3A_528 = tpu.vector_load %arg5[%get3A_526, %get3A_527] {strides = array<i32>} : memref<16x512xi32, #tpu.memory_space<vmem>>, vector<16xi32>,
      %and3A_529 = arith.constant 31 : i32
      %and3A_530 = vector.broadcast %and3A_529 : i32 to vector<16xi32>
      %and3A_531 = arith.andi %get3A_528, %and3A_530 : vector<16xi32>
      %and3A_532 = arith.constant -32 : i32
      %and3A_533 = vector.broadcast %and3A_532 : i32 to vector<16xi32>
      %and3A_534 = arith.andi %get3A_528, %and3A_533 : vector<16xi32>
      %bitcast3A_535 = vector.bitcast %and3A_534 : vector<16xi32> to vector<16xf32>
      tpu.vector_store_idx %arg6[%iota3A, %and3A_531], %bitcast3A_535 {add = true} : memref<16x32xf32, #tpu.memory_space<vmem>>[vector<16xi32>, vector<16xi32>], vector<16xf32>,
      %get3A_536 = arith.index_cast %scan3A_417 : i32 to index
      %get3A_537 = arith.constant 192 : index
      %get3A_538 = tpu.vector_load %arg5[%get3A_536, %get3A_537] {strides = array<i32>} : memref<16x512xi32, #tpu.memory_space<vmem>>, vector<16xi32>,
      %and3A_539 = arith.constant 31 : i32
      %and3A_540 = vector.broadcast %and3A_539 : i32 to vector<16xi32>
      %and3A_541 = arith.andi %get3A_538, %and3A_540 : vector<16xi32>
      %and3A_542 = arith.constant -32 : i32
      %and3A_543 = vector.broadcast %and3A_542 : i32 to vector<16xi32>
      %and3A_544 = arith.andi %get3A_538, %and3A_543 : vector<16xi32>
      %bitcast3A_545 = vector.bitcast %and3A_544 : vector<16xi32> to vector<16xf32>
      tpu.vector_store_idx %arg6[%iota3A, %and3A_541], %bitcast3A_545 {add = true} : memref<16x32xf32, #tpu.memory_space<vmem>>[vector<16xi32>, vector<16xi32>], vector<16xf32>,
      %get3A_546 = arith.index_cast %scan3A_417 : i32 to index
      %get3A_547 = arith.constant 208 : index
      %get3A_548 = tpu.vector_load %arg5[%get3A_546, %get3A_547] {strides = array<i32>} : memref<16x512xi32, #tpu.memory_space<vmem>>, vector<16xi32>,
      %and3A_549 = arith.constant 31 : i32
      %and3A_550 = vector.broadcast %and3A_549 : i32 to vector<16xi32>
      %and3A_551 = arith.andi %get3A_548, %and3A_550 : vector<16xi32>
      %and3A_552 = arith.constant -32 : i32
      %and3A_553 = vector.broadcast %and3A_552 : i32 to vector<16xi32>
      %and3A_554 = arith.andi %get3A_548, %and3A_553 : vector<16xi32>
      %bitcast3A_555 = vector.bitcast %and3A_554 : vector<16xi32> to vector<16xf32>
      tpu.vector_store_idx %arg6[%iota3A, %and3A_551], %bitcast3A_555 {add = true} : memref<16x32xf32, #tpu.memory_space<vmem>>[vector<16xi32>, vector<16xi32>], vector<16xf32>,
      %get3A_556 = arith.index_cast %scan3A_417 : i32 to index
      %get3A_557 = arith.constant 224 : index
      %get3A_558 = tpu.vector_load %arg5[%get3A_556, %get3A_557] {strides = array<i32>} : memref<16x512xi32, #tpu.memory_space<vmem>>, vector<16xi32>,
      %and3A_559 = arith.constant 31 : i32
      %and3A_560 = vector.broadcast %and3A_559 : i32 to vector<16xi32>
      %and3A_561 = arith.andi %get3A_558, %and3A_560 : vector<16xi32>
      %and3A_562 = arith.constant -32 : i32
      %and3A_563 = vector.broadcast %and3A_562 : i32 to vector<16xi32>
      %and3A_564 = arith.andi %get3A_558, %and3A_563 : vector<16xi32>
      %bitcast3A_565 = vector.bitcast %and3A_564 : vector<16xi32> to vector<16xf32>
      tpu.vector_store_idx %arg6[%iota3A, %and3A_561], %bitcast3A_565 {add = true} : memref<16x32xf32, #tpu.memory_space<vmem>>[vector<16xi32>, vector<16xi32>], vector<16xf32>,
      %get3A_566 = arith.index_cast %scan3A_417 : i32 to index
      %get3A_567 = arith.constant 240 : index
      %get3A_568 = tpu.vector_load %arg5[%get3A_566, %get3A_567] {strides = array<i32>} : memref<16x512xi32, #tpu.memory_space<vmem>>, vector<16xi32>,
      %and3A_569 = arith.constant 31 : i32
      %and3A_570 = vector.broadcast %and3A_569 : i32 to vector<16xi32>
      %and3A_571 = arith.andi %get3A_568, %and3A_570 : vector<16xi32>
      %and3A_572 = arith.constant -32 : i32
      %and3A_573 = vector.broadcast %and3A_572 : i32 to vector<16xi32>
      %and3A_574 = arith.andi %get3A_568, %and3A_573 : vector<16xi32>
      %bitcast3A_575 = vector.bitcast %and3A_574 : vector<16xi32> to vector<16xf32>
      tpu.vector_store_idx %arg6[%iota3A, %and3A_571], %bitcast3A_575 {add = true} : memref<16x32xf32, #tpu.memory_space<vmem>>[vector<16xi32>, vector<16xi32>], vector<16xf32>,
      %get3A_576 = arith.index_cast %scan3A_417 : i32 to index
      %get3A_577 = arith.constant 256 : index
      %get3A_578 = tpu.vector_load %arg5[%get3A_576, %get3A_577] {strides = array<i32>} : memref<16x512xi32, #tpu.memory_space<vmem>>, vector<16xi32>,
      %and3A_579 = arith.constant 31 : i32
      %and3A_580 = vector.broadcast %and3A_579 : i32 to vector<16xi32>
      %and3A_581 = arith.andi %get3A_578, %and3A_580 : vector<16xi32>
      %and3A_582 = arith.constant -32 : i32
      %and3A_583 = vector.broadcast %and3A_582 : i32 to vector<16xi32>
      %and3A_584 = arith.andi %get3A_578, %and3A_583 : vector<16xi32>
      %bitcast3A_585 = vector.bitcast %and3A_584 : vector<16xi32> to vector<16xf32>
      tpu.vector_store_idx %arg6[%iota3A, %and3A_581], %bitcast3A_585 {add = true} : memref<16x32xf32, #tpu.memory_space<vmem>>[vector<16xi32>, vector<16xi32>], vector<16xf32>,
      %get3A_586 = arith.index_cast %scan3A_417 : i32 to index
      %get3A_587 = arith.constant 272 : index
      %get3A_588 = tpu.vector_load %arg5[%get3A_586, %get3A_587] {strides = array<i32>} : memref<16x512xi32, #tpu.memory_space<vmem>>, vector<16xi32>,
      %and3A_589 = arith.constant 31 : i32
      %and3A_590 = vector.broadcast %and3A_589 : i32 to vector<16xi32>
      %and3A_591 = arith.andi %get3A_588, %and3A_590 : vector<16xi32>
      %and3A_592 = arith.constant -32 : i32
      %and3A_593 = vector.broadcast %and3A_592 : i32 to vector<16xi32>
      %and3A_594 = arith.andi %get3A_588, %and3A_593 : vector<16xi32>
      %bitcast3A_595 = vector.bitcast %and3A_594 : vector<16xi32> to vector<16xf32>
      tpu.vector_store_idx %arg6[%iota3A, %and3A_591], %bitcast3A_595 {add = true} : memref<16x32xf32, #tpu.memory_space<vmem>>[vector<16xi32>, vector<16xi32>], vector<16xf32>,
      %get3A_596 = arith.index_cast %scan3A_417 : i32 to index
      %get3A_597 = arith.constant 288 : index
      %get3A_598 = tpu.vector_load %arg5[%get3A_596, %get3A_597] {strides = array<i32>} : memref<16x512xi32, #tpu.memory_space<vmem>>, vector<16xi32>,
      %and3A_599 = arith.constant 31 : i32
      %and3A_600 = vector.broadcast %and3A_599 : i32 to vector<16xi32>
      %and3A_601 = arith.andi %get3A_598, %and3A_600 : vector<16xi32>
      %and3A_602 = arith.constant -32 : i32
      %and3A_603 = vector.broadcast %and3A_602 : i32 to vector<16xi32>
      %and3A_604 = arith.andi %get3A_598, %and3A_603 : vector<16xi32>
      %bitcast3A_605 = vector.bitcast %and3A_604 : vector<16xi32> to vector<16xf32>
      tpu.vector_store_idx %arg6[%iota3A, %and3A_601], %bitcast3A_605 {add = true} : memref<16x32xf32, #tpu.memory_space<vmem>>[vector<16xi32>, vector<16xi32>], vector<16xf32>,
      %get3A_606 = arith.index_cast %scan3A_417 : i32 to index
      %get3A_607 = arith.constant 304 : index
      %get3A_608 = tpu.vector_load %arg5[%get3A_606, %get3A_607] {strides = array<i32>} : memref<16x512xi32, #tpu.memory_space<vmem>>, vector<16xi32>,
      %and3A_609 = arith.constant 31 : i32
      %and3A_610 = vector.broadcast %and3A_609 : i32 to vector<16xi32>
      %and3A_611 = arith.andi %get3A_608, %and3A_610 : vector<16xi32>
      %and3A_612 = arith.constant -32 : i32
      %and3A_613 = vector.broadcast %and3A_612 : i32 to vector<16xi32>
      %and3A_614 = arith.andi %get3A_608, %and3A_613 : vector<16xi32>
      %bitcast3A_615 = vector.bitcast %and3A_614 : vector<16xi32> to vector<16xf32>
      tpu.vector_store_idx %arg6[%iota3A, %and3A_611], %bitcast3A_615 {add = true} : memref<16x32xf32, #tpu.memory_space<vmem>>[vector<16xi32>, vector<16xi32>], vector<16xf32>,
      %get3A_616 = arith.index_cast %scan3A_417 : i32 to index
      %get3A_617 = arith.constant 320 : index
      %get3A_618 = tpu.vector_load %arg5[%get3A_616, %get3A_617] {strides = array<i32>} : memref<16x512xi32, #tpu.memory_space<vmem>>, vector<16xi32>,
      %and3A_619 = arith.constant 31 : i32
      %and3A_620 = vector.broadcast %and3A_619 : i32 to vector<16xi32>
      %and3A_621 = arith.andi %get3A_618, %and3A_620 : vector<16xi32>
      %and3A_622 = arith.constant -32 : i32
      %and3A_623 = vector.broadcast %and3A_622 : i32 to vector<16xi32>
      %and3A_624 = arith.andi %get3A_618, %and3A_623 : vector<16xi32>
      %bitcast3A_625 = vector.bitcast %and3A_624 : vector<16xi32> to vector<16xf32>
      tpu.vector_store_idx %arg6[%iota3A, %and3A_621], %bitcast3A_625 {add = true} : memref<16x32xf32, #tpu.memory_space<vmem>>[vector<16xi32>, vector<16xi32>], vector<16xf32>,
      %get3A_626 = arith.index_cast %scan3A_417 : i32 to index
      %get3A_627 = arith.constant 336 : index
      %get3A_628 = tpu.vector_load %arg5[%get3A_626, %get3A_627] {strides = array<i32>} : memref<16x512xi32, #tpu.memory_space<vmem>>, vector<16xi32>,
      %and3A_629 = arith.constant 31 : i32
      %and3A_630 = vector.broadcast %and3A_629 : i32 to vector<16xi32>
      %and3A_631 = arith.andi %get3A_628, %and3A_630 : vector<16xi32>
      %and3A_632 = arith.constant -32 : i32
      %and3A_633 = vector.broadcast %and3A_632 : i32 to vector<16xi32>
      %and3A_634 = arith.andi %get3A_628, %and3A_633 : vector<16xi32>
      %bitcast3A_635 = vector.bitcast %and3A_634 : vector<16xi32> to vector<16xf32>
      tpu.vector_store_idx %arg6[%iota3A, %and3A_631], %bitcast3A_635 {add = true} : memref<16x32xf32, #tpu.memory_space<vmem>>[vector<16xi32>, vector<16xi32>], vector<16xf32>,
      %get3A_636 = arith.index_cast %scan3A_417 : i32 to index
      %get3A_637 = arith.constant 352 : index
      %get3A_638 = tpu.vector_load %arg5[%get3A_636, %get3A_637] {strides = array<i32>} : memref<16x512xi32, #tpu.memory_space<vmem>>, vector<16xi32>,
      %and3A_639 = arith.constant 31 : i32
      %and3A_640 = vector.broadcast %and3A_639 : i32 to vector<16xi32>
      %and3A_641 = arith.andi %get3A_638, %and3A_640 : vector<16xi32>
      %and3A_642 = arith.constant -32 : i32
      %and3A_643 = vector.broadcast %and3A_642 : i32 to vector<16xi32>
      %and3A_644 = arith.andi %get3A_638, %and3A_643 : vector<16xi32>
      %bitcast3A_645 = vector.bitcast %and3A_644 : vector<16xi32> to vector<16xf32>
      tpu.vector_store_idx %arg6[%iota3A, %and3A_641], %bitcast3A_645 {add = true} : memref<16x32xf32, #tpu.memory_space<vmem>>[vector<16xi32>, vector<16xi32>], vector<16xf32>,
      %get3A_646 = arith.index_cast %scan3A_417 : i32 to index
      %get3A_647 = arith.constant 368 : index
      %get3A_648 = tpu.vector_load %arg5[%get3A_646, %get3A_647] {strides = array<i32>} : memref<16x512xi32, #tpu.memory_space<vmem>>, vector<16xi32>,
      %and3A_649 = arith.constant 31 : i32
      %and3A_650 = vector.broadcast %and3A_649 : i32 to vector<16xi32>
      %and3A_651 = arith.andi %get3A_648, %and3A_650 : vector<16xi32>
      %and3A_652 = arith.constant -32 : i32
      %and3A_653 = vector.broadcast %and3A_652 : i32 to vector<16xi32>
      %and3A_654 = arith.andi %get3A_648, %and3A_653 : vector<16xi32>
      %bitcast3A_655 = vector.bitcast %and3A_654 : vector<16xi32> to vector<16xf32>
      tpu.vector_store_idx %arg6[%iota3A, %and3A_651], %bitcast3A_655 {add = true} : memref<16x32xf32, #tpu.memory_space<vmem>>[vector<16xi32>, vector<16xi32>], vector<16xf32>,
      %get3A_656 = arith.index_cast %scan3A_417 : i32 to index
      %get3A_657 = arith.constant 384 : index
      %get3A_658 = tpu.vector_load %arg5[%get3A_656, %get3A_657] {strides = array<i32>} : memref<16x512xi32, #tpu.memory_space<vmem>>, vector<16xi32>,
      %and3A_659 = arith.constant 31 : i32
      %and3A_660 = vector.broadcast %and3A_659 : i32 to vector<16xi32>
      %and3A_661 = arith.andi %get3A_658, %and3A_660 : vector<16xi32>
      %and3A_662 = arith.constant -32 : i32
      %and3A_663 = vector.broadcast %and3A_662 : i32 to vector<16xi32>
      %and3A_664 = arith.andi %get3A_658, %and3A_663 : vector<16xi32>
      %bitcast3A_665 = vector.bitcast %and3A_664 : vector<16xi32> to vector<16xf32>
      tpu.vector_store_idx %arg6[%iota3A, %and3A_661], %bitcast3A_665 {add = true} : memref<16x32xf32, #tpu.memory_space<vmem>>[vector<16xi32>, vector<16xi32>], vector<16xf32>,
      %get3A_666 = arith.index_cast %scan3A_417 : i32 to index
      %get3A_667 = arith.constant 400 : index
      %get3A_668 = tpu.vector_load %arg5[%get3A_666, %get3A_667] {strides = array<i32>} : memref<16x512xi32, #tpu.memory_space<vmem>>, vector<16xi32>,
      %and3A_669 = arith.constant 31 : i32
      %and3A_670 = vector.broadcast %and3A_669 : i32 to vector<16xi32>
      %and3A_671 = arith.andi %get3A_668, %and3A_670 : vector<16xi32>
      %and3A_672 = arith.constant -32 : i32
      %and3A_673 = vector.broadcast %and3A_672 : i32 to vector<16xi32>
      %and3A_674 = arith.andi %get3A_668, %and3A_673 : vector<16xi32>
      %bitcast3A_675 = vector.bitcast %and3A_674 : vector<16xi32> to vector<16xf32>
      tpu.vector_store_idx %arg6[%iota3A, %and3A_671], %bitcast3A_675 {add = true} : memref<16x32xf32, #tpu.memory_space<vmem>>[vector<16xi32>, vector<16xi32>], vector<16xf32>,
      %get3A_676 = arith.index_cast %scan3A_417 : i32 to index
      %get3A_677 = arith.constant 416 : index
      %get3A_678 = tpu.vector_load %arg5[%get3A_676, %get3A_677] {strides = array<i32>} : memref<16x512xi32, #tpu.memory_space<vmem>>, vector<16xi32>,
      %and3A_679 = arith.constant 31 : i32
      %and3A_680 = vector.broadcast %and3A_679 : i32 to vector<16xi32>
      %and3A_681 = arith.andi %get3A_678, %and3A_680 : vector<16xi32>
      %and3A_682 = arith.constant -32 : i32
      %and3A_683 = vector.broadcast %and3A_682 : i32 to vector<16xi32>
      %and3A_684 = arith.andi %get3A_678, %and3A_683 : vector<16xi32>
      %bitcast3A_685 = vector.bitcast %and3A_684 : vector<16xi32> to vector<16xf32>
      tpu.vector_store_idx %arg6[%iota3A, %and3A_681], %bitcast3A_685 {add = true} : memref<16x32xf32, #tpu.memory_space<vmem>>[vector<16xi32>, vector<16xi32>], vector<16xf32>,
      %get3A_686 = arith.index_cast %scan3A_417 : i32 to index
      %get3A_687 = arith.constant 432 : index
      %get3A_688 = tpu.vector_load %arg5[%get3A_686, %get3A_687] {strides = array<i32>} : memref<16x512xi32, #tpu.memory_space<vmem>>, vector<16xi32>,
      %and3A_689 = arith.constant 31 : i32
      %and3A_690 = vector.broadcast %and3A_689 : i32 to vector<16xi32>
      %and3A_691 = arith.andi %get3A_688, %and3A_690 : vector<16xi32>
      %and3A_692 = arith.constant -32 : i32
      %and3A_693 = vector.broadcast %and3A_692 : i32 to vector<16xi32>
      %and3A_694 = arith.andi %get3A_688, %and3A_693 : vector<16xi32>
      %bitcast3A_695 = vector.bitcast %and3A_694 : vector<16xi32> to vector<16xf32>
      tpu.vector_store_idx %arg6[%iota3A, %and3A_691], %bitcast3A_695 {add = true} : memref<16x32xf32, #tpu.memory_space<vmem>>[vector<16xi32>, vector<16xi32>], vector<16xf32>,
      %get3A_696 = arith.index_cast %scan3A_417 : i32 to index
      %get3A_697 = arith.constant 448 : index
      %get3A_698 = tpu.vector_load %arg5[%get3A_696, %get3A_697] {strides = array<i32>} : memref<16x512xi32, #tpu.memory_space<vmem>>, vector<16xi32>,
      %and3A_699 = arith.constant 31 : i32
      %and3A_700 = vector.broadcast %and3A_699 : i32 to vector<16xi32>
      %and3A_701 = arith.andi %get3A_698, %and3A_700 : vector<16xi32>
      %and3A_702 = arith.constant -32 : i32
      %and3A_703 = vector.broadcast %and3A_702 : i32 to vector<16xi32>
      %and3A_704 = arith.andi %get3A_698, %and3A_703 : vector<16xi32>
      %bitcast3A_705 = vector.bitcast %and3A_704 : vector<16xi32> to vector<16xf32>
      tpu.vector_store_idx %arg6[%iota3A, %and3A_701], %bitcast3A_705 {add = true} : memref<16x32xf32, #tpu.memory_space<vmem>>[vector<16xi32>, vector<16xi32>], vector<16xf32>,
      %get3A_706 = arith.index_cast %scan3A_417 : i32 to index
      %get3A_707 = arith.constant 464 : index
      %get3A_708 = tpu.vector_load %arg5[%get3A_706, %get3A_707] {strides = array<i32>} : memref<16x512xi32, #tpu.memory_space<vmem>>, vector<16xi32>,
      %and3A_709 = arith.constant 31 : i32
      %and3A_710 = vector.broadcast %and3A_709 : i32 to vector<16xi32>
      %and3A_711 = arith.andi %get3A_708, %and3A_710 : vector<16xi32>
      %and3A_712 = arith.constant -32 : i32
      %and3A_713 = vector.broadcast %and3A_712 : i32 to vector<16xi32>
      %and3A_714 = arith.andi %get3A_708, %and3A_713 : vector<16xi32>
      %bitcast3A_715 = vector.bitcast %and3A_714 : vector<16xi32> to vector<16xf32>
      tpu.vector_store_idx %arg6[%iota3A, %and3A_711], %bitcast3A_715 {add = true} : memref<16x32xf32, #tpu.memory_space<vmem>>[vector<16xi32>, vector<16xi32>], vector<16xf32>,
      %get3A_716 = arith.index_cast %scan3A_417 : i32 to index
      %get3A_717 = arith.constant 480 : index
      %get3A_718 = tpu.vector_load %arg5[%get3A_716, %get3A_717] {strides = array<i32>} : memref<16x512xi32, #tpu.memory_space<vmem>>, vector<16xi32>,
      %and3A_719 = arith.constant 31 : i32
      %and3A_720 = vector.broadcast %and3A_719 : i32 to vector<16xi32>
      %and3A_721 = arith.andi %get3A_718, %and3A_720 : vector<16xi32>
      %and3A_722 = arith.constant -32 : i32
      %and3A_723 = vector.broadcast %and3A_722 : i32 to vector<16xi32>
      %and3A_724 = arith.andi %get3A_718, %and3A_723 : vector<16xi32>
      %bitcast3A_725 = vector.bitcast %and3A_724 : vector<16xi32> to vector<16xf32>
      tpu.vector_store_idx %arg6[%iota3A, %and3A_721], %bitcast3A_725 {add = true} : memref<16x32xf32, #tpu.memory_space<vmem>>[vector<16xi32>, vector<16xi32>], vector<16xf32>,
      %get3A_726 = arith.index_cast %scan3A_417 : i32 to index
      %get3A_727 = arith.constant 496 : index
      %get3A_728 = tpu.vector_load %arg5[%get3A_726, %get3A_727] {strides = array<i32>} : memref<16x512xi32, #tpu.memory_space<vmem>>, vector<16xi32>,
      %and3A_729 = arith.constant 31 : i32
      %and3A_730 = vector.broadcast %and3A_729 : i32 to vector<16xi32>
      %and3A_731 = arith.andi %get3A_728, %and3A_730 : vector<16xi32>
      %and3A_732 = arith.constant -32 : i32
      %and3A_733 = vector.broadcast %and3A_732 : i32 to vector<16xi32>
      %and3A_734 = arith.andi %get3A_728, %and3A_733 : vector<16xi32>
      %bitcast3A_735 = vector.bitcast %and3A_734 : vector<16xi32> to vector<16xf32>
      tpu.vector_store_idx %arg6[%iota3A, %and3A_731], %bitcast3A_735 {add = true} : memref<16x32xf32, #tpu.memory_space<vmem>>[vector<16xi32>, vector<16xi32>], vector<16xf32>,
    }
    %scan3A_203 = arith.constant 16 : i32
    %dma_start3A_204 = arith.constant 0 : i32
    %dma_start3A_205 = tpu.memref_slice %arg2[%add3A_142, %dma_start3A_204] : memref<4096x512xi32, #tpu.memory_space<hbm>> -> memref<16x512xi32, #tpu.memory_space<hbm>>
    %dma_start3A_206 = arith.constant 0 : i32
    %dma_start3A_207 = tpu.memref_slice %arg2[%add3A_142, %dma_start3A_206] : memref<4096x512xi32, #tpu.memory_space<hbm>> -> memref<16x512xi32, #tpu.memory_space<hbm>>
    tpu.enqueue_dma source(%dma_start3A_207 : memref<16x512xi32, #tpu.memory_space<hbm>>) target(%arg5 : memref<16x512xi32, #tpu.memory_space<vmem>>) target_semaphore(%arg9 : memref<!tpu.dma_semaphore, #tpu.memory_space<semaphore_mem>>)
    %dma_wait3A_208 = arith.constant 0 : i32
    %dma_wait3A_209 = tpu.memref_slice %arg2[%add3A_140, %dma_wait3A_208] : memref<4096x512xi32, #tpu.memory_space<hbm>> -> memref<16x512xi32, #tpu.memory_space<hbm>>
    %dma_wait3A_210 = arith.constant 0 : i32
    %dma_wait3A_211 = tpu.memref_slice %arg2[%add3A_140, %dma_wait3A_210] : memref<4096x512xi32, #tpu.memory_space<hbm>> -> memref<16x512xi32, #tpu.memory_space<hbm>>
    tpu.wait_dma2 semaphore(%arg8 : memref<!tpu.dma_semaphore, #tpu.memory_space<semaphore_mem>>) src(%dma_wait3A_211 : memref<16x512xi32, #tpu.memory_space<hbm>>) dst(%arg4 : memref<16x512xi32, #tpu.memory_space<vmem>>)
    %scan3A_212 = arith.constant 0 : i32
    %scan3A_213 = arith.constant 0 : i32
    %scan3A_214 = arith.constant 16 : i32
    %scan3A_215 = arith.addi %scan3A_213, %scan3A_214 : i32
    %scan3A_216 = arith.constant 1 : i32
    scf.for %scan3A_417 = %scan3A_213 to %scan3A_215 step %scan3A_216  : i32 {
      %get3A_418 = arith.index_cast %scan3A_417 : i32 to index
      %get3A_419 = arith.constant 0 : index
      %get3A_420 = tpu.vector_load %arg4[%get3A_418, %get3A_419] {strides = array<i32>} : memref<16x512xi32, #tpu.memory_space<vmem>>, vector<16xi32>,
      %and3A = arith.constant 31 : i32
      %and3A_421 = vector.broadcast %and3A : i32 to vector<16xi32>
      %and3A_422 = arith.andi %get3A_420, %and3A_421 : vector<16xi32>
      %and3A_423 = arith.constant -32 : i32
      %and3A_424 = vector.broadcast %and3A_423 : i32 to vector<16xi32>
      %and3A_425 = arith.andi %get3A_420, %and3A_424 : vector<16xi32>
      %bitcast3A = vector.bitcast %and3A_425 : vector<16xi32> to vector<16xf32>
      tpu.vector_store_idx %arg6[%iota3A, %and3A_422], %bitcast3A {add = true} : memref<16x32xf32, #tpu.memory_space<vmem>>[vector<16xi32>, vector<16xi32>], vector<16xf32>,
      %get3A_426 = arith.index_cast %scan3A_417 : i32 to index
      %get3A_427 = arith.constant 16 : index
      %get3A_428 = tpu.vector_load %arg4[%get3A_426, %get3A_427] {strides = array<i32>} : memref<16x512xi32, #tpu.memory_space<vmem>>, vector<16xi32>,
      %and3A_429 = arith.constant 31 : i32
      %and3A_430 = vector.broadcast %and3A_429 : i32 to vector<16xi32>
      %and3A_431 = arith.andi %get3A_428, %and3A_430 : vector<16xi32>
      %and3A_432 = arith.constant -32 : i32
      %and3A_433 = vector.broadcast %and3A_432 : i32 to vector<16xi32>
      %and3A_434 = arith.andi %get3A_428, %and3A_433 : vector<16xi32>
      %bitcast3A_435 = vector.bitcast %and3A_434 : vector<16xi32> to vector<16xf32>
      tpu.vector_store_idx %arg6[%iota3A, %and3A_431], %bitcast3A_435 {add = true} : memref<16x32xf32, #tpu.memory_space<vmem>>[vector<16xi32>, vector<16xi32>], vector<16xf32>,
      %get3A_436 = arith.index_cast %scan3A_417 : i32 to index
      %get3A_437 = arith.constant 32 : index
      %get3A_438 = tpu.vector_load %arg4[%get3A_436, %get3A_437] {strides = array<i32>} : memref<16x512xi32, #tpu.memory_space<vmem>>, vector<16xi32>,
      %and3A_439 = arith.constant 31 : i32
      %and3A_440 = vector.broadcast %and3A_439 : i32 to vector<16xi32>
      %and3A_441 = arith.andi %get3A_438, %and3A_440 : vector<16xi32>
      %and3A_442 = arith.constant -32 : i32
      %and3A_443 = vector.broadcast %and3A_442 : i32 to vector<16xi32>
      %and3A_444 = arith.andi %get3A_438, %and3A_443 : vector<16xi32>
      %bitcast3A_445 = vector.bitcast %and3A_444 : vector<16xi32> to vector<16xf32>
      tpu.vector_store_idx %arg6[%iota3A, %and3A_441], %bitcast3A_445 {add = true} : memref<16x32xf32, #tpu.memory_space<vmem>>[vector<16xi32>, vector<16xi32>], vector<16xf32>,
      %get3A_446 = arith.index_cast %scan3A_417 : i32 to index
      %get3A_447 = arith.constant 48 : index
      %get3A_448 = tpu.vector_load %arg4[%get3A_446, %get3A_447] {strides = array<i32>} : memref<16x512xi32, #tpu.memory_space<vmem>>, vector<16xi32>,
      %and3A_449 = arith.constant 31 : i32
      %and3A_450 = vector.broadcast %and3A_449 : i32 to vector<16xi32>
      %and3A_451 = arith.andi %get3A_448, %and3A_450 : vector<16xi32>
      %and3A_452 = arith.constant -32 : i32
      %and3A_453 = vector.broadcast %and3A_452 : i32 to vector<16xi32>
      %and3A_454 = arith.andi %get3A_448, %and3A_453 : vector<16xi32>
      %bitcast3A_455 = vector.bitcast %and3A_454 : vector<16xi32> to vector<16xf32>
      tpu.vector_store_idx %arg6[%iota3A, %and3A_451], %bitcast3A_455 {add = true} : memref<16x32xf32, #tpu.memory_space<vmem>>[vector<16xi32>, vector<16xi32>], vector<16xf32>,
      %get3A_456 = arith.index_cast %scan3A_417 : i32 to index
      %get3A_457 = arith.constant 64 : index
      %get3A_458 = tpu.vector_load %arg4[%get3A_456, %get3A_457] {strides = array<i32>} : memref<16x512xi32, #tpu.memory_space<vmem>>, vector<16xi32>,
      %and3A_459 = arith.constant 31 : i32
      %and3A_460 = vector.broadcast %and3A_459 : i32 to vector<16xi32>
      %and3A_461 = arith.andi %get3A_458, %and3A_460 : vector<16xi32>
      %and3A_462 = arith.constant -32 : i32
      %and3A_463 = vector.broadcast %and3A_462 : i32 to vector<16xi32>
      %and3A_464 = arith.andi %get3A_458, %and3A_463 : vector<16xi32>
      %bitcast3A_465 = vector.bitcast %and3A_464 : vector<16xi32> to vector<16xf32>
      tpu.vector_store_idx %arg6[%iota3A, %and3A_461], %bitcast3A_465 {add = true} : memref<16x32xf32, #tpu.memory_space<vmem>>[vector<16xi32>, vector<16xi32>], vector<16xf32>,
      %get3A_466 = arith.index_cast %scan3A_417 : i32 to index
      %get3A_467 = arith.constant 80 : index
      %get3A_468 = tpu.vector_load %arg4[%get3A_466, %get3A_467] {strides = array<i32>} : memref<16x512xi32, #tpu.memory_space<vmem>>, vector<16xi32>,
      %and3A_469 = arith.constant 31 : i32
      %and3A_470 = vector.broadcast %and3A_469 : i32 to vector<16xi32>
      %and3A_471 = arith.andi %get3A_468, %and3A_470 : vector<16xi32>
      %and3A_472 = arith.constant -32 : i32
      %and3A_473 = vector.broadcast %and3A_472 : i32 to vector<16xi32>
      %and3A_474 = arith.andi %get3A_468, %and3A_473 : vector<16xi32>
      %bitcast3A_475 = vector.bitcast %and3A_474 : vector<16xi32> to vector<16xf32>
      tpu.vector_store_idx %arg6[%iota3A, %and3A_471], %bitcast3A_475 {add = true} : memref<16x32xf32, #tpu.memory_space<vmem>>[vector<16xi32>, vector<16xi32>], vector<16xf32>,
      %get3A_476 = arith.index_cast %scan3A_417 : i32 to index
      %get3A_477 = arith.constant 96 : index
      %get3A_478 = tpu.vector_load %arg4[%get3A_476, %get3A_477] {strides = array<i32>} : memref<16x512xi32, #tpu.memory_space<vmem>>, vector<16xi32>,
      %and3A_479 = arith.constant 31 : i32
      %and3A_480 = vector.broadcast %and3A_479 : i32 to vector<16xi32>
      %and3A_481 = arith.andi %get3A_478, %and3A_480 : vector<16xi32>
      %and3A_482 = arith.constant -32 : i32
      %and3A_483 = vector.broadcast %and3A_482 : i32 to vector<16xi32>
      %and3A_484 = arith.andi %get3A_478, %and3A_483 : vector<16xi32>
      %bitcast3A_485 = vector.bitcast %and3A_484 : vector<16xi32> to vector<16xf32>
      tpu.vector_store_idx %arg6[%iota3A, %and3A_481], %bitcast3A_485 {add = true} : memref<16x32xf32, #tpu.memory_space<vmem>>[vector<16xi32>, vector<16xi32>], vector<16xf32>,
      %get3A_486 = arith.index_cast %scan3A_417 : i32 to index
      %get3A_487 = arith.constant 112 : index
      %get3A_488 = tpu.vector_load %arg4[%get3A_486, %get3A_487] {strides = array<i32>} : memref<16x512xi32, #tpu.memory_space<vmem>>, vector<16xi32>,
      %and3A_489 = arith.constant 31 : i32
      %and3A_490 = vector.broadcast %and3A_489 : i32 to vector<16xi32>
      %and3A_491 = arith.andi %get3A_488, %and3A_490 : vector<16xi32>
      %and3A_492 = arith.constant -32 : i32
      %and3A_493 = vector.broadcast %and3A_492 : i32 to vector<16xi32>
      %and3A_494 = arith.andi %get3A_488, %and3A_493 : vector<16xi32>
      %bitcast3A_495 = vector.bitcast %and3A_494 : vector<16xi32> to vector<16xf32>
      tpu.vector_store_idx %arg6[%iota3A, %and3A_491], %bitcast3A_495 {add = true} : memref<16x32xf32, #tpu.memory_space<vmem>>[vector<16xi32>, vector<16xi32>], vector<16xf32>,
      %get3A_496 = arith.index_cast %scan3A_417 : i32 to index
      %get3A_497 = arith.constant 128 : index
      %get3A_498 = tpu.vector_load %arg4[%get3A_496, %get3A_497] {strides = array<i32>} : memref<16x512xi32, #tpu.memory_space<vmem>>, vector<16xi32>,
      %and3A_499 = arith.constant 31 : i32
      %and3A_500 = vector.broadcast %and3A_499 : i32 to vector<16xi32>
      %and3A_501 = arith.andi %get3A_498, %and3A_500 : vector<16xi32>
      %and3A_502 = arith.constant -32 : i32
      %and3A_503 = vector.broadcast %and3A_502 : i32 to vector<16xi32>
      %and3A_504 = arith.andi %get3A_498, %and3A_503 : vector<16xi32>
      %bitcast3A_505 = vector.bitcast %and3A_504 : vector<16xi32> to vector<16xf32>
      tpu.vector_store_idx %arg6[%iota3A, %and3A_501], %bitcast3A_505 {add = true} : memref<16x32xf32, #tpu.memory_space<vmem>>[vector<16xi32>, vector<16xi32>], vector<16xf32>,
      %get3A_506 = arith.index_cast %scan3A_417 : i32 to index
      %get3A_507 = arith.constant 144 : index
      %get3A_508 = tpu.vector_load %arg4[%get3A_506, %get3A_507] {strides = array<i32>} : memref<16x512xi32, #tpu.memory_space<vmem>>, vector<16xi32>,
      %and3A_509 = arith.constant 31 : i32
      %and3A_510 = vector.broadcast %and3A_509 : i32 to vector<16xi32>
      %and3A_511 = arith.andi %get3A_508, %and3A_510 : vector<16xi32>
      %and3A_512 = arith.constant -32 : i32
      %and3A_513 = vector.broadcast %and3A_512 : i32 to vector<16xi32>
      %and3A_514 = arith.andi %get3A_508, %and3A_513 : vector<16xi32>
      %bitcast3A_515 = vector.bitcast %and3A_514 : vector<16xi32> to vector<16xf32>
      tpu.vector_store_idx %arg6[%iota3A, %and3A_511], %bitcast3A_515 {add = true} : memref<16x32xf32, #tpu.memory_space<vmem>>[vector<16xi32>, vector<16xi32>], vector<16xf32>,
      %get3A_516 = arith.index_cast %scan3A_417 : i32 to index
      %get3A_517 = arith.constant 160 : index
      %get3A_518 = tpu.vector_load %arg4[%get3A_516, %get3A_517] {strides = array<i32>} : memref<16x512xi32, #tpu.memory_space<vmem>>, vector<16xi32>,
      %and3A_519 = arith.constant 31 : i32
      %and3A_520 = vector.broadcast %and3A_519 : i32 to vector<16xi32>
      %and3A_521 = arith.andi %get3A_518, %and3A_520 : vector<16xi32>
      %and3A_522 = arith.constant -32 : i32
      %and3A_523 = vector.broadcast %and3A_522 : i32 to vector<16xi32>
      %and3A_524 = arith.andi %get3A_518, %and3A_523 : vector<16xi32>
      %bitcast3A_525 = vector.bitcast %and3A_524 : vector<16xi32> to vector<16xf32>
      tpu.vector_store_idx %arg6[%iota3A, %and3A_521], %bitcast3A_525 {add = true} : memref<16x32xf32, #tpu.memory_space<vmem>>[vector<16xi32>, vector<16xi32>], vector<16xf32>,
      %get3A_526 = arith.index_cast %scan3A_417 : i32 to index
      %get3A_527 = arith.constant 176 : index
      %get3A_528 = tpu.vector_load %arg4[%get3A_526, %get3A_527] {strides = array<i32>} : memref<16x512xi32, #tpu.memory_space<vmem>>, vector<16xi32>,
      %and3A_529 = arith.constant 31 : i32
      %and3A_530 = vector.broadcast %and3A_529 : i32 to vector<16xi32>
      %and3A_531 = arith.andi %get3A_528, %and3A_530 : vector<16xi32>
      %and3A_532 = arith.constant -32 : i32
      %and3A_533 = vector.broadcast %and3A_532 : i32 to vector<16xi32>
      %and3A_534 = arith.andi %get3A_528, %and3A_533 : vector<16xi32>
      %bitcast3A_535 = vector.bitcast %and3A_534 : vector<16xi32> to vector<16xf32>
      tpu.vector_store_idx %arg6[%iota3A, %and3A_531], %bitcast3A_535 {add = true} : memref<16x32xf32, #tpu.memory_space<vmem>>[vector<16xi32>, vector<16xi32>], vector<16xf32>,
      %get3A_536 = arith.index_cast %scan3A_417 : i32 to index
      %get3A_537 = arith.constant 192 : index
      %get3A_538 = tpu.vector_load %arg4[%get3A_536, %get3A_537] {strides = array<i32>} : memref<16x512xi32, #tpu.memory_space<vmem>>, vector<16xi32>,
      %and3A_539 = arith.constant 31 : i32
      %and3A_540 = vector.broadcast %and3A_539 : i32 to vector<16xi32>
      %and3A_541 = arith.andi %get3A_538, %and3A_540 : vector<16xi32>
      %and3A_542 = arith.constant -32 : i32
      %and3A_543 = vector.broadcast %and3A_542 : i32 to vector<16xi32>
      %and3A_544 = arith.andi %get3A_538, %and3A_543 : vector<16xi32>
      %bitcast3A_545 = vector.bitcast %and3A_544 : vector<16xi32> to vector<16xf32>
      tpu.vector_store_idx %arg6[%iota3A, %and3A_541], %bitcast3A_545 {add = true} : memref<16x32xf32, #tpu.memory_space<vmem>>[vector<16xi32>, vector<16xi32>], vector<16xf32>,
      %get3A_546 = arith.index_cast %scan3A_417 : i32 to index
      %get3A_547 = arith.constant 208 : index
      %get3A_548 = tpu.vector_load %arg4[%get3A_546, %get3A_547] {strides = array<i32>} : memref<16x512xi32, #tpu.memory_space<vmem>>, vector<16xi32>,
      %and3A_549 = arith.constant 31 : i32
      %and3A_550 = vector.broadcast %and3A_549 : i32 to vector<16xi32>
      %and3A_551 = arith.andi %get3A_548, %and3A_550 : vector<16xi32>
      %and3A_552 = arith.constant -32 : i32
      %and3A_553 = vector.broadcast %and3A_552 : i32 to vector<16xi32>
      %and3A_554 = arith.andi %get3A_548, %and3A_553 : vector<16xi32>
      %bitcast3A_555 = vector.bitcast %and3A_554 : vector<16xi32> to vector<16xf32>
      tpu.vector_store_idx %arg6[%iota3A, %and3A_551], %bitcast3A_555 {add = true} : memref<16x32xf32, #tpu.memory_space<vmem>>[vector<16xi32>, vector<16xi32>], vector<16xf32>,
      %get3A_556 = arith.index_cast %scan3A_417 : i32 to index
      %get3A_557 = arith.constant 224 : index
      %get3A_558 = tpu.vector_load %arg4[%get3A_556, %get3A_557] {strides = array<i32>} : memref<16x512xi32, #tpu.memory_space<vmem>>, vector<16xi32>,
      %and3A_559 = arith.constant 31 : i32
      %and3A_560 = vector.broadcast %and3A_559 : i32 to vector<16xi32>
      %and3A_561 = arith.andi %get3A_558, %and3A_560 : vector<16xi32>
      %and3A_562 = arith.constant -32 : i32
      %and3A_563 = vector.broadcast %and3A_562 : i32 to vector<16xi32>
      %and3A_564 = arith.andi %get3A_558, %and3A_563 : vector<16xi32>
      %bitcast3A_565 = vector.bitcast %and3A_564 : vector<16xi32> to vector<16xf32>
      tpu.vector_store_idx %arg6[%iota3A, %and3A_561], %bitcast3A_565 {add = true} : memref<16x32xf32, #tpu.memory_space<vmem>>[vector<16xi32>, vector<16xi32>], vector<16xf32>,
      %get3A_566 = arith.index_cast %scan3A_417 : i32 to index
      %get3A_567 = arith.constant 240 : index
      %get3A_568 = tpu.vector_load %arg4[%get3A_566, %get3A_567] {strides = array<i32>} : memref<16x512xi32, #tpu.memory_space<vmem>>, vector<16xi32>,
      %and3A_569 = arith.constant 31 : i32
      %and3A_570 = vector.broadcast %and3A_569 : i32 to vector<16xi32>
      %and3A_571 = arith.andi %get3A_568, %and3A_570 : vector<16xi32>
      %and3A_572 = arith.constant -32 : i32
      %and3A_573 = vector.broadcast %and3A_572 : i32 to vector<16xi32>
      %and3A_574 = arith.andi %get3A_568, %and3A_573 : vector<16xi32>
      %bitcast3A_575 = vector.bitcast %and3A_574 : vector<16xi32> to vector<16xf32>
      tpu.vector_store_idx %arg6[%iota3A, %and3A_571], %bitcast3A_575 {add = true} : memref<16x32xf32, #tpu.memory_space<vmem>>[vector<16xi32>, vector<16xi32>], vector<16xf32>,
      %get3A_576 = arith.index_cast %scan3A_417 : i32 to index
      %get3A_577 = arith.constant 256 : index
      %get3A_578 = tpu.vector_load %arg4[%get3A_576, %get3A_577] {strides = array<i32>} : memref<16x512xi32, #tpu.memory_space<vmem>>, vector<16xi32>,
      %and3A_579 = arith.constant 31 : i32
      %and3A_580 = vector.broadcast %and3A_579 : i32 to vector<16xi32>
      %and3A_581 = arith.andi %get3A_578, %and3A_580 : vector<16xi32>
      %and3A_582 = arith.constant -32 : i32
      %and3A_583 = vector.broadcast %and3A_582 : i32 to vector<16xi32>
      %and3A_584 = arith.andi %get3A_578, %and3A_583 : vector<16xi32>
      %bitcast3A_585 = vector.bitcast %and3A_584 : vector<16xi32> to vector<16xf32>
      tpu.vector_store_idx %arg6[%iota3A, %and3A_581], %bitcast3A_585 {add = true} : memref<16x32xf32, #tpu.memory_space<vmem>>[vector<16xi32>, vector<16xi32>], vector<16xf32>,
      %get3A_586 = arith.index_cast %scan3A_417 : i32 to index
      %get3A_587 = arith.constant 272 : index
      %get3A_588 = tpu.vector_load %arg4[%get3A_586, %get3A_587] {strides = array<i32>} : memref<16x512xi32, #tpu.memory_space<vmem>>, vector<16xi32>,
      %and3A_589 = arith.constant 31 : i32
      %and3A_590 = vector.broadcast %and3A_589 : i32 to vector<16xi32>
      %and3A_591 = arith.andi %get3A_588, %and3A_590 : vector<16xi32>
      %and3A_592 = arith.constant -32 : i32
      %and3A_593 = vector.broadcast %and3A_592 : i32 to vector<16xi32>
      %and3A_594 = arith.andi %get3A_588, %and3A_593 : vector<16xi32>
      %bitcast3A_595 = vector.bitcast %and3A_594 : vector<16xi32> to vector<16xf32>
      tpu.vector_store_idx %arg6[%iota3A, %and3A_591], %bitcast3A_595 {add = true} : memref<16x32xf32, #tpu.memory_space<vmem>>[vector<16xi32>, vector<16xi32>], vector<16xf32>,
      %get3A_596 = arith.index_cast %scan3A_417 : i32 to index
      %get3A_597 = arith.constant 288 : index
      %get3A_598 = tpu.vector_load %arg4[%get3A_596, %get3A_597] {strides = array<i32>} : memref<16x512xi32, #tpu.memory_space<vmem>>, vector<16xi32>,
      %and3A_599 = arith.constant 31 : i32
      %and3A_600 = vector.broadcast %and3A_599 : i32 to vector<16xi32>
      %and3A_601 = arith.andi %get3A_598, %and3A_600 : vector<16xi32>
      %and3A_602 = arith.constant -32 : i32
      %and3A_603 = vector.broadcast %and3A_602 : i32 to vector<16xi32>
      %and3A_604 = arith.andi %get3A_598, %and3A_603 : vector<16xi32>
      %bitcast3A_605 = vector.bitcast %and3A_604 : vector<16xi32> to vector<16xf32>
      tpu.vector_store_idx %arg6[%iota3A, %and3A_601], %bitcast3A_605 {add = true} : memref<16x32xf32, #tpu.memory_space<vmem>>[vector<16xi32>, vector<16xi32>], vector<16xf32>,
      %get3A_606 = arith.index_cast %scan3A_417 : i32 to index
      %get3A_607 = arith.constant 304 : index
      %get3A_608 = tpu.vector_load %arg4[%get3A_606, %get3A_607] {strides = array<i32>} : memref<16x512xi32, #tpu.memory_space<vmem>>, vector<16xi32>,
      %and3A_609 = arith.constant 31 : i32
      %and3A_610 = vector.broadcast %and3A_609 : i32 to vector<16xi32>
      %and3A_611 = arith.andi %get3A_608, %and3A_610 : vector<16xi32>
      %and3A_612 = arith.constant -32 : i32
      %and3A_613 = vector.broadcast %and3A_612 : i32 to vector<16xi32>
      %and3A_614 = arith.andi %get3A_608, %and3A_613 : vector<16xi32>
      %bitcast3A_615 = vector.bitcast %and3A_614 : vector<16xi32> to vector<16xf32>
      tpu.vector_store_idx %arg6[%iota3A, %and3A_611], %bitcast3A_615 {add = true} : memref<16x32xf32, #tpu.memory_space<vmem>>[vector<16xi32>, vector<16xi32>], vector<16xf32>,
      %get3A_616 = arith.index_cast %scan3A_417 : i32 to index
      %get3A_617 = arith.constant 320 : index
      %get3A_618 = tpu.vector_load %arg4[%get3A_616, %get3A_617] {strides = array<i32>} : memref<16x512xi32, #tpu.memory_space<vmem>>, vector<16xi32>,
      %and3A_619 = arith.constant 31 : i32
      %and3A_620 = vector.broadcast %and3A_619 : i32 to vector<16xi32>
      %and3A_621 = arith.andi %get3A_618, %and3A_620 : vector<16xi32>
      %and3A_622 = arith.constant -32 : i32
      %and3A_623 = vector.broadcast %and3A_622 : i32 to vector<16xi32>
      %and3A_624 = arith.andi %get3A_618, %and3A_623 : vector<16xi32>
      %bitcast3A_625 = vector.bitcast %and3A_624 : vector<16xi32> to vector<16xf32>
      tpu.vector_store_idx %arg6[%iota3A, %and3A_621], %bitcast3A_625 {add = true} : memref<16x32xf32, #tpu.memory_space<vmem>>[vector<16xi32>, vector<16xi32>], vector<16xf32>,
      %get3A_626 = arith.index_cast %scan3A_417 : i32 to index
      %get3A_627 = arith.constant 336 : index
      %get3A_628 = tpu.vector_load %arg4[%get3A_626, %get3A_627] {strides = array<i32>} : memref<16x512xi32, #tpu.memory_space<vmem>>, vector<16xi32>,
      %and3A_629 = arith.constant 31 : i32
      %and3A_630 = vector.broadcast %and3A_629 : i32 to vector<16xi32>
      %and3A_631 = arith.andi %get3A_628, %and3A_630 : vector<16xi32>
      %and3A_632 = arith.constant -32 : i32
      %and3A_633 = vector.broadcast %and3A_632 : i32 to vector<16xi32>
      %and3A_634 = arith.andi %get3A_628, %and3A_633 : vector<16xi32>
      %bitcast3A_635 = vector.bitcast %and3A_634 : vector<16xi32> to vector<16xf32>
      tpu.vector_store_idx %arg6[%iota3A, %and3A_631], %bitcast3A_635 {add = true} : memref<16x32xf32, #tpu.memory_space<vmem>>[vector<16xi32>, vector<16xi32>], vector<16xf32>,
      %get3A_636 = arith.index_cast %scan3A_417 : i32 to index
      %get3A_637 = arith.constant 352 : index
      %get3A_638 = tpu.vector_load %arg4[%get3A_636, %get3A_637] {strides = array<i32>} : memref<16x512xi32, #tpu.memory_space<vmem>>, vector<16xi32>,
      %and3A_639 = arith.constant 31 : i32
      %and3A_640 = vector.broadcast %and3A_639 : i32 to vector<16xi32>
      %and3A_641 = arith.andi %get3A_638, %and3A_640 : vector<16xi32>
      %and3A_642 = arith.constant -32 : i32
      %and3A_643 = vector.broadcast %and3A_642 : i32 to vector<16xi32>
      %and3A_644 = arith.andi %get3A_638, %and3A_643 : vector<16xi32>
      %bitcast3A_645 = vector.bitcast %and3A_644 : vector<16xi32> to vector<16xf32>
      tpu.vector_store_idx %arg6[%iota3A, %and3A_641], %bitcast3A_645 {add = true} : memref<16x32xf32, #tpu.memory_space<vmem>>[vector<16xi32>, vector<16xi32>], vector<16xf32>,
      %get3A_646 = arith.index_cast %scan3A_417 : i32 to index
      %get3A_647 = arith.constant 368 : index
      %get3A_648 = tpu.vector_load %arg4[%get3A_646, %get3A_647] {strides = array<i32>} : memref<16x512xi32, #tpu.memory_space<vmem>>, vector<16xi32>,
      %and3A_649 = arith.constant 31 : i32
      %and3A_650 = vector.broadcast %and3A_649 : i32 to vector<16xi32>
      %and3A_651 = arith.andi %get3A_648, %and3A_650 : vector<16xi32>
      %and3A_652 = arith.constant -32 : i32
      %and3A_653 = vector.broadcast %and3A_652 : i32 to vector<16xi32>
      %and3A_654 = arith.andi %get3A_648, %and3A_653 : vector<16xi32>
      %bitcast3A_655 = vector.bitcast %and3A_654 : vector<16xi32> to vector<16xf32>
      tpu.vector_store_idx %arg6[%iota3A, %and3A_651], %bitcast3A_655 {add = true} : memref<16x32xf32, #tpu.memory_space<vmem>>[vector<16xi32>, vector<16xi32>], vector<16xf32>,
      %get3A_656 = arith.index_cast %scan3A_417 : i32 to index
      %get3A_657 = arith.constant 384 : index
      %get3A_658 = tpu.vector_load %arg4[%get3A_656, %get3A_657] {strides = array<i32>} : memref<16x512xi32, #tpu.memory_space<vmem>>, vector<16xi32>,
      %and3A_659 = arith.constant 31 : i32
      %and3A_660 = vector.broadcast %and3A_659 : i32 to vector<16xi32>
      %and3A_661 = arith.andi %get3A_658, %and3A_660 : vector<16xi32>
      %and3A_662 = arith.constant -32 : i32
      %and3A_663 = vector.broadcast %and3A_662 : i32 to vector<16xi32>
      %and3A_664 = arith.andi %get3A_658, %and3A_663 : vector<16xi32>
      %bitcast3A_665 = vector.bitcast %and3A_664 : vector<16xi32> to vector<16xf32>
      tpu.vector_store_idx %arg6[%iota3A, %and3A_661], %bitcast3A_665 {add = true} : memref<16x32xf32, #tpu.memory_space<vmem>>[vector<16xi32>, vector<16xi32>], vector<16xf32>,
      %get3A_666 = arith.index_cast %scan3A_417 : i32 to index
      %get3A_667 = arith.constant 400 : index
      %get3A_668 = tpu.vector_load %arg4[%get3A_666, %get3A_667] {strides = array<i32>} : memref<16x512xi32, #tpu.memory_space<vmem>>, vector<16xi32>,
      %and3A_669 = arith.constant 31 : i32
      %and3A_670 = vector.broadcast %and3A_669 : i32 to vector<16xi32>
      %and3A_671 = arith.andi %get3A_668, %and3A_670 : vector<16xi32>
      %and3A_672 = arith.constant -32 : i32
      %and3A_673 = vector.broadcast %and3A_672 : i32 to vector<16xi32>
      %and3A_674 = arith.andi %get3A_668, %and3A_673 : vector<16xi32>
      %bitcast3A_675 = vector.bitcast %and3A_674 : vector<16xi32> to vector<16xf32>
      tpu.vector_store_idx %arg6[%iota3A, %and3A_671], %bitcast3A_675 {add = true} : memref<16x32xf32, #tpu.memory_space<vmem>>[vector<16xi32>, vector<16xi32>], vector<16xf32>,
      %get3A_676 = arith.index_cast %scan3A_417 : i32 to index
      %get3A_677 = arith.constant 416 : index
      %get3A_678 = tpu.vector_load %arg4[%get3A_676, %get3A_677] {strides = array<i32>} : memref<16x512xi32, #tpu.memory_space<vmem>>, vector<16xi32>,
      %and3A_679 = arith.constant 31 : i32
      %and3A_680 = vector.broadcast %and3A_679 : i32 to vector<16xi32>
      %and3A_681 = arith.andi %get3A_678, %and3A_680 : vector<16xi32>
      %and3A_682 = arith.constant -32 : i32
      %and3A_683 = vector.broadcast %and3A_682 : i32 to vector<16xi32>
      %and3A_684 = arith.andi %get3A_678, %and3A_683 : vector<16xi32>
      %bitcast3A_685 = vector.bitcast %and3A_684 : vector<16xi32> to vector<16xf32>
      tpu.vector_store_idx %arg6[%iota3A, %and3A_681], %bitcast3A_685 {add = true} : memref<16x32xf32, #tpu.memory_space<vmem>>[vector<16xi32>, vector<16xi32>], vector<16xf32>,
      %get3A_686 = arith.index_cast %scan3A_417 : i32 to index
      %get3A_687 = arith.constant 432 : index
      %get3A_688 = tpu.vector_load %arg4[%get3A_686, %get3A_687] {strides = array<i32>} : memref<16x512xi32, #tpu.memory_space<vmem>>, vector<16xi32>,
      %and3A_689 = arith.constant 31 : i32
      %and3A_690 = vector.broadcast %and3A_689 : i32 to vector<16xi32>
      %and3A_691 = arith.andi %get3A_688, %and3A_690 : vector<16xi32>
      %and3A_692 = arith.constant -32 : i32
      %and3A_693 = vector.broadcast %and3A_692 : i32 to vector<16xi32>
      %and3A_694 = arith.andi %get3A_688, %and3A_693 : vector<16xi32>
      %bitcast3A_695 = vector.bitcast %and3A_694 : vector<16xi32> to vector<16xf32>
      tpu.vector_store_idx %arg6[%iota3A, %and3A_691], %bitcast3A_695 {add = true} : memref<16x32xf32, #tpu.memory_space<vmem>>[vector<16xi32>, vector<16xi32>], vector<16xf32>,
      %get3A_696 = arith.index_cast %scan3A_417 : i32 to index
      %get3A_697 = arith.constant 448 : index
      %get3A_698 = tpu.vector_load %arg4[%get3A_696, %get3A_697] {strides = array<i32>} : memref<16x512xi32, #tpu.memory_space<vmem>>, vector<16xi32>,
      %and3A_699 = arith.constant 31 : i32
      %and3A_700 = vector.broadcast %and3A_699 : i32 to vector<16xi32>
      %and3A_701 = arith.andi %get3A_698, %and3A_700 : vector<16xi32>
      %and3A_702 = arith.constant -32 : i32
      %and3A_703 = vector.broadcast %and3A_702 : i32 to vector<16xi32>
      %and3A_704 = arith.andi %get3A_698, %and3A_703 : vector<16xi32>
      %bitcast3A_705 = vector.bitcast %and3A_704 : vector<16xi32> to vector<16xf32>
      tpu.vector_store_idx %arg6[%iota3A, %and3A_701], %bitcast3A_705 {add = true} : memref<16x32xf32, #tpu.memory_space<vmem>>[vector<16xi32>, vector<16xi32>], vector<16xf32>,
      %get3A_706 = arith.index_cast %scan3A_417 : i32 to index
      %get3A_707 = arith.constant 464 : index
      %get3A_708 = tpu.vector_load %arg4[%get3A_706, %get3A_707] {strides = array<i32>} : memref<16x512xi32, #tpu.memory_space<vmem>>, vector<16xi32>,
      %and3A_709 = arith.constant 31 : i32
      %and3A_710 = vector.broadcast %and3A_709 : i32 to vector<16xi32>
      %and3A_711 = arith.andi %get3A_708, %and3A_710 : vector<16xi32>
      %and3A_712 = arith.constant -32 : i32
      %and3A_713 = vector.broadcast %and3A_712 : i32 to vector<16xi32>
      %and3A_714 = arith.andi %get3A_708, %and3A_713 : vector<16xi32>
      %bitcast3A_715 = vector.bitcast %and3A_714 : vector<16xi32> to vector<16xf32>
      tpu.vector_store_idx %arg6[%iota3A, %and3A_711], %bitcast3A_715 {add = true} : memref<16x32xf32, #tpu.memory_space<vmem>>[vector<16xi32>, vector<16xi32>], vector<16xf32>,
      %get3A_716 = arith.index_cast %scan3A_417 : i32 to index
      %get3A_717 = arith.constant 480 : index
      %get3A_718 = tpu.vector_load %arg4[%get3A_716, %get3A_717] {strides = array<i32>} : memref<16x512xi32, #tpu.memory_space<vmem>>, vector<16xi32>,
      %and3A_719 = arith.constant 31 : i32
      %and3A_720 = vector.broadcast %and3A_719 : i32 to vector<16xi32>
      %and3A_721 = arith.andi %get3A_718, %and3A_720 : vector<16xi32>
      %and3A_722 = arith.constant -32 : i32
      %and3A_723 = vector.broadcast %and3A_722 : i32 to vector<16xi32>
      %and3A_724 = arith.andi %get3A_718, %and3A_723 : vector<16xi32>
      %bitcast3A_725 = vector.bitcast %and3A_724 : vector<16xi32> to vector<16xf32>
      tpu.vector_store_idx %arg6[%iota3A, %and3A_721], %bitcast3A_725 {add = true} : memref<16x32xf32, #tpu.memory_space<vmem>>[vector<16xi32>, vector<16xi32>], vector<16xf32>,
      %get3A_726 = arith.index_cast %scan3A_417 : i32 to index
      %get3A_727 = arith.constant 496 : index
      %get3A_728 = tpu.vector_load %arg4[%get3A_726, %get3A_727] {strides = array<i32>} : memref<16x512xi32, #tpu.memory_space<vmem>>, vector<16xi32>,
      %and3A_729 = arith.constant 31 : i32
      %and3A_730 = vector.broadcast %and3A_729 : i32 to vector<16xi32>
      %and3A_731 = arith.andi %get3A_728, %and3A_730 : vector<16xi32>
      %and3A_732 = arith.constant -32 : i32
      %and3A_733 = vector.broadcast %and3A_732 : i32 to vector<16xi32>
      %and3A_734 = arith.andi %get3A_728, %and3A_733 : vector<16xi32>
      %bitcast3A_735 = vector.bitcast %and3A_734 : vector<16xi32> to vector<16xf32>
      tpu.vector_store_idx %arg6[%iota3A, %and3A_731], %bitcast3A_735 {add = true} : memref<16x32xf32, #tpu.memory_space<vmem>>[vector<16xi32>, vector<16xi32>], vector<16xf32>,
    }
    %scan3A_217 = arith.constant 16 : i32
    %dma_start3A_218 = arith.constant 0 : i32
    %dma_start3A_219 = tpu.memref_slice %arg2[%add3A_144, %dma_start3A_218] : memref<4096x512xi32, #tpu.memory_space<hbm>> -> memref<16x512xi32, #tpu.memory_space<hbm>>
    %dma_start3A_220 = arith.constant 0 : i32
    %dma_start3A_221 = tpu.memref_slice %arg2[%add3A_144, %dma_start3A_220] : memref<4096x512xi32, #tpu.memory_space<hbm>> -> memref<16x512xi32, #tpu.memory_space<hbm>>
    tpu.enqueue_dma source(%dma_start3A_221 : memref<16x512xi32, #tpu.memory_space<hbm>>) target(%arg4 : memref<16x512xi32, #tpu.memory_space<vmem>>) target_semaphore(%arg8 : memref<!tpu.dma_semaphore, #tpu.memory_space<semaphore_mem>>)
    %dma_wait3A_222 = arith.constant 0 : i32
    %dma_wait3A_223 = tpu.memref_slice %arg2[%add3A_142, %dma_wait3A_222] : memref<4096x512xi32, #tpu.memory_space<hbm>> -> memref<16x512xi32, #tpu.memory_space<hbm>>
    %dma_wait3A_224 = arith.constant 0 : i32
    %dma_wait3A_225 = tpu.memref_slice %arg2[%add3A_142, %dma_wait3A_224] : memref<4096x512xi32, #tpu.memory_space<hbm>> -> memref<16x512xi32, #tpu.memory_space<hbm>>
    tpu.wait_dma2 semaphore(%arg9 : memref<!tpu.dma_semaphore, #tpu.memory_space<semaphore_mem>>) src(%dma_wait3A_225 : memref<16x512xi32, #tpu.memory_space<hbm>>) dst(%arg5 : memref<16x512xi32, #tpu.memory_space<vmem>>)
    %scan3A_226 = arith.constant 0 : i32
    %scan3A_227 = arith.constant 0 : i32
    %scan3A_228 = arith.constant 16 : i32
    %scan3A_229 = arith.addi %scan3A_227, %scan3A_228 : i32
    %scan3A_230 = arith.constant 1 : i32
    scf.for %scan3A_417 = %scan3A_227 to %scan3A_229 step %scan3A_230  : i32 {
      %get3A_418 = arith.index_cast %scan3A_417 : i32 to index
      %get3A_419 = arith.constant 0 : index
      %get3A_420 = tpu.vector_load %arg5[%get3A_418, %get3A_419] {strides = array<i32>} : memref<16x512xi32, #tpu.memory_space<vmem>>, vector<16xi32>,
      %and3A = arith.constant 31 : i32
      %and3A_421 = vector.broadcast %and3A : i32 to vector<16xi32>
      %and3A_422 = arith.andi %get3A_420, %and3A_421 : vector<16xi32>
      %and3A_423 = arith.constant -32 : i32
      %and3A_424 = vector.broadcast %and3A_423 : i32 to vector<16xi32>
      %and3A_425 = arith.andi %get3A_420, %and3A_424 : vector<16xi32>
      %bitcast3A = vector.bitcast %and3A_425 : vector<16xi32> to vector<16xf32>
      tpu.vector_store_idx %arg6[%iota3A, %and3A_422], %bitcast3A {add = true} : memref<16x32xf32, #tpu.memory_space<vmem>>[vector<16xi32>, vector<16xi32>], vector<16xf32>,
      %get3A_426 = arith.index_cast %scan3A_417 : i32 to index
      %get3A_427 = arith.constant 16 : index
      %get3A_428 = tpu.vector_load %arg5[%get3A_426, %get3A_427] {strides = array<i32>} : memref<16x512xi32, #tpu.memory_space<vmem>>, vector<16xi32>,
      %and3A_429 = arith.constant 31 : i32
      %and3A_430 = vector.broadcast %and3A_429 : i32 to vector<16xi32>
      %and3A_431 = arith.andi %get3A_428, %and3A_430 : vector<16xi32>
      %and3A_432 = arith.constant -32 : i32
      %and3A_433 = vector.broadcast %and3A_432 : i32 to vector<16xi32>
      %and3A_434 = arith.andi %get3A_428, %and3A_433 : vector<16xi32>
      %bitcast3A_435 = vector.bitcast %and3A_434 : vector<16xi32> to vector<16xf32>
      tpu.vector_store_idx %arg6[%iota3A, %and3A_431], %bitcast3A_435 {add = true} : memref<16x32xf32, #tpu.memory_space<vmem>>[vector<16xi32>, vector<16xi32>], vector<16xf32>,
      %get3A_436 = arith.index_cast %scan3A_417 : i32 to index
      %get3A_437 = arith.constant 32 : index
      %get3A_438 = tpu.vector_load %arg5[%get3A_436, %get3A_437] {strides = array<i32>} : memref<16x512xi32, #tpu.memory_space<vmem>>, vector<16xi32>,
      %and3A_439 = arith.constant 31 : i32
      %and3A_440 = vector.broadcast %and3A_439 : i32 to vector<16xi32>
      %and3A_441 = arith.andi %get3A_438, %and3A_440 : vector<16xi32>
      %and3A_442 = arith.constant -32 : i32
      %and3A_443 = vector.broadcast %and3A_442 : i32 to vector<16xi32>
      %and3A_444 = arith.andi %get3A_438, %and3A_443 : vector<16xi32>
      %bitcast3A_445 = vector.bitcast %and3A_444 : vector<16xi32> to vector<16xf32>
      tpu.vector_store_idx %arg6[%iota3A, %and3A_441], %bitcast3A_445 {add = true} : memref<16x32xf32, #tpu.memory_space<vmem>>[vector<16xi32>, vector<16xi32>], vector<16xf32>,
      %get3A_446 = arith.index_cast %scan3A_417 : i32 to index
      %get3A_447 = arith.constant 48 : index
      %get3A_448 = tpu.vector_load %arg5[%get3A_446, %get3A_447] {strides = array<i32>} : memref<16x512xi32, #tpu.memory_space<vmem>>, vector<16xi32>,
      %and3A_449 = arith.constant 31 : i32
      %and3A_450 = vector.broadcast %and3A_449 : i32 to vector<16xi32>
      %and3A_451 = arith.andi %get3A_448, %and3A_450 : vector<16xi32>
      %and3A_452 = arith.constant -32 : i32
      %and3A_453 = vector.broadcast %and3A_452 : i32 to vector<16xi32>
      %and3A_454 = arith.andi %get3A_448, %and3A_453 : vector<16xi32>
      %bitcast3A_455 = vector.bitcast %and3A_454 : vector<16xi32> to vector<16xf32>
      tpu.vector_store_idx %arg6[%iota3A, %and3A_451], %bitcast3A_455 {add = true} : memref<16x32xf32, #tpu.memory_space<vmem>>[vector<16xi32>, vector<16xi32>], vector<16xf32>,
      %get3A_456 = arith.index_cast %scan3A_417 : i32 to index
      %get3A_457 = arith.constant 64 : index
      %get3A_458 = tpu.vector_load %arg5[%get3A_456, %get3A_457] {strides = array<i32>} : memref<16x512xi32, #tpu.memory_space<vmem>>, vector<16xi32>,
      %and3A_459 = arith.constant 31 : i32
      %and3A_460 = vector.broadcast %and3A_459 : i32 to vector<16xi32>
      %and3A_461 = arith.andi %get3A_458, %and3A_460 : vector<16xi32>
      %and3A_462 = arith.constant -32 : i32
      %and3A_463 = vector.broadcast %and3A_462 : i32 to vector<16xi32>
      %and3A_464 = arith.andi %get3A_458, %and3A_463 : vector<16xi32>
      %bitcast3A_465 = vector.bitcast %and3A_464 : vector<16xi32> to vector<16xf32>
      tpu.vector_store_idx %arg6[%iota3A, %and3A_461], %bitcast3A_465 {add = true} : memref<16x32xf32, #tpu.memory_space<vmem>>[vector<16xi32>, vector<16xi32>], vector<16xf32>,
      %get3A_466 = arith.index_cast %scan3A_417 : i32 to index
      %get3A_467 = arith.constant 80 : index
      %get3A_468 = tpu.vector_load %arg5[%get3A_466, %get3A_467] {strides = array<i32>} : memref<16x512xi32, #tpu.memory_space<vmem>>, vector<16xi32>,
      %and3A_469 = arith.constant 31 : i32
      %and3A_470 = vector.broadcast %and3A_469 : i32 to vector<16xi32>
      %and3A_471 = arith.andi %get3A_468, %and3A_470 : vector<16xi32>
      %and3A_472 = arith.constant -32 : i32
      %and3A_473 = vector.broadcast %and3A_472 : i32 to vector<16xi32>
      %and3A_474 = arith.andi %get3A_468, %and3A_473 : vector<16xi32>
      %bitcast3A_475 = vector.bitcast %and3A_474 : vector<16xi32> to vector<16xf32>
      tpu.vector_store_idx %arg6[%iota3A, %and3A_471], %bitcast3A_475 {add = true} : memref<16x32xf32, #tpu.memory_space<vmem>>[vector<16xi32>, vector<16xi32>], vector<16xf32>,
      %get3A_476 = arith.index_cast %scan3A_417 : i32 to index
      %get3A_477 = arith.constant 96 : index
      %get3A_478 = tpu.vector_load %arg5[%get3A_476, %get3A_477] {strides = array<i32>} : memref<16x512xi32, #tpu.memory_space<vmem>>, vector<16xi32>,
      %and3A_479 = arith.constant 31 : i32
      %and3A_480 = vector.broadcast %and3A_479 : i32 to vector<16xi32>
      %and3A_481 = arith.andi %get3A_478, %and3A_480 : vector<16xi32>
      %and3A_482 = arith.constant -32 : i32
      %and3A_483 = vector.broadcast %and3A_482 : i32 to vector<16xi32>
      %and3A_484 = arith.andi %get3A_478, %and3A_483 : vector<16xi32>
      %bitcast3A_485 = vector.bitcast %and3A_484 : vector<16xi32> to vector<16xf32>
      tpu.vector_store_idx %arg6[%iota3A, %and3A_481], %bitcast3A_485 {add = true} : memref<16x32xf32, #tpu.memory_space<vmem>>[vector<16xi32>, vector<16xi32>], vector<16xf32>,
      %get3A_486 = arith.index_cast %scan3A_417 : i32 to index
      %get3A_487 = arith.constant 112 : index
      %get3A_488 = tpu.vector_load %arg5[%get3A_486, %get3A_487] {strides = array<i32>} : memref<16x512xi32, #tpu.memory_space<vmem>>, vector<16xi32>,
      %and3A_489 = arith.constant 31 : i32
      %and3A_490 = vector.broadcast %and3A_489 : i32 to vector<16xi32>
      %and3A_491 = arith.andi %get3A_488, %and3A_490 : vector<16xi32>
      %and3A_492 = arith.constant -32 : i32
      %and3A_493 = vector.broadcast %and3A_492 : i32 to vector<16xi32>
      %and3A_494 = arith.andi %get3A_488, %and3A_493 : vector<16xi32>
      %bitcast3A_495 = vector.bitcast %and3A_494 : vector<16xi32> to vector<16xf32>
      tpu.vector_store_idx %arg6[%iota3A, %and3A_491], %bitcast3A_495 {add = true} : memref<16x32xf32, #tpu.memory_space<vmem>>[vector<16xi32>, vector<16xi32>], vector<16xf32>,
      %get3A_496 = arith.index_cast %scan3A_417 : i32 to index
      %get3A_497 = arith.constant 128 : index
      %get3A_498 = tpu.vector_load %arg5[%get3A_496, %get3A_497] {strides = array<i32>} : memref<16x512xi32, #tpu.memory_space<vmem>>, vector<16xi32>,
      %and3A_499 = arith.constant 31 : i32
      %and3A_500 = vector.broadcast %and3A_499 : i32 to vector<16xi32>
      %and3A_501 = arith.andi %get3A_498, %and3A_500 : vector<16xi32>
      %and3A_502 = arith.constant -32 : i32
      %and3A_503 = vector.broadcast %and3A_502 : i32 to vector<16xi32>
      %and3A_504 = arith.andi %get3A_498, %and3A_503 : vector<16xi32>
      %bitcast3A_505 = vector.bitcast %and3A_504 : vector<16xi32> to vector<16xf32>
      tpu.vector_store_idx %arg6[%iota3A, %and3A_501], %bitcast3A_505 {add = true} : memref<16x32xf32, #tpu.memory_space<vmem>>[vector<16xi32>, vector<16xi32>], vector<16xf32>,
      %get3A_506 = arith.index_cast %scan3A_417 : i32 to index
      %get3A_507 = arith.constant 144 : index
      %get3A_508 = tpu.vector_load %arg5[%get3A_506, %get3A_507] {strides = array<i32>} : memref<16x512xi32, #tpu.memory_space<vmem>>, vector<16xi32>,
      %and3A_509 = arith.constant 31 : i32
      %and3A_510 = vector.broadcast %and3A_509 : i32 to vector<16xi32>
      %and3A_511 = arith.andi %get3A_508, %and3A_510 : vector<16xi32>
      %and3A_512 = arith.constant -32 : i32
      %and3A_513 = vector.broadcast %and3A_512 : i32 to vector<16xi32>
      %and3A_514 = arith.andi %get3A_508, %and3A_513 : vector<16xi32>
      %bitcast3A_515 = vector.bitcast %and3A_514 : vector<16xi32> to vector<16xf32>
      tpu.vector_store_idx %arg6[%iota3A, %and3A_511], %bitcast3A_515 {add = true} : memref<16x32xf32, #tpu.memory_space<vmem>>[vector<16xi32>, vector<16xi32>], vector<16xf32>,
      %get3A_516 = arith.index_cast %scan3A_417 : i32 to index
      %get3A_517 = arith.constant 160 : index
      %get3A_518 = tpu.vector_load %arg5[%get3A_516, %get3A_517] {strides = array<i32>} : memref<16x512xi32, #tpu.memory_space<vmem>>, vector<16xi32>,
      %and3A_519 = arith.constant 31 : i32
      %and3A_520 = vector.broadcast %and3A_519 : i32 to vector<16xi32>
      %and3A_521 = arith.andi %get3A_518, %and3A_520 : vector<16xi32>
      %and3A_522 = arith.constant -32 : i32
      %and3A_523 = vector.broadcast %and3A_522 : i32 to vector<16xi32>
      %and3A_524 = arith.andi %get3A_518, %and3A_523 : vector<16xi32>
      %bitcast3A_525 = vector.bitcast %and3A_524 : vector<16xi32> to vector<16xf32>
      tpu.vector_store_idx %arg6[%iota3A, %and3A_521], %bitcast3A_525 {add = true} : memref<16x32xf32, #tpu.memory_space<vmem>>[vector<16xi32>, vector<16xi32>], vector<16xf32>,
      %get3A_526 = arith.index_cast %scan3A_417 : i32 to index
      %get3A_527 = arith.constant 176 : index
      %get3A_528 = tpu.vector_load %arg5[%get3A_526, %get3A_527] {strides = array<i32>} : memref<16x512xi32, #tpu.memory_space<vmem>>, vector<16xi32>,
      %and3A_529 = arith.constant 31 : i32
      %and3A_530 = vector.broadcast %and3A_529 : i32 to vector<16xi32>
      %and3A_531 = arith.andi %get3A_528, %and3A_530 : vector<16xi32>
      %and3A_532 = arith.constant -32 : i32
      %and3A_533 = vector.broadcast %and3A_532 : i32 to vector<16xi32>
      %and3A_534 = arith.andi %get3A_528, %and3A_533 : vector<16xi32>
      %bitcast3A_535 = vector.bitcast %and3A_534 : vector<16xi32> to vector<16xf32>
      tpu.vector_store_idx %arg6[%iota3A, %and3A_531], %bitcast3A_535 {add = true} : memref<16x32xf32, #tpu.memory_space<vmem>>[vector<16xi32>, vector<16xi32>], vector<16xf32>,
      %get3A_536 = arith.index_cast %scan3A_417 : i32 to index
      %get3A_537 = arith.constant 192 : index
      %get3A_538 = tpu.vector_load %arg5[%get3A_536, %get3A_537] {strides = array<i32>} : memref<16x512xi32, #tpu.memory_space<vmem>>, vector<16xi32>,
      %and3A_539 = arith.constant 31 : i32
      %and3A_540 = vector.broadcast %and3A_539 : i32 to vector<16xi32>
      %and3A_541 = arith.andi %get3A_538, %and3A_540 : vector<16xi32>
      %and3A_542 = arith.constant -32 : i32
      %and3A_543 = vector.broadcast %and3A_542 : i32 to vector<16xi32>
      %and3A_544 = arith.andi %get3A_538, %and3A_543 : vector<16xi32>
      %bitcast3A_545 = vector.bitcast %and3A_544 : vector<16xi32> to vector<16xf32>
      tpu.vector_store_idx %arg6[%iota3A, %and3A_541], %bitcast3A_545 {add = true} : memref<16x32xf32, #tpu.memory_space<vmem>>[vector<16xi32>, vector<16xi32>], vector<16xf32>,
      %get3A_546 = arith.index_cast %scan3A_417 : i32 to index
      %get3A_547 = arith.constant 208 : index
      %get3A_548 = tpu.vector_load %arg5[%get3A_546, %get3A_547] {strides = array<i32>} : memref<16x512xi32, #tpu.memory_space<vmem>>, vector<16xi32>,
      %and3A_549 = arith.constant 31 : i32
      %and3A_550 = vector.broadcast %and3A_549 : i32 to vector<16xi32>
      %and3A_551 = arith.andi %get3A_548, %and3A_550 : vector<16xi32>
      %and3A_552 = arith.constant -32 : i32
      %and3A_553 = vector.broadcast %and3A_552 : i32 to vector<16xi32>
      %and3A_554 = arith.andi %get3A_548, %and3A_553 : vector<16xi32>
      %bitcast3A_555 = vector.bitcast %and3A_554 : vector<16xi32> to vector<16xf32>
      tpu.vector_store_idx %arg6[%iota3A, %and3A_551], %bitcast3A_555 {add = true} : memref<16x32xf32, #tpu.memory_space<vmem>>[vector<16xi32>, vector<16xi32>], vector<16xf32>,
      %get3A_556 = arith.index_cast %scan3A_417 : i32 to index
      %get3A_557 = arith.constant 224 : index
      %get3A_558 = tpu.vector_load %arg5[%get3A_556, %get3A_557] {strides = array<i32>} : memref<16x512xi32, #tpu.memory_space<vmem>>, vector<16xi32>,
      %and3A_559 = arith.constant 31 : i32
      %and3A_560 = vector.broadcast %and3A_559 : i32 to vector<16xi32>
      %and3A_561 = arith.andi %get3A_558, %and3A_560 : vector<16xi32>
      %and3A_562 = arith.constant -32 : i32
      %and3A_563 = vector.broadcast %and3A_562 : i32 to vector<16xi32>
      %and3A_564 = arith.andi %get3A_558, %and3A_563 : vector<16xi32>
      %bitcast3A_565 = vector.bitcast %and3A_564 : vector<16xi32> to vector<16xf32>
      tpu.vector_store_idx %arg6[%iota3A, %and3A_561], %bitcast3A_565 {add = true} : memref<16x32xf32, #tpu.memory_space<vmem>>[vector<16xi32>, vector<16xi32>], vector<16xf32>,
      %get3A_566 = arith.index_cast %scan3A_417 : i32 to index
      %get3A_567 = arith.constant 240 : index
      %get3A_568 = tpu.vector_load %arg5[%get3A_566, %get3A_567] {strides = array<i32>} : memref<16x512xi32, #tpu.memory_space<vmem>>, vector<16xi32>,
      %and3A_569 = arith.constant 31 : i32
      %and3A_570 = vector.broadcast %and3A_569 : i32 to vector<16xi32>
      %and3A_571 = arith.andi %get3A_568, %and3A_570 : vector<16xi32>
      %and3A_572 = arith.constant -32 : i32
      %and3A_573 = vector.broadcast %and3A_572 : i32 to vector<16xi32>
      %and3A_574 = arith.andi %get3A_568, %and3A_573 : vector<16xi32>
      %bitcast3A_575 = vector.bitcast %and3A_574 : vector<16xi32> to vector<16xf32>
      tpu.vector_store_idx %arg6[%iota3A, %and3A_571], %bitcast3A_575 {add = true} : memref<16x32xf32, #tpu.memory_space<vmem>>[vector<16xi32>, vector<16xi32>], vector<16xf32>,
      %get3A_576 = arith.index_cast %scan3A_417 : i32 to index
      %get3A_577 = arith.constant 256 : index
      %get3A_578 = tpu.vector_load %arg5[%get3A_576, %get3A_577] {strides = array<i32>} : memref<16x512xi32, #tpu.memory_space<vmem>>, vector<16xi32>,
      %and3A_579 = arith.constant 31 : i32
      %and3A_580 = vector.broadcast %and3A_579 : i32 to vector<16xi32>
      %and3A_581 = arith.andi %get3A_578, %and3A_580 : vector<16xi32>
      %and3A_582 = arith.constant -32 : i32
      %and3A_583 = vector.broadcast %and3A_582 : i32 to vector<16xi32>
      %and3A_584 = arith.andi %get3A_578, %and3A_583 : vector<16xi32>
      %bitcast3A_585 = vector.bitcast %and3A_584 : vector<16xi32> to vector<16xf32>
      tpu.vector_store_idx %arg6[%iota3A, %and3A_581], %bitcast3A_585 {add = true} : memref<16x32xf32, #tpu.memory_space<vmem>>[vector<16xi32>, vector<16xi32>], vector<16xf32>,
      %get3A_586 = arith.index_cast %scan3A_417 : i32 to index
      %get3A_587 = arith.constant 272 : index
      %get3A_588 = tpu.vector_load %arg5[%get3A_586, %get3A_587] {strides = array<i32>} : memref<16x512xi32, #tpu.memory_space<vmem>>, vector<16xi32>,
      %and3A_589 = arith.constant 31 : i32
      %and3A_590 = vector.broadcast %and3A_589 : i32 to vector<16xi32>
      %and3A_591 = arith.andi %get3A_588, %and3A_590 : vector<16xi32>
      %and3A_592 = arith.constant -32 : i32
      %and3A_593 = vector.broadcast %and3A_592 : i32 to vector<16xi32>
      %and3A_594 = arith.andi %get3A_588, %and3A_593 : vector<16xi32>
      %bitcast3A_595 = vector.bitcast %and3A_594 : vector<16xi32> to vector<16xf32>
      tpu.vector_store_idx %arg6[%iota3A, %and3A_591], %bitcast3A_595 {add = true} : memref<16x32xf32, #tpu.memory_space<vmem>>[vector<16xi32>, vector<16xi32>], vector<16xf32>,
      %get3A_596 = arith.index_cast %scan3A_417 : i32 to index
      %get3A_597 = arith.constant 288 : index
      %get3A_598 = tpu.vector_load %arg5[%get3A_596, %get3A_597] {strides = array<i32>} : memref<16x512xi32, #tpu.memory_space<vmem>>, vector<16xi32>,
      %and3A_599 = arith.constant 31 : i32
      %and3A_600 = vector.broadcast %and3A_599 : i32 to vector<16xi32>
      %and3A_601 = arith.andi %get3A_598, %and3A_600 : vector<16xi32>
      %and3A_602 = arith.constant -32 : i32
      %and3A_603 = vector.broadcast %and3A_602 : i32 to vector<16xi32>
      %and3A_604 = arith.andi %get3A_598, %and3A_603 : vector<16xi32>
      %bitcast3A_605 = vector.bitcast %and3A_604 : vector<16xi32> to vector<16xf32>
      tpu.vector_store_idx %arg6[%iota3A, %and3A_601], %bitcast3A_605 {add = true} : memref<16x32xf32, #tpu.memory_space<vmem>>[vector<16xi32>, vector<16xi32>], vector<16xf32>,
      %get3A_606 = arith.index_cast %scan3A_417 : i32 to index
      %get3A_607 = arith.constant 304 : index
      %get3A_608 = tpu.vector_load %arg5[%get3A_606, %get3A_607] {strides = array<i32>} : memref<16x512xi32, #tpu.memory_space<vmem>>, vector<16xi32>,
      %and3A_609 = arith.constant 31 : i32
      %and3A_610 = vector.broadcast %and3A_609 : i32 to vector<16xi32>
      %and3A_611 = arith.andi %get3A_608, %and3A_610 : vector<16xi32>
      %and3A_612 = arith.constant -32 : i32
      %and3A_613 = vector.broadcast %and3A_612 : i32 to vector<16xi32>
      %and3A_614 = arith.andi %get3A_608, %and3A_613 : vector<16xi32>
      %bitcast3A_615 = vector.bitcast %and3A_614 : vector<16xi32> to vector<16xf32>
      tpu.vector_store_idx %arg6[%iota3A, %and3A_611], %bitcast3A_615 {add = true} : memref<16x32xf32, #tpu.memory_space<vmem>>[vector<16xi32>, vector<16xi32>], vector<16xf32>,
      %get3A_616 = arith.index_cast %scan3A_417 : i32 to index
      %get3A_617 = arith.constant 320 : index
      %get3A_618 = tpu.vector_load %arg5[%get3A_616, %get3A_617] {strides = array<i32>} : memref<16x512xi32, #tpu.memory_space<vmem>>, vector<16xi32>,
      %and3A_619 = arith.constant 31 : i32
      %and3A_620 = vector.broadcast %and3A_619 : i32 to vector<16xi32>
      %and3A_621 = arith.andi %get3A_618, %and3A_620 : vector<16xi32>
      %and3A_622 = arith.constant -32 : i32
      %and3A_623 = vector.broadcast %and3A_622 : i32 to vector<16xi32>
      %and3A_624 = arith.andi %get3A_618, %and3A_623 : vector<16xi32>
      %bitcast3A_625 = vector.bitcast %and3A_624 : vector<16xi32> to vector<16xf32>
      tpu.vector_store_idx %arg6[%iota3A, %and3A_621], %bitcast3A_625 {add = true} : memref<16x32xf32, #tpu.memory_space<vmem>>[vector<16xi32>, vector<16xi32>], vector<16xf32>,
      %get3A_626 = arith.index_cast %scan3A_417 : i32 to index
      %get3A_627 = arith.constant 336 : index
      %get3A_628 = tpu.vector_load %arg5[%get3A_626, %get3A_627] {strides = array<i32>} : memref<16x512xi32, #tpu.memory_space<vmem>>, vector<16xi32>,
      %and3A_629 = arith.constant 31 : i32
      %and3A_630 = vector.broadcast %and3A_629 : i32 to vector<16xi32>
      %and3A_631 = arith.andi %get3A_628, %and3A_630 : vector<16xi32>
      %and3A_632 = arith.constant -32 : i32
      %and3A_633 = vector.broadcast %and3A_632 : i32 to vector<16xi32>
      %and3A_634 = arith.andi %get3A_628, %and3A_633 : vector<16xi32>
      %bitcast3A_635 = vector.bitcast %and3A_634 : vector<16xi32> to vector<16xf32>
      tpu.vector_store_idx %arg6[%iota3A, %and3A_631], %bitcast3A_635 {add = true} : memref<16x32xf32, #tpu.memory_space<vmem>>[vector<16xi32>, vector<16xi32>], vector<16xf32>,
      %get3A_636 = arith.index_cast %scan3A_417 : i32 to index
      %get3A_637 = arith.constant 352 : index
      %get3A_638 = tpu.vector_load %arg5[%get3A_636, %get3A_637] {strides = array<i32>} : memref<16x512xi32, #tpu.memory_space<vmem>>, vector<16xi32>,
      %and3A_639 = arith.constant 31 : i32
      %and3A_640 = vector.broadcast %and3A_639 : i32 to vector<16xi32>
      %and3A_641 = arith.andi %get3A_638, %and3A_640 : vector<16xi32>
      %and3A_642 = arith.constant -32 : i32
      %and3A_643 = vector.broadcast %and3A_642 : i32 to vector<16xi32>
      %and3A_644 = arith.andi %get3A_638, %and3A_643 : vector<16xi32>
      %bitcast3A_645 = vector.bitcast %and3A_644 : vector<16xi32> to vector<16xf32>
      tpu.vector_store_idx %arg6[%iota3A, %and3A_641], %bitcast3A_645 {add = true} : memref<16x32xf32, #tpu.memory_space<vmem>>[vector<16xi32>, vector<16xi32>], vector<16xf32>,
      %get3A_646 = arith.index_cast %scan3A_417 : i32 to index
      %get3A_647 = arith.constant 368 : index
      %get3A_648 = tpu.vector_load %arg5[%get3A_646, %get3A_647] {strides = array<i32>} : memref<16x512xi32, #tpu.memory_space<vmem>>, vector<16xi32>,
      %and3A_649 = arith.constant 31 : i32
      %and3A_650 = vector.broadcast %and3A_649 : i32 to vector<16xi32>
      %and3A_651 = arith.andi %get3A_648, %and3A_650 : vector<16xi32>
      %and3A_652 = arith.constant -32 : i32
      %and3A_653 = vector.broadcast %and3A_652 : i32 to vector<16xi32>
      %and3A_654 = arith.andi %get3A_648, %and3A_653 : vector<16xi32>
      %bitcast3A_655 = vector.bitcast %and3A_654 : vector<16xi32> to vector<16xf32>
      tpu.vector_store_idx %arg6[%iota3A, %and3A_651], %bitcast3A_655 {add = true} : memref<16x32xf32, #tpu.memory_space<vmem>>[vector<16xi32>, vector<16xi32>], vector<16xf32>,
      %get3A_656 = arith.index_cast %scan3A_417 : i32 to index
      %get3A_657 = arith.constant 384 : index
      %get3A_658 = tpu.vector_load %arg5[%get3A_656, %get3A_657] {strides = array<i32>} : memref<16x512xi32, #tpu.memory_space<vmem>>, vector<16xi32>,
      %and3A_659 = arith.constant 31 : i32
      %and3A_660 = vector.broadcast %and3A_659 : i32 to vector<16xi32>
      %and3A_661 = arith.andi %get3A_658, %and3A_660 : vector<16xi32>
      %and3A_662 = arith.constant -32 : i32
      %and3A_663 = vector.broadcast %and3A_662 : i32 to vector<16xi32>
      %and3A_664 = arith.andi %get3A_658, %and3A_663 : vector<16xi32>
      %bitcast3A_665 = vector.bitcast %and3A_664 : vector<16xi32> to vector<16xf32>
      tpu.vector_store_idx %arg6[%iota3A, %and3A_661], %bitcast3A_665 {add = true} : memref<16x32xf32, #tpu.memory_space<vmem>>[vector<16xi32>, vector<16xi32>], vector<16xf32>,
      %get3A_666 = arith.index_cast %scan3A_417 : i32 to index
      %get3A_667 = arith.constant 400 : index
      %get3A_668 = tpu.vector_load %arg5[%get3A_666, %get3A_667] {strides = array<i32>} : memref<16x512xi32, #tpu.memory_space<vmem>>, vector<16xi32>,
      %and3A_669 = arith.constant 31 : i32
      %and3A_670 = vector.broadcast %and3A_669 : i32 to vector<16xi32>
      %and3A_671 = arith.andi %get3A_668, %and3A_670 : vector<16xi32>
      %and3A_672 = arith.constant -32 : i32
      %and3A_673 = vector.broadcast %and3A_672 : i32 to vector<16xi32>
      %and3A_674 = arith.andi %get3A_668, %and3A_673 : vector<16xi32>
      %bitcast3A_675 = vector.bitcast %and3A_674 : vector<16xi32> to vector<16xf32>
      tpu.vector_store_idx %arg6[%iota3A, %and3A_671], %bitcast3A_675 {add = true} : memref<16x32xf32, #tpu.memory_space<vmem>>[vector<16xi32>, vector<16xi32>], vector<16xf32>,
      %get3A_676 = arith.index_cast %scan3A_417 : i32 to index
      %get3A_677 = arith.constant 416 : index
      %get3A_678 = tpu.vector_load %arg5[%get3A_676, %get3A_677] {strides = array<i32>} : memref<16x512xi32, #tpu.memory_space<vmem>>, vector<16xi32>,
      %and3A_679 = arith.constant 31 : i32
      %and3A_680 = vector.broadcast %and3A_679 : i32 to vector<16xi32>
      %and3A_681 = arith.andi %get3A_678, %and3A_680 : vector<16xi32>
      %and3A_682 = arith.constant -32 : i32
      %and3A_683 = vector.broadcast %and3A_682 : i32 to vector<16xi32>
      %and3A_684 = arith.andi %get3A_678, %and3A_683 : vector<16xi32>
      %bitcast3A_685 = vector.bitcast %and3A_684 : vector<16xi32> to vector<16xf32>
      tpu.vector_store_idx %arg6[%iota3A, %and3A_681], %bitcast3A_685 {add = true} : memref<16x32xf32, #tpu.memory_space<vmem>>[vector<16xi32>, vector<16xi32>], vector<16xf32>,
      %get3A_686 = arith.index_cast %scan3A_417 : i32 to index
      %get3A_687 = arith.constant 432 : index
      %get3A_688 = tpu.vector_load %arg5[%get3A_686, %get3A_687] {strides = array<i32>} : memref<16x512xi32, #tpu.memory_space<vmem>>, vector<16xi32>,
      %and3A_689 = arith.constant 31 : i32
      %and3A_690 = vector.broadcast %and3A_689 : i32 to vector<16xi32>
      %and3A_691 = arith.andi %get3A_688, %and3A_690 : vector<16xi32>
      %and3A_692 = arith.constant -32 : i32
      %and3A_693 = vector.broadcast %and3A_692 : i32 to vector<16xi32>
      %and3A_694 = arith.andi %get3A_688, %and3A_693 : vector<16xi32>
      %bitcast3A_695 = vector.bitcast %and3A_694 : vector<16xi32> to vector<16xf32>
      tpu.vector_store_idx %arg6[%iota3A, %and3A_691], %bitcast3A_695 {add = true} : memref<16x32xf32, #tpu.memory_space<vmem>>[vector<16xi32>, vector<16xi32>], vector<16xf32>,
      %get3A_696 = arith.index_cast %scan3A_417 : i32 to index
      %get3A_697 = arith.constant 448 : index
      %get3A_698 = tpu.vector_load %arg5[%get3A_696, %get3A_697] {strides = array<i32>} : memref<16x512xi32, #tpu.memory_space<vmem>>, vector<16xi32>,
      %and3A_699 = arith.constant 31 : i32
      %and3A_700 = vector.broadcast %and3A_699 : i32 to vector<16xi32>
      %and3A_701 = arith.andi %get3A_698, %and3A_700 : vector<16xi32>
      %and3A_702 = arith.constant -32 : i32
      %and3A_703 = vector.broadcast %and3A_702 : i32 to vector<16xi32>
      %and3A_704 = arith.andi %get3A_698, %and3A_703 : vector<16xi32>
      %bitcast3A_705 = vector.bitcast %and3A_704 : vector<16xi32> to vector<16xf32>
      tpu.vector_store_idx %arg6[%iota3A, %and3A_701], %bitcast3A_705 {add = true} : memref<16x32xf32, #tpu.memory_space<vmem>>[vector<16xi32>, vector<16xi32>], vector<16xf32>,
      %get3A_706 = arith.index_cast %scan3A_417 : i32 to index
      %get3A_707 = arith.constant 464 : index
      %get3A_708 = tpu.vector_load %arg5[%get3A_706, %get3A_707] {strides = array<i32>} : memref<16x512xi32, #tpu.memory_space<vmem>>, vector<16xi32>,
      %and3A_709 = arith.constant 31 : i32
      %and3A_710 = vector.broadcast %and3A_709 : i32 to vector<16xi32>
      %and3A_711 = arith.andi %get3A_708, %and3A_710 : vector<16xi32>
      %and3A_712 = arith.constant -32 : i32
      %and3A_713 = vector.broadcast %and3A_712 : i32 to vector<16xi32>
      %and3A_714 = arith.andi %get3A_708, %and3A_713 : vector<16xi32>
      %bitcast3A_715 = vector.bitcast %and3A_714 : vector<16xi32> to vector<16xf32>
      tpu.vector_store_idx %arg6[%iota3A, %and3A_711], %bitcast3A_715 {add = true} : memref<16x32xf32, #tpu.memory_space<vmem>>[vector<16xi32>, vector<16xi32>], vector<16xf32>,
      %get3A_716 = arith.index_cast %scan3A_417 : i32 to index
      %get3A_717 = arith.constant 480 : index
      %get3A_718 = tpu.vector_load %arg5[%get3A_716, %get3A_717] {strides = array<i32>} : memref<16x512xi32, #tpu.memory_space<vmem>>, vector<16xi32>,
      %and3A_719 = arith.constant 31 : i32
      %and3A_720 = vector.broadcast %and3A_719 : i32 to vector<16xi32>
      %and3A_721 = arith.andi %get3A_718, %and3A_720 : vector<16xi32>
      %and3A_722 = arith.constant -32 : i32
      %and3A_723 = vector.broadcast %and3A_722 : i32 to vector<16xi32>
      %and3A_724 = arith.andi %get3A_718, %and3A_723 : vector<16xi32>
      %bitcast3A_725 = vector.bitcast %and3A_724 : vector<16xi32> to vector<16xf32>
      tpu.vector_store_idx %arg6[%iota3A, %and3A_721], %bitcast3A_725 {add = true} : memref<16x32xf32, #tpu.memory_space<vmem>>[vector<16xi32>, vector<16xi32>], vector<16xf32>,
      %get3A_726 = arith.index_cast %scan3A_417 : i32 to index
      %get3A_727 = arith.constant 496 : index
      %get3A_728 = tpu.vector_load %arg5[%get3A_726, %get3A_727] {strides = array<i32>} : memref<16x512xi32, #tpu.memory_space<vmem>>, vector<16xi32>,
      %and3A_729 = arith.constant 31 : i32
      %and3A_730 = vector.broadcast %and3A_729 : i32 to vector<16xi32>
      %and3A_731 = arith.andi %get3A_728, %and3A_730 : vector<16xi32>
      %and3A_732 = arith.constant -32 : i32
      %and3A_733 = vector.broadcast %and3A_732 : i32 to vector<16xi32>
      %and3A_734 = arith.andi %get3A_728, %and3A_733 : vector<16xi32>
      %bitcast3A_735 = vector.bitcast %and3A_734 : vector<16xi32> to vector<16xf32>
      tpu.vector_store_idx %arg6[%iota3A, %and3A_731], %bitcast3A_735 {add = true} : memref<16x32xf32, #tpu.memory_space<vmem>>[vector<16xi32>, vector<16xi32>], vector<16xf32>,
    }
    %scan3A_231 = arith.constant 16 : i32
    %dma_start3A_232 = arith.constant 0 : i32
    %dma_start3A_233 = tpu.memref_slice %arg2[%add3A_146, %dma_start3A_232] : memref<4096x512xi32, #tpu.memory_space<hbm>> -> memref<16x512xi32, #tpu.memory_space<hbm>>
    %dma_start3A_234 = arith.constant 0 : i32
    %dma_start3A_235 = tpu.memref_slice %arg2[%add3A_146, %dma_start3A_234] : memref<4096x512xi32, #tpu.memory_space<hbm>> -> memref<16x512xi32, #tpu.memory_space<hbm>>
    tpu.enqueue_dma source(%dma_start3A_235 : memref<16x512xi32, #tpu.memory_space<hbm>>) target(%arg5 : memref<16x512xi32, #tpu.memory_space<vmem>>) target_semaphore(%arg9 : memref<!tpu.dma_semaphore, #tpu.memory_space<semaphore_mem>>)
    %dma_wait3A_236 = arith.constant 0 : i32
    %dma_wait3A_237 = tpu.memref_slice %arg2[%add3A_144, %dma_wait3A_236] : memref<4096x512xi32, #tpu.memory_space<hbm>> -> memref<16x512xi32, #tpu.memory_space<hbm>>
    %dma_wait3A_238 = arith.constant 0 : i32
    %dma_wait3A_239 = tpu.memref_slice %arg2[%add3A_144, %dma_wait3A_238] : memref<4096x512xi32, #tpu.memory_space<hbm>> -> memref<16x512xi32, #tpu.memory_space<hbm>>
    tpu.wait_dma2 semaphore(%arg8 : memref<!tpu.dma_semaphore, #tpu.memory_space<semaphore_mem>>) src(%dma_wait3A_239 : memref<16x512xi32, #tpu.memory_space<hbm>>) dst(%arg4 : memref<16x512xi32, #tpu.memory_space<vmem>>)
    %scan3A_240 = arith.constant 0 : i32
    %scan3A_241 = arith.constant 0 : i32
    %scan3A_242 = arith.constant 16 : i32
    %scan3A_243 = arith.addi %scan3A_241, %scan3A_242 : i32
    %scan3A_244 = arith.constant 1 : i32
    scf.for %scan3A_417 = %scan3A_241 to %scan3A_243 step %scan3A_244  : i32 {
      %get3A_418 = arith.index_cast %scan3A_417 : i32 to index
      %get3A_419 = arith.constant 0 : index
      %get3A_420 = tpu.vector_load %arg4[%get3A_418, %get3A_419] {strides = array<i32>} : memref<16x512xi32, #tpu.memory_space<vmem>>, vector<16xi32>,
      %and3A = arith.constant 31 : i32
      %and3A_421 = vector.broadcast %and3A : i32 to vector<16xi32>
      %and3A_422 = arith.andi %get3A_420, %and3A_421 : vector<16xi32>
      %and3A_423 = arith.constant -32 : i32
      %and3A_424 = vector.broadcast %and3A_423 : i32 to vector<16xi32>
      %and3A_425 = arith.andi %get3A_420, %and3A_424 : vector<16xi32>
      %bitcast3A = vector.bitcast %and3A_425 : vector<16xi32> to vector<16xf32>
      tpu.vector_store_idx %arg6[%iota3A, %and3A_422], %bitcast3A {add = true} : memref<16x32xf32, #tpu.memory_space<vmem>>[vector<16xi32>, vector<16xi32>], vector<16xf32>,
      %get3A_426 = arith.index_cast %scan3A_417 : i32 to index
      %get3A_427 = arith.constant 16 : index
      %get3A_428 = tpu.vector_load %arg4[%get3A_426, %get3A_427] {strides = array<i32>} : memref<16x512xi32, #tpu.memory_space<vmem>>, vector<16xi32>,
      %and3A_429 = arith.constant 31 : i32
      %and3A_430 = vector.broadcast %and3A_429 : i32 to vector<16xi32>
      %and3A_431 = arith.andi %get3A_428, %and3A_430 : vector<16xi32>
      %and3A_432 = arith.constant -32 : i32
      %and3A_433 = vector.broadcast %and3A_432 : i32 to vector<16xi32>
      %and3A_434 = arith.andi %get3A_428, %and3A_433 : vector<16xi32>
      %bitcast3A_435 = vector.bitcast %and3A_434 : vector<16xi32> to vector<16xf32>
      tpu.vector_store_idx %arg6[%iota3A, %and3A_431], %bitcast3A_435 {add = true} : memref<16x32xf32, #tpu.memory_space<vmem>>[vector<16xi32>, vector<16xi32>], vector<16xf32>,
      %get3A_436 = arith.index_cast %scan3A_417 : i32 to index
      %get3A_437 = arith.constant 32 : index
      %get3A_438 = tpu.vector_load %arg4[%get3A_436, %get3A_437] {strides = array<i32>} : memref<16x512xi32, #tpu.memory_space<vmem>>, vector<16xi32>,
      %and3A_439 = arith.constant 31 : i32
      %and3A_440 = vector.broadcast %and3A_439 : i32 to vector<16xi32>
      %and3A_441 = arith.andi %get3A_438, %and3A_440 : vector<16xi32>
      %and3A_442 = arith.constant -32 : i32
      %and3A_443 = vector.broadcast %and3A_442 : i32 to vector<16xi32>
      %and3A_444 = arith.andi %get3A_438, %and3A_443 : vector<16xi32>
      %bitcast3A_445 = vector.bitcast %and3A_444 : vector<16xi32> to vector<16xf32>
      tpu.vector_store_idx %arg6[%iota3A, %and3A_441], %bitcast3A_445 {add = true} : memref<16x32xf32, #tpu.memory_space<vmem>>[vector<16xi32>, vector<16xi32>], vector<16xf32>,
      %get3A_446 = arith.index_cast %scan3A_417 : i32 to index
      %get3A_447 = arith.constant 48 : index
      %get3A_448 = tpu.vector_load %arg4[%get3A_446, %get3A_447] {strides = array<i32>} : memref<16x512xi32, #tpu.memory_space<vmem>>, vector<16xi32>,
      %and3A_449 = arith.constant 31 : i32
      %and3A_450 = vector.broadcast %and3A_449 : i32 to vector<16xi32>
      %and3A_451 = arith.andi %get3A_448, %and3A_450 : vector<16xi32>
      %and3A_452 = arith.constant -32 : i32
      %and3A_453 = vector.broadcast %and3A_452 : i32 to vector<16xi32>
      %and3A_454 = arith.andi %get3A_448, %and3A_453 : vector<16xi32>
      %bitcast3A_455 = vector.bitcast %and3A_454 : vector<16xi32> to vector<16xf32>
      tpu.vector_store_idx %arg6[%iota3A, %and3A_451], %bitcast3A_455 {add = true} : memref<16x32xf32, #tpu.memory_space<vmem>>[vector<16xi32>, vector<16xi32>], vector<16xf32>,
      %get3A_456 = arith.index_cast %scan3A_417 : i32 to index
      %get3A_457 = arith.constant 64 : index
      %get3A_458 = tpu.vector_load %arg4[%get3A_456, %get3A_457] {strides = array<i32>} : memref<16x512xi32, #tpu.memory_space<vmem>>, vector<16xi32>,
      %and3A_459 = arith.constant 31 : i32
      %and3A_460 = vector.broadcast %and3A_459 : i32 to vector<16xi32>
      %and3A_461 = arith.andi %get3A_458, %and3A_460 : vector<16xi32>
      %and3A_462 = arith.constant -32 : i32
      %and3A_463 = vector.broadcast %and3A_462 : i32 to vector<16xi32>
      %and3A_464 = arith.andi %get3A_458, %and3A_463 : vector<16xi32>
      %bitcast3A_465 = vector.bitcast %and3A_464 : vector<16xi32> to vector<16xf32>
      tpu.vector_store_idx %arg6[%iota3A, %and3A_461], %bitcast3A_465 {add = true} : memref<16x32xf32, #tpu.memory_space<vmem>>[vector<16xi32>, vector<16xi32>], vector<16xf32>,
      %get3A_466 = arith.index_cast %scan3A_417 : i32 to index
      %get3A_467 = arith.constant 80 : index
      %get3A_468 = tpu.vector_load %arg4[%get3A_466, %get3A_467] {strides = array<i32>} : memref<16x512xi32, #tpu.memory_space<vmem>>, vector<16xi32>,
      %and3A_469 = arith.constant 31 : i32
      %and3A_470 = vector.broadcast %and3A_469 : i32 to vector<16xi32>
      %and3A_471 = arith.andi %get3A_468, %and3A_470 : vector<16xi32>
      %and3A_472 = arith.constant -32 : i32
      %and3A_473 = vector.broadcast %and3A_472 : i32 to vector<16xi32>
      %and3A_474 = arith.andi %get3A_468, %and3A_473 : vector<16xi32>
      %bitcast3A_475 = vector.bitcast %and3A_474 : vector<16xi32> to vector<16xf32>
      tpu.vector_store_idx %arg6[%iota3A, %and3A_471], %bitcast3A_475 {add = true} : memref<16x32xf32, #tpu.memory_space<vmem>>[vector<16xi32>, vector<16xi32>], vector<16xf32>,
      %get3A_476 = arith.index_cast %scan3A_417 : i32 to index
      %get3A_477 = arith.constant 96 : index
      %get3A_478 = tpu.vector_load %arg4[%get3A_476, %get3A_477] {strides = array<i32>} : memref<16x512xi32, #tpu.memory_space<vmem>>, vector<16xi32>,
      %and3A_479 = arith.constant 31 : i32
      %and3A_480 = vector.broadcast %and3A_479 : i32 to vector<16xi32>
      %and3A_481 = arith.andi %get3A_478, %and3A_480 : vector<16xi32>
      %and3A_482 = arith.constant -32 : i32
      %and3A_483 = vector.broadcast %and3A_482 : i32 to vector<16xi32>
      %and3A_484 = arith.andi %get3A_478, %and3A_483 : vector<16xi32>
      %bitcast3A_485 = vector.bitcast %and3A_484 : vector<16xi32> to vector<16xf32>
      tpu.vector_store_idx %arg6[%iota3A, %and3A_481], %bitcast3A_485 {add = true} : memref<16x32xf32, #tpu.memory_space<vmem>>[vector<16xi32>, vector<16xi32>], vector<16xf32>,
      %get3A_486 = arith.index_cast %scan3A_417 : i32 to index
      %get3A_487 = arith.constant 112 : index
      %get3A_488 = tpu.vector_load %arg4[%get3A_486, %get3A_487] {strides = array<i32>} : memref<16x512xi32, #tpu.memory_space<vmem>>, vector<16xi32>,
      %and3A_489 = arith.constant 31 : i32
      %and3A_490 = vector.broadcast %and3A_489 : i32 to vector<16xi32>
      %and3A_491 = arith.andi %get3A_488, %and3A_490 : vector<16xi32>
      %and3A_492 = arith.constant -32 : i32
      %and3A_493 = vector.broadcast %and3A_492 : i32 to vector<16xi32>
      %and3A_494 = arith.andi %get3A_488, %and3A_493 : vector<16xi32>
      %bitcast3A_495 = vector.bitcast %and3A_494 : vector<16xi32> to vector<16xf32>
      tpu.vector_store_idx %arg6[%iota3A, %and3A_491], %bitcast3A_495 {add = true} : memref<16x32xf32, #tpu.memory_space<vmem>>[vector<16xi32>, vector<16xi32>], vector<16xf32>,
      %get3A_496 = arith.index_cast %scan3A_417 : i32 to index
      %get3A_497 = arith.constant 128 : index
      %get3A_498 = tpu.vector_load %arg4[%get3A_496, %get3A_497] {strides = array<i32>} : memref<16x512xi32, #tpu.memory_space<vmem>>, vector<16xi32>,
      %and3A_499 = arith.constant 31 : i32
      %and3A_500 = vector.broadcast %and3A_499 : i32 to vector<16xi32>
      %and3A_501 = arith.andi %get3A_498, %and3A_500 : vector<16xi32>
      %and3A_502 = arith.constant -32 : i32
      %and3A_503 = vector.broadcast %and3A_502 : i32 to vector<16xi32>
      %and3A_504 = arith.andi %get3A_498, %and3A_503 : vector<16xi32>
      %bitcast3A_505 = vector.bitcast %and3A_504 : vector<16xi32> to vector<16xf32>
      tpu.vector_store_idx %arg6[%iota3A, %and3A_501], %bitcast3A_505 {add = true} : memref<16x32xf32, #tpu.memory_space<vmem>>[vector<16xi32>, vector<16xi32>], vector<16xf32>,
      %get3A_506 = arith.index_cast %scan3A_417 : i32 to index
      %get3A_507 = arith.constant 144 : index
      %get3A_508 = tpu.vector_load %arg4[%get3A_506, %get3A_507] {strides = array<i32>} : memref<16x512xi32, #tpu.memory_space<vmem>>, vector<16xi32>,
      %and3A_509 = arith.constant 31 : i32
      %and3A_510 = vector.broadcast %and3A_509 : i32 to vector<16xi32>
      %and3A_511 = arith.andi %get3A_508, %and3A_510 : vector<16xi32>
      %and3A_512 = arith.constant -32 : i32
      %and3A_513 = vector.broadcast %and3A_512 : i32 to vector<16xi32>
      %and3A_514 = arith.andi %get3A_508, %and3A_513 : vector<16xi32>
      %bitcast3A_515 = vector.bitcast %and3A_514 : vector<16xi32> to vector<16xf32>
      tpu.vector_store_idx %arg6[%iota3A, %and3A_511], %bitcast3A_515 {add = true} : memref<16x32xf32, #tpu.memory_space<vmem>>[vector<16xi32>, vector<16xi32>], vector<16xf32>,
      %get3A_516 = arith.index_cast %scan3A_417 : i32 to index
      %get3A_517 = arith.constant 160 : index
      %get3A_518 = tpu.vector_load %arg4[%get3A_516, %get3A_517] {strides = array<i32>} : memref<16x512xi32, #tpu.memory_space<vmem>>, vector<16xi32>,
      %and3A_519 = arith.constant 31 : i32
      %and3A_520 = vector.broadcast %and3A_519 : i32 to vector<16xi32>
      %and3A_521 = arith.andi %get3A_518, %and3A_520 : vector<16xi32>
      %and3A_522 = arith.constant -32 : i32
      %and3A_523 = vector.broadcast %and3A_522 : i32 to vector<16xi32>
      %and3A_524 = arith.andi %get3A_518, %and3A_523 : vector<16xi32>
      %bitcast3A_525 = vector.bitcast %and3A_524 : vector<16xi32> to vector<16xf32>
      tpu.vector_store_idx %arg6[%iota3A, %and3A_521], %bitcast3A_525 {add = true} : memref<16x32xf32, #tpu.memory_space<vmem>>[vector<16xi32>, vector<16xi32>], vector<16xf32>,
      %get3A_526 = arith.index_cast %scan3A_417 : i32 to index
      %get3A_527 = arith.constant 176 : index
      %get3A_528 = tpu.vector_load %arg4[%get3A_526, %get3A_527] {strides = array<i32>} : memref<16x512xi32, #tpu.memory_space<vmem>>, vector<16xi32>,
      %and3A_529 = arith.constant 31 : i32
      %and3A_530 = vector.broadcast %and3A_529 : i32 to vector<16xi32>
      %and3A_531 = arith.andi %get3A_528, %and3A_530 : vector<16xi32>
      %and3A_532 = arith.constant -32 : i32
      %and3A_533 = vector.broadcast %and3A_532 : i32 to vector<16xi32>
      %and3A_534 = arith.andi %get3A_528, %and3A_533 : vector<16xi32>
      %bitcast3A_535 = vector.bitcast %and3A_534 : vector<16xi32> to vector<16xf32>
      tpu.vector_store_idx %arg6[%iota3A, %and3A_531], %bitcast3A_535 {add = true} : memref<16x32xf32, #tpu.memory_space<vmem>>[vector<16xi32>, vector<16xi32>], vector<16xf32>,
      %get3A_536 = arith.index_cast %scan3A_417 : i32 to index
      %get3A_537 = arith.constant 192 : index
      %get3A_538 = tpu.vector_load %arg4[%get3A_536, %get3A_537] {strides = array<i32>} : memref<16x512xi32, #tpu.memory_space<vmem>>, vector<16xi32>,
      %and3A_539 = arith.constant 31 : i32
      %and3A_540 = vector.broadcast %and3A_539 : i32 to vector<16xi32>
      %and3A_541 = arith.andi %get3A_538, %and3A_540 : vector<16xi32>
      %and3A_542 = arith.constant -32 : i32
      %and3A_543 = vector.broadcast %and3A_542 : i32 to vector<16xi32>
      %and3A_544 = arith.andi %get3A_538, %and3A_543 : vector<16xi32>
      %bitcast3A_545 = vector.bitcast %and3A_544 : vector<16xi32> to vector<16xf32>
      tpu.vector_store_idx %arg6[%iota3A, %and3A_541], %bitcast3A_545 {add = true} : memref<16x32xf32, #tpu.memory_space<vmem>>[vector<16xi32>, vector<16xi32>], vector<16xf32>,
      %get3A_546 = arith.index_cast %scan3A_417 : i32 to index
      %get3A_547 = arith.constant 208 : index
      %get3A_548 = tpu.vector_load %arg4[%get3A_546, %get3A_547] {strides = array<i32>} : memref<16x512xi32, #tpu.memory_space<vmem>>, vector<16xi32>,
      %and3A_549 = arith.constant 31 : i32
      %and3A_550 = vector.broadcast %and3A_549 : i32 to vector<16xi32>
      %and3A_551 = arith.andi %get3A_548, %and3A_550 : vector<16xi32>
      %and3A_552 = arith.constant -32 : i32
      %and3A_553 = vector.broadcast %and3A_552 : i32 to vector<16xi32>
      %and3A_554 = arith.andi %get3A_548, %and3A_553 : vector<16xi32>
      %bitcast3A_555 = vector.bitcast %and3A_554 : vector<16xi32> to vector<16xf32>
      tpu.vector_store_idx %arg6[%iota3A, %and3A_551], %bitcast3A_555 {add = true} : memref<16x32xf32, #tpu.memory_space<vmem>>[vector<16xi32>, vector<16xi32>], vector<16xf32>,
      %get3A_556 = arith.index_cast %scan3A_417 : i32 to index
      %get3A_557 = arith.constant 224 : index
      %get3A_558 = tpu.vector_load %arg4[%get3A_556, %get3A_557] {strides = array<i32>} : memref<16x512xi32, #tpu.memory_space<vmem>>, vector<16xi32>,
      %and3A_559 = arith.constant 31 : i32
      %and3A_560 = vector.broadcast %and3A_559 : i32 to vector<16xi32>
      %and3A_561 = arith.andi %get3A_558, %and3A_560 : vector<16xi32>
      %and3A_562 = arith.constant -32 : i32
      %and3A_563 = vector.broadcast %and3A_562 : i32 to vector<16xi32>
      %and3A_564 = arith.andi %get3A_558, %and3A_563 : vector<16xi32>
      %bitcast3A_565 = vector.bitcast %and3A_564 : vector<16xi32> to vector<16xf32>
      tpu.vector_store_idx %arg6[%iota3A, %and3A_561], %bitcast3A_565 {add = true} : memref<16x32xf32, #tpu.memory_space<vmem>>[vector<16xi32>, vector<16xi32>], vector<16xf32>,
      %get3A_566 = arith.index_cast %scan3A_417 : i32 to index
      %get3A_567 = arith.constant 240 : index
      %get3A_568 = tpu.vector_load %arg4[%get3A_566, %get3A_567] {strides = array<i32>} : memref<16x512xi32, #tpu.memory_space<vmem>>, vector<16xi32>,
      %and3A_569 = arith.constant 31 : i32
      %and3A_570 = vector.broadcast %and3A_569 : i32 to vector<16xi32>
      %and3A_571 = arith.andi %get3A_568, %and3A_570 : vector<16xi32>
      %and3A_572 = arith.constant -32 : i32
      %and3A_573 = vector.broadcast %and3A_572 : i32 to vector<16xi32>
      %and3A_574 = arith.andi %get3A_568, %and3A_573 : vector<16xi32>
      %bitcast3A_575 = vector.bitcast %and3A_574 : vector<16xi32> to vector<16xf32>
      tpu.vector_store_idx %arg6[%iota3A, %and3A_571], %bitcast3A_575 {add = true} : memref<16x32xf32, #tpu.memory_space<vmem>>[vector<16xi32>, vector<16xi32>], vector<16xf32>,
      %get3A_576 = arith.index_cast %scan3A_417 : i32 to index
      %get3A_577 = arith.constant 256 : index
      %get3A_578 = tpu.vector_load %arg4[%get3A_576, %get3A_577] {strides = array<i32>} : memref<16x512xi32, #tpu.memory_space<vmem>>, vector<16xi32>,
      %and3A_579 = arith.constant 31 : i32
      %and3A_580 = vector.broadcast %and3A_579 : i32 to vector<16xi32>
      %and3A_581 = arith.andi %get3A_578, %and3A_580 : vector<16xi32>
      %and3A_582 = arith.constant -32 : i32
      %and3A_583 = vector.broadcast %and3A_582 : i32 to vector<16xi32>
      %and3A_584 = arith.andi %get3A_578, %and3A_583 : vector<16xi32>
      %bitcast3A_585 = vector.bitcast %and3A_584 : vector<16xi32> to vector<16xf32>
      tpu.vector_store_idx %arg6[%iota3A, %and3A_581], %bitcast3A_585 {add = true} : memref<16x32xf32, #tpu.memory_space<vmem>>[vector<16xi32>, vector<16xi32>], vector<16xf32>,
      %get3A_586 = arith.index_cast %scan3A_417 : i32 to index
      %get3A_587 = arith.constant 272 : index
      %get3A_588 = tpu.vector_load %arg4[%get3A_586, %get3A_587] {strides = array<i32>} : memref<16x512xi32, #tpu.memory_space<vmem>>, vector<16xi32>,
      %and3A_589 = arith.constant 31 : i32
      %and3A_590 = vector.broadcast %and3A_589 : i32 to vector<16xi32>
      %and3A_591 = arith.andi %get3A_588, %and3A_590 : vector<16xi32>
      %and3A_592 = arith.constant -32 : i32
      %and3A_593 = vector.broadcast %and3A_592 : i32 to vector<16xi32>
      %and3A_594 = arith.andi %get3A_588, %and3A_593 : vector<16xi32>
      %bitcast3A_595 = vector.bitcast %and3A_594 : vector<16xi32> to vector<16xf32>
      tpu.vector_store_idx %arg6[%iota3A, %and3A_591], %bitcast3A_595 {add = true} : memref<16x32xf32, #tpu.memory_space<vmem>>[vector<16xi32>, vector<16xi32>], vector<16xf32>,
      %get3A_596 = arith.index_cast %scan3A_417 : i32 to index
      %get3A_597 = arith.constant 288 : index
      %get3A_598 = tpu.vector_load %arg4[%get3A_596, %get3A_597] {strides = array<i32>} : memref<16x512xi32, #tpu.memory_space<vmem>>, vector<16xi32>,
      %and3A_599 = arith.constant 31 : i32
      %and3A_600 = vector.broadcast %and3A_599 : i32 to vector<16xi32>
      %and3A_601 = arith.andi %get3A_598, %and3A_600 : vector<16xi32>
      %and3A_602 = arith.constant -32 : i32
      %and3A_603 = vector.broadcast %and3A_602 : i32 to vector<16xi32>
      %and3A_604 = arith.andi %get3A_598, %and3A_603 : vector<16xi32>
      %bitcast3A_605 = vector.bitcast %and3A_604 : vector<16xi32> to vector<16xf32>
      tpu.vector_store_idx %arg6[%iota3A, %and3A_601], %bitcast3A_605 {add = true} : memref<16x32xf32, #tpu.memory_space<vmem>>[vector<16xi32>, vector<16xi32>], vector<16xf32>,
      %get3A_606 = arith.index_cast %scan3A_417 : i32 to index
      %get3A_607 = arith.constant 304 : index
      %get3A_608 = tpu.vector_load %arg4[%get3A_606, %get3A_607] {strides = array<i32>} : memref<16x512xi32, #tpu.memory_space<vmem>>, vector<16xi32>,
      %and3A_609 = arith.constant 31 : i32
      %and3A_610 = vector.broadcast %and3A_609 : i32 to vector<16xi32>
      %and3A_611 = arith.andi %get3A_608, %and3A_610 : vector<16xi32>
      %and3A_612 = arith.constant -32 : i32
      %and3A_613 = vector.broadcast %and3A_612 : i32 to vector<16xi32>
      %and3A_614 = arith.andi %get3A_608, %and3A_613 : vector<16xi32>
      %bitcast3A_615 = vector.bitcast %and3A_614 : vector<16xi32> to vector<16xf32>
      tpu.vector_store_idx %arg6[%iota3A, %and3A_611], %bitcast3A_615 {add = true} : memref<16x32xf32, #tpu.memory_space<vmem>>[vector<16xi32>, vector<16xi32>], vector<16xf32>,
      %get3A_616 = arith.index_cast %scan3A_417 : i32 to index
      %get3A_617 = arith.constant 320 : index
      %get3A_618 = tpu.vector_load %arg4[%get3A_616, %get3A_617] {strides = array<i32>} : memref<16x512xi32, #tpu.memory_space<vmem>>, vector<16xi32>,
      %and3A_619 = arith.constant 31 : i32
      %and3A_620 = vector.broadcast %and3A_619 : i32 to vector<16xi32>
      %and3A_621 = arith.andi %get3A_618, %and3A_620 : vector<16xi32>
      %and3A_622 = arith.constant -32 : i32
      %and3A_623 = vector.broadcast %and3A_622 : i32 to vector<16xi32>
      %and3A_624 = arith.andi %get3A_618, %and3A_623 : vector<16xi32>
      %bitcast3A_625 = vector.bitcast %and3A_624 : vector<16xi32> to vector<16xf32>
      tpu.vector_store_idx %arg6[%iota3A, %and3A_621], %bitcast3A_625 {add = true} : memref<16x32xf32, #tpu.memory_space<vmem>>[vector<16xi32>, vector<16xi32>], vector<16xf32>,
      %get3A_626 = arith.index_cast %scan3A_417 : i32 to index
      %get3A_627 = arith.constant 336 : index
      %get3A_628 = tpu.vector_load %arg4[%get3A_626, %get3A_627] {strides = array<i32>} : memref<16x512xi32, #tpu.memory_space<vmem>>, vector<16xi32>,
      %and3A_629 = arith.constant 31 : i32
      %and3A_630 = vector.broadcast %and3A_629 : i32 to vector<16xi32>
      %and3A_631 = arith.andi %get3A_628, %and3A_630 : vector<16xi32>
      %and3A_632 = arith.constant -32 : i32
      %and3A_633 = vector.broadcast %and3A_632 : i32 to vector<16xi32>
      %and3A_634 = arith.andi %get3A_628, %and3A_633 : vector<16xi32>
      %bitcast3A_635 = vector.bitcast %and3A_634 : vector<16xi32> to vector<16xf32>
      tpu.vector_store_idx %arg6[%iota3A, %and3A_631], %bitcast3A_635 {add = true} : memref<16x32xf32, #tpu.memory_space<vmem>>[vector<16xi32>, vector<16xi32>], vector<16xf32>,
      %get3A_636 = arith.index_cast %scan3A_417 : i32 to index
      %get3A_637 = arith.constant 352 : index
      %get3A_638 = tpu.vector_load %arg4[%get3A_636, %get3A_637] {strides = array<i32>} : memref<16x512xi32, #tpu.memory_space<vmem>>, vector<16xi32>,
      %and3A_639 = arith.constant 31 : i32
      %and3A_640 = vector.broadcast %and3A_639 : i32 to vector<16xi32>
      %and3A_641 = arith.andi %get3A_638, %and3A_640 : vector<16xi32>
      %and3A_642 = arith.constant -32 : i32
      %and3A_643 = vector.broadcast %and3A_642 : i32 to vector<16xi32>
      %and3A_644 = arith.andi %get3A_638, %and3A_643 : vector<16xi32>
      %bitcast3A_645 = vector.bitcast %and3A_644 : vector<16xi32> to vector<16xf32>
      tpu.vector_store_idx %arg6[%iota3A, %and3A_641], %bitcast3A_645 {add = true} : memref<16x32xf32, #tpu.memory_space<vmem>>[vector<16xi32>, vector<16xi32>], vector<16xf32>,
      %get3A_646 = arith.index_cast %scan3A_417 : i32 to index
      %get3A_647 = arith.constant 368 : index
      %get3A_648 = tpu.vector_load %arg4[%get3A_646, %get3A_647] {strides = array<i32>} : memref<16x512xi32, #tpu.memory_space<vmem>>, vector<16xi32>,
      %and3A_649 = arith.constant 31 : i32
      %and3A_650 = vector.broadcast %and3A_649 : i32 to vector<16xi32>
      %and3A_651 = arith.andi %get3A_648, %and3A_650 : vector<16xi32>
      %and3A_652 = arith.constant -32 : i32
      %and3A_653 = vector.broadcast %and3A_652 : i32 to vector<16xi32>
      %and3A_654 = arith.andi %get3A_648, %and3A_653 : vector<16xi32>
      %bitcast3A_655 = vector.bitcast %and3A_654 : vector<16xi32> to vector<16xf32>
      tpu.vector_store_idx %arg6[%iota3A, %and3A_651], %bitcast3A_655 {add = true} : memref<16x32xf32, #tpu.memory_space<vmem>>[vector<16xi32>, vector<16xi32>], vector<16xf32>,
      %get3A_656 = arith.index_cast %scan3A_417 : i32 to index
      %get3A_657 = arith.constant 384 : index
      %get3A_658 = tpu.vector_load %arg4[%get3A_656, %get3A_657] {strides = array<i32>} : memref<16x512xi32, #tpu.memory_space<vmem>>, vector<16xi32>,
      %and3A_659 = arith.constant 31 : i32
      %and3A_660 = vector.broadcast %and3A_659 : i32 to vector<16xi32>
      %and3A_661 = arith.andi %get3A_658, %and3A_660 : vector<16xi32>
      %and3A_662 = arith.constant -32 : i32
      %and3A_663 = vector.broadcast %and3A_662 : i32 to vector<16xi32>
      %and3A_664 = arith.andi %get3A_658, %and3A_663 : vector<16xi32>
      %bitcast3A_665 = vector.bitcast %and3A_664 : vector<16xi32> to vector<16xf32>
      tpu.vector_store_idx %arg6[%iota3A, %and3A_661], %bitcast3A_665 {add = true} : memref<16x32xf32, #tpu.memory_space<vmem>>[vector<16xi32>, vector<16xi32>], vector<16xf32>,
      %get3A_666 = arith.index_cast %scan3A_417 : i32 to index
      %get3A_667 = arith.constant 400 : index
      %get3A_668 = tpu.vector_load %arg4[%get3A_666, %get3A_667] {strides = array<i32>} : memref<16x512xi32, #tpu.memory_space<vmem>>, vector<16xi32>,
      %and3A_669 = arith.constant 31 : i32
      %and3A_670 = vector.broadcast %and3A_669 : i32 to vector<16xi32>
      %and3A_671 = arith.andi %get3A_668, %and3A_670 : vector<16xi32>
      %and3A_672 = arith.constant -32 : i32
      %and3A_673 = vector.broadcast %and3A_672 : i32 to vector<16xi32>
      %and3A_674 = arith.andi %get3A_668, %and3A_673 : vector<16xi32>
      %bitcast3A_675 = vector.bitcast %and3A_674 : vector<16xi32> to vector<16xf32>
      tpu.vector_store_idx %arg6[%iota3A, %and3A_671], %bitcast3A_675 {add = true} : memref<16x32xf32, #tpu.memory_space<vmem>>[vector<16xi32>, vector<16xi32>], vector<16xf32>,
      %get3A_676 = arith.index_cast %scan3A_417 : i32 to index
      %get3A_677 = arith.constant 416 : index
      %get3A_678 = tpu.vector_load %arg4[%get3A_676, %get3A_677] {strides = array<i32>} : memref<16x512xi32, #tpu.memory_space<vmem>>, vector<16xi32>,
      %and3A_679 = arith.constant 31 : i32
      %and3A_680 = vector.broadcast %and3A_679 : i32 to vector<16xi32>
      %and3A_681 = arith.andi %get3A_678, %and3A_680 : vector<16xi32>
      %and3A_682 = arith.constant -32 : i32
      %and3A_683 = vector.broadcast %and3A_682 : i32 to vector<16xi32>
      %and3A_684 = arith.andi %get3A_678, %and3A_683 : vector<16xi32>
      %bitcast3A_685 = vector.bitcast %and3A_684 : vector<16xi32> to vector<16xf32>
      tpu.vector_store_idx %arg6[%iota3A, %and3A_681], %bitcast3A_685 {add = true} : memref<16x32xf32, #tpu.memory_space<vmem>>[vector<16xi32>, vector<16xi32>], vector<16xf32>,
      %get3A_686 = arith.index_cast %scan3A_417 : i32 to index
      %get3A_687 = arith.constant 432 : index
      %get3A_688 = tpu.vector_load %arg4[%get3A_686, %get3A_687] {strides = array<i32>} : memref<16x512xi32, #tpu.memory_space<vmem>>, vector<16xi32>,
      %and3A_689 = arith.constant 31 : i32
      %and3A_690 = vector.broadcast %and3A_689 : i32 to vector<16xi32>
      %and3A_691 = arith.andi %get3A_688, %and3A_690 : vector<16xi32>
      %and3A_692 = arith.constant -32 : i32
      %and3A_693 = vector.broadcast %and3A_692 : i32 to vector<16xi32>
      %and3A_694 = arith.andi %get3A_688, %and3A_693 : vector<16xi32>
      %bitcast3A_695 = vector.bitcast %and3A_694 : vector<16xi32> to vector<16xf32>
      tpu.vector_store_idx %arg6[%iota3A, %and3A_691], %bitcast3A_695 {add = true} : memref<16x32xf32, #tpu.memory_space<vmem>>[vector<16xi32>, vector<16xi32>], vector<16xf32>,
      %get3A_696 = arith.index_cast %scan3A_417 : i32 to index
      %get3A_697 = arith.constant 448 : index
      %get3A_698 = tpu.vector_load %arg4[%get3A_696, %get3A_697] {strides = array<i32>} : memref<16x512xi32, #tpu.memory_space<vmem>>, vector<16xi32>,
      %and3A_699 = arith.constant 31 : i32
      %and3A_700 = vector.broadcast %and3A_699 : i32 to vector<16xi32>
      %and3A_701 = arith.andi %get3A_698, %and3A_700 : vector<16xi32>
      %and3A_702 = arith.constant -32 : i32
      %and3A_703 = vector.broadcast %and3A_702 : i32 to vector<16xi32>
      %and3A_704 = arith.andi %get3A_698, %and3A_703 : vector<16xi32>
      %bitcast3A_705 = vector.bitcast %and3A_704 : vector<16xi32> to vector<16xf32>
      tpu.vector_store_idx %arg6[%iota3A, %and3A_701], %bitcast3A_705 {add = true} : memref<16x32xf32, #tpu.memory_space<vmem>>[vector<16xi32>, vector<16xi32>], vector<16xf32>,
      %get3A_706 = arith.index_cast %scan3A_417 : i32 to index
      %get3A_707 = arith.constant 464 : index
      %get3A_708 = tpu.vector_load %arg4[%get3A_706, %get3A_707] {strides = array<i32>} : memref<16x512xi32, #tpu.memory_space<vmem>>, vector<16xi32>,
      %and3A_709 = arith.constant 31 : i32
      %and3A_710 = vector.broadcast %and3A_709 : i32 to vector<16xi32>
      %and3A_711 = arith.andi %get3A_708, %and3A_710 : vector<16xi32>
      %and3A_712 = arith.constant -32 : i32
      %and3A_713 = vector.broadcast %and3A_712 : i32 to vector<16xi32>
      %and3A_714 = arith.andi %get3A_708, %and3A_713 : vector<16xi32>
      %bitcast3A_715 = vector.bitcast %and3A_714 : vector<16xi32> to vector<16xf32>
      tpu.vector_store_idx %arg6[%iota3A, %and3A_711], %bitcast3A_715 {add = true} : memref<16x32xf32, #tpu.memory_space<vmem>>[vector<16xi32>, vector<16xi32>], vector<16xf32>,
      %get3A_716 = arith.index_cast %scan3A_417 : i32 to index
      %get3A_717 = arith.constant 480 : index
      %get3A_718 = tpu.vector_load %arg4[%get3A_716, %get3A_717] {strides = array<i32>} : memref<16x512xi32, #tpu.memory_space<vmem>>, vector<16xi32>,
      %and3A_719 = arith.constant 31 : i32
      %and3A_720 = vector.broadcast %and3A_719 : i32 to vector<16xi32>
      %and3A_721 = arith.andi %get3A_718, %and3A_720 : vector<16xi32>
      %and3A_722 = arith.constant -32 : i32
      %and3A_723 = vector.broadcast %and3A_722 : i32 to vector<16xi32>
      %and3A_724 = arith.andi %get3A_718, %and3A_723 : vector<16xi32>
      %bitcast3A_725 = vector.bitcast %and3A_724 : vector<16xi32> to vector<16xf32>
      tpu.vector_store_idx %arg6[%iota3A, %and3A_721], %bitcast3A_725 {add = true} : memref<16x32xf32, #tpu.memory_space<vmem>>[vector<16xi32>, vector<16xi32>], vector<16xf32>,
      %get3A_726 = arith.index_cast %scan3A_417 : i32 to index
      %get3A_727 = arith.constant 496 : index
      %get3A_728 = tpu.vector_load %arg4[%get3A_726, %get3A_727] {strides = array<i32>} : memref<16x512xi32, #tpu.memory_space<vmem>>, vector<16xi32>,
      %and3A_729 = arith.constant 31 : i32
      %and3A_730 = vector.broadcast %and3A_729 : i32 to vector<16xi32>
      %and3A_731 = arith.andi %get3A_728, %and3A_730 : vector<16xi32>
      %and3A_732 = arith.constant -32 : i32
      %and3A_733 = vector.broadcast %and3A_732 : i32 to vector<16xi32>
      %and3A_734 = arith.andi %get3A_728, %and3A_733 : vector<16xi32>
      %bitcast3A_735 = vector.bitcast %and3A_734 : vector<16xi32> to vector<16xf32>
      tpu.vector_store_idx %arg6[%iota3A, %and3A_731], %bitcast3A_735 {add = true} : memref<16x32xf32, #tpu.memory_space<vmem>>[vector<16xi32>, vector<16xi32>], vector<16xf32>,
    }
    %scan3A_245 = arith.constant 16 : i32
    %dma_wait3A_246 = arith.constant 0 : i32
    %dma_wait3A_247 = tpu.memref_slice %arg2[%add3A_146, %dma_wait3A_246] : memref<4096x512xi32, #tpu.memory_space<hbm>> -> memref<16x512xi32, #tpu.memory_space<hbm>>
    %dma_wait3A_248 = arith.constant 0 : i32
    %dma_wait3A_249 = tpu.memref_slice %arg2[%add3A_146, %dma_wait3A_248] : memref<4096x512xi32, #tpu.memory_space<hbm>> -> memref<16x512xi32, #tpu.memory_space<hbm>>
    tpu.wait_dma2 semaphore(%arg9 : memref<!tpu.dma_semaphore, #tpu.memory_space<semaphore_mem>>) src(%dma_wait3A_249 : memref<16x512xi32, #tpu.memory_space<hbm>>) dst(%arg5 : memref<16x512xi32, #tpu.memory_space<vmem>>)
    %scan3A_250 = arith.constant 0 : i32
    %scan3A_251 = arith.constant 0 : i32
    %scan3A_252 = arith.constant 16 : i32
    %scan3A_253 = arith.addi %scan3A_251, %scan3A_252 : i32
    %scan3A_254 = arith.constant 1 : i32
    scf.for %scan3A_417 = %scan3A_251 to %scan3A_253 step %scan3A_254  : i32 {
      %get3A_418 = arith.index_cast %scan3A_417 : i32 to index
      %get3A_419 = arith.constant 0 : index
      %get3A_420 = tpu.vector_load %arg5[%get3A_418, %get3A_419] {strides = array<i32>} : memref<16x512xi32, #tpu.memory_space<vmem>>, vector<16xi32>,
      %and3A = arith.constant 31 : i32
      %and3A_421 = vector.broadcast %and3A : i32 to vector<16xi32>
      %and3A_422 = arith.andi %get3A_420, %and3A_421 : vector<16xi32>
      %and3A_423 = arith.constant -32 : i32
      %and3A_424 = vector.broadcast %and3A_423 : i32 to vector<16xi32>
      %and3A_425 = arith.andi %get3A_420, %and3A_424 : vector<16xi32>
      %bitcast3A = vector.bitcast %and3A_425 : vector<16xi32> to vector<16xf32>
      tpu.vector_store_idx %arg6[%iota3A, %and3A_422], %bitcast3A {add = true} : memref<16x32xf32, #tpu.memory_space<vmem>>[vector<16xi32>, vector<16xi32>], vector<16xf32>,
      %get3A_426 = arith.index_cast %scan3A_417 : i32 to index
      %get3A_427 = arith.constant 16 : index
      %get3A_428 = tpu.vector_load %arg5[%get3A_426, %get3A_427] {strides = array<i32>} : memref<16x512xi32, #tpu.memory_space<vmem>>, vector<16xi32>,
      %and3A_429 = arith.constant 31 : i32
      %and3A_430 = vector.broadcast %and3A_429 : i32 to vector<16xi32>
      %and3A_431 = arith.andi %get3A_428, %and3A_430 : vector<16xi32>
      %and3A_432 = arith.constant -32 : i32
      %and3A_433 = vector.broadcast %and3A_432 : i32 to vector<16xi32>
      %and3A_434 = arith.andi %get3A_428, %and3A_433 : vector<16xi32>
      %bitcast3A_435 = vector.bitcast %and3A_434 : vector<16xi32> to vector<16xf32>
      tpu.vector_store_idx %arg6[%iota3A, %and3A_431], %bitcast3A_435 {add = true} : memref<16x32xf32, #tpu.memory_space<vmem>>[vector<16xi32>, vector<16xi32>], vector<16xf32>,
      %get3A_436 = arith.index_cast %scan3A_417 : i32 to index
      %get3A_437 = arith.constant 32 : index
      %get3A_438 = tpu.vector_load %arg5[%get3A_436, %get3A_437] {strides = array<i32>} : memref<16x512xi32, #tpu.memory_space<vmem>>, vector<16xi32>,
      %and3A_439 = arith.constant 31 : i32
      %and3A_440 = vector.broadcast %and3A_439 : i32 to vector<16xi32>
      %and3A_441 = arith.andi %get3A_438, %and3A_440 : vector<16xi32>
      %and3A_442 = arith.constant -32 : i32
      %and3A_443 = vector.broadcast %and3A_442 : i32 to vector<16xi32>
      %and3A_444 = arith.andi %get3A_438, %and3A_443 : vector<16xi32>
      %bitcast3A_445 = vector.bitcast %and3A_444 : vector<16xi32> to vector<16xf32>
      tpu.vector_store_idx %arg6[%iota3A, %and3A_441], %bitcast3A_445 {add = true} : memref<16x32xf32, #tpu.memory_space<vmem>>[vector<16xi32>, vector<16xi32>], vector<16xf32>,
      %get3A_446 = arith.index_cast %scan3A_417 : i32 to index
      %get3A_447 = arith.constant 48 : index
      %get3A_448 = tpu.vector_load %arg5[%get3A_446, %get3A_447] {strides = array<i32>} : memref<16x512xi32, #tpu.memory_space<vmem>>, vector<16xi32>,
      %and3A_449 = arith.constant 31 : i32
      %and3A_450 = vector.broadcast %and3A_449 : i32 to vector<16xi32>
      %and3A_451 = arith.andi %get3A_448, %and3A_450 : vector<16xi32>
      %and3A_452 = arith.constant -32 : i32
      %and3A_453 = vector.broadcast %and3A_452 : i32 to vector<16xi32>
      %and3A_454 = arith.andi %get3A_448, %and3A_453 : vector<16xi32>
      %bitcast3A_455 = vector.bitcast %and3A_454 : vector<16xi32> to vector<16xf32>
      tpu.vector_store_idx %arg6[%iota3A, %and3A_451], %bitcast3A_455 {add = true} : memref<16x32xf32, #tpu.memory_space<vmem>>[vector<16xi32>, vector<16xi32>], vector<16xf32>,
      %get3A_456 = arith.index_cast %scan3A_417 : i32 to index
      %get3A_457 = arith.constant 64 : index
      %get3A_458 = tpu.vector_load %arg5[%get3A_456, %get3A_457] {strides = array<i32>} : memref<16x512xi32, #tpu.memory_space<vmem>>, vector<16xi32>,
      %and3A_459 = arith.constant 31 : i32
      %and3A_460 = vector.broadcast %and3A_459 : i32 to vector<16xi32>
      %and3A_461 = arith.andi %get3A_458, %and3A_460 : vector<16xi32>
      %and3A_462 = arith.constant -32 : i32
      %and3A_463 = vector.broadcast %and3A_462 : i32 to vector<16xi32>
      %and3A_464 = arith.andi %get3A_458, %and3A_463 : vector<16xi32>
      %bitcast3A_465 = vector.bitcast %and3A_464 : vector<16xi32> to vector<16xf32>
      tpu.vector_store_idx %arg6[%iota3A, %and3A_461], %bitcast3A_465 {add = true} : memref<16x32xf32, #tpu.memory_space<vmem>>[vector<16xi32>, vector<16xi32>], vector<16xf32>,
      %get3A_466 = arith.index_cast %scan3A_417 : i32 to index
      %get3A_467 = arith.constant 80 : index
      %get3A_468 = tpu.vector_load %arg5[%get3A_466, %get3A_467] {strides = array<i32>} : memref<16x512xi32, #tpu.memory_space<vmem>>, vector<16xi32>,
      %and3A_469 = arith.constant 31 : i32
      %and3A_470 = vector.broadcast %and3A_469 : i32 to vector<16xi32>
      %and3A_471 = arith.andi %get3A_468, %and3A_470 : vector<16xi32>
      %and3A_472 = arith.constant -32 : i32
      %and3A_473 = vector.broadcast %and3A_472 : i32 to vector<16xi32>
      %and3A_474 = arith.andi %get3A_468, %and3A_473 : vector<16xi32>
      %bitcast3A_475 = vector.bitcast %and3A_474 : vector<16xi32> to vector<16xf32>
      tpu.vector_store_idx %arg6[%iota3A, %and3A_471], %bitcast3A_475 {add = true} : memref<16x32xf32, #tpu.memory_space<vmem>>[vector<16xi32>, vector<16xi32>], vector<16xf32>,
      %get3A_476 = arith.index_cast %scan3A_417 : i32 to index
      %get3A_477 = arith.constant 96 : index
      %get3A_478 = tpu.vector_load %arg5[%get3A_476, %get3A_477] {strides = array<i32>} : memref<16x512xi32, #tpu.memory_space<vmem>>, vector<16xi32>,
      %and3A_479 = arith.constant 31 : i32
      %and3A_480 = vector.broadcast %and3A_479 : i32 to vector<16xi32>
      %and3A_481 = arith.andi %get3A_478, %and3A_480 : vector<16xi32>
      %and3A_482 = arith.constant -32 : i32
      %and3A_483 = vector.broadcast %and3A_482 : i32 to vector<16xi32>
      %and3A_484 = arith.andi %get3A_478, %and3A_483 : vector<16xi32>
      %bitcast3A_485 = vector.bitcast %and3A_484 : vector<16xi32> to vector<16xf32>
      tpu.vector_store_idx %arg6[%iota3A, %and3A_481], %bitcast3A_485 {add = true} : memref<16x32xf32, #tpu.memory_space<vmem>>[vector<16xi32>, vector<16xi32>], vector<16xf32>,
      %get3A_486 = arith.index_cast %scan3A_417 : i32 to index
      %get3A_487 = arith.constant 112 : index
      %get3A_488 = tpu.vector_load %arg5[%get3A_486, %get3A_487] {strides = array<i32>} : memref<16x512xi32, #tpu.memory_space<vmem>>, vector<16xi32>,
      %and3A_489 = arith.constant 31 : i32
      %and3A_490 = vector.broadcast %and3A_489 : i32 to vector<16xi32>
      %and3A_491 = arith.andi %get3A_488, %and3A_490 : vector<16xi32>
      %and3A_492 = arith.constant -32 : i32
      %and3A_493 = vector.broadcast %and3A_492 : i32 to vector<16xi32>
      %and3A_494 = arith.andi %get3A_488, %and3A_493 : vector<16xi32>
      %bitcast3A_495 = vector.bitcast %and3A_494 : vector<16xi32> to vector<16xf32>
      tpu.vector_store_idx %arg6[%iota3A, %and3A_491], %bitcast3A_495 {add = true} : memref<16x32xf32, #tpu.memory_space<vmem>>[vector<16xi32>, vector<16xi32>], vector<16xf32>,
      %get3A_496 = arith.index_cast %scan3A_417 : i32 to index
      %get3A_497 = arith.constant 128 : index
      %get3A_498 = tpu.vector_load %arg5[%get3A_496, %get3A_497] {strides = array<i32>} : memref<16x512xi32, #tpu.memory_space<vmem>>, vector<16xi32>,
      %and3A_499 = arith.constant 31 : i32
      %and3A_500 = vector.broadcast %and3A_499 : i32 to vector<16xi32>
      %and3A_501 = arith.andi %get3A_498, %and3A_500 : vector<16xi32>
      %and3A_502 = arith.constant -32 : i32
      %and3A_503 = vector.broadcast %and3A_502 : i32 to vector<16xi32>
      %and3A_504 = arith.andi %get3A_498, %and3A_503 : vector<16xi32>
      %bitcast3A_505 = vector.bitcast %and3A_504 : vector<16xi32> to vector<16xf32>
      tpu.vector_store_idx %arg6[%iota3A, %and3A_501], %bitcast3A_505 {add = true} : memref<16x32xf32, #tpu.memory_space<vmem>>[vector<16xi32>, vector<16xi32>], vector<16xf32>,
      %get3A_506 = arith.index_cast %scan3A_417 : i32 to index
      %get3A_507 = arith.constant 144 : index
      %get3A_508 = tpu.vector_load %arg5[%get3A_506, %get3A_507] {strides = array<i32>} : memref<16x512xi32, #tpu.memory_space<vmem>>, vector<16xi32>,
      %and3A_509 = arith.constant 31 : i32
      %and3A_510 = vector.broadcast %and3A_509 : i32 to vector<16xi32>
      %and3A_511 = arith.andi %get3A_508, %and3A_510 : vector<16xi32>
      %and3A_512 = arith.constant -32 : i32
      %and3A_513 = vector.broadcast %and3A_512 : i32 to vector<16xi32>
      %and3A_514 = arith.andi %get3A_508, %and3A_513 : vector<16xi32>
      %bitcast3A_515 = vector.bitcast %and3A_514 : vector<16xi32> to vector<16xf32>
      tpu.vector_store_idx %arg6[%iota3A, %and3A_511], %bitcast3A_515 {add = true} : memref<16x32xf32, #tpu.memory_space<vmem>>[vector<16xi32>, vector<16xi32>], vector<16xf32>,
      %get3A_516 = arith.index_cast %scan3A_417 : i32 to index
      %get3A_517 = arith.constant 160 : index
      %get3A_518 = tpu.vector_load %arg5[%get3A_516, %get3A_517] {strides = array<i32>} : memref<16x512xi32, #tpu.memory_space<vmem>>, vector<16xi32>,
      %and3A_519 = arith.constant 31 : i32
      %and3A_520 = vector.broadcast %and3A_519 : i32 to vector<16xi32>
      %and3A_521 = arith.andi %get3A_518, %and3A_520 : vector<16xi32>
      %and3A_522 = arith.constant -32 : i32
      %and3A_523 = vector.broadcast %and3A_522 : i32 to vector<16xi32>
      %and3A_524 = arith.andi %get3A_518, %and3A_523 : vector<16xi32>
      %bitcast3A_525 = vector.bitcast %and3A_524 : vector<16xi32> to vector<16xf32>
      tpu.vector_store_idx %arg6[%iota3A, %and3A_521], %bitcast3A_525 {add = true} : memref<16x32xf32, #tpu.memory_space<vmem>>[vector<16xi32>, vector<16xi32>], vector<16xf32>,
      %get3A_526 = arith.index_cast %scan3A_417 : i32 to index
      %get3A_527 = arith.constant 176 : index
      %get3A_528 = tpu.vector_load %arg5[%get3A_526, %get3A_527] {strides = array<i32>} : memref<16x512xi32, #tpu.memory_space<vmem>>, vector<16xi32>,
      %and3A_529 = arith.constant 31 : i32
      %and3A_530 = vector.broadcast %and3A_529 : i32 to vector<16xi32>
      %and3A_531 = arith.andi %get3A_528, %and3A_530 : vector<16xi32>
      %and3A_532 = arith.constant -32 : i32
      %and3A_533 = vector.broadcast %and3A_532 : i32 to vector<16xi32>
      %and3A_534 = arith.andi %get3A_528, %and3A_533 : vector<16xi32>
      %bitcast3A_535 = vector.bitcast %and3A_534 : vector<16xi32> to vector<16xf32>
      tpu.vector_store_idx %arg6[%iota3A, %and3A_531], %bitcast3A_535 {add = true} : memref<16x32xf32, #tpu.memory_space<vmem>>[vector<16xi32>, vector<16xi32>], vector<16xf32>,
      %get3A_536 = arith.index_cast %scan3A_417 : i32 to index
      %get3A_537 = arith.constant 192 : index
      %get3A_538 = tpu.vector_load %arg5[%get3A_536, %get3A_537] {strides = array<i32>} : memref<16x512xi32, #tpu.memory_space<vmem>>, vector<16xi32>,
      %and3A_539 = arith.constant 31 : i32
      %and3A_540 = vector.broadcast %and3A_539 : i32 to vector<16xi32>
      %and3A_541 = arith.andi %get3A_538, %and3A_540 : vector<16xi32>
      %and3A_542 = arith.constant -32 : i32
      %and3A_543 = vector.broadcast %and3A_542 : i32 to vector<16xi32>
      %and3A_544 = arith.andi %get3A_538, %and3A_543 : vector<16xi32>
      %bitcast3A_545 = vector.bitcast %and3A_544 : vector<16xi32> to vector<16xf32>
      tpu.vector_store_idx %arg6[%iota3A, %and3A_541], %bitcast3A_545 {add = true} : memref<16x32xf32, #tpu.memory_space<vmem>>[vector<16xi32>, vector<16xi32>], vector<16xf32>,
      %get3A_546 = arith.index_cast %scan3A_417 : i32 to index
      %get3A_547 = arith.constant 208 : index
      %get3A_548 = tpu.vector_load %arg5[%get3A_546, %get3A_547] {strides = array<i32>} : memref<16x512xi32, #tpu.memory_space<vmem>>, vector<16xi32>,
      %and3A_549 = arith.constant 31 : i32
      %and3A_550 = vector.broadcast %and3A_549 : i32 to vector<16xi32>
      %and3A_551 = arith.andi %get3A_548, %and3A_550 : vector<16xi32>
      %and3A_552 = arith.constant -32 : i32
      %and3A_553 = vector.broadcast %and3A_552 : i32 to vector<16xi32>
      %and3A_554 = arith.andi %get3A_548, %and3A_553 : vector<16xi32>
      %bitcast3A_555 = vector.bitcast %and3A_554 : vector<16xi32> to vector<16xf32>
      tpu.vector_store_idx %arg6[%iota3A, %and3A_551], %bitcast3A_555 {add = true} : memref<16x32xf32, #tpu.memory_space<vmem>>[vector<16xi32>, vector<16xi32>], vector<16xf32>,
      %get3A_556 = arith.index_cast %scan3A_417 : i32 to index
      %get3A_557 = arith.constant 224 : index
      %get3A_558 = tpu.vector_load %arg5[%get3A_556, %get3A_557] {strides = array<i32>} : memref<16x512xi32, #tpu.memory_space<vmem>>, vector<16xi32>,
      %and3A_559 = arith.constant 31 : i32
      %and3A_560 = vector.broadcast %and3A_559 : i32 to vector<16xi32>
      %and3A_561 = arith.andi %get3A_558, %and3A_560 : vector<16xi32>
      %and3A_562 = arith.constant -32 : i32
      %and3A_563 = vector.broadcast %and3A_562 : i32 to vector<16xi32>
      %and3A_564 = arith.andi %get3A_558, %and3A_563 : vector<16xi32>
      %bitcast3A_565 = vector.bitcast %and3A_564 : vector<16xi32> to vector<16xf32>
      tpu.vector_store_idx %arg6[%iota3A, %and3A_561], %bitcast3A_565 {add = true} : memref<16x32xf32, #tpu.memory_space<vmem>>[vector<16xi32>, vector<16xi32>], vector<16xf32>,
      %get3A_566 = arith.index_cast %scan3A_417 : i32 to index
      %get3A_567 = arith.constant 240 : index
      %get3A_568 = tpu.vector_load %arg5[%get3A_566, %get3A_567] {strides = array<i32>} : memref<16x512xi32, #tpu.memory_space<vmem>>, vector<16xi32>,
      %and3A_569 = arith.constant 31 : i32
      %and3A_570 = vector.broadcast %and3A_569 : i32 to vector<16xi32>
      %and3A_571 = arith.andi %get3A_568, %and3A_570 : vector<16xi32>
      %and3A_572 = arith.constant -32 : i32
      %and3A_573 = vector.broadcast %and3A_572 : i32 to vector<16xi32>
      %and3A_574 = arith.andi %get3A_568, %and3A_573 : vector<16xi32>
      %bitcast3A_575 = vector.bitcast %and3A_574 : vector<16xi32> to vector<16xf32>
      tpu.vector_store_idx %arg6[%iota3A, %and3A_571], %bitcast3A_575 {add = true} : memref<16x32xf32, #tpu.memory_space<vmem>>[vector<16xi32>, vector<16xi32>], vector<16xf32>,
      %get3A_576 = arith.index_cast %scan3A_417 : i32 to index
      %get3A_577 = arith.constant 256 : index
      %get3A_578 = tpu.vector_load %arg5[%get3A_576, %get3A_577] {strides = array<i32>} : memref<16x512xi32, #tpu.memory_space<vmem>>, vector<16xi32>,
      %and3A_579 = arith.constant 31 : i32
      %and3A_580 = vector.broadcast %and3A_579 : i32 to vector<16xi32>
      %and3A_581 = arith.andi %get3A_578, %and3A_580 : vector<16xi32>
      %and3A_582 = arith.constant -32 : i32
      %and3A_583 = vector.broadcast %and3A_582 : i32 to vector<16xi32>
      %and3A_584 = arith.andi %get3A_578, %and3A_583 : vector<16xi32>
      %bitcast3A_585 = vector.bitcast %and3A_584 : vector<16xi32> to vector<16xf32>
      tpu.vector_store_idx %arg6[%iota3A, %and3A_581], %bitcast3A_585 {add = true} : memref<16x32xf32, #tpu.memory_space<vmem>>[vector<16xi32>, vector<16xi32>], vector<16xf32>,
      %get3A_586 = arith.index_cast %scan3A_417 : i32 to index
      %get3A_587 = arith.constant 272 : index
      %get3A_588 = tpu.vector_load %arg5[%get3A_586, %get3A_587] {strides = array<i32>} : memref<16x512xi32, #tpu.memory_space<vmem>>, vector<16xi32>,
      %and3A_589 = arith.constant 31 : i32
      %and3A_590 = vector.broadcast %and3A_589 : i32 to vector<16xi32>
      %and3A_591 = arith.andi %get3A_588, %and3A_590 : vector<16xi32>
      %and3A_592 = arith.constant -32 : i32
      %and3A_593 = vector.broadcast %and3A_592 : i32 to vector<16xi32>
      %and3A_594 = arith.andi %get3A_588, %and3A_593 : vector<16xi32>
      %bitcast3A_595 = vector.bitcast %and3A_594 : vector<16xi32> to vector<16xf32>
      tpu.vector_store_idx %arg6[%iota3A, %and3A_591], %bitcast3A_595 {add = true} : memref<16x32xf32, #tpu.memory_space<vmem>>[vector<16xi32>, vector<16xi32>], vector<16xf32>,
      %get3A_596 = arith.index_cast %scan3A_417 : i32 to index
      %get3A_597 = arith.constant 288 : index
      %get3A_598 = tpu.vector_load %arg5[%get3A_596, %get3A_597] {strides = array<i32>} : memref<16x512xi32, #tpu.memory_space<vmem>>, vector<16xi32>,
      %and3A_599 = arith.constant 31 : i32
      %and3A_600 = vector.broadcast %and3A_599 : i32 to vector<16xi32>
      %and3A_601 = arith.andi %get3A_598, %and3A_600 : vector<16xi32>
      %and3A_602 = arith.constant -32 : i32
      %and3A_603 = vector.broadcast %and3A_602 : i32 to vector<16xi32>
      %and3A_604 = arith.andi %get3A_598, %and3A_603 : vector<16xi32>
      %bitcast3A_605 = vector.bitcast %and3A_604 : vector<16xi32> to vector<16xf32>
      tpu.vector_store_idx %arg6[%iota3A, %and3A_601], %bitcast3A_605 {add = true} : memref<16x32xf32, #tpu.memory_space<vmem>>[vector<16xi32>, vector<16xi32>], vector<16xf32>,
      %get3A_606 = arith.index_cast %scan3A_417 : i32 to index
      %get3A_607 = arith.constant 304 : index
      %get3A_608 = tpu.vector_load %arg5[%get3A_606, %get3A_607] {strides = array<i32>} : memref<16x512xi32, #tpu.memory_space<vmem>>, vector<16xi32>,
      %and3A_609 = arith.constant 31 : i32
      %and3A_610 = vector.broadcast %and3A_609 : i32 to vector<16xi32>
      %and3A_611 = arith.andi %get3A_608, %and3A_610 : vector<16xi32>
      %and3A_612 = arith.constant -32 : i32
      %and3A_613 = vector.broadcast %and3A_612 : i32 to vector<16xi32>
      %and3A_614 = arith.andi %get3A_608, %and3A_613 : vector<16xi32>
      %bitcast3A_615 = vector.bitcast %and3A_614 : vector<16xi32> to vector<16xf32>
      tpu.vector_store_idx %arg6[%iota3A, %and3A_611], %bitcast3A_615 {add = true} : memref<16x32xf32, #tpu.memory_space<vmem>>[vector<16xi32>, vector<16xi32>], vector<16xf32>,
      %get3A_616 = arith.index_cast %scan3A_417 : i32 to index
      %get3A_617 = arith.constant 320 : index
      %get3A_618 = tpu.vector_load %arg5[%get3A_616, %get3A_617] {strides = array<i32>} : memref<16x512xi32, #tpu.memory_space<vmem>>, vector<16xi32>,
      %and3A_619 = arith.constant 31 : i32
      %and3A_620 = vector.broadcast %and3A_619 : i32 to vector<16xi32>
      %and3A_621 = arith.andi %get3A_618, %and3A_620 : vector<16xi32>
      %and3A_622 = arith.constant -32 : i32
      %and3A_623 = vector.broadcast %and3A_622 : i32 to vector<16xi32>
      %and3A_624 = arith.andi %get3A_618, %and3A_623 : vector<16xi32>
      %bitcast3A_625 = vector.bitcast %and3A_624 : vector<16xi32> to vector<16xf32>
      tpu.vector_store_idx %arg6[%iota3A, %and3A_621], %bitcast3A_625 {add = true} : memref<16x32xf32, #tpu.memory_space<vmem>>[vector<16xi32>, vector<16xi32>], vector<16xf32>,
      %get3A_626 = arith.index_cast %scan3A_417 : i32 to index
      %get3A_627 = arith.constant 336 : index
      %get3A_628 = tpu.vector_load %arg5[%get3A_626, %get3A_627] {strides = array<i32>} : memref<16x512xi32, #tpu.memory_space<vmem>>, vector<16xi32>,
      %and3A_629 = arith.constant 31 : i32
      %and3A_630 = vector.broadcast %and3A_629 : i32 to vector<16xi32>
      %and3A_631 = arith.andi %get3A_628, %and3A_630 : vector<16xi32>
      %and3A_632 = arith.constant -32 : i32
      %and3A_633 = vector.broadcast %and3A_632 : i32 to vector<16xi32>
      %and3A_634 = arith.andi %get3A_628, %and3A_633 : vector<16xi32>
      %bitcast3A_635 = vector.bitcast %and3A_634 : vector<16xi32> to vector<16xf32>
      tpu.vector_store_idx %arg6[%iota3A, %and3A_631], %bitcast3A_635 {add = true} : memref<16x32xf32, #tpu.memory_space<vmem>>[vector<16xi32>, vector<16xi32>], vector<16xf32>,
      %get3A_636 = arith.index_cast %scan3A_417 : i32 to index
      %get3A_637 = arith.constant 352 : index
      %get3A_638 = tpu.vector_load %arg5[%get3A_636, %get3A_637] {strides = array<i32>} : memref<16x512xi32, #tpu.memory_space<vmem>>, vector<16xi32>,
      %and3A_639 = arith.constant 31 : i32
      %and3A_640 = vector.broadcast %and3A_639 : i32 to vector<16xi32>
      %and3A_641 = arith.andi %get3A_638, %and3A_640 : vector<16xi32>
      %and3A_642 = arith.constant -32 : i32
      %and3A_643 = vector.broadcast %and3A_642 : i32 to vector<16xi32>
      %and3A_644 = arith.andi %get3A_638, %and3A_643 : vector<16xi32>
      %bitcast3A_645 = vector.bitcast %and3A_644 : vector<16xi32> to vector<16xf32>
      tpu.vector_store_idx %arg6[%iota3A, %and3A_641], %bitcast3A_645 {add = true} : memref<16x32xf32, #tpu.memory_space<vmem>>[vector<16xi32>, vector<16xi32>], vector<16xf32>,
      %get3A_646 = arith.index_cast %scan3A_417 : i32 to index
      %get3A_647 = arith.constant 368 : index
      %get3A_648 = tpu.vector_load %arg5[%get3A_646, %get3A_647] {strides = array<i32>} : memref<16x512xi32, #tpu.memory_space<vmem>>, vector<16xi32>,
      %and3A_649 = arith.constant 31 : i32
      %and3A_650 = vector.broadcast %and3A_649 : i32 to vector<16xi32>
      %and3A_651 = arith.andi %get3A_648, %and3A_650 : vector<16xi32>
      %and3A_652 = arith.constant -32 : i32
      %and3A_653 = vector.broadcast %and3A_652 : i32 to vector<16xi32>
      %and3A_654 = arith.andi %get3A_648, %and3A_653 : vector<16xi32>
      %bitcast3A_655 = vector.bitcast %and3A_654 : vector<16xi32> to vector<16xf32>
      tpu.vector_store_idx %arg6[%iota3A, %and3A_651], %bitcast3A_655 {add = true} : memref<16x32xf32, #tpu.memory_space<vmem>>[vector<16xi32>, vector<16xi32>], vector<16xf32>,
      %get3A_656 = arith.index_cast %scan3A_417 : i32 to index
      %get3A_657 = arith.constant 384 : index
      %get3A_658 = tpu.vector_load %arg5[%get3A_656, %get3A_657] {strides = array<i32>} : memref<16x512xi32, #tpu.memory_space<vmem>>, vector<16xi32>,
      %and3A_659 = arith.constant 31 : i32
      %and3A_660 = vector.broadcast %and3A_659 : i32 to vector<16xi32>
      %and3A_661 = arith.andi %get3A_658, %and3A_660 : vector<16xi32>
      %and3A_662 = arith.constant -32 : i32
      %and3A_663 = vector.broadcast %and3A_662 : i32 to vector<16xi32>
      %and3A_664 = arith.andi %get3A_658, %and3A_663 : vector<16xi32>
      %bitcast3A_665 = vector.bitcast %and3A_664 : vector<16xi32> to vector<16xf32>
      tpu.vector_store_idx %arg6[%iota3A, %and3A_661], %bitcast3A_665 {add = true} : memref<16x32xf32, #tpu.memory_space<vmem>>[vector<16xi32>, vector<16xi32>], vector<16xf32>,
      %get3A_666 = arith.index_cast %scan3A_417 : i32 to index
      %get3A_667 = arith.constant 400 : index
      %get3A_668 = tpu.vector_load %arg5[%get3A_666, %get3A_667] {strides = array<i32>} : memref<16x512xi32, #tpu.memory_space<vmem>>, vector<16xi32>,
      %and3A_669 = arith.constant 31 : i32
      %and3A_670 = vector.broadcast %and3A_669 : i32 to vector<16xi32>
      %and3A_671 = arith.andi %get3A_668, %and3A_670 : vector<16xi32>
      %and3A_672 = arith.constant -32 : i32
      %and3A_673 = vector.broadcast %and3A_672 : i32 to vector<16xi32>
      %and3A_674 = arith.andi %get3A_668, %and3A_673 : vector<16xi32>
      %bitcast3A_675 = vector.bitcast %and3A_674 : vector<16xi32> to vector<16xf32>
      tpu.vector_store_idx %arg6[%iota3A, %and3A_671], %bitcast3A_675 {add = true} : memref<16x32xf32, #tpu.memory_space<vmem>>[vector<16xi32>, vector<16xi32>], vector<16xf32>,
      %get3A_676 = arith.index_cast %scan3A_417 : i32 to index
      %get3A_677 = arith.constant 416 : index
      %get3A_678 = tpu.vector_load %arg5[%get3A_676, %get3A_677] {strides = array<i32>} : memref<16x512xi32, #tpu.memory_space<vmem>>, vector<16xi32>,
      %and3A_679 = arith.constant 31 : i32
      %and3A_680 = vector.broadcast %and3A_679 : i32 to vector<16xi32>
      %and3A_681 = arith.andi %get3A_678, %and3A_680 : vector<16xi32>
      %and3A_682 = arith.constant -32 : i32
      %and3A_683 = vector.broadcast %and3A_682 : i32 to vector<16xi32>
      %and3A_684 = arith.andi %get3A_678, %and3A_683 : vector<16xi32>
      %bitcast3A_685 = vector.bitcast %and3A_684 : vector<16xi32> to vector<16xf32>
      tpu.vector_store_idx %arg6[%iota3A, %and3A_681], %bitcast3A_685 {add = true} : memref<16x32xf32, #tpu.memory_space<vmem>>[vector<16xi32>, vector<16xi32>], vector<16xf32>,
      %get3A_686 = arith.index_cast %scan3A_417 : i32 to index
      %get3A_687 = arith.constant 432 : index
      %get3A_688 = tpu.vector_load %arg5[%get3A_686, %get3A_687] {strides = array<i32>} : memref<16x512xi32, #tpu.memory_space<vmem>>, vector<16xi32>,
      %and3A_689 = arith.constant 31 : i32
      %and3A_690 = vector.broadcast %and3A_689 : i32 to vector<16xi32>
      %and3A_691 = arith.andi %get3A_688, %and3A_690 : vector<16xi32>
      %and3A_692 = arith.constant -32 : i32
      %and3A_693 = vector.broadcast %and3A_692 : i32 to vector<16xi32>
      %and3A_694 = arith.andi %get3A_688, %and3A_693 : vector<16xi32>
      %bitcast3A_695 = vector.bitcast %and3A_694 : vector<16xi32> to vector<16xf32>
      tpu.vector_store_idx %arg6[%iota3A, %and3A_691], %bitcast3A_695 {add = true} : memref<16x32xf32, #tpu.memory_space<vmem>>[vector<16xi32>, vector<16xi32>], vector<16xf32>,
      %get3A_696 = arith.index_cast %scan3A_417 : i32 to index
      %get3A_697 = arith.constant 448 : index
      %get3A_698 = tpu.vector_load %arg5[%get3A_696, %get3A_697] {strides = array<i32>} : memref<16x512xi32, #tpu.memory_space<vmem>>, vector<16xi32>,
      %and3A_699 = arith.constant 31 : i32
      %and3A_700 = vector.broadcast %and3A_699 : i32 to vector<16xi32>
      %and3A_701 = arith.andi %get3A_698, %and3A_700 : vector<16xi32>
      %and3A_702 = arith.constant -32 : i32
      %and3A_703 = vector.broadcast %and3A_702 : i32 to vector<16xi32>
      %and3A_704 = arith.andi %get3A_698, %and3A_703 : vector<16xi32>
      %bitcast3A_705 = vector.bitcast %and3A_704 : vector<16xi32> to vector<16xf32>
      tpu.vector_store_idx %arg6[%iota3A, %and3A_701], %bitcast3A_705 {add = true} : memref<16x32xf32, #tpu.memory_space<vmem>>[vector<16xi32>, vector<16xi32>], vector<16xf32>,
      %get3A_706 = arith.index_cast %scan3A_417 : i32 to index
      %get3A_707 = arith.constant 464 : index
      %get3A_708 = tpu.vector_load %arg5[%get3A_706, %get3A_707] {strides = array<i32>} : memref<16x512xi32, #tpu.memory_space<vmem>>, vector<16xi32>,
      %and3A_709 = arith.constant 31 : i32
      %and3A_710 = vector.broadcast %and3A_709 : i32 to vector<16xi32>
      %and3A_711 = arith.andi %get3A_708, %and3A_710 : vector<16xi32>
      %and3A_712 = arith.constant -32 : i32
      %and3A_713 = vector.broadcast %and3A_712 : i32 to vector<16xi32>
      %and3A_714 = arith.andi %get3A_708, %and3A_713 : vector<16xi32>
      %bitcast3A_715 = vector.bitcast %and3A_714 : vector<16xi32> to vector<16xf32>
      tpu.vector_store_idx %arg6[%iota3A, %and3A_711], %bitcast3A_715 {add = true} : memref<16x32xf32, #tpu.memory_space<vmem>>[vector<16xi32>, vector<16xi32>], vector<16xf32>,
      %get3A_716 = arith.index_cast %scan3A_417 : i32 to index
      %get3A_717 = arith.constant 480 : index
      %get3A_718 = tpu.vector_load %arg5[%get3A_716, %get3A_717] {strides = array<i32>} : memref<16x512xi32, #tpu.memory_space<vmem>>, vector<16xi32>,
      %and3A_719 = arith.constant 31 : i32
      %and3A_720 = vector.broadcast %and3A_719 : i32 to vector<16xi32>
      %and3A_721 = arith.andi %get3A_718, %and3A_720 : vector<16xi32>
      %and3A_722 = arith.constant -32 : i32
      %and3A_723 = vector.broadcast %and3A_722 : i32 to vector<16xi32>
      %and3A_724 = arith.andi %get3A_718, %and3A_723 : vector<16xi32>
      %bitcast3A_725 = vector.bitcast %and3A_724 : vector<16xi32> to vector<16xf32>
      tpu.vector_store_idx %arg6[%iota3A, %and3A_721], %bitcast3A_725 {add = true} : memref<16x32xf32, #tpu.memory_space<vmem>>[vector<16xi32>, vector<16xi32>], vector<16xf32>,
      %get3A_726 = arith.index_cast %scan3A_417 : i32 to index
      %get3A_727 = arith.constant 496 : index
      %get3A_728 = tpu.vector_load %arg5[%get3A_726, %get3A_727] {strides = array<i32>} : memref<16x512xi32, #tpu.memory_space<vmem>>, vector<16xi32>,
      %and3A_729 = arith.constant 31 : i32
      %and3A_730 = vector.broadcast %and3A_729 : i32 to vector<16xi32>
      %and3A_731 = arith.andi %get3A_728, %and3A_730 : vector<16xi32>
      %and3A_732 = arith.constant -32 : i32
      %and3A_733 = vector.broadcast %and3A_732 : i32 to vector<16xi32>
      %and3A_734 = arith.andi %get3A_728, %and3A_733 : vector<16xi32>
      %bitcast3A_735 = vector.bitcast %and3A_734 : vector<16xi32> to vector<16xf32>
      tpu.vector_store_idx %arg6[%iota3A, %and3A_731], %bitcast3A_735 {add = true} : memref<16x32xf32, #tpu.memory_space<vmem>>[vector<16xi32>, vector<16xi32>], vector<16xf32>,
    }
    %scan3A_255 = arith.constant 16 : i32
    %get3A = arith.constant 0 : i32
    %get3A_256 = arith.index_cast %get3A : i32 to index
    %get3A_257 = arith.constant 0 : index
    %get3A_258 = tpu.vector_load %arg6[%get3A_256, %get3A_257] {strides = array<i32>} : memref<16x32xf32, #tpu.memory_space<vmem>>, vector<16xf32>,
    %get3A_259 = arith.constant 0 : i32
    %get3A_260 = arith.index_cast %get3A_259 : i32 to index
    %get3A_261 = arith.constant 16 : index
    %get3A_262 = tpu.vector_load %arg6[%get3A_260, %get3A_261] {strides = array<i32>} : memref<16x32xf32, #tpu.memory_space<vmem>>, vector<16xf32>,
    %get3A_263 = arith.constant 1 : i32
    %get3A_264 = arith.index_cast %get3A_263 : i32 to index
    %get3A_265 = arith.constant 0 : index
    %get3A_266 = tpu.vector_load %arg6[%get3A_264, %get3A_265] {strides = array<i32>} : memref<16x32xf32, #tpu.memory_space<vmem>>, vector<16xf32>,
    %add3A_267 = arith.addf %get3A_258, %get3A_266 : vector<16xf32>
    %get3A_268 = arith.constant 1 : i32
    %get3A_269 = arith.index_cast %get3A_268 : i32 to index
    %get3A_270 = arith.constant 16 : index
    %get3A_271 = tpu.vector_load %arg6[%get3A_269, %get3A_270] {strides = array<i32>} : memref<16x32xf32, #tpu.memory_space<vmem>>, vector<16xf32>,
    %add3A_272 = arith.addf %get3A_262, %get3A_271 : vector<16xf32>
    %get3A_273 = arith.constant 2 : i32
    %get3A_274 = arith.index_cast %get3A_273 : i32 to index
    %get3A_275 = arith.constant 0 : index
    %get3A_276 = tpu.vector_load %arg6[%get3A_274, %get3A_275] {strides = array<i32>} : memref<16x32xf32, #tpu.memory_space<vmem>>, vector<16xf32>,
    %add3A_277 = arith.addf %add3A_267, %get3A_276 : vector<16xf32>
    %get3A_278 = arith.constant 2 : i32
    %get3A_279 = arith.index_cast %get3A_278 : i32 to index
    %get3A_280 = arith.constant 16 : index
    %get3A_281 = tpu.vector_load %arg6[%get3A_279, %get3A_280] {strides = array<i32>} : memref<16x32xf32, #tpu.memory_space<vmem>>, vector<16xf32>,
    %add3A_282 = arith.addf %add3A_272, %get3A_281 : vector<16xf32>
    %get3A_283 = arith.constant 3 : i32
    %get3A_284 = arith.index_cast %get3A_283 : i32 to index
    %get3A_285 = arith.constant 0 : index
    %get3A_286 = tpu.vector_load %arg6[%get3A_284, %get3A_285] {strides = array<i32>} : memref<16x32xf32, #tpu.memory_space<vmem>>, vector<16xf32>,
    %add3A_287 = arith.addf %add3A_277, %get3A_286 : vector<16xf32>
    %get3A_288 = arith.constant 3 : i32
    %get3A_289 = arith.index_cast %get3A_288 : i32 to index
    %get3A_290 = arith.constant 16 : index
    %get3A_291 = tpu.vector_load %arg6[%get3A_289, %get3A_290] {strides = array<i32>} : memref<16x32xf32, #tpu.memory_space<vmem>>, vector<16xf32>,
    %add3A_292 = arith.addf %add3A_282, %get3A_291 : vector<16xf32>
    %get3A_293 = arith.constant 4 : i32
    %get3A_294 = arith.index_cast %get3A_293 : i32 to index
    %get3A_295 = arith.constant 0 : index
    %get3A_296 = tpu.vector_load %arg6[%get3A_294, %get3A_295] {strides = array<i32>} : memref<16x32xf32, #tpu.memory_space<vmem>>, vector<16xf32>,
    %add3A_297 = arith.addf %add3A_287, %get3A_296 : vector<16xf32>
    %get3A_298 = arith.constant 4 : i32
    %get3A_299 = arith.index_cast %get3A_298 : i32 to index
    %get3A_300 = arith.constant 16 : index
    %get3A_301 = tpu.vector_load %arg6[%get3A_299, %get3A_300] {strides = array<i32>} : memref<16x32xf32, #tpu.memory_space<vmem>>, vector<16xf32>,
    %add3A_302 = arith.addf %add3A_292, %get3A_301 : vector<16xf32>
    %get3A_303 = arith.constant 5 : i32
    %get3A_304 = arith.index_cast %get3A_303 : i32 to index
    %get3A_305 = arith.constant 0 : index
    %get3A_306 = tpu.vector_load %arg6[%get3A_304, %get3A_305] {strides = array<i32>} : memref<16x32xf32, #tpu.memory_space<vmem>>, vector<16xf32>,
    %add3A_307 = arith.addf %add3A_297, %get3A_306 : vector<16xf32>
    %get3A_308 = arith.constant 5 : i32
    %get3A_309 = arith.index_cast %get3A_308 : i32 to index
    %get3A_310 = arith.constant 16 : index
    %get3A_311 = tpu.vector_load %arg6[%get3A_309, %get3A_310] {strides = array<i32>} : memref<16x32xf32, #tpu.memory_space<vmem>>, vector<16xf32>,
    %add3A_312 = arith.addf %add3A_302, %get3A_311 : vector<16xf32>
    %get3A_313 = arith.constant 6 : i32
    %get3A_314 = arith.index_cast %get3A_313 : i32 to index
    %get3A_315 = arith.constant 0 : index
    %get3A_316 = tpu.vector_load %arg6[%get3A_314, %get3A_315] {strides = array<i32>} : memref<16x32xf32, #tpu.memory_space<vmem>>, vector<16xf32>,
    %add3A_317 = arith.addf %add3A_307, %get3A_316 : vector<16xf32>
    %get3A_318 = arith.constant 6 : i32
    %get3A_319 = arith.index_cast %get3A_318 : i32 to index
    %get3A_320 = arith.constant 16 : index
    %get3A_321 = tpu.vector_load %arg6[%get3A_319, %get3A_320] {strides = array<i32>} : memref<16x32xf32, #tpu.memory_space<vmem>>, vector<16xf32>,
    %add3A_322 = arith.addf %add3A_312, %get3A_321 : vector<16xf32>
    %get3A_323 = arith.constant 7 : i32
    %get3A_324 = arith.index_cast %get3A_323 : i32 to index
    %get3A_325 = arith.constant 0 : index
    %get3A_326 = tpu.vector_load %arg6[%get3A_324, %get3A_325] {strides = array<i32>} : memref<16x32xf32, #tpu.memory_space<vmem>>, vector<16xf32>,
    %add3A_327 = arith.addf %add3A_317, %get3A_326 : vector<16xf32>
    %get3A_328 = arith.constant 7 : i32
    %get3A_329 = arith.index_cast %get3A_328 : i32 to index
    %get3A_330 = arith.constant 16 : index
    %get3A_331 = tpu.vector_load %arg6[%get3A_329, %get3A_330] {strides = array<i32>} : memref<16x32xf32, #tpu.memory_space<vmem>>, vector<16xf32>,
    %add3A_332 = arith.addf %add3A_322, %get3A_331 : vector<16xf32>
    %get3A_333 = arith.constant 8 : i32
    %get3A_334 = arith.index_cast %get3A_333 : i32 to index
    %get3A_335 = arith.constant 0 : index
    %get3A_336 = tpu.vector_load %arg6[%get3A_334, %get3A_335] {strides = array<i32>} : memref<16x32xf32, #tpu.memory_space<vmem>>, vector<16xf32>,
    %add3A_337 = arith.addf %add3A_327, %get3A_336 : vector<16xf32>
    %get3A_338 = arith.constant 8 : i32
    %get3A_339 = arith.index_cast %get3A_338 : i32 to index
    %get3A_340 = arith.constant 16 : index
    %get3A_341 = tpu.vector_load %arg6[%get3A_339, %get3A_340] {strides = array<i32>} : memref<16x32xf32, #tpu.memory_space<vmem>>, vector<16xf32>,
    %add3A_342 = arith.addf %add3A_332, %get3A_341 : vector<16xf32>
    %get3A_343 = arith.constant 9 : i32
    %get3A_344 = arith.index_cast %get3A_343 : i32 to index
    %get3A_345 = arith.constant 0 : index
    %get3A_346 = tpu.vector_load %arg6[%get3A_344, %get3A_345] {strides = array<i32>} : memref<16x32xf32, #tpu.memory_space<vmem>>, vector<16xf32>,
    %add3A_347 = arith.addf %add3A_337, %get3A_346 : vector<16xf32>
    %get3A_348 = arith.constant 9 : i32
    %get3A_349 = arith.index_cast %get3A_348 : i32 to index
    %get3A_350 = arith.constant 16 : index
    %get3A_351 = tpu.vector_load %arg6[%get3A_349, %get3A_350] {strides = array<i32>} : memref<16x32xf32, #tpu.memory_space<vmem>>, vector<16xf32>,
    %add3A_352 = arith.addf %add3A_342, %get3A_351 : vector<16xf32>
    %get3A_353 = arith.constant 10 : i32
    %get3A_354 = arith.index_cast %get3A_353 : i32 to index
    %get3A_355 = arith.constant 0 : index
    %get3A_356 = tpu.vector_load %arg6[%get3A_354, %get3A_355] {strides = array<i32>} : memref<16x32xf32, #tpu.memory_space<vmem>>, vector<16xf32>,
    %add3A_357 = arith.addf %add3A_347, %get3A_356 : vector<16xf32>
    %get3A_358 = arith.constant 10 : i32
    %get3A_359 = arith.index_cast %get3A_358 : i32 to index
    %get3A_360 = arith.constant 16 : index
    %get3A_361 = tpu.vector_load %arg6[%get3A_359, %get3A_360] {strides = array<i32>} : memref<16x32xf32, #tpu.memory_space<vmem>>, vector<16xf32>,
    %add3A_362 = arith.addf %add3A_352, %get3A_361 : vector<16xf32>
    %get3A_363 = arith.constant 11 : i32
    %get3A_364 = arith.index_cast %get3A_363 : i32 to index
    %get3A_365 = arith.constant 0 : index
    %get3A_366 = tpu.vector_load %arg6[%get3A_364, %get3A_365] {strides = array<i32>} : memref<16x32xf32, #tpu.memory_space<vmem>>, vector<16xf32>,
    %add3A_367 = arith.addf %add3A_357, %get3A_366 : vector<16xf32>
    %get3A_368 = arith.constant 11 : i32
    %get3A_369 = arith.index_cast %get3A_368 : i32 to index
    %get3A_370 = arith.constant 16 : index
    %get3A_371 = tpu.vector_load %arg6[%get3A_369, %get3A_370] {strides = array<i32>} : memref<16x32xf32, #tpu.memory_space<vmem>>, vector<16xf32>,
    %add3A_372 = arith.addf %add3A_362, %get3A_371 : vector<16xf32>
    %get3A_373 = arith.constant 12 : i32
    %get3A_374 = arith.index_cast %get3A_373 : i32 to index
    %get3A_375 = arith.constant 0 : index
    %get3A_376 = tpu.vector_load %arg6[%get3A_374, %get3A_375] {strides = array<i32>} : memref<16x32xf32, #tpu.memory_space<vmem>>, vector<16xf32>,
    %add3A_377 = arith.addf %add3A_367, %get3A_376 : vector<16xf32>
    %get3A_378 = arith.constant 12 : i32
    %get3A_379 = arith.index_cast %get3A_378 : i32 to index
    %get3A_380 = arith.constant 16 : index
    %get3A_381 = tpu.vector_load %arg6[%get3A_379, %get3A_380] {strides = array<i32>} : memref<16x32xf32, #tpu.memory_space<vmem>>, vector<16xf32>,
    %add3A_382 = arith.addf %add3A_372, %get3A_381 : vector<16xf32>
    %get3A_383 = arith.constant 13 : i32
    %get3A_384 = arith.index_cast %get3A_383 : i32 to index
    %get3A_385 = arith.constant 0 : index
    %get3A_386 = tpu.vector_load %arg6[%get3A_384, %get3A_385] {strides = array<i32>} : memref<16x32xf32, #tpu.memory_space<vmem>>, vector<16xf32>,
    %add3A_387 = arith.addf %add3A_377, %get3A_386 : vector<16xf32>
    %get3A_388 = arith.constant 13 : i32
    %get3A_389 = arith.index_cast %get3A_388 : i32 to index
    %get3A_390 = arith.constant 16 : index
    %get3A_391 = tpu.vector_load %arg6[%get3A_389, %get3A_390] {strides = array<i32>} : memref<16x32xf32, #tpu.memory_space<vmem>>, vector<16xf32>,
    %add3A_392 = arith.addf %add3A_382, %get3A_391 : vector<16xf32>
    %get3A_393 = arith.constant 14 : i32
    %get3A_394 = arith.index_cast %get3A_393 : i32 to index
    %get3A_395 = arith.constant 0 : index
    %get3A_396 = tpu.vector_load %arg6[%get3A_394, %get3A_395] {strides = array<i32>} : memref<16x32xf32, #tpu.memory_space<vmem>>, vector<16xf32>,
    %add3A_397 = arith.addf %add3A_387, %get3A_396 : vector<16xf32>
    %get3A_398 = arith.constant 14 : i32
    %get3A_399 = arith.index_cast %get3A_398 : i32 to index
    %get3A_400 = arith.constant 16 : index
    %get3A_401 = tpu.vector_load %arg6[%get3A_399, %get3A_400] {strides = array<i32>} : memref<16x32xf32, #tpu.memory_space<vmem>>, vector<16xf32>,
    %add3A_402 = arith.addf %add3A_392, %get3A_401 : vector<16xf32>
    %get3A_403 = arith.constant 15 : i32
    %get3A_404 = arith.index_cast %get3A_403 : i32 to index
    %get3A_405 = arith.constant 0 : index
    %get3A_406 = tpu.vector_load %arg6[%get3A_404, %get3A_405] {strides = array<i32>} : memref<16x32xf32, #tpu.memory_space<vmem>>, vector<16xf32>,
    %add3A_407 = arith.addf %add3A_397, %get3A_406 : vector<16xf32>
    %get3A_408 = arith.constant 15 : i32
    %get3A_409 = arith.index_cast %get3A_408 : i32 to index
    %get3A_410 = arith.constant 16 : index
    %get3A_411 = tpu.vector_load %arg6[%get3A_409, %get3A_410] {strides = array<i32>} : memref<16x32xf32, #tpu.memory_space<vmem>>, vector<16xf32>,
    %add3A_412 = arith.addf %add3A_402, %get3A_411 : vector<16xf32>
    %swap3A_413 = arith.constant 0 : index
    %swap3A_414 = tpu.vector_load %arg7[%swap3A_413] {strides = array<i32>} : memref<32xf32, #tpu.memory_space<vmem>>, vector<16xf32>,
    tpu.vector_store %arg7[%swap3A_413], %add3A_407 {strides = array<i32>} : memref<32xf32, #tpu.memory_space<vmem>>, vector<16xf32>,
    %swap3A_415 = arith.constant 16 : index
    %swap3A_416 = tpu.vector_load %arg7[%swap3A_415] {strides = array<i32>} : memref<32xf32, #tpu.memory_space<vmem>>, vector<16xf32>,
    tpu.vector_store %arg7[%swap3A_415], %add3A_412 {strides = array<i32>} : memref<32xf32, #tpu.memory_space<vmem>>, vector<16xf32>,
    "tpu.region"() ({
      %run_scoped3A = tpu.sem_alloc : memref<!tpu.dma_semaphore, #tpu.memory_space<semaphore_mem>>
      %dma_start3A_417 = arith.constant 0 : i32
      %dma_start3A_418 = tpu.memref_slice %arg3[%add3A, %dma_start3A_417] : memref<32x32xf32, #tpu.memory_space<hbm>> -> memref<1x32xf32, #tpu.memory_space<hbm>>
      %dma_start3A_419 = tpu.memref_squeeze %dma_start3A_418 : memref<1x32xf32, #tpu.memory_space<hbm>> -> memref<32xf32, #tpu.memory_space<hbm>>
      %dma_start3A_420 = arith.constant 0 : i32
      %dma_start3A_421 = tpu.memref_slice %arg3[%add3A, %dma_start3A_420] : memref<32x32xf32, #tpu.memory_space<hbm>> -> memref<1x32xf32, #tpu.memory_space<hbm>>
      %dma_start3A_422 = tpu.memref_squeeze %dma_start3A_421 : memref<1x32xf32, #tpu.memory_space<hbm>> -> memref<32xf32, #tpu.memory_space<hbm>>
      tpu.enqueue_dma source(%arg7 : memref<32xf32, #tpu.memory_space<vmem>>) target(%dma_start3A_422 : memref<32xf32, #tpu.memory_space<hbm>>) target_semaphore(%run_scoped3A : memref<!tpu.dma_semaphore, #tpu.memory_space<semaphore_mem>>)
      %dma_wait3A_423 = arith.constant 0 : i32
      %dma_wait3A_424 = tpu.memref_slice %arg3[%add3A, %dma_wait3A_423] : memref<32x32xf32, #tpu.memory_space<hbm>> -> memref<1x32xf32, #tpu.memory_space<hbm>>
      %dma_wait3A_425 = tpu.memref_squeeze %dma_wait3A_424 : memref<1x32xf32, #tpu.memory_space<hbm>> -> memref<32xf32, #tpu.memory_space<hbm>>
      %dma_wait3A_426 = arith.constant 0 : i32
      %dma_wait3A_427 = tpu.memref_slice %arg3[%add3A, %dma_wait3A_426] : memref<32x32xf32, #tpu.memory_space<hbm>> -> memref<1x32xf32, #tpu.memory_space<hbm>>
      %dma_wait3A_428 = tpu.memref_squeeze %dma_wait3A_427 : memref<1x32xf32, #tpu.memory_space<hbm>> -> memref<32xf32, #tpu.memory_space<hbm>>
      tpu.wait_dma2 semaphore(%run_scoped3A : memref<!tpu.dma_semaphore, #tpu.memory_space<semaphore_mem>>) src(%arg7 : memref<32xf32, #tpu.memory_space<vmem>>) dst(%dma_wait3A_428 : memref<32xf32, #tpu.memory_space<hbm>>)
      tpu.yield
    }) : () -> ()
    return
  }
}

module attributes {stable_mosaic.version = 14 : i64} {
  func.func @_maxarg_body(%arg0: i32, %arg1: i32, %arg2: memref<1x21x128x512xf32, #tpu.memory_space<vmem>>, %arg3: memref<1x128x512xi32, #tpu.memory_space<vmem>>) attributes {dimension_semantics = [#tpu.dimension_semantics<arbitrary>, #tpu.dimension_semantics<arbitrary>], iteration_bounds = array<i64: 8, 4>, scalar_prefetch = 0 : i64, scratch_operands = 0 : i64, tpu.core_type = #tpu.core_type<tc>, window_params = [{transform_indices = @transform_0, window_bounds = array<i64: 1, 21, 128, 512>}, {transform_indices = @transform_1, window_bounds = array<i64: 1, 128, 512>}]} {
    %get3A = arith.constant 0 : index
    %get3A_0 = arith.constant 0 : index
    %get3A_1 = arith.constant 0 : index
    %get3A_2 = arith.constant 0 : index
    %get3A_3 = vector.load %arg2[%get3A, %get3A_0, %get3A_1, %get3A_2] : memref<1x21x128x512xf32, #tpu.memory_space<vmem>>, vector<1x21x128x512xf32>
    %get3A_4 = vector.shape_cast %get3A_3 : vector<1x21x128x512xf32> to vector<21x128x512xf32>
    %slice3A = vector.extract_strided_slice %get3A_4 {offsets = [0, 0, 0], sizes = [1, 128, 512], strides = [1, 1, 1]} : vector<21x128x512xf32> to vector<1x128x512xf32>
    %squeeze3A = vector.shape_cast %slice3A : vector<1x128x512xf32> to vector<128x512xf32>
    %broadcast_in_dim3A = arith.constant 0 : i32
    %broadcast_in_dim3A_5 = vector.broadcast %broadcast_in_dim3A : i32 to vector<128x512xi32>
    %slice3A_6 = vector.extract_strided_slice %get3A_4 {offsets = [1, 0, 0], sizes = [1, 128, 512], strides = [1, 1, 1]} : vector<21x128x512xf32> to vector<1x128x512xf32>
    %squeeze3A_7 = vector.shape_cast %slice3A_6 : vector<1x128x512xf32> to vector<128x512xf32>
    %gt3A = arith.cmpf ogt, %squeeze3A_7, %squeeze3A : vector<128x512xf32>
    %select_n3A = arith.select %gt3A, %squeeze3A_7, %squeeze3A : vector<128x512xi1>, vector<128x512xf32>
    %jit3A = arith.constant 1 : i32
    %broadcast_in_dim3A_8 = vector.broadcast %jit3A : i32 to vector<128x512xi32>
    %select_n3A_9 = arith.select %gt3A, %broadcast_in_dim3A_8, %broadcast_in_dim3A_5 : vector<128x512xi1>, vector<128x512xi32>
    %slice3A_10 = vector.extract_strided_slice %get3A_4 {offsets = [2, 0, 0], sizes = [1, 128, 512], strides = [1, 1, 1]} : vector<21x128x512xf32> to vector<1x128x512xf32>
    %squeeze3A_11 = vector.shape_cast %slice3A_10 : vector<1x128x512xf32> to vector<128x512xf32>
    %gt3A_12 = arith.cmpf ogt, %squeeze3A_11, %select_n3A : vector<128x512xf32>
    %select_n3A_13 = arith.select %gt3A_12, %squeeze3A_11, %select_n3A : vector<128x512xi1>, vector<128x512xf32>
    %jit3A_14 = arith.constant 2 : i32
    %broadcast_in_dim3A_15 = vector.broadcast %jit3A_14 : i32 to vector<128x512xi32>
    %select_n3A_16 = arith.select %gt3A_12, %broadcast_in_dim3A_15, %select_n3A_9 : vector<128x512xi1>, vector<128x512xi32>
    %slice3A_17 = vector.extract_strided_slice %get3A_4 {offsets = [3, 0, 0], sizes = [1, 128, 512], strides = [1, 1, 1]} : vector<21x128x512xf32> to vector<1x128x512xf32>
    %squeeze3A_18 = vector.shape_cast %slice3A_17 : vector<1x128x512xf32> to vector<128x512xf32>
    %gt3A_19 = arith.cmpf ogt, %squeeze3A_18, %select_n3A_13 : vector<128x512xf32>
    %select_n3A_20 = arith.select %gt3A_19, %squeeze3A_18, %select_n3A_13 : vector<128x512xi1>, vector<128x512xf32>
    %jit3A_21 = arith.constant 3 : i32
    %broadcast_in_dim3A_22 = vector.broadcast %jit3A_21 : i32 to vector<128x512xi32>
    %select_n3A_23 = arith.select %gt3A_19, %broadcast_in_dim3A_22, %select_n3A_16 : vector<128x512xi1>, vector<128x512xi32>
    %slice3A_24 = vector.extract_strided_slice %get3A_4 {offsets = [4, 0, 0], sizes = [1, 128, 512], strides = [1, 1, 1]} : vector<21x128x512xf32> to vector<1x128x512xf32>
    %squeeze3A_25 = vector.shape_cast %slice3A_24 : vector<1x128x512xf32> to vector<128x512xf32>
    %gt3A_26 = arith.cmpf ogt, %squeeze3A_25, %select_n3A_20 : vector<128x512xf32>
    %select_n3A_27 = arith.select %gt3A_26, %squeeze3A_25, %select_n3A_20 : vector<128x512xi1>, vector<128x512xf32>
    %jit3A_28 = arith.constant 4 : i32
    %broadcast_in_dim3A_29 = vector.broadcast %jit3A_28 : i32 to vector<128x512xi32>
    %select_n3A_30 = arith.select %gt3A_26, %broadcast_in_dim3A_29, %select_n3A_23 : vector<128x512xi1>, vector<128x512xi32>
    %slice3A_31 = vector.extract_strided_slice %get3A_4 {offsets = [5, 0, 0], sizes = [1, 128, 512], strides = [1, 1, 1]} : vector<21x128x512xf32> to vector<1x128x512xf32>
    %squeeze3A_32 = vector.shape_cast %slice3A_31 : vector<1x128x512xf32> to vector<128x512xf32>
    %gt3A_33 = arith.cmpf ogt, %squeeze3A_32, %select_n3A_27 : vector<128x512xf32>
    %select_n3A_34 = arith.select %gt3A_33, %squeeze3A_32, %select_n3A_27 : vector<128x512xi1>, vector<128x512xf32>
    %jit3A_35 = arith.constant 5 : i32
    %broadcast_in_dim3A_36 = vector.broadcast %jit3A_35 : i32 to vector<128x512xi32>
    %select_n3A_37 = arith.select %gt3A_33, %broadcast_in_dim3A_36, %select_n3A_30 : vector<128x512xi1>, vector<128x512xi32>
    %slice3A_38 = vector.extract_strided_slice %get3A_4 {offsets = [6, 0, 0], sizes = [1, 128, 512], strides = [1, 1, 1]} : vector<21x128x512xf32> to vector<1x128x512xf32>
    %squeeze3A_39 = vector.shape_cast %slice3A_38 : vector<1x128x512xf32> to vector<128x512xf32>
    %gt3A_40 = arith.cmpf ogt, %squeeze3A_39, %select_n3A_34 : vector<128x512xf32>
    %select_n3A_41 = arith.select %gt3A_40, %squeeze3A_39, %select_n3A_34 : vector<128x512xi1>, vector<128x512xf32>
    %jit3A_42 = arith.constant 6 : i32
    %broadcast_in_dim3A_43 = vector.broadcast %jit3A_42 : i32 to vector<128x512xi32>
    %select_n3A_44 = arith.select %gt3A_40, %broadcast_in_dim3A_43, %select_n3A_37 : vector<128x512xi1>, vector<128x512xi32>
    %slice3A_45 = vector.extract_strided_slice %get3A_4 {offsets = [7, 0, 0], sizes = [1, 128, 512], strides = [1, 1, 1]} : vector<21x128x512xf32> to vector<1x128x512xf32>
    %squeeze3A_46 = vector.shape_cast %slice3A_45 : vector<1x128x512xf32> to vector<128x512xf32>
    %gt3A_47 = arith.cmpf ogt, %squeeze3A_46, %select_n3A_41 : vector<128x512xf32>
    %select_n3A_48 = arith.select %gt3A_47, %squeeze3A_46, %select_n3A_41 : vector<128x512xi1>, vector<128x512xf32>
    %jit3A_49 = arith.constant 7 : i32
    %broadcast_in_dim3A_50 = vector.broadcast %jit3A_49 : i32 to vector<128x512xi32>
    %select_n3A_51 = arith.select %gt3A_47, %broadcast_in_dim3A_50, %select_n3A_44 : vector<128x512xi1>, vector<128x512xi32>
    %slice3A_52 = vector.extract_strided_slice %get3A_4 {offsets = [8, 0, 0], sizes = [1, 128, 512], strides = [1, 1, 1]} : vector<21x128x512xf32> to vector<1x128x512xf32>
    %squeeze3A_53 = vector.shape_cast %slice3A_52 : vector<1x128x512xf32> to vector<128x512xf32>
    %gt3A_54 = arith.cmpf ogt, %squeeze3A_53, %select_n3A_48 : vector<128x512xf32>
    %select_n3A_55 = arith.select %gt3A_54, %squeeze3A_53, %select_n3A_48 : vector<128x512xi1>, vector<128x512xf32>
    %jit3A_56 = arith.constant 8 : i32
    %broadcast_in_dim3A_57 = vector.broadcast %jit3A_56 : i32 to vector<128x512xi32>
    %select_n3A_58 = arith.select %gt3A_54, %broadcast_in_dim3A_57, %select_n3A_51 : vector<128x512xi1>, vector<128x512xi32>
    %slice3A_59 = vector.extract_strided_slice %get3A_4 {offsets = [9, 0, 0], sizes = [1, 128, 512], strides = [1, 1, 1]} : vector<21x128x512xf32> to vector<1x128x512xf32>
    %squeeze3A_60 = vector.shape_cast %slice3A_59 : vector<1x128x512xf32> to vector<128x512xf32>
    %gt3A_61 = arith.cmpf ogt, %squeeze3A_60, %select_n3A_55 : vector<128x512xf32>
    %select_n3A_62 = arith.select %gt3A_61, %squeeze3A_60, %select_n3A_55 : vector<128x512xi1>, vector<128x512xf32>
    %jit3A_63 = arith.constant 9 : i32
    %broadcast_in_dim3A_64 = vector.broadcast %jit3A_63 : i32 to vector<128x512xi32>
    %select_n3A_65 = arith.select %gt3A_61, %broadcast_in_dim3A_64, %select_n3A_58 : vector<128x512xi1>, vector<128x512xi32>
    %slice3A_66 = vector.extract_strided_slice %get3A_4 {offsets = [10, 0, 0], sizes = [1, 128, 512], strides = [1, 1, 1]} : vector<21x128x512xf32> to vector<1x128x512xf32>
    %squeeze3A_67 = vector.shape_cast %slice3A_66 : vector<1x128x512xf32> to vector<128x512xf32>
    %gt3A_68 = arith.cmpf ogt, %squeeze3A_67, %select_n3A_62 : vector<128x512xf32>
    %select_n3A_69 = arith.select %gt3A_68, %squeeze3A_67, %select_n3A_62 : vector<128x512xi1>, vector<128x512xf32>
    %jit3A_70 = arith.constant 10 : i32
    %broadcast_in_dim3A_71 = vector.broadcast %jit3A_70 : i32 to vector<128x512xi32>
    %select_n3A_72 = arith.select %gt3A_68, %broadcast_in_dim3A_71, %select_n3A_65 : vector<128x512xi1>, vector<128x512xi32>
    %slice3A_73 = vector.extract_strided_slice %get3A_4 {offsets = [11, 0, 0], sizes = [1, 128, 512], strides = [1, 1, 1]} : vector<21x128x512xf32> to vector<1x128x512xf32>
    %squeeze3A_74 = vector.shape_cast %slice3A_73 : vector<1x128x512xf32> to vector<128x512xf32>
    %gt3A_75 = arith.cmpf ogt, %squeeze3A_74, %select_n3A_69 : vector<128x512xf32>
    %select_n3A_76 = arith.select %gt3A_75, %squeeze3A_74, %select_n3A_69 : vector<128x512xi1>, vector<128x512xf32>
    %jit3A_77 = arith.constant 11 : i32
    %broadcast_in_dim3A_78 = vector.broadcast %jit3A_77 : i32 to vector<128x512xi32>
    %select_n3A_79 = arith.select %gt3A_75, %broadcast_in_dim3A_78, %select_n3A_72 : vector<128x512xi1>, vector<128x512xi32>
    %slice3A_80 = vector.extract_strided_slice %get3A_4 {offsets = [12, 0, 0], sizes = [1, 128, 512], strides = [1, 1, 1]} : vector<21x128x512xf32> to vector<1x128x512xf32>
    %squeeze3A_81 = vector.shape_cast %slice3A_80 : vector<1x128x512xf32> to vector<128x512xf32>
    %gt3A_82 = arith.cmpf ogt, %squeeze3A_81, %select_n3A_76 : vector<128x512xf32>
    %select_n3A_83 = arith.select %gt3A_82, %squeeze3A_81, %select_n3A_76 : vector<128x512xi1>, vector<128x512xf32>
    %jit3A_84 = arith.constant 12 : i32
    %broadcast_in_dim3A_85 = vector.broadcast %jit3A_84 : i32 to vector<128x512xi32>
    %select_n3A_86 = arith.select %gt3A_82, %broadcast_in_dim3A_85, %select_n3A_79 : vector<128x512xi1>, vector<128x512xi32>
    %slice3A_87 = vector.extract_strided_slice %get3A_4 {offsets = [13, 0, 0], sizes = [1, 128, 512], strides = [1, 1, 1]} : vector<21x128x512xf32> to vector<1x128x512xf32>
    %squeeze3A_88 = vector.shape_cast %slice3A_87 : vector<1x128x512xf32> to vector<128x512xf32>
    %gt3A_89 = arith.cmpf ogt, %squeeze3A_88, %select_n3A_83 : vector<128x512xf32>
    %select_n3A_90 = arith.select %gt3A_89, %squeeze3A_88, %select_n3A_83 : vector<128x512xi1>, vector<128x512xf32>
    %jit3A_91 = arith.constant 13 : i32
    %broadcast_in_dim3A_92 = vector.broadcast %jit3A_91 : i32 to vector<128x512xi32>
    %select_n3A_93 = arith.select %gt3A_89, %broadcast_in_dim3A_92, %select_n3A_86 : vector<128x512xi1>, vector<128x512xi32>
    %slice3A_94 = vector.extract_strided_slice %get3A_4 {offsets = [14, 0, 0], sizes = [1, 128, 512], strides = [1, 1, 1]} : vector<21x128x512xf32> to vector<1x128x512xf32>
    %squeeze3A_95 = vector.shape_cast %slice3A_94 : vector<1x128x512xf32> to vector<128x512xf32>
    %gt3A_96 = arith.cmpf ogt, %squeeze3A_95, %select_n3A_90 : vector<128x512xf32>
    %select_n3A_97 = arith.select %gt3A_96, %squeeze3A_95, %select_n3A_90 : vector<128x512xi1>, vector<128x512xf32>
    %jit3A_98 = arith.constant 14 : i32
    %broadcast_in_dim3A_99 = vector.broadcast %jit3A_98 : i32 to vector<128x512xi32>
    %select_n3A_100 = arith.select %gt3A_96, %broadcast_in_dim3A_99, %select_n3A_93 : vector<128x512xi1>, vector<128x512xi32>
    %slice3A_101 = vector.extract_strided_slice %get3A_4 {offsets = [15, 0, 0], sizes = [1, 128, 512], strides = [1, 1, 1]} : vector<21x128x512xf32> to vector<1x128x512xf32>
    %squeeze3A_102 = vector.shape_cast %slice3A_101 : vector<1x128x512xf32> to vector<128x512xf32>
    %gt3A_103 = arith.cmpf ogt, %squeeze3A_102, %select_n3A_97 : vector<128x512xf32>
    %select_n3A_104 = arith.select %gt3A_103, %squeeze3A_102, %select_n3A_97 : vector<128x512xi1>, vector<128x512xf32>
    %jit3A_105 = arith.constant 15 : i32
    %broadcast_in_dim3A_106 = vector.broadcast %jit3A_105 : i32 to vector<128x512xi32>
    %select_n3A_107 = arith.select %gt3A_103, %broadcast_in_dim3A_106, %select_n3A_100 : vector<128x512xi1>, vector<128x512xi32>
    %slice3A_108 = vector.extract_strided_slice %get3A_4 {offsets = [16, 0, 0], sizes = [1, 128, 512], strides = [1, 1, 1]} : vector<21x128x512xf32> to vector<1x128x512xf32>
    %squeeze3A_109 = vector.shape_cast %slice3A_108 : vector<1x128x512xf32> to vector<128x512xf32>
    %gt3A_110 = arith.cmpf ogt, %squeeze3A_109, %select_n3A_104 : vector<128x512xf32>
    %select_n3A_111 = arith.select %gt3A_110, %squeeze3A_109, %select_n3A_104 : vector<128x512xi1>, vector<128x512xf32>
    %jit3A_112 = arith.constant 16 : i32
    %broadcast_in_dim3A_113 = vector.broadcast %jit3A_112 : i32 to vector<128x512xi32>
    %select_n3A_114 = arith.select %gt3A_110, %broadcast_in_dim3A_113, %select_n3A_107 : vector<128x512xi1>, vector<128x512xi32>
    %slice3A_115 = vector.extract_strided_slice %get3A_4 {offsets = [17, 0, 0], sizes = [1, 128, 512], strides = [1, 1, 1]} : vector<21x128x512xf32> to vector<1x128x512xf32>
    %squeeze3A_116 = vector.shape_cast %slice3A_115 : vector<1x128x512xf32> to vector<128x512xf32>
    %gt3A_117 = arith.cmpf ogt, %squeeze3A_116, %select_n3A_111 : vector<128x512xf32>
    %select_n3A_118 = arith.select %gt3A_117, %squeeze3A_116, %select_n3A_111 : vector<128x512xi1>, vector<128x512xf32>
    %jit3A_119 = arith.constant 17 : i32
    %broadcast_in_dim3A_120 = vector.broadcast %jit3A_119 : i32 to vector<128x512xi32>
    %select_n3A_121 = arith.select %gt3A_117, %broadcast_in_dim3A_120, %select_n3A_114 : vector<128x512xi1>, vector<128x512xi32>
    %slice3A_122 = vector.extract_strided_slice %get3A_4 {offsets = [18, 0, 0], sizes = [1, 128, 512], strides = [1, 1, 1]} : vector<21x128x512xf32> to vector<1x128x512xf32>
    %squeeze3A_123 = vector.shape_cast %slice3A_122 : vector<1x128x512xf32> to vector<128x512xf32>
    %gt3A_124 = arith.cmpf ogt, %squeeze3A_123, %select_n3A_118 : vector<128x512xf32>
    %select_n3A_125 = arith.select %gt3A_124, %squeeze3A_123, %select_n3A_118 : vector<128x512xi1>, vector<128x512xf32>
    %jit3A_126 = arith.constant 18 : i32
    %broadcast_in_dim3A_127 = vector.broadcast %jit3A_126 : i32 to vector<128x512xi32>
    %select_n3A_128 = arith.select %gt3A_124, %broadcast_in_dim3A_127, %select_n3A_121 : vector<128x512xi1>, vector<128x512xi32>
    %slice3A_129 = vector.extract_strided_slice %get3A_4 {offsets = [19, 0, 0], sizes = [1, 128, 512], strides = [1, 1, 1]} : vector<21x128x512xf32> to vector<1x128x512xf32>
    %squeeze3A_130 = vector.shape_cast %slice3A_129 : vector<1x128x512xf32> to vector<128x512xf32>
    %gt3A_131 = arith.cmpf ogt, %squeeze3A_130, %select_n3A_125 : vector<128x512xf32>
    %select_n3A_132 = arith.select %gt3A_131, %squeeze3A_130, %select_n3A_125 : vector<128x512xi1>, vector<128x512xf32>
    %jit3A_133 = arith.constant 19 : i32
    %broadcast_in_dim3A_134 = vector.broadcast %jit3A_133 : i32 to vector<128x512xi32>
    %select_n3A_135 = arith.select %gt3A_131, %broadcast_in_dim3A_134, %select_n3A_128 : vector<128x512xi1>, vector<128x512xi32>
    %slice3A_136 = vector.extract_strided_slice %get3A_4 {offsets = [20, 0, 0], sizes = [1, 128, 512], strides = [1, 1, 1]} : vector<21x128x512xf32> to vector<1x128x512xf32>
    %squeeze3A_137 = vector.shape_cast %slice3A_136 : vector<1x128x512xf32> to vector<128x512xf32>
    %gt3A_138 = arith.cmpf ogt, %squeeze3A_137, %select_n3A_132 : vector<128x512xf32>
    %select_n3A_139 = arith.select %gt3A_138, %squeeze3A_137, %select_n3A_132 : vector<128x512xi1>, vector<128x512xf32>
    %jit3A_140 = arith.constant 20 : i32
    %broadcast_in_dim3A_141 = vector.broadcast %jit3A_140 : i32 to vector<128x512xi32>
    %select_n3A_142 = arith.select %gt3A_138, %broadcast_in_dim3A_141, %select_n3A_135 : vector<128x512xi1>, vector<128x512xi32>
    %bitcast_convert_type3A = tpu.bitcast %select_n3A_139 : vector<128x512xf32> -> vector<128x512xi32>
    %and3A = arith.constant -32 : i32
    %and3A_143 = vector.broadcast %and3A : i32 to vector<128x512xi32>
    %and3A_144 = arith.andi %bitcast_convert_type3A, %and3A_143 : vector<128x512xi32>
    %or3A = arith.ori %and3A_144, %select_n3A_142 : vector<128x512xi32>
    %swap3A = arith.constant 0 : index
    %swap3A_145 = arith.constant 0 : index
    %swap3A_146 = arith.constant 0 : index
    %swap3A_147 = vector.load %arg3[%swap3A, %swap3A_145, %swap3A_146] : memref<1x128x512xi32, #tpu.memory_space<vmem>>, vector<1x128x512xi32>
    %swap3A_148 = vector.shape_cast %swap3A_147 : vector<1x128x512xi32> to vector<128x512xi32>
    %swap3A_149 = vector.shape_cast %or3A : vector<128x512xi32> to vector<1x128x512xi32>
    tpu.vector_store %arg3[%swap3A, %swap3A_145, %swap3A_146], %swap3A_149 {strides = array<i32>} : memref<1x128x512xi32, #tpu.memory_space<vmem>>, vector<1x128x512xi32>,
    return
  }
  func.func @transform_0(%arg0: i32, %arg1: i32) -> (i32, i32, i32, i32) {
    %c0_i32 = arith.constant 0 : i32
    %c0_i32_0 = arith.constant 0 : i32
    %c0_i32_1 = arith.constant 0 : i32
    return %arg0, %c0_i32, %arg1, %c0_i32_0 : i32, i32, i32, i32
  }
  func.func @transform_1(%arg0: i32, %arg1: i32) -> (i32, i32, i32) {
    %c0_i32 = arith.constant 0 : i32
    %c0_i32_0 = arith.constant 0 : i32
    return %arg0, %arg1, %c0_i32 : i32, i32, i32
  }
}

</mosaic_0001>

<sc_bundles>
// kernel: kernel.4.cloned.1.call-start
scs
__scs_entry_jumppad:
0x0: {  	(pc) =	sbr.rel $0x88, $3  }
0x1: {  	(tag) =	ssettag $0x0;
	lr =	simm.s32 $0x1  }
0x2: {  	[smem:$0x3FA0] =	sst lr;
	_ =	strace $0xD0000000  }
0x3: {  	_ = 	snop  }
0x4: {  	_ = 	snop  }
0x5: {  	_ = 	snop  }
0x6: {  	_ = 	snop  }
0x7: {  	_ = 	snop  }
__scs_overlays_trampoline_lowered:
0x8: {  	[smem:$0x3FAF] =	sst s0  }
0x9: {  	[smem:$0x3FB0] =	sst s1  }
0xa: {  	[smem:$0x3FB1] =	sst s2  }
0xb: {  	[smem:$0x3FB2] =	sst s3  }
0xc: {  	[smem:$0x3FB3] =	sst s4  }
0xd: {  	[smem:$0x3FB4] =	sst s5  }
0xe: {  	[smem:$0x3FB5] =	sst s6  }
0xf: {  	[smem:$0x3FB6] =	sst s7  }
0x10: {  	[smem:$0x3FB7] =	sst s8  }
0x11: {  	[smem:$0x3FB8] =	sst s9;
	s0 =	simm.s32 @!p0 $0x0  }
0x12: {  	s1 =	sld [smem:$0x3F9E];
	s0 =	simm.s32 @p0 $0x1  }
0x13: {  	[smem:$0x3FB9] =	sst s0;
	s0 =	simm.s32 @!p1 $0x0  }
0x14: {  	s2 =	sld [smem:$0x3F9D];
	s0 =	simm.s32 @p1 $0x1  }
0x15: {  	[smem:$0x3FBA] =	sst s0;
	s0 =	simm.s32 @!p2 $0x0  }
0x16: {  	s3 =	sld [smem:$0x3FDB];
	s0 =	simm.s32 @p2 $0x1  }
0x17: {  	s4 =	simm.s32 $0x1BF5;
	[smem:$0x3FBC] =	sst s0  }
0x18: {  	s0 =	sld [smem:$0x3F9F];
	_ =	swait.ge [sflag:s4], $0x0  }
0x19: {  	s7 =	sld [smem:$0x3FA0]  }
0x1a: {  	s8 =	sadd.s32 $0xFFFFE003, lr  }
0x1b: {  	s9 =	sadd.s32 $0xFFFFFEF7, lr;
	s5 =	simm.s32 $0xFFFFFFFF;
	p2 =	slt.u32 s8, $0xFFFFF086  }
0x1c: {  	p1 =	slt.u32 s9, $0xF7A;
	s5 =	simm.s32 @!p2 $0x0  }
0x1d: {  	s5 =	simm.s32 @p1 $0x1;
	p0 =	seq.s32 s7, s2  }
0x1e: {  	s7 =	smul.u32 @!p0 $0xF7A, s2;
	p2 =	seq.s32 @!p0 s5, $0x0  }
0x1f: {  	s9 =	smul.u32 $0xF7A, s1;
	s8 =	simm.s32 @!p0 $0x1BF5;
	p2 =	por !p2, p0  }
0x20: {  	[sflag:s8] =	ssyncset.s32 @!p0 $0xFFFFF086;
	s6 =	sadd.s32 @!p0 s3, s7;
	s7 =	simm.s32 @!p0 $0x108  }
0x21: {  	s3 =	sadd.s32 s3, s9;
	s6 =	sadd.s32 @!p0 $0x88, s6;
	s7 =	simm.s32 @p2 $0x1082  }
0x22: {  	[simem:s7], [sflag:s8] =	dma.local @!p0 [hbm:s6], $0xF7A  }
0x23: {  	s9 =	sor.u32 $0xD0000000, s2;
	s6 =	simm.s32 $0x108;
	_ =	swait.ge @!p0 [sflag:s8], $0x0  }
0x24: {  	s3 =	sadd.s32 $0x88, s3;
	s6 =	simm.s32 @!p1 $0x1082;
	[sflag:s4] =	ssyncset.s32 $0xFFFFF086  }
0x25: {  	[simem:s6], [sflag:s4] =	dma.local [hbm:s3], $0xF7A  }
0x26: {  	[smem:$0x3FA0] =	sst s1;
	(tag) =	ssettag s2;
	_ =	strace s9  }
0x27: {  	s1 =	sld [smem:$0x3FB0]  }
0x28: {  	s2 =	sld [smem:$0x3FB1]  }
0x29: {  	s4 =	sld [smem:$0x3FB3]  }
0x2a: {  	p0 =	seq.s32 s5, $0x0;
	s5 =	sld [smem:$0x3FB4]  }
0x2b: {  	s6 =	sld [smem:$0x3FB5]  }
0x2c: {  	s7 =	sld [smem:$0x3FB6]  }
0x2d: {  	s3 =	simm.s32 $0x108;
	s8 =	sld [smem:$0x3FB7]  }
0x2e: {  	s3 =	simm.s32 @!p0 $0x1082;
	s9 =	sld [smem:$0x3FB8]  }
0x2f: {  	lr =	sadd.s32 s0, s3;
	s0 =	sld [smem:$0x3FAF]  }
0x30: {  	s3 =	sld [smem:$0x3FB2]  }
0x31: {  	[smem:$0x3FBB] =	sst s10  }
0x32: {  	s10 =	sld [smem:$0x3FB9];
	_ =	sdelay $0x3  }
0x33: {  	p0 =	seq.s32 s10, $0x1;
	s10 =	sld [smem:$0x3FBB];
	_ =	sdelay $0x3  }
0x34: {  	[smem:$0x3FBB] =	sst s10  }
0x35: {  	s10 =	sld [smem:$0x3FBA];
	_ =	sdelay $0x3  }
0x36: {  	p1 =	seq.s32 s10, $0x1;
	s10 =	sld [smem:$0x3FBB];
	_ =	sdelay $0x3  }
0x37: {  	[smem:$0x3FBB] =	sst s10  }
0x38: {  	s10 =	sld [smem:$0x3FBC]  }
0x39: {  	_ = 	snop;
	(pc) =	sbr.ind lr, $3  }
0x3a: {  	_ = 	snop  }
0x3b: {  	_ = 	snop  }
0x3c: {  	p2 =	seq.s32 s10, $0x1;
	s10 =	sld [smem:$0x3FBB]  }
0x3d: {  	_ =	shalt  }
0x3e: {  	_ =	shalt  }
0x3f: {  	_ =	shalt  }
0x40: {  	_ =	shalt  }
0x41: {  	_ =	shalt  }
0x42: {  	_ =	shalt  }
0x43: {  	_ =	shalt  }
0x44: {  	_ =	shalt  }
0x45: {  	_ =	shalt  }
0x46: {  	_ =	shalt  }
0x47: {  	_ =	shalt  }
0x48: {  	_ =	shalt  }
0x49: {  	_ =	shalt  }
0x4a: {  	_ =	shalt  }
0x4b: {  	_ =	shalt  }
0x4c: {  	_ =	shalt  }
0x4d: {  	_ =	shalt  }
0x4e: {  	_ =	shalt  }
0x4f: {  	_ =	shalt  }
0x50: {  	_ =	shalt  }
0x51: {  	_ =	shalt  }
0x52: {  	_ =	shalt  }
0x53: {  	_ =	shalt  }
0x54: {  	_ =	shalt  }
0x55: {  	_ =	shalt  }
0x56: {  	_ =	shalt  }
0x57: {  	_ =	shalt  }
0x58: {  	_ =	shalt  }
0x59: {  	_ =	shalt  }
0x5a: {  	_ =	shalt  }
0x5b: {  	_ =	shalt  }
0x5c: {  	_ =	shalt  }
0x5d: {  	_ =	shalt  }
0x5e: {  	_ =	shalt  }
0x5f: {  	_ =	shalt  }
0x60: {  	_ =	shalt  }
0x61: {  	_ =	shalt  }
0x62: {  	_ =	shalt  }
0x63: {  	_ =	shalt  }
0x64: {  	_ =	shalt  }
0x65: {  	_ =	shalt  }
0x66: {  	_ =	shalt  }
0x67: {  	_ =	shalt  }
0x68: {  	_ =	shalt  }
0x69: {  	_ =	shalt  }
0x6a: {  	_ =	shalt  }
0x6b: {  	_ =	shalt  }
0x6c: {  	_ =	shalt  }
0x6d: {  	_ =	shalt  }
0x6e: {  	_ =	shalt  }
0x6f: {  	_ =	shalt  }
0x70: {  	_ =	shalt  }
0x71: {  	_ =	shalt  }
0x72: {  	_ =	shalt  }
0x73: {  	_ =	shalt  }
0x74: {  	_ =	shalt  }
0x75: {  	_ =	shalt  }
0x76: {  	_ =	shalt  }
0x77: {  	_ =	shalt  }
0x78: {  	_ =	shalt  }
0x79: {  	_ =	shalt  }
0x7a: {  	_ =	shalt  }
0x7b: {  	_ =	shalt  }
0x7c: {  	_ =	shalt  }
0x7d: {  	_ =	shalt  }
0x7e: {  	_ =	shalt  }
0x7f: {  	_ =	shalt  }
0x80: {  	_ =	shalt  }
0x81: {  	_ =	shalt  }
0x82: {  	_ =	shalt  }
0x83: {  	_ =	shalt  }
0x84: {  	_ =	shalt  }
0x85: {  	_ =	shalt  }
0x86: {  	_ =	shalt  }
0x87: {  	_ =	shalt  }
.Lfunc_end0:
.L_simem_size_0:
called_computation_lowered:
.L_overlay_start_0:
0x88: {  	s2 =	sld [smem:$0x3FD9]  }
0x89: {  	s3 =	sld [smem:$0x3FFE];
	_ =	sdelay $0x1  }
0x8a: {  	s1 =	srdreg.scid  }
0x8b: {  	s0 =	sand.u32 $0x1, s1  }
0x8c: {  	s16 =	sshll.u32 s0, $0xA;
	s2 =	sadd.s32 s3, s2  }
0x8d: {  	s2 =	sadd.s32 s2, s16  }
0x8e: {  	[smem:$0x3FC7] =	sst s2  }
0x8f: {  	_ = 	snop  }
0x90: {  	(tm) =	ssettm $0x1  }
0x91: {  	s17 =	sld [smem:$0x3FFB];
	_ =	sdelay $0x3  }
0x92: {  	_ =	strace s17  }
0x93: {  	s2 =	sld [smem:$0x3FFC];
	_ =	sdelay $0x3  }
0x94: {  	_ =	strace s2  }
0x95: {  	s2 =	sld [smem:$0x3FFD];
	_ =	sdelay $0x3  }
0x96: {  	_ =	strace s2  }
0x97: {  	_ =	strace $0x8FFFFFFF  }
0x98: {  	s18 =	sld [smem:$0x3FDB];
	_ =	sdelay $0x1  }
0x99: {  	s19 =	simm.s32 $_scs_section_size  }
0x9a: {  	s4 =	simm.s32 $_size__tile_overlayer_lowered;
	s5 =	simm.s32 $_tile_overlayer_lowered  }
0x9b: {  	s22 =	simm.s32 $0x1BFF;
	s21 =	sshll.u32 s5, $0x1;
	s2 =	sadd.s32 s19, s18  }
0x9c: {  	s6 =	simm.s32 $0x0;
	s20 =	sshll.u32 s4, $0x1;
	s4 =	sadd.s32 s21, s2  }
0x9d: {  	[timem:s6], [sflag:s22] =	dma.local [hbm:s4], s20  }
0x9e: {  	_ =	swait.ge [sflag:s22], s20  }
0x9f: {  	s3 =	ssub.s32 $0x0, s20;
	[sflag:s22] =	ssyncset.done $0x0  }
0xa0: {  	[sflag:s22] =	ssyncadd.s32 s3;
	_ =	sdelay $0x1  }
0xa1: {  	s23 =	simm.s32 $0x1B8B  }
0xa2: {  	_ =	swait.ge [sflag:s23], $0x1  }
0xa3: {  	[sflag:s23] =	ssyncset.done $0x0  }
0xa4: {  	s25 =	simm.s32 $0x1B8E;
	s24 =	sld [smem:$0x3FFE];
	[sflag:s23] =	ssyncadd.s32 $0xFFFFFFFF  }
0xa5: {  	s26 =	simm.s32 $execute0_lowered;
	[smem:$0x3FD2] =	sst s25  }
0xa6: {  	s4 =	sshll.u32 s26, $0x1;
	_ =	strace $0x80000046;
	[dreg:$0x1] =	wrdreg $0xFFFFFFFF  }
0xa7: {  	s28 =	simm.s32 $_size_execute0_lowered;
	s2 =	sadd.s32 s2, s4;
	[dreg:$0x0] =	wrdreg $0x0  }
0xa8: {  	s4 =	sshll.u32 s28, $0x1;
	[dreg:$0x2] =	wrdreg s2  }
0xa9: {  	[dreg:$0x3] =	wrdreg s4  }
0xaa: {  	[dreg:$0x4] =	wrdreg $0xC0  }
0xab: {  	_ =	task [dreg:s6], $0x5FFFF  }
0xac: {  	[dreg:$0x1] =	wrdreg $0xFFFFFFFF  }
0xad: {  	[dreg:$0x0] =	wrdreg $0x60  }
0xae: {  	[dreg:$0x2] =	wrdreg s24  }
0xaf: {  	[dreg:$0x3] =	wrdreg $0x9  }
0xb0: {  	_ =	task.clear_ibuf [dreg:s6], $0x4FFFF;
	_ =	strace $0x90000046  }
0xb1: {  	s29 =	simm.s32 $0x9;
	_ =	strace $0x80000048  }
0xb2: {  	_ =	swait.ge [sflag:s29], $0x1  }
0xb3: {  	[sflag:s29] =	ssyncadd.s32 $0xFFFFFFFF  }
0xb4: {  	_ =	strace $0x90000048  }
0xb5: {  	_ =	sfence  }
0xb6: {  	s30 =	sld [smem:$0x0];
	_ =	sdelay $0x2  }
0xb7: {  	s31 =	sshll.u32 s1, $0xD;
	s1 =	sshrl.u32 s1, $0x2  }
0xb8: {  	s3 =	sand.u32 $0x4000, s31;
	s1 =	sadd.s32 s1, s30  }
0xb9: {  	s0 =	sor.u32 s3, s0;
	s1 =	sshll.u32 s1, $0x11  }
0xba: {  	s0 =	sor.u32 s1, s0  }
0xbb: {  	s0 =	sadd.s32 $0x8F2B, s0  }
0xbc: {  	[sflag:s0] =	ssyncadd.remote.s32 $0x1  }
0xbd: {  	_ =	sfence.sel $0xFFFF  }
0xbe: {  	[dreg:$0x0] =	wrdreg $0xFFFFFFFF;
	(pc) =	sbr.abs _section_cstart, $3  }
0xbf: {  	[dreg:$0x1] =	wrdreg $0xFFFFFFFF  }
0xc0: {  	_ =	task.clear_ibuf [dreg:s6], $0x2FFFF;
	_ =	strace $0x9FFFFFFF  }
0xc1: {  	(tm) =	ssettm $0x7FFFFFFF  }
tec
execute0_lowered:
.L_overlay_start_1:
0x0: {  	(tag) =	ssettag $0x1  }
0x1: {  	s3 =	rddreg [dreg:$0x0]  }
0x2: {  	s0 =	rddreg [dreg:$0x1];
	s2 =	simm.s32 $0x0;
	s4 =	srdreg.scid  }
0x3: {  	s1 =	stileid.u32;
	s13 =	simm.s32 $0x2000;
	s14 =	simm.s32 $0x1  }
0x4: {  	s15 =	simm.s32 $0x4000;
	s16 =	simm.s32 $0x2;
	s17 =	simm.s32 $0x4800  }
0x5: {  	s18 =	simm.s32 $0x3;
	s4 =	sand.u32 $0x1, s4;
	s5 =	sshll.u32 s1, $0x1  }
0x6: {  	s19 =	simm.s32 $0x0;
	[smem:$0x7FF] =	sst s2;
	s5 =	sor.u32 s4, s5  }
0x7: {  	_ =	strace $0x80000047;
	s4 =	ssub.s32 $0x2, s4;
	s6 =	sshll.u32 s5, $0xD  }
0x8: {  	s5 =	sshll.u32 s5, $0x4;
	s31 =	sshrl.u32 s4, $0x1;
	s10 =	sadd.s32 s6, s3  }
0x9: {  	s11 =	sadd.s32 s5, s3;
	s12 =	ssub.s32 s4, s31;
	s3 =	sadd.s32 $0x200, s10  }
0xa: {  	s4 =	sadd.s32 $0x600, s10;
	s5 =	sadd.s32 $0xA00, s10;
	s6 =	sadd.s32 $0xE00, s10  }
0xb: {  	v1 =	vlaneseq.u32;
	s7 =	sadd.s32 $0x1200, s10;
	s8 =	sadd.s32 $0x1600, s10;
	s9 =	sadd.s32 $0x1A00, s10  }
0xc: {  	v0 =	vimm.f32 $0.0e+00;
	v1 =	vmul.u32 $0x80, v1;
	s10 =	sadd.s32 $0x1E00, s10;
	s11 =	sadd.s32 $0x40200, s11;
	s12 =	smax.u32 s12, $0x1  }
.LBB2_1:
0xd: {  	[tilespmem:$0x4000] =	vst v0  }
0xe: {  	[tilespmem:$0x4010] =	vst v0  }
0xf: {  	[tilespmem:$0x4080] =	vst v0  }
0x10: {  	[tilespmem:$0x4090] =	vst v0  }
0x11: {  	[tilespmem:$0x4100] =	vst v0  }
0x12: {  	[tilespmem:$0x4110] =	vst v0  }
0x13: {  	[tilespmem:$0x4180] =	vst v0  }
0x14: {  	[tilespmem:$0x4190] =	vst v0  }
0x15: {  	[tilespmem:$0x4200] =	vst v0  }
0x16: {  	[tilespmem:$0x4210] =	vst v0  }
0x17: {  	[tilespmem:$0x4280] =	vst v0  }
0x18: {  	[tilespmem:$0x4290] =	vst v0  }
0x19: {  	[tilespmem:$0x4300] =	vst v0  }
0x1a: {  	[tilespmem:$0x4310] =	vst v0  }
0x1b: {  	[tilespmem:$0x4380] =	vst v0  }
0x1c: {  	[tilespmem:$0x4390] =	vst v0  }
0x1d: {  	[tilespmem:$0x4400] =	vst v0  }
0x1e: {  	[tilespmem:$0x4410] =	vst v0  }
0x1f: {  	[tilespmem:$0x4480] =	vst v0  }
0x20: {  	[tilespmem:$0x4490] =	vst v0  }
0x21: {  	[tilespmem:$0x4500] =	vst v0  }
0x22: {  	[tilespmem:$0x4510] =	vst v0  }
0x23: {  	[tilespmem:$0x4580] =	vst v0  }
0x24: {  	[tilespmem:$0x4590] =	vst v0  }
0x25: {  	[tilespmem:$0x4600] =	vst v0  }
0x26: {  	[tilespmem:$0x4610] =	vst v0  }
0x27: {  	[tilespmem:$0x4680] =	vst v0  }
0x28: {  	[tilespmem:$0x4690] =	vst v0  }
0x29: {  	[tilespmem:$0x4700] =	vst v0  }
0x2a: {  	[tilespmem:$0x4710] =	vst v0  }
0x2b: {  	[tilespmem:$0x4780] =	vst v0  }
0x2c: {  	[tilespmem:$0x4790] =	vst v0  }
0x2d: {  	[tilespmem:s2], [sflag:$0x1] =	stream.linear.gather [hbm4b:s3+s2], $0x2000, $0x38;
	[tilespmem:$0x4880] =	vst v63  }
0x2e: {  	_ = 	snop  }
0x2f: {  	[tilespmem:s13], [sflag:$0x2] =	stream.linear.gather [hbm4b:s4+s2], $0x2000, $0x38;
	[tilespmem:$0x4880] =	vst v63  }
0x30: {  	_ =	swait.ge [sflag:s14], $0x2000  }
0x31: {  	[sflag:s14] =	ssyncset.done $0x0  }
0x32: {  	s20 =	simm.s32 $0x0;
	s21 =	simm.s32 $0x0;
	[sflag:s14] =	ssyncadd.s32 $0xFFFFE000  }
.LBB2_2:
0x33: {  	s22 =	sand.u32 $0x1000, s21;
	s23 =	sand.u32 $0x380, s20  }
0x34: {  	s22 =	sor.u32 s23, s22  }
0x35: {  	v2 =	vld [tilespmem:s22+$0x0];
	_ =	sdelay $0x4  }
0x36: {  	v3 =	vand.u32 $0x1F, v2  }
0x37: {  	v3 =	vor.u32 v1, v3;
	_ =	sdelay $0x3  }
0x38: {  	v2 =	vand.u32 $0xFFFFFFE0, v2  }
0x39: {  	[tilespmem:v3+s15+$0x0] =	vst.idx.add.f32.msk $0xffff, v2  }
0x3a: {  	v2 =	vld [tilespmem:s22+$0x10];
	_ =	sdelay $0x4  }
0x3b: {  	v3 =	vand.u32 $0x1F, v2  }
0x3c: {  	v3 =	vor.u32 v1, v3;
	_ =	sdelay $0x3  }
0x3d: {  	v2 =	vand.u32 $0xFFFFFFE0, v2  }
0x3e: {  	[tilespmem:v3+s15+$0x0] =	vst.idx.add.f32.msk $0xffff, v2  }
0x3f: {  	v2 =	vld [tilespmem:s22+$0x20];
	_ =	sdelay $0x4  }
0x40: {  	v3 =	vand.u32 $0x1F, v2  }
0x41: {  	v3 =	vor.u32 v1, v3;
	_ =	sdelay $0x3  }
0x42: {  	v2 =	vand.u32 $0xFFFFFFE0, v2  }
0x43: {  	[tilespmem:v3+s15+$0x0] =	vst.idx.add.f32.msk $0xffff, v2  }
0x44: {  	v2 =	vld [tilespmem:s22+$0x30];
	_ =	sdelay $0x4  }
0x45: {  	v3 =	vand.u32 $0x1F, v2  }
0x46: {  	v3 =	vor.u32 v1, v3;
	_ =	sdelay $0x3  }
0x47: {  	v2 =	vand.u32 $0xFFFFFFE0, v2  }
0x48: {  	[tilespmem:v3+s15+$0x0] =	vst.idx.add.f32.msk $0xffff, v2  }
0x49: {  	v2 =	vld [tilespmem:s22+$0x40];
	_ =	sdelay $0x4  }
0x4a: {  	v3 =	vand.u32 $0x1F, v2  }
0x4b: {  	v3 =	vor.u32 v1, v3;
	_ =	sdelay $0x3  }
0x4c: {  	v2 =	vand.u32 $0xFFFFFFE0, v2  }
0x4d: {  	[tilespmem:v3+s15+$0x0] =	vst.idx.add.f32.msk $0xffff, v2  }
0x4e: {  	v2 =	vld [tilespmem:s22+$0x50];
	_ =	sdelay $0x4  }
0x4f: {  	v3 =	vand.u32 $0x1F, v2  }
0x50: {  	v3 =	vor.u32 v1, v3;
	_ =	sdelay $0x3  }
0x51: {  	v2 =	vand.u32 $0xFFFFFFE0, v2  }
0x52: {  	[tilespmem:v3+s15+$0x0] =	vst.idx.add.f32.msk $0xffff, v2  }
0x53: {  	v2 =	vld [tilespmem:s22+$0x60];
	_ =	sdelay $0x4  }
0x54: {  	v3 =	vand.u32 $0x1F, v2  }
0x55: {  	v3 =	vor.u32 v1, v3;
	_ =	sdelay $0x3  }
0x56: {  	v2 =	vand.u32 $0xFFFFFFE0, v2  }
0x57: {  	[tilespmem:v3+s15+$0x0] =	vst.idx.add.f32.msk $0xffff, v2  }
0x58: {  	v2 =	vld [tilespmem:s22+$0x70];
	_ =	sdelay $0x4  }
0x59: {  	v3 =	vand.u32 $0x1F, v2  }
0x5a: {  	v3 =	vor.u32 v1, v3;
	_ =	sdelay $0x3  }
0x5b: {  	v2 =	vand.u32 $0xFFFFFFE0, v2  }
0x5c: {  	[tilespmem:v3+s15+$0x0] =	vst.idx.add.f32.msk $0xffff, v2  }
0x5d: {  	v2 =	vld [tilespmem:s22+$0x400];
	_ =	sdelay $0x4  }
0x5e: {  	v3 =	vand.u32 $0x1F, v2  }
0x5f: {  	v3 =	vor.u32 v1, v3;
	_ =	sdelay $0x3  }
0x60: {  	v2 =	vand.u32 $0xFFFFFFE0, v2  }
0x61: {  	[tilespmem:v3+s15+$0x0] =	vst.idx.add.f32.msk $0xffff, v2  }
0x62: {  	v2 =	vld [tilespmem:s22+$0x410];
	_ =	sdelay $0x4  }
0x63: {  	v3 =	vand.u32 $0x1F, v2  }
0x64: {  	v3 =	vor.u32 v1, v3;
	_ =	sdelay $0x3  }
0x65: {  	v2 =	vand.u32 $0xFFFFFFE0, v2  }
0x66: {  	[tilespmem:v3+s15+$0x0] =	vst.idx.add.f32.msk $0xffff, v2  }
0x67: {  	v2 =	vld [tilespmem:s22+$0x420];
	_ =	sdelay $0x4  }
0x68: {  	v3 =	vand.u32 $0x1F, v2  }
0x69: {  	v3 =	vor.u32 v1, v3;
	_ =	sdelay $0x3  }
0x6a: {  	v2 =	vand.u32 $0xFFFFFFE0, v2  }
0x6b: {  	[tilespmem:v3+s15+$0x0] =	vst.idx.add.f32.msk $0xffff, v2  }
0x6c: {  	v2 =	vld [tilespmem:s22+$0x430];
	_ =	sdelay $0x4  }
0x6d: {  	v3 =	vand.u32 $0x1F, v2  }
0x6e: {  	v3 =	vor.u32 v1, v3;
	_ =	sdelay $0x3  }
0x6f: {  	v2 =	vand.u32 $0xFFFFFFE0, v2  }
0x70: {  	[tilespmem:v3+s15+$0x0] =	vst.idx.add.f32.msk $0xffff, v2  }
0x71: {  	v2 =	vld [tilespmem:s22+$0x440];
	_ =	sdelay $0x4  }
0x72: {  	v3 =	vand.u32 $0x1F, v2  }
0x73: {  	v3 =	vor.u32 v1, v3;
	_ =	sdelay $0x3  }
0x74: {  	v2 =	vand.u32 $0xFFFFFFE0, v2  }
0x75: {  	[tilespmem:v3+s15+$0x0] =	vst.idx.add.f32.msk $0xffff, v2  }
0x76: {  	v2 =	vld [tilespmem:s22+$0x450];
	_ =	sdelay $0x4  }
0x77: {  	v3 =	vand.u32 $0x1F, v2  }
0x78: {  	v3 =	vor.u32 v1, v3;
	_ =	sdelay $0x3  }
0x79: {  	v2 =	vand.u32 $0xFFFFFFE0, v2  }
0x7a: {  	[tilespmem:v3+s15+$0x0] =	vst.idx.add.f32.msk $0xffff, v2  }
0x7b: {  	v2 =	vld [tilespmem:s22+$0x460];
	_ =	sdelay $0x4  }
0x7c: {  	v3 =	vand.u32 $0x1F, v2  }
0x7d: {  	v3 =	vor.u32 v1, v3;
	_ =	sdelay $0x3  }
0x7e: {  	v2 =	vand.u32 $0xFFFFFFE0, v2  }
0x7f: {  	[tilespmem:v3+s15+$0x0] =	vst.idx.add.f32.msk $0xffff, v2  }
0x80: {  	v2 =	vld [tilespmem:s22+$0x470];
	_ =	sdelay $0x4  }
0x81: {  	v3 =	vand.u32 $0x1F, v2  }
0x82: {  	v3 =	vor.u32 v1, v3;
	_ =	sdelay $0x3  }
0x83: {  	v2 =	vand.u32 $0xFFFFFFE0, v2  }
0x84: {  	[tilespmem:v3+s15+$0x0] =	vst.idx.add.f32.msk $0xffff, v2  }
0x85: {  	v2 =	vld [tilespmem:s22+$0x800];
	_ =	sdelay $0x4  }
0x86: {  	v3 =	vand.u32 $0x1F, v2  }
0x87: {  	v3 =	vor.u32 v1, v3;
	_ =	sdelay $0x3  }
0x88: {  	v2 =	vand.u32 $0xFFFFFFE0, v2  }
0x89: {  	[tilespmem:v3+s15+$0x0] =	vst.idx.add.f32.msk $0xffff, v2  }
0x8a: {  	v2 =	vld [tilespmem:s22+$0x810];
	_ =	sdelay $0x4  }
0x8b: {  	v3 =	vand.u32 $0x1F, v2  }
0x8c: {  	v3 =	vor.u32 v1, v3;
	_ =	sdelay $0x3  }
0x8d: {  	v2 =	vand.u32 $0xFFFFFFE0, v2  }
0x8e: {  	[tilespmem:v3+s15+$0x0] =	vst.idx.add.f32.msk $0xffff, v2  }
0x8f: {  	v2 =	vld [tilespmem:s22+$0x820];
	_ =	sdelay $0x4  }
0x90: {  	v3 =	vand.u32 $0x1F, v2  }
0x91: {  	v3 =	vor.u32 v1, v3;
	_ =	sdelay $0x3  }
0x92: {  	v2 =	vand.u32 $0xFFFFFFE0, v2  }
0x93: {  	[tilespmem:v3+s15+$0x0] =	vst.idx.add.f32.msk $0xffff, v2  }
0x94: {  	v2 =	vld [tilespmem:s22+$0x830];
	_ =	sdelay $0x4  }
0x95: {  	v3 =	vand.u32 $0x1F, v2  }
0x96: {  	v3 =	vor.u32 v1, v3;
	_ =	sdelay $0x3  }
0x97: {  	v2 =	vand.u32 $0xFFFFFFE0, v2  }
0x98: {  	[tilespmem:v3+s15+$0x0] =	vst.idx.add.f32.msk $0xffff, v2  }
0x99: {  	v2 =	vld [tilespmem:s22+$0x840];
	_ =	sdelay $0x4  }
0x9a: {  	v3 =	vand.u32 $0x1F, v2  }
0x9b: {  	v3 =	vor.u32 v1, v3;
	_ =	sdelay $0x3  }
0x9c: {  	v2 =	vand.u32 $0xFFFFFFE0, v2  }
0x9d: {  	[tilespmem:v3+s15+$0x0] =	vst.idx.add.f32.msk $0xffff, v2  }
0x9e: {  	v2 =	vld [tilespmem:s22+$0x850];
	_ =	sdelay $0x4  }
0x9f: {  	v3 =	vand.u32 $0x1F, v2  }
0xa0: {  	v3 =	vor.u32 v1, v3;
	_ =	sdelay $0x3  }
0xa1: {  	v2 =	vand.u32 $0xFFFFFFE0, v2  }
0xa2: {  	[tilespmem:v3+s15+$0x0] =	vst.idx.add.f32.msk $0xffff, v2  }
0xa3: {  	v2 =	vld [tilespmem:s22+$0x860];
	_ =	sdelay $0x4  }
0xa4: {  	v3 =	vand.u32 $0x1F, v2  }
0xa5: {  	v3 =	vor.u32 v1, v3;
	_ =	sdelay $0x3  }
0xa6: {  	v2 =	vand.u32 $0xFFFFFFE0, v2  }
0xa7: {  	[tilespmem:v3+s15+$0x0] =	vst.idx.add.f32.msk $0xffff, v2  }
0xa8: {  	v2 =	vld [tilespmem:s22+$0x870];
	_ =	sdelay $0x4  }
0xa9: {  	v3 =	vand.u32 $0x1F, v2  }
0xaa: {  	v3 =	vor.u32 v1, v3;
	_ =	sdelay $0x3  }
0xab: {  	v2 =	vand.u32 $0xFFFFFFE0, v2  }
0xac: {  	[tilespmem:v3+s15+$0x0] =	vst.idx.add.f32.msk $0xffff, v2  }
0xad: {  	v2 =	vld [tilespmem:s22+$0xC00];
	_ =	sdelay $0x4  }
0xae: {  	v3 =	vand.u32 $0x1F, v2  }
0xaf: {  	v3 =	vor.u32 v1, v3;
	_ =	sdelay $0x3  }
0xb0: {  	v2 =	vand.u32 $0xFFFFFFE0, v2  }
0xb1: {  	[tilespmem:v3+s15+$0x0] =	vst.idx.add.f32.msk $0xffff, v2  }
0xb2: {  	v2 =	vld [tilespmem:s22+$0xC10];
	_ =	sdelay $0x4  }
0xb3: {  	v3 =	vand.u32 $0x1F, v2  }
0xb4: {  	v3 =	vor.u32 v1, v3;
	_ =	sdelay $0x3  }
0xb5: {  	v2 =	vand.u32 $0xFFFFFFE0, v2  }
0xb6: {  	[tilespmem:v3+s15+$0x0] =	vst.idx.add.f32.msk $0xffff, v2  }
0xb7: {  	v2 =	vld [tilespmem:s22+$0xC20];
	_ =	sdelay $0x4  }
0xb8: {  	v3 =	vand.u32 $0x1F, v2  }
0xb9: {  	v3 =	vor.u32 v1, v3;
	_ =	sdelay $0x3  }
0xba: {  	v2 =	vand.u32 $0xFFFFFFE0, v2  }
0xbb: {  	[tilespmem:v3+s15+$0x0] =	vst.idx.add.f32.msk $0xffff, v2  }
0xbc: {  	v2 =	vld [tilespmem:s22+$0xC30];
	_ =	sdelay $0x4  }
0xbd: {  	v3 =	vand.u32 $0x1F, v2  }
0xbe: {  	v3 =	vor.u32 v1, v3;
	_ =	sdelay $0x3  }
0xbf: {  	v2 =	vand.u32 $0xFFFFFFE0, v2  }
0xc0: {  	[tilespmem:v3+s15+$0x0] =	vst.idx.add.f32.msk $0xffff, v2  }
0xc1: {  	v2 =	vld [tilespmem:s22+$0xC40];
	_ =	sdelay $0x4  }
0xc2: {  	v3 =	vand.u32 $0x1F, v2  }
0xc3: {  	v3 =	vor.u32 v1, v3;
	_ =	sdelay $0x3  }
0xc4: {  	v2 =	vand.u32 $0xFFFFFFE0, v2  }
0xc5: {  	[tilespmem:v3+s15+$0x0] =	vst.idx.add.f32.msk $0xffff, v2  }
0xc6: {  	v2 =	vld [tilespmem:s22+$0xC50];
	_ =	sdelay $0x4  }
0xc7: {  	v3 =	vand.u32 $0x1F, v2  }
0xc8: {  	v3 =	vor.u32 v1, v3;
	_ =	sdelay $0x3  }
0xc9: {  	v2 =	vand.u32 $0xFFFFFFE0, v2  }
0xca: {  	[tilespmem:v3+s15+$0x0] =	vst.idx.add.f32.msk $0xffff, v2  }
0xcb: {  	v2 =	vld [tilespmem:s22+$0xC60];
	_ =	sdelay $0x4  }
0xcc: {  	v3 =	vand.u32 $0x1F, v2  }
0xcd: {  	v3 =	vor.u32 v1, v3;
	_ =	sdelay $0x3  }
0xce: {  	v2 =	vand.u32 $0xFFFFFFE0, v2  }
0xcf: {  	[tilespmem:v3+s15+$0x0] =	vst.idx.add.f32.msk $0xffff, v2  }
0xd0: {  	v2 =	vld [tilespmem:s22+$0xC70];
	_ =	sdelay $0x4  }
0xd1: {  	v3 =	vand.u32 $0x1F, v2  }
0xd2: {  	p0 =	sne.s32 s21, $0x1E00;
	v3 =	vor.u32 v1, v3  }
.Ltmp0:
0xd3: {  	_ = 	snop;
	(pc) =	sbr.rel @p0 .LBB2_2-.Ltmp0, $3  }
0xd4: {  	_ =	sdelay $0x1  }
0xd5: {  	v2 =	vand.u32 $0xFFFFFFE0, v2  }
0xd6: {  	s20 =	sadd.s32 $0x80, s20;
	s21 =	sadd.s32 $0x200, s21;
	[tilespmem:v3+s15+$0x0] =	vst.idx.add.f32.msk $0xffff, v2  }
0xd7: {  	s20 =	simm.s32 $0x0  }
0xd8: {  	[tilespmem:s20], [sflag:$0x1] =	stream.linear.gather [hbm4b:s5+s20], $0x2000, $0x38;
	[tilespmem:$0x4880] =	vst v63  }
0xd9: {  	_ =	swait.ge [sflag:s16], $0x2000  }
0xda: {  	[sflag:s16] =	ssyncset.done $0x0  }
0xdb: {  	s21 =	simm.s32 $0x0;
	[sflag:s16] =	ssyncadd.s32 $0xFFFFE000  }
.LBB2_4:
0xdc: {  	s22 =	sand.u32 $0x1000, s21;
	s23 =	sand.u32 $0x380, s20  }
0xdd: {  	s22 =	sor.u32 s23, s22  }
0xde: {  	v2 =	vld [tilespmem:s22+$0x2000];
	_ =	sdelay $0x4  }
0xdf: {  	v3 =	vand.u32 $0x1F, v2  }
0xe0: {  	v3 =	vor.u32 v1, v3;
	_ =	sdelay $0x3  }
0xe1: {  	v2 =	vand.u32 $0xFFFFFFE0, v2  }
0xe2: {  	[tilespmem:v3+s15+$0x0] =	vst.idx.add.f32.msk $0xffff, v2  }
0xe3: {  	v2 =	vld [tilespmem:s22+$0x2010];
	_ =	sdelay $0x4  }
0xe4: {  	v3 =	vand.u32 $0x1F, v2  }
0xe5: {  	v3 =	vor.u32 v1, v3;
	_ =	sdelay $0x3  }
0xe6: {  	v2 =	vand.u32 $0xFFFFFFE0, v2  }
0xe7: {  	[tilespmem:v3+s15+$0x0] =	vst.idx.add.f32.msk $0xffff, v2  }
0xe8: {  	v2 =	vld [tilespmem:s22+$0x2020];
	_ =	sdelay $0x4  }
0xe9: {  	v3 =	vand.u32 $0x1F, v2  }
0xea: {  	v3 =	vor.u32 v1, v3;
	_ =	sdelay $0x3  }
0xeb: {  	v2 =	vand.u32 $0xFFFFFFE0, v2  }
0xec: {  	[tilespmem:v3+s15+$0x0] =	vst.idx.add.f32.msk $0xffff, v2  }
0xed: {  	v2 =	vld [tilespmem:s22+$0x2030];
	_ =	sdelay $0x4  }
0xee: {  	v3 =	vand.u32 $0x1F, v2  }
0xef: {  	v3 =	vor.u32 v1, v3;
	_ =	sdelay $0x3  }
0xf0: {  	v2 =	vand.u32 $0xFFFFFFE0, v2  }
0xf1: {  	[tilespmem:v3+s15+$0x0] =	vst.idx.add.f32.msk $0xffff, v2  }
0xf2: {  	v2 =	vld [tilespmem:s22+$0x2040];
	_ =	sdelay $0x4  }
0xf3: {  	v3 =	vand.u32 $0x1F, v2  }
0xf4: {  	v3 =	vor.u32 v1, v3;
	_ =	sdelay $0x3  }
0xf5: {  	v2 =	vand.u32 $0xFFFFFFE0, v2  }
0xf6: {  	[tilespmem:v3+s15+$0x0] =	vst.idx.add.f32.msk $0xffff, v2  }
0xf7: {  	v2 =	vld [tilespmem:s22+$0x2050];
	_ =	sdelay $0x4  }
0xf8: {  	v3 =	vand.u32 $0x1F, v2  }
0xf9: {  	v3 =	vor.u32 v1, v3;
	_ =	sdelay $0x3  }
0xfa: {  	v2 =	vand.u32 $0xFFFFFFE0, v2  }
0xfb: {  	[tilespmem:v3+s15+$0x0] =	vst.idx.add.f32.msk $0xffff, v2  }
0xfc: {  	v2 =	vld [tilespmem:s22+$0x2060];
	_ =	sdelay $0x4  }
0xfd: {  	v3 =	vand.u32 $0x1F, v2  }
0xfe: {  	v3 =	vor.u32 v1, v3;
	_ =	sdelay $0x3  }
0xff: {  	v2 =	vand.u32 $0xFFFFFFE0, v2  }
0x100: {  	[tilespmem:v3+s15+$0x0] =	vst.idx.add.f32.msk $0xffff, v2  }
0x101: {  	v2 =	vld [tilespmem:s22+$0x2070];
	_ =	sdelay $0x4  }
0x102: {  	v3 =	vand.u32 $0x1F, v2  }
0x103: {  	v3 =	vor.u32 v1, v3;
	_ =	sdelay $0x3  }
0x104: {  	v2 =	vand.u32 $0xFFFFFFE0, v2  }
0x105: {  	[tilespmem:v3+s15+$0x0] =	vst.idx.add.f32.msk $0xffff, v2  }
0x106: {  	v2 =	vld [tilespmem:s22+$0x2400];
	_ =	sdelay $0x4  }
0x107: {  	v3 =	vand.u32 $0x1F, v2  }
0x108: {  	v3 =	vor.u32 v1, v3;
	_ =	sdelay $0x3  }
0x109: {  	v2 =	vand.u32 $0xFFFFFFE0, v2  }
0x10a: {  	[tilespmem:v3+s15+$0x0] =	vst.idx.add.f32.msk $0xffff, v2  }
0x10b: {  	v2 =	vld [tilespmem:s22+$0x2410];
	_ =	sdelay $0x4  }
0x10c: {  	v3 =	vand.u32 $0x1F, v2  }
0x10d: {  	v3 =	vor.u32 v1, v3;
	_ =	sdelay $0x3  }
0x10e: {  	v2 =	vand.u32 $0xFFFFFFE0, v2  }
0x10f: {  	[tilespmem:v3+s15+$0x0] =	vst.idx.add.f32.msk $0xffff, v2  }
0x110: {  	v2 =	vld [tilespmem:s22+$0x2420];
	_ =	sdelay $0x4  }
0x111: {  	v3 =	vand.u32 $0x1F, v2  }
0x112: {  	v3 =	vor.u32 v1, v3;
	_ =	sdelay $0x3  }
0x113: {  	v2 =	vand.u32 $0xFFFFFFE0, v2  }
0x114: {  	[tilespmem:v3+s15+$0x0] =	vst.idx.add.f32.msk $0xffff, v2  }
0x115: {  	v2 =	vld [tilespmem:s22+$0x2430];
	_ =	sdelay $0x4  }
0x116: {  	v3 =	vand.u32 $0x1F, v2  }
0x117: {  	v3 =	vor.u32 v1, v3;
	_ =	sdelay $0x3  }
0x118: {  	v2 =	vand.u32 $0xFFFFFFE0, v2  }
0x119: {  	[tilespmem:v3+s15+$0x0] =	vst.idx.add.f32.msk $0xffff, v2  }
0x11a: {  	v2 =	vld [tilespmem:s22+$0x2440];
	_ =	sdelay $0x4  }
0x11b: {  	v3 =	vand.u32 $0x1F, v2  }
0x11c: {  	v3 =	vor.u32 v1, v3;
	_ =	sdelay $0x3  }
0x11d: {  	v2 =	vand.u32 $0xFFFFFFE0, v2  }
0x11e: {  	[tilespmem:v3+s15+$0x0] =	vst.idx.add.f32.msk $0xffff, v2  }
0x11f: {  	v2 =	vld [tilespmem:s22+$0x2450];
	_ =	sdelay $0x4  }
0x120: {  	v3 =	vand.u32 $0x1F, v2  }
0x121: {  	v3 =	vor.u32 v1, v3;
	_ =	sdelay $0x3  }
0x122: {  	v2 =	vand.u32 $0xFFFFFFE0, v2  }
0x123: {  	[tilespmem:v3+s15+$0x0] =	vst.idx.add.f32.msk $0xffff, v2  }
0x124: {  	v2 =	vld [tilespmem:s22+$0x2460];
	_ =	sdelay $0x4  }
0x125: {  	v3 =	vand.u32 $0x1F, v2  }
0x126: {  	v3 =	vor.u32 v1, v3;
	_ =	sdelay $0x3  }
0x127: {  	v2 =	vand.u32 $0xFFFFFFE0, v2  }
0x128: {  	[tilespmem:v3+s15+$0x0] =	vst.idx.add.f32.msk $0xffff, v2  }
0x129: {  	v2 =	vld [tilespmem:s22+$0x2470];
	_ =	sdelay $0x4  }
0x12a: {  	v3 =	vand.u32 $0x1F, v2  }
0x12b: {  	v3 =	vor.u32 v1, v3;
	_ =	sdelay $0x3  }
0x12c: {  	v2 =	vand.u32 $0xFFFFFFE0, v2  }
0x12d: {  	[tilespmem:v3+s15+$0x0] =	vst.idx.add.f32.msk $0xffff, v2  }
0x12e: {  	v2 =	vld [tilespmem:s22+$0x2800];
	_ =	sdelay $0x4  }
0x12f: {  	v3 =	vand.u32 $0x1F, v2  }
0x130: {  	v3 =	vor.u32 v1, v3;
	_ =	sdelay $0x3  }
0x131: {  	v2 =	vand.u32 $0xFFFFFFE0, v2  }
0x132: {  	[tilespmem:v3+s15+$0x0] =	vst.idx.add.f32.msk $0xffff, v2  }
0x133: {  	v2 =	vld [tilespmem:s22+$0x2810];
	_ =	sdelay $0x4  }
0x134: {  	v3 =	vand.u32 $0x1F, v2  }
0x135: {  	v3 =	vor.u32 v1, v3;
	_ =	sdelay $0x3  }
0x136: {  	v2 =	vand.u32 $0xFFFFFFE0, v2  }
0x137: {  	[tilespmem:v3+s15+$0x0] =	vst.idx.add.f32.msk $0xffff, v2  }
0x138: {  	v2 =	vld [tilespmem:s22+$0x2820];
	_ =	sdelay $0x4  }
0x139: {  	v3 =	vand.u32 $0x1F, v2  }
0x13a: {  	v3 =	vor.u32 v1, v3;
	_ =	sdelay $0x3  }
0x13b: {  	v2 =	vand.u32 $0xFFFFFFE0, v2  }
0x13c: {  	[tilespmem:v3+s15+$0x0] =	vst.idx.add.f32.msk $0xffff, v2  }
0x13d: {  	v2 =	vld [tilespmem:s22+$0x2830];
	_ =	sdelay $0x4  }
0x13e: {  	v3 =	vand.u32 $0x1F, v2  }
0x13f: {  	v3 =	vor.u32 v1, v3;
	_ =	sdelay $0x3  }
0x140: {  	v2 =	vand.u32 $0xFFFFFFE0, v2  }
0x141: {  	[tilespmem:v3+s15+$0x0] =	vst.idx.add.f32.msk $0xffff, v2  }
0x142: {  	v2 =	vld [tilespmem:s22+$0x2840];
	_ =	sdelay $0x4  }
0x143: {  	v3 =	vand.u32 $0x1F, v2  }
0x144: {  	v3 =	vor.u32 v1, v3;
	_ =	sdelay $0x3  }
0x145: {  	v2 =	vand.u32 $0xFFFFFFE0, v2  }
0x146: {  	[tilespmem:v3+s15+$0x0] =	vst.idx.add.f32.msk $0xffff, v2  }
0x147: {  	v2 =	vld [tilespmem:s22+$0x2850];
	_ =	sdelay $0x4  }
0x148: {  	v3 =	vand.u32 $0x1F, v2  }
0x149: {  	v3 =	vor.u32 v1, v3;
	_ =	sdelay $0x3  }
0x14a: {  	v2 =	vand.u32 $0xFFFFFFE0, v2  }
0x14b: {  	[tilespmem:v3+s15+$0x0] =	vst.idx.add.f32.msk $0xffff, v2  }
0x14c: {  	v2 =	vld [tilespmem:s22+$0x2860];
	_ =	sdelay $0x4  }
0x14d: {  	v3 =	vand.u32 $0x1F, v2  }
0x14e: {  	v3 =	vor.u32 v1, v3;
	_ =	sdelay $0x3  }
0x14f: {  	v2 =	vand.u32 $0xFFFFFFE0, v2  }
0x150: {  	[tilespmem:v3+s15+$0x0] =	vst.idx.add.f32.msk $0xffff, v2  }
0x151: {  	v2 =	vld [tilespmem:s22+$0x2870];
	_ =	sdelay $0x4  }
0x152: {  	v3 =	vand.u32 $0x1F, v2  }
0x153: {  	v3 =	vor.u32 v1, v3;
	_ =	sdelay $0x3  }
0x154: {  	v2 =	vand.u32 $0xFFFFFFE0, v2  }
0x155: {  	[tilespmem:v3+s15+$0x0] =	vst.idx.add.f32.msk $0xffff, v2  }
0x156: {  	v2 =	vld [tilespmem:s22+$0x2C00];
	_ =	sdelay $0x4  }
0x157: {  	v3 =	vand.u32 $0x1F, v2  }
0x158: {  	v3 =	vor.u32 v1, v3;
	_ =	sdelay $0x3  }
0x159: {  	v2 =	vand.u32 $0xFFFFFFE0, v2  }
0x15a: {  	[tilespmem:v3+s15+$0x0] =	vst.idx.add.f32.msk $0xffff, v2  }
0x15b: {  	v2 =	vld [tilespmem:s22+$0x2C10];
	_ =	sdelay $0x4  }
0x15c: {  	v3 =	vand.u32 $0x1F, v2  }
0x15d: {  	v3 =	vor.u32 v1, v3;
	_ =	sdelay $0x3  }
0x15e: {  	v2 =	vand.u32 $0xFFFFFFE0, v2  }
0x15f: {  	[tilespmem:v3+s15+$0x0] =	vst.idx.add.f32.msk $0xffff, v2  }
0x160: {  	v2 =	vld [tilespmem:s22+$0x2C20];
	_ =	sdelay $0x4  }
0x161: {  	v3 =	vand.u32 $0x1F, v2  }
0x162: {  	v3 =	vor.u32 v1, v3;
	_ =	sdelay $0x3  }
0x163: {  	v2 =	vand.u32 $0xFFFFFFE0, v2  }
0x164: {  	[tilespmem:v3+s15+$0x0] =	vst.idx.add.f32.msk $0xffff, v2  }
0x165: {  	v2 =	vld [tilespmem:s22+$0x2C30];
	_ =	sdelay $0x4  }
0x166: {  	v3 =	vand.u32 $0x1F, v2  }
0x167: {  	v3 =	vor.u32 v1, v3;
	_ =	sdelay $0x3  }
0x168: {  	v2 =	vand.u32 $0xFFFFFFE0, v2  }
0x169: {  	[tilespmem:v3+s15+$0x0] =	vst.idx.add.f32.msk $0xffff, v2  }
0x16a: {  	v2 =	vld [tilespmem:s22+$0x2C40];
	_ =	sdelay $0x4  }
0x16b: {  	v3 =	vand.u32 $0x1F, v2  }
0x16c: {  	v3 =	vor.u32 v1, v3;
	_ =	sdelay $0x3  }
0x16d: {  	v2 =	vand.u32 $0xFFFFFFE0, v2  }
0x16e: {  	[tilespmem:v3+s15+$0x0] =	vst.idx.add.f32.msk $0xffff, v2  }
0x16f: {  	v2 =	vld [tilespmem:s22+$0x2C50];
	_ =	sdelay $0x4  }
0x170: {  	v3 =	vand.u32 $0x1F, v2  }
0x171: {  	v3 =	vor.u32 v1, v3;
	_ =	sdelay $0x3  }
0x172: {  	v2 =	vand.u32 $0xFFFFFFE0, v2  }
0x173: {  	[tilespmem:v3+s15+$0x0] =	vst.idx.add.f32.msk $0xffff, v2  }
0x174: {  	v2 =	vld [tilespmem:s22+$0x2C60];
	_ =	sdelay $0x4  }
0x175: {  	v3 =	vand.u32 $0x1F, v2  }
0x176: {  	v3 =	vor.u32 v1, v3;
	_ =	sdelay $0x3  }
0x177: {  	v2 =	vand.u32 $0xFFFFFFE0, v2  }
0x178: {  	[tilespmem:v3+s15+$0x0] =	vst.idx.add.f32.msk $0xffff, v2  }
0x179: {  	v2 =	vld [tilespmem:s22+$0x2C70];
	_ =	sdelay $0x4  }
0x17a: {  	v3 =	vand.u32 $0x1F, v2  }
0x17b: {  	p0 =	sne.s32 s21, $0x1E00;
	v3 =	vor.u32 v1, v3  }
.Ltmp1:
0x17c: {  	_ = 	snop;
	(pc) =	sbr.rel @p0 .LBB2_4-.Ltmp1, $3  }
0x17d: {  	_ =	sdelay $0x1  }
0x17e: {  	v2 =	vand.u32 $0xFFFFFFE0, v2  }
0x17f: {  	s20 =	sadd.s32 $0x80, s20;
	s21 =	sadd.s32 $0x200, s21;
	[tilespmem:v3+s15+$0x0] =	vst.idx.add.f32.msk $0xffff, v2  }
0x180: {  	s20 =	simm.s32 $0x0  }
0x181: {  	[tilespmem:s13], [sflag:$0x2] =	stream.linear.gather [hbm4b:s6+s20], $0x2000, $0x38;
	[tilespmem:$0x4880] =	vst v63  }
0x182: {  	_ =	swait.ge [sflag:s14], $0x2000  }
0x183: {  	[sflag:s14] =	ssyncset.done $0x0  }
0x184: {  	s21 =	simm.s32 $0x0;
	[sflag:s14] =	ssyncadd.s32 $0xFFFFE000  }
.LBB2_6:
0x185: {  	s22 =	sand.u32 $0x1000, s21;
	s23 =	sand.u32 $0x380, s20  }
0x186: {  	s22 =	sor.u32 s23, s22  }
0x187: {  	v2 =	vld [tilespmem:s22+$0x0];
	_ =	sdelay $0x4  }
0x188: {  	v3 =	vand.u32 $0x1F, v2  }
0x189: {  	v3 =	vor.u32 v1, v3;
	_ =	sdelay $0x3  }
0x18a: {  	v2 =	vand.u32 $0xFFFFFFE0, v2  }
0x18b: {  	[tilespmem:v3+s15+$0x0] =	vst.idx.add.f32.msk $0xffff, v2  }
0x18c: {  	v2 =	vld [tilespmem:s22+$0x10];
	_ =	sdelay $0x4  }
0x18d: {  	v3 =	vand.u32 $0x1F, v2  }
0x18e: {  	v3 =	vor.u32 v1, v3;
	_ =	sdelay $0x3  }
0x18f: {  	v2 =	vand.u32 $0xFFFFFFE0, v2  }
0x190: {  	[tilespmem:v3+s15+$0x0] =	vst.idx.add.f32.msk $0xffff, v2  }
0x191: {  	v2 =	vld [tilespmem:s22+$0x20];
	_ =	sdelay $0x4  }
0x192: {  	v3 =	vand.u32 $0x1F, v2  }
0x193: {  	v3 =	vor.u32 v1, v3;
	_ =	sdelay $0x3  }
0x194: {  	v2 =	vand.u32 $0xFFFFFFE0, v2  }
0x195: {  	[tilespmem:v3+s15+$0x0] =	vst.idx.add.f32.msk $0xffff, v2  }
0x196: {  	v2 =	vld [tilespmem:s22+$0x30];
	_ =	sdelay $0x4  }
0x197: {  	v3 =	vand.u32 $0x1F, v2  }
0x198: {  	v3 =	vor.u32 v1, v3;
	_ =	sdelay $0x3  }
0x199: {  	v2 =	vand.u32 $0xFFFFFFE0, v2  }
0x19a: {  	[tilespmem:v3+s15+$0x0] =	vst.idx.add.f32.msk $0xffff, v2  }
0x19b: {  	v2 =	vld [tilespmem:s22+$0x40];
	_ =	sdelay $0x4  }
0x19c: {  	v3 =	vand.u32 $0x1F, v2  }
0x19d: {  	v3 =	vor.u32 v1, v3;
	_ =	sdelay $0x3  }
0x19e: {  	v2 =	vand.u32 $0xFFFFFFE0, v2  }
0x19f: {  	[tilespmem:v3+s15+$0x0] =	vst.idx.add.f32.msk $0xffff, v2  }
0x1a0: {  	v2 =	vld [tilespmem:s22+$0x50];
	_ =	sdelay $0x4  }
0x1a1: {  	v3 =	vand.u32 $0x1F, v2  }
0x1a2: {  	v3 =	vor.u32 v1, v3;
	_ =	sdelay $0x3  }
0x1a3: {  	v2 =	vand.u32 $0xFFFFFFE0, v2  }
0x1a4: {  	[tilespmem:v3+s15+$0x0] =	vst.idx.add.f32.msk $0xffff, v2  }
0x1a5: {  	v2 =	vld [tilespmem:s22+$0x60];
	_ =	sdelay $0x4  }
0x1a6: {  	v3 =	vand.u32 $0x1F, v2  }
0x1a7: {  	v3 =	vor.u32 v1, v3;
	_ =	sdelay $0x3  }
0x1a8: {  	v2 =	vand.u32 $0xFFFFFFE0, v2  }
0x1a9: {  	[tilespmem:v3+s15+$0x0] =	vst.idx.add.f32.msk $0xffff, v2  }
0x1aa: {  	v2 =	vld [tilespmem:s22+$0x70];
	_ =	sdelay $0x4  }
0x1ab: {  	v3 =	vand.u32 $0x1F, v2  }
0x1ac: {  	v3 =	vor.u32 v1, v3;
	_ =	sdelay $0x3  }
0x1ad: {  	v2 =	vand.u32 $0xFFFFFFE0, v2  }
0x1ae: {  	[tilespmem:v3+s15+$0x0] =	vst.idx.add.f32.msk $0xffff, v2  }
0x1af: {  	v2 =	vld [tilespmem:s22+$0x400];
	_ =	sdelay $0x4  }
0x1b0: {  	v3 =	vand.u32 $0x1F, v2  }
0x1b1: {  	v3 =	vor.u32 v1, v3;
	_ =	sdelay $0x3  }
0x1b2: {  	v2 =	vand.u32 $0xFFFFFFE0, v2  }
0x1b3: {  	[tilespmem:v3+s15+$0x0] =	vst.idx.add.f32.msk $0xffff, v2  }
0x1b4: {  	v2 =	vld [tilespmem:s22+$0x410];
	_ =	sdelay $0x4  }
0x1b5: {  	v3 =	vand.u32 $0x1F, v2  }
0x1b6: {  	v3 =	vor.u32 v1, v3;
	_ =	sdelay $0x3  }
0x1b7: {  	v2 =	vand.u32 $0xFFFFFFE0, v2  }
0x1b8: {  	[tilespmem:v3+s15+$0x0] =	vst.idx.add.f32.msk $0xffff, v2  }
0x1b9: {  	v2 =	vld [tilespmem:s22+$0x420];
	_ =	sdelay $0x4  }
0x1ba: {  	v3 =	vand.u32 $0x1F, v2  }
0x1bb: {  	v3 =	vor.u32 v1, v3;
	_ =	sdelay $0x3  }
0x1bc: {  	v2 =	vand.u32 $0xFFFFFFE0, v2  }
0x1bd: {  	[tilespmem:v3+s15+$0x0] =	vst.idx.add.f32.msk $0xffff, v2  }
0x1be: {  	v2 =	vld [tilespmem:s22+$0x430];
	_ =	sdelay $0x4  }
0x1bf: {  	v3 =	vand.u32 $0x1F, v2  }
0x1c0: {  	v3 =	vor.u32 v1, v3;
	_ =	sdelay $0x3  }
0x1c1: {  	v2 =	vand.u32 $0xFFFFFFE0, v2  }
0x1c2: {  	[tilespmem:v3+s15+$0x0] =	vst.idx.add.f32.msk $0xffff, v2  }
0x1c3: {  	v2 =	vld [tilespmem:s22+$0x440];
	_ =	sdelay $0x4  }
0x1c4: {  	v3 =	vand.u32 $0x1F, v2  }
0x1c5: {  	v3 =	vor.u32 v1, v3;
	_ =	sdelay $0x3  }
0x1c6: {  	v2 =	vand.u32 $0xFFFFFFE0, v2  }
0x1c7: {  	[tilespmem:v3+s15+$0x0] =	vst.idx.add.f32.msk $0xffff, v2  }
0x1c8: {  	v2 =	vld [tilespmem:s22+$0x450];
	_ =	sdelay $0x4  }
0x1c9: {  	v3 =	vand.u32 $0x1F, v2  }
0x1ca: {  	v3 =	vor.u32 v1, v3;
	_ =	sdelay $0x3  }
0x1cb: {  	v2 =	vand.u32 $0xFFFFFFE0, v2  }
0x1cc: {  	[tilespmem:v3+s15+$0x0] =	vst.idx.add.f32.msk $0xffff, v2  }
0x1cd: {  	v2 =	vld [tilespmem:s22+$0x460];
	_ =	sdelay $0x4  }
0x1ce: {  	v3 =	vand.u32 $0x1F, v2  }
0x1cf: {  	v3 =	vor.u32 v1, v3;
	_ =	sdelay $0x3  }
0x1d0: {  	v2 =	vand.u32 $0xFFFFFFE0, v2  }
0x1d1: {  	[tilespmem:v3+s15+$0x0] =	vst.idx.add.f32.msk $0xffff, v2  }
0x1d2: {  	v2 =	vld [tilespmem:s22+$0x470];
	_ =	sdelay $0x4  }
0x1d3: {  	v3 =	vand.u32 $0x1F, v2  }
0x1d4: {  	v3 =	vor.u32 v1, v3;
	_ =	sdelay $0x3  }
0x1d5: {  	v2 =	vand.u32 $0xFFFFFFE0, v2  }
0x1d6: {  	[tilespmem:v3+s15+$0x0] =	vst.idx.add.f32.msk $0xffff, v2  }
0x1d7: {  	v2 =	vld [tilespmem:s22+$0x800];
	_ =	sdelay $0x4  }
0x1d8: {  	v3 =	vand.u32 $0x1F, v2  }
0x1d9: {  	v3 =	vor.u32 v1, v3;
	_ =	sdelay $0x3  }
0x1da: {  	v2 =	vand.u32 $0xFFFFFFE0, v2  }
0x1db: {  	[tilespmem:v3+s15+$0x0] =	vst.idx.add.f32.msk $0xffff, v2  }
0x1dc: {  	v2 =	vld [tilespmem:s22+$0x810];
	_ =	sdelay $0x4  }
0x1dd: {  	v3 =	vand.u32 $0x1F, v2  }
0x1de: {  	v3 =	vor.u32 v1, v3;
	_ =	sdelay $0x3  }
0x1df: {  	v2 =	vand.u32 $0xFFFFFFE0, v2  }
0x1e0: {  	[tilespmem:v3+s15+$0x0] =	vst.idx.add.f32.msk $0xffff, v2  }
0x1e1: {  	v2 =	vld [tilespmem:s22+$0x820];
	_ =	sdelay $0x4  }
0x1e2: {  	v3 =	vand.u32 $0x1F, v2  }
0x1e3: {  	v3 =	vor.u32 v1, v3;
	_ =	sdelay $0x3  }
0x1e4: {  	v2 =	vand.u32 $0xFFFFFFE0, v2  }
0x1e5: {  	[tilespmem:v3+s15+$0x0] =	vst.idx.add.f32.msk $0xffff, v2  }
0x1e6: {  	v2 =	vld [tilespmem:s22+$0x830];
	_ =	sdelay $0x4  }
0x1e7: {  	v3 =	vand.u32 $0x1F, v2  }
0x1e8: {  	v3 =	vor.u32 v1, v3;
	_ =	sdelay $0x3  }
0x1e9: {  	v2 =	vand.u32 $0xFFFFFFE0, v2  }
0x1ea: {  	[tilespmem:v3+s15+$0x0] =	vst.idx.add.f32.msk $0xffff, v2  }
0x1eb: {  	v2 =	vld [tilespmem:s22+$0x840];
	_ =	sdelay $0x4  }
0x1ec: {  	v3 =	vand.u32 $0x1F, v2  }
0x1ed: {  	v3 =	vor.u32 v1, v3;
	_ =	sdelay $0x3  }
0x1ee: {  	v2 =	vand.u32 $0xFFFFFFE0, v2  }
0x1ef: {  	[tilespmem:v3+s15+$0x0] =	vst.idx.add.f32.msk $0xffff, v2  }
0x1f0: {  	v2 =	vld [tilespmem:s22+$0x850];
	_ =	sdelay $0x4  }
0x1f1: {  	v3 =	vand.u32 $0x1F, v2  }
0x1f2: {  	v3 =	vor.u32 v1, v3;
	_ =	sdelay $0x3  }
0x1f3: {  	v2 =	vand.u32 $0xFFFFFFE0, v2  }
0x1f4: {  	[tilespmem:v3+s15+$0x0] =	vst.idx.add.f32.msk $0xffff, v2  }
0x1f5: {  	v2 =	vld [tilespmem:s22+$0x860];
	_ =	sdelay $0x4  }
0x1f6: {  	v3 =	vand.u32 $0x1F, v2  }
0x1f7: {  	v3 =	vor.u32 v1, v3;
	_ =	sdelay $0x3  }
0x1f8: {  	v2 =	vand.u32 $0xFFFFFFE0, v2  }
0x1f9: {  	[tilespmem:v3+s15+$0x0] =	vst.idx.add.f32.msk $0xffff, v2  }
0x1fa: {  	v2 =	vld [tilespmem:s22+$0x870];
	_ =	sdelay $0x4  }
0x1fb: {  	v3 =	vand.u32 $0x1F, v2  }
0x1fc: {  	v3 =	vor.u32 v1, v3;
	_ =	sdelay $0x3  }
0x1fd: {  	v2 =	vand.u32 $0xFFFFFFE0, v2  }
0x1fe: {  	[tilespmem:v3+s15+$0x0] =	vst.idx.add.f32.msk $0xffff, v2  }
0x1ff: {  	v2 =	vld [tilespmem:s22+$0xC00];
	_ =	sdelay $0x4  }
0x200: {  	v3 =	vand.u32 $0x1F, v2  }
0x201: {  	v3 =	vor.u32 v1, v3;
	_ =	sdelay $0x3  }
0x202: {  	v2 =	vand.u32 $0xFFFFFFE0, v2  }
0x203: {  	[tilespmem:v3+s15+$0x0] =	vst.idx.add.f32.msk $0xffff, v2  }
0x204: {  	v2 =	vld [tilespmem:s22+$0xC10];
	_ =	sdelay $0x4  }
0x205: {  	v3 =	vand.u32 $0x1F, v2  }
0x206: {  	v3 =	vor.u32 v1, v3;
	_ =	sdelay $0x3  }
0x207: {  	v2 =	vand.u32 $0xFFFFFFE0, v2  }
0x208: {  	[tilespmem:v3+s15+$0x0] =	vst.idx.add.f32.msk $0xffff, v2  }
0x209: {  	v2 =	vld [tilespmem:s22+$0xC20];
	_ =	sdelay $0x4  }
0x20a: {  	v3 =	vand.u32 $0x1F, v2  }
0x20b: {  	v3 =	vor.u32 v1, v3;
	_ =	sdelay $0x3  }
0x20c: {  	v2 =	vand.u32 $0xFFFFFFE0, v2  }
0x20d: {  	[tilespmem:v3+s15+$0x0] =	vst.idx.add.f32.msk $0xffff, v2  }
0x20e: {  	v2 =	vld [tilespmem:s22+$0xC30];
	_ =	sdelay $0x4  }
0x20f: {  	v3 =	vand.u32 $0x1F, v2  }
0x210: {  	v3 =	vor.u32 v1, v3;
	_ =	sdelay $0x3  }
0x211: {  	v2 =	vand.u32 $0xFFFFFFE0, v2  }
0x212: {  	[tilespmem:v3+s15+$0x0] =	vst.idx.add.f32.msk $0xffff, v2  }
0x213: {  	v2 =	vld [tilespmem:s22+$0xC40];
	_ =	sdelay $0x4  }
0x214: {  	v3 =	vand.u32 $0x1F, v2  }
0x215: {  	v3 =	vor.u32 v1, v3;
	_ =	sdelay $0x3  }
0x216: {  	v2 =	vand.u32 $0xFFFFFFE0, v2  }
0x217: {  	[tilespmem:v3+s15+$0x0] =	vst.idx.add.f32.msk $0xffff, v2  }
0x218: {  	v2 =	vld [tilespmem:s22+$0xC50];
	_ =	sdelay $0x4  }
0x219: {  	v3 =	vand.u32 $0x1F, v2  }
0x21a: {  	v3 =	vor.u32 v1, v3;
	_ =	sdelay $0x3  }
0x21b: {  	v2 =	vand.u32 $0xFFFFFFE0, v2  }
0x21c: {  	[tilespmem:v3+s15+$0x0] =	vst.idx.add.f32.msk $0xffff, v2  }
0x21d: {  	v2 =	vld [tilespmem:s22+$0xC60];
	_ =	sdelay $0x4  }
0x21e: {  	v3 =	vand.u32 $0x1F, v2  }
0x21f: {  	v3 =	vor.u32 v1, v3;
	_ =	sdelay $0x3  }
0x220: {  	v2 =	vand.u32 $0xFFFFFFE0, v2  }
0x221: {  	[tilespmem:v3+s15+$0x0] =	vst.idx.add.f32.msk $0xffff, v2  }
0x222: {  	v2 =	vld [tilespmem:s22+$0xC70];
	_ =	sdelay $0x4  }
0x223: {  	v3 =	vand.u32 $0x1F, v2  }
0x224: {  	p0 =	sne.s32 s21, $0x1E00;
	v3 =	vor.u32 v1, v3  }
.Ltmp2:
0x225: {  	_ = 	snop;
	(pc) =	sbr.rel @p0 .LBB2_6-.Ltmp2, $3  }
0x226: {  	_ =	sdelay $0x1  }
0x227: {  	v2 =	vand.u32 $0xFFFFFFE0, v2  }
0x228: {  	s20 =	sadd.s32 $0x80, s20;
	s21 =	sadd.s32 $0x200, s21;
	[tilespmem:v3+s15+$0x0] =	vst.idx.add.f32.msk $0xffff, v2  }
0x229: {  	s20 =	simm.s32 $0x0  }
0x22a: {  	[tilespmem:s20], [sflag:$0x1] =	stream.linear.gather [hbm4b:s7+s20], $0x2000, $0x38;
	[tilespmem:$0x4880] =	vst v63  }
0x22b: {  	_ =	swait.ge [sflag:s16], $0x2000  }
0x22c: {  	[sflag:s16] =	ssyncset.done $0x0  }
0x22d: {  	s21 =	simm.s32 $0x0;
	[sflag:s16] =	ssyncadd.s32 $0xFFFFE000  }
.LBB2_8:
0x22e: {  	s22 =	sand.u32 $0x1000, s21;
	s23 =	sand.u32 $0x380, s20  }
0x22f: {  	s22 =	sor.u32 s23, s22  }
0x230: {  	v2 =	vld [tilespmem:s22+$0x2000];
	_ =	sdelay $0x4  }
0x231: {  	v3 =	vand.u32 $0x1F, v2  }
0x232: {  	v3 =	vor.u32 v1, v3;
	_ =	sdelay $0x3  }
0x233: {  	v2 =	vand.u32 $0xFFFFFFE0, v2  }
0x234: {  	[tilespmem:v3+s15+$0x0] =	vst.idx.add.f32.msk $0xffff, v2  }
0x235: {  	v2 =	vld [tilespmem:s22+$0x2010];
	_ =	sdelay $0x4  }
0x236: {  	v3 =	vand.u32 $0x1F, v2  }
0x237: {  	v3 =	vor.u32 v1, v3;
	_ =	sdelay $0x3  }
0x238: {  	v2 =	vand.u32 $0xFFFFFFE0, v2  }
0x239: {  	[tilespmem:v3+s15+$0x0] =	vst.idx.add.f32.msk $0xffff, v2  }
0x23a: {  	v2 =	vld [tilespmem:s22+$0x2020];
	_ =	sdelay $0x4  }
0x23b: {  	v3 =	vand.u32 $0x1F, v2  }
0x23c: {  	v3 =	vor.u32 v1, v3;
	_ =	sdelay $0x3  }
0x23d: {  	v2 =	vand.u32 $0xFFFFFFE0, v2  }
0x23e: {  	[tilespmem:v3+s15+$0x0] =	vst.idx.add.f32.msk $0xffff, v2  }
0x23f: {  	v2 =	vld [tilespmem:s22+$0x2030];
	_ =	sdelay $0x4  }
0x240: {  	v3 =	vand.u32 $0x1F, v2  }
0x241: {  	v3 =	vor.u32 v1, v3;
	_ =	sdelay $0x3  }
0x242: {  	v2 =	vand.u32 $0xFFFFFFE0, v2  }
0x243: {  	[tilespmem:v3+s15+$0x0] =	vst.idx.add.f32.msk $0xffff, v2  }
0x244: {  	v2 =	vld [tilespmem:s22+$0x2040];
	_ =	sdelay $0x4  }
0x245: {  	v3 =	vand.u32 $0x1F, v2  }
0x246: {  	v3 =	vor.u32 v1, v3;
	_ =	sdelay $0x3  }
0x247: {  	v2 =	vand.u32 $0xFFFFFFE0, v2  }
0x248: {  	[tilespmem:v3+s15+$0x0] =	vst.idx.add.f32.msk $0xffff, v2  }
0x249: {  	v2 =	vld [tilespmem:s22+$0x2050];
	_ =	sdelay $0x4  }
0x24a: {  	v3 =	vand.u32 $0x1F, v2  }
0x24b: {  	v3 =	vor.u32 v1, v3;
	_ =	sdelay $0x3  }
0x24c: {  	v2 =	vand.u32 $0xFFFFFFE0, v2  }
0x24d: {  	[tilespmem:v3+s15+$0x0] =	vst.idx.add.f32.msk $0xffff, v2  }
0x24e: {  	v2 =	vld [tilespmem:s22+$0x2060];
	_ =	sdelay $0x4  }
0x24f: {  	v3 =	vand.u32 $0x1F, v2  }
0x250: {  	v3 =	vor.u32 v1, v3;
	_ =	sdelay $0x3  }
0x251: {  	v2 =	vand.u32 $0xFFFFFFE0, v2  }
0x252: {  	[tilespmem:v3+s15+$0x0] =	vst.idx.add.f32.msk $0xffff, v2  }
0x253: {  	v2 =	vld [tilespmem:s22+$0x2070];
	_ =	sdelay $0x4  }
0x254: {  	v3 =	vand.u32 $0x1F, v2  }
0x255: {  	v3 =	vor.u32 v1, v3;
	_ =	sdelay $0x3  }
0x256: {  	v2 =	vand.u32 $0xFFFFFFE0, v2  }
0x257: {  	[tilespmem:v3+s15+$0x0] =	vst.idx.add.f32.msk $0xffff, v2  }
0x258: {  	v2 =	vld [tilespmem:s22+$0x2400];
	_ =	sdelay $0x4  }
0x259: {  	v3 =	vand.u32 $0x1F, v2  }
0x25a: {  	v3 =	vor.u32 v1, v3;
	_ =	sdelay $0x3  }
0x25b: {  	v2 =	vand.u32 $0xFFFFFFE0, v2  }
0x25c: {  	[tilespmem:v3+s15+$0x0] =	vst.idx.add.f32.msk $0xffff, v2  }
0x25d: {  	v2 =	vld [tilespmem:s22+$0x2410];
	_ =	sdelay $0x4  }
0x25e: {  	v3 =	vand.u32 $0x1F, v2  }
0x25f: {  	v3 =	vor.u32 v1, v3;
	_ =	sdelay $0x3  }
0x260: {  	v2 =	vand.u32 $0xFFFFFFE0, v2  }
0x261: {  	[tilespmem:v3+s15+$0x0] =	vst.idx.add.f32.msk $0xffff, v2  }
0x262: {  	v2 =	vld [tilespmem:s22+$0x2420];
	_ =	sdelay $0x4  }
0x263: {  	v3 =	vand.u32 $0x1F, v2  }
0x264: {  	v3 =	vor.u32 v1, v3;
	_ =	sdelay $0x3  }
0x265: {  	v2 =	vand.u32 $0xFFFFFFE0, v2  }
0x266: {  	[tilespmem:v3+s15+$0x0] =	vst.idx.add.f32.msk $0xffff, v2  }
0x267: {  	v2 =	vld [tilespmem:s22+$0x2430];
	_ =	sdelay $0x4  }
0x268: {  	v3 =	vand.u32 $0x1F, v2  }
0x269: {  	v3 =	vor.u32 v1, v3;
	_ =	sdelay $0x3  }
0x26a: {  	v2 =	vand.u32 $0xFFFFFFE0, v2  }
0x26b: {  	[tilespmem:v3+s15+$0x0] =	vst.idx.add.f32.msk $0xffff, v2  }
0x26c: {  	v2 =	vld [tilespmem:s22+$0x2440];
	_ =	sdelay $0x4  }
0x26d: {  	v3 =	vand.u32 $0x1F, v2  }
0x26e: {  	v3 =	vor.u32 v1, v3;
	_ =	sdelay $0x3  }
0x26f: {  	v2 =	vand.u32 $0xFFFFFFE0, v2  }
0x270: {  	[tilespmem:v3+s15+$0x0] =	vst.idx.add.f32.msk $0xffff, v2  }
0x271: {  	v2 =	vld [tilespmem:s22+$0x2450];
	_ =	sdelay $0x4  }
0x272: {  	v3 =	vand.u32 $0x1F, v2  }
0x273: {  	v3 =	vor.u32 v1, v3;
	_ =	sdelay $0x3  }
0x274: {  	v2 =	vand.u32 $0xFFFFFFE0, v2  }
0x275: {  	[tilespmem:v3+s15+$0x0] =	vst.idx.add.f32.msk $0xffff, v2  }
0x276: {  	v2 =	vld [tilespmem:s22+$0x2460];
	_ =	sdelay $0x4  }
0x277: {  	v3 =	vand.u32 $0x1F, v2  }
0x278: {  	v3 =	vor.u32 v1, v3;
	_ =	sdelay $0x3  }
0x279: {  	v2 =	vand.u32 $0xFFFFFFE0, v2  }
0x27a: {  	[tilespmem:v3+s15+$0x0] =	vst.idx.add.f32.msk $0xffff, v2  }
0x27b: {  	v2 =	vld [tilespmem:s22+$0x2470];
	_ =	sdelay $0x4  }
0x27c: {  	v3 =	vand.u32 $0x1F, v2  }
0x27d: {  	v3 =	vor.u32 v1, v3;
	_ =	sdelay $0x3  }
0x27e: {  	v2 =	vand.u32 $0xFFFFFFE0, v2  }
0x27f: {  	[tilespmem:v3+s15+$0x0] =	vst.idx.add.f32.msk $0xffff, v2  }
0x280: {  	v2 =	vld [tilespmem:s22+$0x2800];
	_ =	sdelay $0x4  }
0x281: {  	v3 =	vand.u32 $0x1F, v2  }
0x282: {  	v3 =	vor.u32 v1, v3;
	_ =	sdelay $0x3  }
0x283: {  	v2 =	vand.u32 $0xFFFFFFE0, v2  }
0x284: {  	[tilespmem:v3+s15+$0x0] =	vst.idx.add.f32.msk $0xffff, v2  }
0x285: {  	v2 =	vld [tilespmem:s22+$0x2810];
	_ =	sdelay $0x4  }
0x286: {  	v3 =	vand.u32 $0x1F, v2  }
0x287: {  	v3 =	vor.u32 v1, v3;
	_ =	sdelay $0x3  }
0x288: {  	v2 =	vand.u32 $0xFFFFFFE0, v2  }
0x289: {  	[tilespmem:v3+s15+$0x0] =	vst.idx.add.f32.msk $0xffff, v2  }
0x28a: {  	v2 =	vld [tilespmem:s22+$0x2820];
	_ =	sdelay $0x4  }
0x28b: {  	v3 =	vand.u32 $0x1F, v2  }
0x28c: {  	v3 =	vor.u32 v1, v3;
	_ =	sdelay $0x3  }
0x28d: {  	v2 =	vand.u32 $0xFFFFFFE0, v2  }
0x28e: {  	[tilespmem:v3+s15+$0x0] =	vst.idx.add.f32.msk $0xffff, v2  }
0x28f: {  	v2 =	vld [tilespmem:s22+$0x2830];
	_ =	sdelay $0x4  }
0x290: {  	v3 =	vand.u32 $0x1F, v2  }
0x291: {  	v3 =	vor.u32 v1, v3;
	_ =	sdelay $0x3  }
0x292: {  	v2 =	vand.u32 $0xFFFFFFE0, v2  }
0x293: {  	[tilespmem:v3+s15+$0x0] =	vst.idx.add.f32.msk $0xffff, v2  }
0x294: {  	v2 =	vld [tilespmem:s22+$0x2840];
	_ =	sdelay $0x4  }
0x295: {  	v3 =	vand.u32 $0x1F, v2  }
0x296: {  	v3 =	vor.u32 v1, v3;
	_ =	sdelay $0x3  }
0x297: {  	v2 =	vand.u32 $0xFFFFFFE0, v2  }
0x298: {  	[tilespmem:v3+s15+$0x0] =	vst.idx.add.f32.msk $0xffff, v2  }
0x299: {  	v2 =	vld [tilespmem:s22+$0x2850];
	_ =	sdelay $0x4  }
0x29a: {  	v3 =	vand.u32 $0x1F, v2  }
0x29b: {  	v3 =	vor.u32 v1, v3;
	_ =	sdelay $0x3  }
0x29c: {  	v2 =	vand.u32 $0xFFFFFFE0, v2  }
0x29d: {  	[tilespmem:v3+s15+$0x0] =	vst.idx.add.f32.msk $0xffff, v2  }
0x29e: {  	v2 =	vld [tilespmem:s22+$0x2860];
	_ =	sdelay $0x4  }
0x29f: {  	v3 =	vand.u32 $0x1F, v2  }
0x2a0: {  	v3 =	vor.u32 v1, v3;
	_ =	sdelay $0x3  }
0x2a1: {  	v2 =	vand.u32 $0xFFFFFFE0, v2  }
0x2a2: {  	[tilespmem:v3+s15+$0x0] =	vst.idx.add.f32.msk $0xffff, v2  }
0x2a3: {  	v2 =	vld [tilespmem:s22+$0x2870];
	_ =	sdelay $0x4  }
0x2a4: {  	v3 =	vand.u32 $0x1F, v2  }
0x2a5: {  	v3 =	vor.u32 v1, v3;
	_ =	sdelay $0x3  }
0x2a6: {  	v2 =	vand.u32 $0xFFFFFFE0, v2  }
0x2a7: {  	[tilespmem:v3+s15+$0x0] =	vst.idx.add.f32.msk $0xffff, v2  }
0x2a8: {  	v2 =	vld [tilespmem:s22+$0x2C00];
	_ =	sdelay $0x4  }
0x2a9: {  	v3 =	vand.u32 $0x1F, v2  }
0x2aa: {  	v3 =	vor.u32 v1, v3;
	_ =	sdelay $0x3  }
0x2ab: {  	v2 =	vand.u32 $0xFFFFFFE0, v2  }
0x2ac: {  	[tilespmem:v3+s15+$0x0] =	vst.idx.add.f32.msk $0xffff, v2  }
0x2ad: {  	v2 =	vld [tilespmem:s22+$0x2C10];
	_ =	sdelay $0x4  }
0x2ae: {  	v3 =	vand.u32 $0x1F, v2  }
0x2af: {  	v3 =	vor.u32 v1, v3;
	_ =	sdelay $0x3  }
0x2b0: {  	v2 =	vand.u32 $0xFFFFFFE0, v2  }
0x2b1: {  	[tilespmem:v3+s15+$0x0] =	vst.idx.add.f32.msk $0xffff, v2  }
0x2b2: {  	v2 =	vld [tilespmem:s22+$0x2C20];
	_ =	sdelay $0x4  }
0x2b3: {  	v3 =	vand.u32 $0x1F, v2  }
0x2b4: {  	v3 =	vor.u32 v1, v3;
	_ =	sdelay $0x3  }
0x2b5: {  	v2 =	vand.u32 $0xFFFFFFE0, v2  }
0x2b6: {  	[tilespmem:v3+s15+$0x0] =	vst.idx.add.f32.msk $0xffff, v2  }
0x2b7: {  	v2 =	vld [tilespmem:s22+$0x2C30];
	_ =	sdelay $0x4  }
0x2b8: {  	v3 =	vand.u32 $0x1F, v2  }
0x2b9: {  	v3 =	vor.u32 v1, v3;
	_ =	sdelay $0x3  }
0x2ba: {  	v2 =	vand.u32 $0xFFFFFFE0, v2  }
0x2bb: {  	[tilespmem:v3+s15+$0x0] =	vst.idx.add.f32.msk $0xffff, v2  }
0x2bc: {  	v2 =	vld [tilespmem:s22+$0x2C40];
	_ =	sdelay $0x4  }
0x2bd: {  	v3 =	vand.u32 $0x1F, v2  }
0x2be: {  	v3 =	vor.u32 v1, v3;
	_ =	sdelay $0x3  }
0x2bf: {  	v2 =	vand.u32 $0xFFFFFFE0, v2  }
0x2c0: {  	[tilespmem:v3+s15+$0x0] =	vst.idx.add.f32.msk $0xffff, v2  }
0x2c1: {  	v2 =	vld [tilespmem:s22+$0x2C50];
	_ =	sdelay $0x4  }
0x2c2: {  	v3 =	vand.u32 $0x1F, v2  }
0x2c3: {  	v3 =	vor.u32 v1, v3;
	_ =	sdelay $0x3  }
0x2c4: {  	v2 =	vand.u32 $0xFFFFFFE0, v2  }
0x2c5: {  	[tilespmem:v3+s15+$0x0] =	vst.idx.add.f32.msk $0xffff, v2  }
0x2c6: {  	v2 =	vld [tilespmem:s22+$0x2C60];
	_ =	sdelay $0x4  }
0x2c7: {  	v3 =	vand.u32 $0x1F, v2  }
0x2c8: {  	v3 =	vor.u32 v1, v3;
	_ =	sdelay $0x3  }
0x2c9: {  	v2 =	vand.u32 $0xFFFFFFE0, v2  }
0x2ca: {  	[tilespmem:v3+s15+$0x0] =	vst.idx.add.f32.msk $0xffff, v2  }
0x2cb: {  	v2 =	vld [tilespmem:s22+$0x2C70];
	_ =	sdelay $0x4  }
0x2cc: {  	v3 =	vand.u32 $0x1F, v2  }
0x2cd: {  	p0 =	sne.s32 s21, $0x1E00;
	v3 =	vor.u32 v1, v3  }
.Ltmp3:
0x2ce: {  	_ = 	snop;
	(pc) =	sbr.rel @p0 .LBB2_8-.Ltmp3, $3  }
0x2cf: {  	_ =	sdelay $0x1  }
0x2d0: {  	v2 =	vand.u32 $0xFFFFFFE0, v2  }
0x2d1: {  	s20 =	sadd.s32 $0x80, s20;
	s21 =	sadd.s32 $0x200, s21;
	[tilespmem:v3+s15+$0x0] =	vst.idx.add.f32.msk $0xffff, v2  }
0x2d2: {  	s20 =	simm.s32 $0x0  }
0x2d3: {  	[tilespmem:s13], [sflag:$0x2] =	stream.linear.gather [hbm4b:s8+s20], $0x2000, $0x38;
	[tilespmem:$0x4880] =	vst v63  }
0x2d4: {  	_ =	swait.ge [sflag:s14], $0x2000  }
0x2d5: {  	[sflag:s14] =	ssyncset.done $0x0  }
0x2d6: {  	s21 =	simm.s32 $0x0;
	[sflag:s14] =	ssyncadd.s32 $0xFFFFE000  }
.LBB2_10:
0x2d7: {  	s22 =	sand.u32 $0x1000, s21;
	s23 =	sand.u32 $0x380, s20  }
0x2d8: {  	s22 =	sor.u32 s23, s22  }
0x2d9: {  	v2 =	vld [tilespmem:s22+$0x0];
	_ =	sdelay $0x4  }
0x2da: {  	v3 =	vand.u32 $0x1F, v2  }
0x2db: {  	v3 =	vor.u32 v1, v3;
	_ =	sdelay $0x3  }
0x2dc: {  	v2 =	vand.u32 $0xFFFFFFE0, v2  }
0x2dd: {  	[tilespmem:v3+s15+$0x0] =	vst.idx.add.f32.msk $0xffff, v2  }
0x2de: {  	v2 =	vld [tilespmem:s22+$0x10];
	_ =	sdelay $0x4  }
0x2df: {  	v3 =	vand.u32 $0x1F, v2  }
0x2e0: {  	v3 =	vor.u32 v1, v3;
	_ =	sdelay $0x3  }
0x2e1: {  	v2 =	vand.u32 $0xFFFFFFE0, v2  }
0x2e2: {  	[tilespmem:v3+s15+$0x0] =	vst.idx.add.f32.msk $0xffff, v2  }
0x2e3: {  	v2 =	vld [tilespmem:s22+$0x20];
	_ =	sdelay $0x4  }
0x2e4: {  	v3 =	vand.u32 $0x1F, v2  }
0x2e5: {  	v3 =	vor.u32 v1, v3;
	_ =	sdelay $0x3  }
0x2e6: {  	v2 =	vand.u32 $0xFFFFFFE0, v2  }
0x2e7: {  	[tilespmem:v3+s15+$0x0] =	vst.idx.add.f32.msk $0xffff, v2  }
0x2e8: {  	v2 =	vld [tilespmem:s22+$0x30];
	_ =	sdelay $0x4  }
0x2e9: {  	v3 =	vand.u32 $0x1F, v2  }
0x2ea: {  	v3 =	vor.u32 v1, v3;
	_ =	sdelay $0x3  }
0x2eb: {  	v2 =	vand.u32 $0xFFFFFFE0, v2  }
0x2ec: {  	[tilespmem:v3+s15+$0x0] =	vst.idx.add.f32.msk $0xffff, v2  }
0x2ed: {  	v2 =	vld [tilespmem:s22+$0x40];
	_ =	sdelay $0x4  }
0x2ee: {  	v3 =	vand.u32 $0x1F, v2  }
0x2ef: {  	v3 =	vor.u32 v1, v3;
	_ =	sdelay $0x3  }
0x2f0: {  	v2 =	vand.u32 $0xFFFFFFE0, v2  }
0x2f1: {  	[tilespmem:v3+s15+$0x0] =	vst.idx.add.f32.msk $0xffff, v2  }
0x2f2: {  	v2 =	vld [tilespmem:s22+$0x50];
	_ =	sdelay $0x4  }
0x2f3: {  	v3 =	vand.u32 $0x1F, v2  }
0x2f4: {  	v3 =	vor.u32 v1, v3;
	_ =	sdelay $0x3  }
0x2f5: {  	v2 =	vand.u32 $0xFFFFFFE0, v2  }
0x2f6: {  	[tilespmem:v3+s15+$0x0] =	vst.idx.add.f32.msk $0xffff, v2  }
0x2f7: {  	v2 =	vld [tilespmem:s22+$0x60];
	_ =	sdelay $0x4  }
0x2f8: {  	v3 =	vand.u32 $0x1F, v2  }
0x2f9: {  	v3 =	vor.u32 v1, v3;
	_ =	sdelay $0x3  }
0x2fa: {  	v2 =	vand.u32 $0xFFFFFFE0, v2  }
0x2fb: {  	[tilespmem:v3+s15+$0x0] =	vst.idx.add.f32.msk $0xffff, v2  }
0x2fc: {  	v2 =	vld [tilespmem:s22+$0x70];
	_ =	sdelay $0x4  }
0x2fd: {  	v3 =	vand.u32 $0x1F, v2  }
0x2fe: {  	v3 =	vor.u32 v1, v3;
	_ =	sdelay $0x3  }
0x2ff: {  	v2 =	vand.u32 $0xFFFFFFE0, v2  }
0x300: {  	[tilespmem:v3+s15+$0x0] =	vst.idx.add.f32.msk $0xffff, v2  }
0x301: {  	v2 =	vld [tilespmem:s22+$0x400];
	_ =	sdelay $0x4  }
0x302: {  	v3 =	vand.u32 $0x1F, v2  }
0x303: {  	v3 =	vor.u32 v1, v3;
	_ =	sdelay $0x3  }
0x304: {  	v2 =	vand.u32 $0xFFFFFFE0, v2  }
0x305: {  	[tilespmem:v3+s15+$0x0] =	vst.idx.add.f32.msk $0xffff, v2  }
0x306: {  	v2 =	vld [tilespmem:s22+$0x410];
	_ =	sdelay $0x4  }
0x307: {  	v3 =	vand.u32 $0x1F, v2  }
0x308: {  	v3 =	vor.u32 v1, v3;
	_ =	sdelay $0x3  }
0x309: {  	v2 =	vand.u32 $0xFFFFFFE0, v2  }
0x30a: {  	[tilespmem:v3+s15+$0x0] =	vst.idx.add.f32.msk $0xffff, v2  }
0x30b: {  	v2 =	vld [tilespmem:s22+$0x420];
	_ =	sdelay $0x4  }
0x30c: {  	v3 =	vand.u32 $0x1F, v2  }
0x30d: {  	v3 =	vor.u32 v1, v3;
	_ =	sdelay $0x3  }
0x30e: {  	v2 =	vand.u32 $0xFFFFFFE0, v2  }
0x30f: {  	[tilespmem:v3+s15+$0x0] =	vst.idx.add.f32.msk $0xffff, v2  }
0x310: {  	v2 =	vld [tilespmem:s22+$0x430];
	_ =	sdelay $0x4  }
0x311: {  	v3 =	vand.u32 $0x1F, v2  }
0x312: {  	v3 =	vor.u32 v1, v3;
	_ =	sdelay $0x3  }
0x313: {  	v2 =	vand.u32 $0xFFFFFFE0, v2  }
0x314: {  	[tilespmem:v3+s15+$0x0] =	vst.idx.add.f32.msk $0xffff, v2  }
0x315: {  	v2 =	vld [tilespmem:s22+$0x440];
	_ =	sdelay $0x4  }
0x316: {  	v3 =	vand.u32 $0x1F, v2  }
0x317: {  	v3 =	vor.u32 v1, v3;
	_ =	sdelay $0x3  }
0x318: {  	v2 =	vand.u32 $0xFFFFFFE0, v2  }
0x319: {  	[tilespmem:v3+s15+$0x0] =	vst.idx.add.f32.msk $0xffff, v2  }
0x31a: {  	v2 =	vld [tilespmem:s22+$0x450];
	_ =	sdelay $0x4  }
0x31b: {  	v3 =	vand.u32 $0x1F, v2  }
0x31c: {  	v3 =	vor.u32 v1, v3;
	_ =	sdelay $0x3  }
0x31d: {  	v2 =	vand.u32 $0xFFFFFFE0, v2  }
0x31e: {  	[tilespmem:v3+s15+$0x0] =	vst.idx.add.f32.msk $0xffff, v2  }
0x31f: {  	v2 =	vld [tilespmem:s22+$0x460];
	_ =	sdelay $0x4  }
0x320: {  	v3 =	vand.u32 $0x1F, v2  }
0x321: {  	v3 =	vor.u32 v1, v3;
	_ =	sdelay $0x3  }
0x322: {  	v2 =	vand.u32 $0xFFFFFFE0, v2  }
0x323: {  	[tilespmem:v3+s15+$0x0] =	vst.idx.add.f32.msk $0xffff, v2  }
0x324: {  	v2 =	vld [tilespmem:s22+$0x470];
	_ =	sdelay $0x4  }
0x325: {  	v3 =	vand.u32 $0x1F, v2  }
0x326: {  	v3 =	vor.u32 v1, v3;
	_ =	sdelay $0x3  }
0x327: {  	v2 =	vand.u32 $0xFFFFFFE0, v2  }
0x328: {  	[tilespmem:v3+s15+$0x0] =	vst.idx.add.f32.msk $0xffff, v2  }
0x329: {  	v2 =	vld [tilespmem:s22+$0x800];
	_ =	sdelay $0x4  }
0x32a: {  	v3 =	vand.u32 $0x1F, v2  }
0x32b: {  	v3 =	vor.u32 v1, v3;
	_ =	sdelay $0x3  }
0x32c: {  	v2 =	vand.u32 $0xFFFFFFE0, v2  }
0x32d: {  	[tilespmem:v3+s15+$0x0] =	vst.idx.add.f32.msk $0xffff, v2  }
0x32e: {  	v2 =	vld [tilespmem:s22+$0x810];
	_ =	sdelay $0x4  }
0x32f: {  	v3 =	vand.u32 $0x1F, v2  }
0x330: {  	v3 =	vor.u32 v1, v3;
	_ =	sdelay $0x3  }
0x331: {  	v2 =	vand.u32 $0xFFFFFFE0, v2  }
0x332: {  	[tilespmem:v3+s15+$0x0] =	vst.idx.add.f32.msk $0xffff, v2  }
0x333: {  	v2 =	vld [tilespmem:s22+$0x820];
	_ =	sdelay $0x4  }
0x334: {  	v3 =	vand.u32 $0x1F, v2  }
0x335: {  	v3 =	vor.u32 v1, v3;
	_ =	sdelay $0x3  }
0x336: {  	v2 =	vand.u32 $0xFFFFFFE0, v2  }
0x337: {  	[tilespmem:v3+s15+$0x0] =	vst.idx.add.f32.msk $0xffff, v2  }
0x338: {  	v2 =	vld [tilespmem:s22+$0x830];
	_ =	sdelay $0x4  }
0x339: {  	v3 =	vand.u32 $0x1F, v2  }
0x33a: {  	v3 =	vor.u32 v1, v3;
	_ =	sdelay $0x3  }
0x33b: {  	v2 =	vand.u32 $0xFFFFFFE0, v2  }
0x33c: {  	[tilespmem:v3+s15+$0x0] =	vst.idx.add.f32.msk $0xffff, v2  }
0x33d: {  	v2 =	vld [tilespmem:s22+$0x840];
	_ =	sdelay $0x4  }
0x33e: {  	v3 =	vand.u32 $0x1F, v2  }
0x33f: {  	v3 =	vor.u32 v1, v3;
	_ =	sdelay $0x3  }
0x340: {  	v2 =	vand.u32 $0xFFFFFFE0, v2  }
0x341: {  	[tilespmem:v3+s15+$0x0] =	vst.idx.add.f32.msk $0xffff, v2  }
0x342: {  	v2 =	vld [tilespmem:s22+$0x850];
	_ =	sdelay $0x4  }
0x343: {  	v3 =	vand.u32 $0x1F, v2  }
0x344: {  	v3 =	vor.u32 v1, v3;
	_ =	sdelay $0x3  }
0x345: {  	v2 =	vand.u32 $0xFFFFFFE0, v2  }
0x346: {  	[tilespmem:v3+s15+$0x0] =	vst.idx.add.f32.msk $0xffff, v2  }
0x347: {  	v2 =	vld [tilespmem:s22+$0x860];
	_ =	sdelay $0x4  }
0x348: {  	v3 =	vand.u32 $0x1F, v2  }
0x349: {  	v3 =	vor.u32 v1, v3;
	_ =	sdelay $0x3  }
0x34a: {  	v2 =	vand.u32 $0xFFFFFFE0, v2  }
0x34b: {  	[tilespmem:v3+s15+$0x0] =	vst.idx.add.f32.msk $0xffff, v2  }
0x34c: {  	v2 =	vld [tilespmem:s22+$0x870];
	_ =	sdelay $0x4  }
0x34d: {  	v3 =	vand.u32 $0x1F, v2  }
0x34e: {  	v3 =	vor.u32 v1, v3;
	_ =	sdelay $0x3  }
0x34f: {  	v2 =	vand.u32 $0xFFFFFFE0, v2  }
0x350: {  	[tilespmem:v3+s15+$0x0] =	vst.idx.add.f32.msk $0xffff, v2  }
0x351: {  	v2 =	vld [tilespmem:s22+$0xC00];
	_ =	sdelay $0x4  }
0x352: {  	v3 =	vand.u32 $0x1F, v2  }
0x353: {  	v3 =	vor.u32 v1, v3;
	_ =	sdelay $0x3  }
0x354: {  	v2 =	vand.u32 $0xFFFFFFE0, v2  }
0x355: {  	[tilespmem:v3+s15+$0x0] =	vst.idx.add.f32.msk $0xffff, v2  }
0x356: {  	v2 =	vld [tilespmem:s22+$0xC10];
	_ =	sdelay $0x4  }
0x357: {  	v3 =	vand.u32 $0x1F, v2  }
0x358: {  	v3 =	vor.u32 v1, v3;
	_ =	sdelay $0x3  }
0x359: {  	v2 =	vand.u32 $0xFFFFFFE0, v2  }
0x35a: {  	[tilespmem:v3+s15+$0x0] =	vst.idx.add.f32.msk $0xffff, v2  }
0x35b: {  	v2 =	vld [tilespmem:s22+$0xC20];
	_ =	sdelay $0x4  }
0x35c: {  	v3 =	vand.u32 $0x1F, v2  }
0x35d: {  	v3 =	vor.u32 v1, v3;
	_ =	sdelay $0x3  }
0x35e: {  	v2 =	vand.u32 $0xFFFFFFE0, v2  }
0x35f: {  	[tilespmem:v3+s15+$0x0] =	vst.idx.add.f32.msk $0xffff, v2  }
0x360: {  	v2 =	vld [tilespmem:s22+$0xC30];
	_ =	sdelay $0x4  }
0x361: {  	v3 =	vand.u32 $0x1F, v2  }
0x362: {  	v3 =	vor.u32 v1, v3;
	_ =	sdelay $0x3  }
0x363: {  	v2 =	vand.u32 $0xFFFFFFE0, v2  }
0x364: {  	[tilespmem:v3+s15+$0x0] =	vst.idx.add.f32.msk $0xffff, v2  }
0x365: {  	v2 =	vld [tilespmem:s22+$0xC40];
	_ =	sdelay $0x4  }
0x366: {  	v3 =	vand.u32 $0x1F, v2  }
0x367: {  	v3 =	vor.u32 v1, v3;
	_ =	sdelay $0x3  }
0x368: {  	v2 =	vand.u32 $0xFFFFFFE0, v2  }
0x369: {  	[tilespmem:v3+s15+$0x0] =	vst.idx.add.f32.msk $0xffff, v2  }
0x36a: {  	v2 =	vld [tilespmem:s22+$0xC50];
	_ =	sdelay $0x4  }
0x36b: {  	v3 =	vand.u32 $0x1F, v2  }
0x36c: {  	v3 =	vor.u32 v1, v3;
	_ =	sdelay $0x3  }
0x36d: {  	v2 =	vand.u32 $0xFFFFFFE0, v2  }
0x36e: {  	[tilespmem:v3+s15+$0x0] =	vst.idx.add.f32.msk $0xffff, v2  }
0x36f: {  	v2 =	vld [tilespmem:s22+$0xC60];
	_ =	sdelay $0x4  }
0x370: {  	v3 =	vand.u32 $0x1F, v2  }
0x371: {  	v3 =	vor.u32 v1, v3;
	_ =	sdelay $0x3  }
0x372: {  	v2 =	vand.u32 $0xFFFFFFE0, v2  }
0x373: {  	[tilespmem:v3+s15+$0x0] =	vst.idx.add.f32.msk $0xffff, v2  }
0x374: {  	v2 =	vld [tilespmem:s22+$0xC70];
	_ =	sdelay $0x4  }
0x375: {  	v3 =	vand.u32 $0x1F, v2  }
0x376: {  	p0 =	sne.s32 s21, $0x1E00;
	v3 =	vor.u32 v1, v3  }
.Ltmp4:
0x377: {  	_ = 	snop;
	(pc) =	sbr.rel @p0 .LBB2_10-.Ltmp4, $3  }
0x378: {  	_ =	sdelay $0x1  }
0x379: {  	v2 =	vand.u32 $0xFFFFFFE0, v2  }
0x37a: {  	s20 =	sadd.s32 $0x80, s20;
	s21 =	sadd.s32 $0x200, s21;
	[tilespmem:v3+s15+$0x0] =	vst.idx.add.f32.msk $0xffff, v2  }
0x37b: {  	s20 =	simm.s32 $0x0  }
0x37c: {  	[tilespmem:s20], [sflag:$0x1] =	stream.linear.gather [hbm4b:s9+s20], $0x2000, $0x38;
	[tilespmem:$0x4880] =	vst v63  }
0x37d: {  	_ =	swait.ge [sflag:s16], $0x2000  }
0x37e: {  	[sflag:s16] =	ssyncset.done $0x0  }
0x37f: {  	s21 =	simm.s32 $0x0;
	[sflag:s16] =	ssyncadd.s32 $0xFFFFE000  }
.LBB2_12:
0x380: {  	s22 =	sand.u32 $0x1000, s21;
	s23 =	sand.u32 $0x380, s20  }
0x381: {  	s22 =	sor.u32 s23, s22  }
0x382: {  	v2 =	vld [tilespmem:s22+$0x2000];
	_ =	sdelay $0x4  }
0x383: {  	v3 =	vand.u32 $0x1F, v2  }
0x384: {  	v3 =	vor.u32 v1, v3;
	_ =	sdelay $0x3  }
0x385: {  	v2 =	vand.u32 $0xFFFFFFE0, v2  }
0x386: {  	[tilespmem:v3+s15+$0x0] =	vst.idx.add.f32.msk $0xffff, v2  }
0x387: {  	v2 =	vld [tilespmem:s22+$0x2010];
	_ =	sdelay $0x4  }
0x388: {  	v3 =	vand.u32 $0x1F, v2  }
0x389: {  	v3 =	vor.u32 v1, v3;
	_ =	sdelay $0x3  }
0x38a: {  	v2 =	vand.u32 $0xFFFFFFE0, v2  }
0x38b: {  	[tilespmem:v3+s15+$0x0] =	vst.idx.add.f32.msk $0xffff, v2  }
0x38c: {  	v2 =	vld [tilespmem:s22+$0x2020];
	_ =	sdelay $0x4  }
0x38d: {  	v3 =	vand.u32 $0x1F, v2  }
0x38e: {  	v3 =	vor.u32 v1, v3;
	_ =	sdelay $0x3  }
0x38f: {  	v2 =	vand.u32 $0xFFFFFFE0, v2  }
0x390: {  	[tilespmem:v3+s15+$0x0] =	vst.idx.add.f32.msk $0xffff, v2  }
0x391: {  	v2 =	vld [tilespmem:s22+$0x2030];
	_ =	sdelay $0x4  }
0x392: {  	v3 =	vand.u32 $0x1F, v2  }
0x393: {  	v3 =	vor.u32 v1, v3;
	_ =	sdelay $0x3  }
0x394: {  	v2 =	vand.u32 $0xFFFFFFE0, v2  }
0x395: {  	[tilespmem:v3+s15+$0x0] =	vst.idx.add.f32.msk $0xffff, v2  }
0x396: {  	v2 =	vld [tilespmem:s22+$0x2040];
	_ =	sdelay $0x4  }
0x397: {  	v3 =	vand.u32 $0x1F, v2  }
0x398: {  	v3 =	vor.u32 v1, v3;
	_ =	sdelay $0x3  }
0x399: {  	v2 =	vand.u32 $0xFFFFFFE0, v2  }
0x39a: {  	[tilespmem:v3+s15+$0x0] =	vst.idx.add.f32.msk $0xffff, v2  }
0x39b: {  	v2 =	vld [tilespmem:s22+$0x2050];
	_ =	sdelay $0x4  }
0x39c: {  	v3 =	vand.u32 $0x1F, v2  }
0x39d: {  	v3 =	vor.u32 v1, v3;
	_ =	sdelay $0x3  }
0x39e: {  	v2 =	vand.u32 $0xFFFFFFE0, v2  }
0x39f: {  	[tilespmem:v3+s15+$0x0] =	vst.idx.add.f32.msk $0xffff, v2  }
0x3a0: {  	v2 =	vld [tilespmem:s22+$0x2060];
	_ =	sdelay $0x4  }
0x3a1: {  	v3 =	vand.u32 $0x1F, v2  }
0x3a2: {  	v3 =	vor.u32 v1, v3;
	_ =	sdelay $0x3  }
0x3a3: {  	v2 =	vand.u32 $0xFFFFFFE0, v2  }
0x3a4: {  	[tilespmem:v3+s15+$0x0] =	vst.idx.add.f32.msk $0xffff, v2  }
0x3a5: {  	v2 =	vld [tilespmem:s22+$0x2070];
	_ =	sdelay $0x4  }
0x3a6: {  	v3 =	vand.u32 $0x1F, v2  }
0x3a7: {  	v3 =	vor.u32 v1, v3;
	_ =	sdelay $0x3  }
0x3a8: {  	v2 =	vand.u32 $0xFFFFFFE0, v2  }
0x3a9: {  	[tilespmem:v3+s15+$0x0] =	vst.idx.add.f32.msk $0xffff, v2  }
0x3aa: {  	v2 =	vld [tilespmem:s22+$0x2400];
	_ =	sdelay $0x4  }
0x3ab: {  	v3 =	vand.u32 $0x1F, v2  }
0x3ac: {  	v3 =	vor.u32 v1, v3;
	_ =	sdelay $0x3  }
0x3ad: {  	v2 =	vand.u32 $0xFFFFFFE0, v2  }
0x3ae: {  	[tilespmem:v3+s15+$0x0] =	vst.idx.add.f32.msk $0xffff, v2  }
0x3af: {  	v2 =	vld [tilespmem:s22+$0x2410];
	_ =	sdelay $0x4  }
0x3b0: {  	v3 =	vand.u32 $0x1F, v2  }
0x3b1: {  	v3 =	vor.u32 v1, v3;
	_ =	sdelay $0x3  }
0x3b2: {  	v2 =	vand.u32 $0xFFFFFFE0, v2  }
0x3b3: {  	[tilespmem:v3+s15+$0x0] =	vst.idx.add.f32.msk $0xffff, v2  }
0x3b4: {  	v2 =	vld [tilespmem:s22+$0x2420];
	_ =	sdelay $0x4  }
0x3b5: {  	v3 =	vand.u32 $0x1F, v2  }
0x3b6: {  	v3 =	vor.u32 v1, v3;
	_ =	sdelay $0x3  }
0x3b7: {  	v2 =	vand.u32 $0xFFFFFFE0, v2  }
0x3b8: {  	[tilespmem:v3+s15+$0x0] =	vst.idx.add.f32.msk $0xffff, v2  }
0x3b9: {  	v2 =	vld [tilespmem:s22+$0x2430];
	_ =	sdelay $0x4  }
0x3ba: {  	v3 =	vand.u32 $0x1F, v2  }
0x3bb: {  	v3 =	vor.u32 v1, v3;
	_ =	sdelay $0x3  }
0x3bc: {  	v2 =	vand.u32 $0xFFFFFFE0, v2  }
0x3bd: {  	[tilespmem:v3+s15+$0x0] =	vst.idx.add.f32.msk $0xffff, v2  }
0x3be: {  	v2 =	vld [tilespmem:s22+$0x2440];
	_ =	sdelay $0x4  }
0x3bf: {  	v3 =	vand.u32 $0x1F, v2  }
0x3c0: {  	v3 =	vor.u32 v1, v3;
	_ =	sdelay $0x3  }
0x3c1: {  	v2 =	vand.u32 $0xFFFFFFE0, v2  }
0x3c2: {  	[tilespmem:v3+s15+$0x0] =	vst.idx.add.f32.msk $0xffff, v2  }
0x3c3: {  	v2 =	vld [tilespmem:s22+$0x2450];
	_ =	sdelay $0x4  }
0x3c4: {  	v3 =	vand.u32 $0x1F, v2  }
0x3c5: {  	v3 =	vor.u32 v1, v3;
	_ =	sdelay $0x3  }
0x3c6: {  	v2 =	vand.u32 $0xFFFFFFE0, v2  }
0x3c7: {  	[tilespmem:v3+s15+$0x0] =	vst.idx.add.f32.msk $0xffff, v2  }
0x3c8: {  	v2 =	vld [tilespmem:s22+$0x2460];
	_ =	sdelay $0x4  }
0x3c9: {  	v3 =	vand.u32 $0x1F, v2  }
0x3ca: {  	v3 =	vor.u32 v1, v3;
	_ =	sdelay $0x3  }
0x3cb: {  	v2 =	vand.u32 $0xFFFFFFE0, v2  }
0x3cc: {  	[tilespmem:v3+s15+$0x0] =	vst.idx.add.f32.msk $0xffff, v2  }
0x3cd: {  	v2 =	vld [tilespmem:s22+$0x2470];
	_ =	sdelay $0x4  }
0x3ce: {  	v3 =	vand.u32 $0x1F, v2  }
0x3cf: {  	v3 =	vor.u32 v1, v3;
	_ =	sdelay $0x3  }
0x3d0: {  	v2 =	vand.u32 $0xFFFFFFE0, v2  }
0x3d1: {  	[tilespmem:v3+s15+$0x0] =	vst.idx.add.f32.msk $0xffff, v2  }
0x3d2: {  	v2 =	vld [tilespmem:s22+$0x2800];
	_ =	sdelay $0x4  }
0x3d3: {  	v3 =	vand.u32 $0x1F, v2  }
0x3d4: {  	v3 =	vor.u32 v1, v3;
	_ =	sdelay $0x3  }
0x3d5: {  	v2 =	vand.u32 $0xFFFFFFE0, v2  }
0x3d6: {  	[tilespmem:v3+s15+$0x0] =	vst.idx.add.f32.msk $0xffff, v2  }
0x3d7: {  	v2 =	vld [tilespmem:s22+$0x2810];
	_ =	sdelay $0x4  }
0x3d8: {  	v3 =	vand.u32 $0x1F, v2  }
0x3d9: {  	v3 =	vor.u32 v1, v3;
	_ =	sdelay $0x3  }
0x3da: {  	v2 =	vand.u32 $0xFFFFFFE0, v2  }
0x3db: {  	[tilespmem:v3+s15+$0x0] =	vst.idx.add.f32.msk $0xffff, v2  }
0x3dc: {  	v2 =	vld [tilespmem:s22+$0x2820];
	_ =	sdelay $0x4  }
0x3dd: {  	v3 =	vand.u32 $0x1F, v2  }
0x3de: {  	v3 =	vor.u32 v1, v3;
	_ =	sdelay $0x3  }
0x3df: {  	v2 =	vand.u32 $0xFFFFFFE0, v2  }
0x3e0: {  	[tilespmem:v3+s15+$0x0] =	vst.idx.add.f32.msk $0xffff, v2  }
0x3e1: {  	v2 =	vld [tilespmem:s22+$0x2830];
	_ =	sdelay $0x4  }
0x3e2: {  	v3 =	vand.u32 $0x1F, v2  }
0x3e3: {  	v3 =	vor.u32 v1, v3;
	_ =	sdelay $0x3  }
0x3e4: {  	v2 =	vand.u32 $0xFFFFFFE0, v2  }
0x3e5: {  	[tilespmem:v3+s15+$0x0] =	vst.idx.add.f32.msk $0xffff, v2  }
0x3e6: {  	v2 =	vld [tilespmem:s22+$0x2840];
	_ =	sdelay $0x4  }
0x3e7: {  	v3 =	vand.u32 $0x1F, v2  }
0x3e8: {  	v3 =	vor.u32 v1, v3;
	_ =	sdelay $0x3  }
0x3e9: {  	v2 =	vand.u32 $0xFFFFFFE0, v2  }
0x3ea: {  	[tilespmem:v3+s15+$0x0] =	vst.idx.add.f32.msk $0xffff, v2  }
0x3eb: {  	v2 =	vld [tilespmem:s22+$0x2850];
	_ =	sdelay $0x4  }
0x3ec: {  	v3 =	vand.u32 $0x1F, v2  }
0x3ed: {  	v3 =	vor.u32 v1, v3;
	_ =	sdelay $0x3  }
0x3ee: {  	v2 =	vand.u32 $0xFFFFFFE0, v2  }
0x3ef: {  	[tilespmem:v3+s15+$0x0] =	vst.idx.add.f32.msk $0xffff, v2  }
0x3f0: {  	v2 =	vld [tilespmem:s22+$0x2860];
	_ =	sdelay $0x4  }
0x3f1: {  	v3 =	vand.u32 $0x1F, v2  }
0x3f2: {  	v3 =	vor.u32 v1, v3;
	_ =	sdelay $0x3  }
0x3f3: {  	v2 =	vand.u32 $0xFFFFFFE0, v2  }
0x3f4: {  	[tilespmem:v3+s15+$0x0] =	vst.idx.add.f32.msk $0xffff, v2  }
0x3f5: {  	v2 =	vld [tilespmem:s22+$0x2870];
	_ =	sdelay $0x4  }
0x3f6: {  	v3 =	vand.u32 $0x1F, v2  }
0x3f7: {  	v3 =	vor.u32 v1, v3;
	_ =	sdelay $0x3  }
0x3f8: {  	v2 =	vand.u32 $0xFFFFFFE0, v2  }
0x3f9: {  	[tilespmem:v3+s15+$0x0] =	vst.idx.add.f32.msk $0xffff, v2  }
0x3fa: {  	v2 =	vld [tilespmem:s22+$0x2C00];
	_ =	sdelay $0x4  }
0x3fb: {  	v3 =	vand.u32 $0x1F, v2  }
0x3fc: {  	v3 =	vor.u32 v1, v3;
	_ =	sdelay $0x3  }
0x3fd: {  	v2 =	vand.u32 $0xFFFFFFE0, v2  }
0x3fe: {  	[tilespmem:v3+s15+$0x0] =	vst.idx.add.f32.msk $0xffff, v2  }
0x3ff: {  	v2 =	vld [tilespmem:s22+$0x2C10];
	_ =	sdelay $0x4  }
0x400: {  	v3 =	vand.u32 $0x1F, v2  }
0x401: {  	v3 =	vor.u32 v1, v3;
	_ =	sdelay $0x3  }
0x402: {  	v2 =	vand.u32 $0xFFFFFFE0, v2  }
0x403: {  	[tilespmem:v3+s15+$0x0] =	vst.idx.add.f32.msk $0xffff, v2  }
0x404: {  	v2 =	vld [tilespmem:s22+$0x2C20];
	_ =	sdelay $0x4  }
0x405: {  	v3 =	vand.u32 $0x1F, v2  }
0x406: {  	v3 =	vor.u32 v1, v3;
	_ =	sdelay $0x3  }
0x407: {  	v2 =	vand.u32 $0xFFFFFFE0, v2  }
0x408: {  	[tilespmem:v3+s15+$0x0] =	vst.idx.add.f32.msk $0xffff, v2  }
0x409: {  	v2 =	vld [tilespmem:s22+$0x2C30];
	_ =	sdelay $0x4  }
0x40a: {  	v3 =	vand.u32 $0x1F, v2  }
0x40b: {  	v3 =	vor.u32 v1, v3;
	_ =	sdelay $0x3  }
0x40c: {  	v2 =	vand.u32 $0xFFFFFFE0, v2  }
0x40d: {  	[tilespmem:v3+s15+$0x0] =	vst.idx.add.f32.msk $0xffff, v2  }
0x40e: {  	v2 =	vld [tilespmem:s22+$0x2C40];
	_ =	sdelay $0x4  }
0x40f: {  	v3 =	vand.u32 $0x1F, v2  }
0x410: {  	v3 =	vor.u32 v1, v3;
	_ =	sdelay $0x3  }
0x411: {  	v2 =	vand.u32 $0xFFFFFFE0, v2  }
0x412: {  	[tilespmem:v3+s15+$0x0] =	vst.idx.add.f32.msk $0xffff, v2  }
0x413: {  	v2 =	vld [tilespmem:s22+$0x2C50];
	_ =	sdelay $0x4  }
0x414: {  	v3 =	vand.u32 $0x1F, v2  }
0x415: {  	v3 =	vor.u32 v1, v3;
	_ =	sdelay $0x3  }
0x416: {  	v2 =	vand.u32 $0xFFFFFFE0, v2  }
0x417: {  	[tilespmem:v3+s15+$0x0] =	vst.idx.add.f32.msk $0xffff, v2  }
0x418: {  	v2 =	vld [tilespmem:s22+$0x2C60];
	_ =	sdelay $0x4  }
0x419: {  	v3 =	vand.u32 $0x1F, v2  }
0x41a: {  	v3 =	vor.u32 v1, v3;
	_ =	sdelay $0x3  }
0x41b: {  	v2 =	vand.u32 $0xFFFFFFE0, v2  }
0x41c: {  	[tilespmem:v3+s15+$0x0] =	vst.idx.add.f32.msk $0xffff, v2  }
0x41d: {  	v2 =	vld [tilespmem:s22+$0x2C70];
	_ =	sdelay $0x4  }
0x41e: {  	v3 =	vand.u32 $0x1F, v2  }
0x41f: {  	p0 =	sne.s32 s21, $0x1E00;
	v3 =	vor.u32 v1, v3  }
.Ltmp5:
0x420: {  	_ = 	snop;
	(pc) =	sbr.rel @p0 .LBB2_12-.Ltmp5, $3  }
0x421: {  	_ =	sdelay $0x1  }
0x422: {  	v2 =	vand.u32 $0xFFFFFFE0, v2  }
0x423: {  	s20 =	sadd.s32 $0x80, s20;
	s21 =	sadd.s32 $0x200, s21;
	[tilespmem:v3+s15+$0x0] =	vst.idx.add.f32.msk $0xffff, v2  }
0x424: {  	s20 =	simm.s32 $0x0  }
0x425: {  	[tilespmem:s13], [sflag:$0x2] =	stream.linear.gather [hbm4b:s10+s20], $0x2000, $0x38;
	[tilespmem:$0x4880] =	vst v63  }
0x426: {  	_ =	swait.ge [sflag:s14], $0x2000  }
0x427: {  	[sflag:s14] =	ssyncset.done $0x0  }
0x428: {  	s21 =	simm.s32 $0x0;
	[sflag:s14] =	ssyncadd.s32 $0xFFFFE000  }
.LBB2_14:
0x429: {  	s22 =	sand.u32 $0x1000, s21;
	s23 =	sand.u32 $0x380, s20  }
0x42a: {  	s22 =	sor.u32 s23, s22  }
0x42b: {  	v2 =	vld [tilespmem:s22+$0x0];
	_ =	sdelay $0x4  }
0x42c: {  	v3 =	vand.u32 $0x1F, v2  }
0x42d: {  	v3 =	vor.u32 v1, v3;
	_ =	sdelay $0x3  }
0x42e: {  	v2 =	vand.u32 $0xFFFFFFE0, v2  }
0x42f: {  	[tilespmem:v3+s15+$0x0] =	vst.idx.add.f32.msk $0xffff, v2  }
0x430: {  	v2 =	vld [tilespmem:s22+$0x10];
	_ =	sdelay $0x4  }
0x431: {  	v3 =	vand.u32 $0x1F, v2  }
0x432: {  	v3 =	vor.u32 v1, v3;
	_ =	sdelay $0x3  }
0x433: {  	v2 =	vand.u32 $0xFFFFFFE0, v2  }
0x434: {  	[tilespmem:v3+s15+$0x0] =	vst.idx.add.f32.msk $0xffff, v2  }
0x435: {  	v2 =	vld [tilespmem:s22+$0x20];
	_ =	sdelay $0x4  }
0x436: {  	v3 =	vand.u32 $0x1F, v2  }
0x437: {  	v3 =	vor.u32 v1, v3;
	_ =	sdelay $0x3  }
0x438: {  	v2 =	vand.u32 $0xFFFFFFE0, v2  }
0x439: {  	[tilespmem:v3+s15+$0x0] =	vst.idx.add.f32.msk $0xffff, v2  }
0x43a: {  	v2 =	vld [tilespmem:s22+$0x30];
	_ =	sdelay $0x4  }
0x43b: {  	v3 =	vand.u32 $0x1F, v2  }
0x43c: {  	v3 =	vor.u32 v1, v3;
	_ =	sdelay $0x3  }
0x43d: {  	v2 =	vand.u32 $0xFFFFFFE0, v2  }
0x43e: {  	[tilespmem:v3+s15+$0x0] =	vst.idx.add.f32.msk $0xffff, v2  }
0x43f: {  	v2 =	vld [tilespmem:s22+$0x40];
	_ =	sdelay $0x4  }
0x440: {  	v3 =	vand.u32 $0x1F, v2  }
0x441: {  	v3 =	vor.u32 v1, v3;
	_ =	sdelay $0x3  }
0x442: {  	v2 =	vand.u32 $0xFFFFFFE0, v2  }
0x443: {  	[tilespmem:v3+s15+$0x0] =	vst.idx.add.f32.msk $0xffff, v2  }
0x444: {  	v2 =	vld [tilespmem:s22+$0x50];
	_ =	sdelay $0x4  }
0x445: {  	v3 =	vand.u32 $0x1F, v2  }
0x446: {  	v3 =	vor.u32 v1, v3;
	_ =	sdelay $0x3  }
0x447: {  	v2 =	vand.u32 $0xFFFFFFE0, v2  }
0x448: {  	[tilespmem:v3+s15+$0x0] =	vst.idx.add.f32.msk $0xffff, v2  }
0x449: {  	v2 =	vld [tilespmem:s22+$0x60];
	_ =	sdelay $0x4  }
0x44a: {  	v3 =	vand.u32 $0x1F, v2  }
0x44b: {  	v3 =	vor.u32 v1, v3;
	_ =	sdelay $0x3  }
0x44c: {  	v2 =	vand.u32 $0xFFFFFFE0, v2  }
0x44d: {  	[tilespmem:v3+s15+$0x0] =	vst.idx.add.f32.msk $0xffff, v2  }
0x44e: {  	v2 =	vld [tilespmem:s22+$0x70];
	_ =	sdelay $0x4  }
0x44f: {  	v3 =	vand.u32 $0x1F, v2  }
0x450: {  	v3 =	vor.u32 v1, v3;
	_ =	sdelay $0x3  }
0x451: {  	v2 =	vand.u32 $0xFFFFFFE0, v2  }
0x452: {  	[tilespmem:v3+s15+$0x0] =	vst.idx.add.f32.msk $0xffff, v2  }
0x453: {  	v2 =	vld [tilespmem:s22+$0x400];
	_ =	sdelay $0x4  }
0x454: {  	v3 =	vand.u32 $0x1F, v2  }
0x455: {  	v3 =	vor.u32 v1, v3;
	_ =	sdelay $0x3  }
0x456: {  	v2 =	vand.u32 $0xFFFFFFE0, v2  }
0x457: {  	[tilespmem:v3+s15+$0x0] =	vst.idx.add.f32.msk $0xffff, v2  }
0x458: {  	v2 =	vld [tilespmem:s22+$0x410];
	_ =	sdelay $0x4  }
0x459: {  	v3 =	vand.u32 $0x1F, v2  }
0x45a: {  	v3 =	vor.u32 v1, v3;
	_ =	sdelay $0x3  }
0x45b: {  	v2 =	vand.u32 $0xFFFFFFE0, v2  }
0x45c: {  	[tilespmem:v3+s15+$0x0] =	vst.idx.add.f32.msk $0xffff, v2  }
0x45d: {  	v2 =	vld [tilespmem:s22+$0x420];
	_ =	sdelay $0x4  }
0x45e: {  	v3 =	vand.u32 $0x1F, v2  }
0x45f: {  	v3 =	vor.u32 v1, v3;
	_ =	sdelay $0x3  }
0x460: {  	v2 =	vand.u32 $0xFFFFFFE0, v2  }
0x461: {  	[tilespmem:v3+s15+$0x0] =	vst.idx.add.f32.msk $0xffff, v2  }
0x462: {  	v2 =	vld [tilespmem:s22+$0x430];
	_ =	sdelay $0x4  }
0x463: {  	v3 =	vand.u32 $0x1F, v2  }
0x464: {  	v3 =	vor.u32 v1, v3;
	_ =	sdelay $0x3  }
0x465: {  	v2 =	vand.u32 $0xFFFFFFE0, v2  }
0x466: {  	[tilespmem:v3+s15+$0x0] =	vst.idx.add.f32.msk $0xffff, v2  }
0x467: {  	v2 =	vld [tilespmem:s22+$0x440];
	_ =	sdelay $0x4  }
0x468: {  	v3 =	vand.u32 $0x1F, v2  }
0x469: {  	v3 =	vor.u32 v1, v3;
	_ =	sdelay $0x3  }
0x46a: {  	v2 =	vand.u32 $0xFFFFFFE0, v2  }
0x46b: {  	[tilespmem:v3+s15+$0x0] =	vst.idx.add.f32.msk $0xffff, v2  }
0x46c: {  	v2 =	vld [tilespmem:s22+$0x450];
	_ =	sdelay $0x4  }
0x46d: {  	v3 =	vand.u32 $0x1F, v2  }
0x46e: {  	v3 =	vor.u32 v1, v3;
	_ =	sdelay $0x3  }
0x46f: {  	v2 =	vand.u32 $0xFFFFFFE0, v2  }
0x470: {  	[tilespmem:v3+s15+$0x0] =	vst.idx.add.f32.msk $0xffff, v2  }
0x471: {  	v2 =	vld [tilespmem:s22+$0x460];
	_ =	sdelay $0x4  }
0x472: {  	v3 =	vand.u32 $0x1F, v2  }
0x473: {  	v3 =	vor.u32 v1, v3;
	_ =	sdelay $0x3  }
0x474: {  	v2 =	vand.u32 $0xFFFFFFE0, v2  }
0x475: {  	[tilespmem:v3+s15+$0x0] =	vst.idx.add.f32.msk $0xffff, v2  }
0x476: {  	v2 =	vld [tilespmem:s22+$0x470];
	_ =	sdelay $0x4  }
0x477: {  	v3 =	vand.u32 $0x1F, v2  }
0x478: {  	v3 =	vor.u32 v1, v3;
	_ =	sdelay $0x3  }
0x479: {  	v2 =	vand.u32 $0xFFFFFFE0, v2  }
0x47a: {  	[tilespmem:v3+s15+$0x0] =	vst.idx.add.f32.msk $0xffff, v2  }
0x47b: {  	v2 =	vld [tilespmem:s22+$0x800];
	_ =	sdelay $0x4  }
0x47c: {  	v3 =	vand.u32 $0x1F, v2  }
0x47d: {  	v3 =	vor.u32 v1, v3;
	_ =	sdelay $0x3  }
0x47e: {  	v2 =	vand.u32 $0xFFFFFFE0, v2  }
0x47f: {  	[tilespmem:v3+s15+$0x0] =	vst.idx.add.f32.msk $0xffff, v2  }
0x480: {  	v2 =	vld [tilespmem:s22+$0x810];
	_ =	sdelay $0x4  }
0x481: {  	v3 =	vand.u32 $0x1F, v2  }
0x482: {  	v3 =	vor.u32 v1, v3;
	_ =	sdelay $0x3  }
0x483: {  	v2 =	vand.u32 $0xFFFFFFE0, v2  }
0x484: {  	[tilespmem:v3+s15+$0x0] =	vst.idx.add.f32.msk $0xffff, v2  }
0x485: {  	v2 =	vld [tilespmem:s22+$0x820];
	_ =	sdelay $0x4  }
0x486: {  	v3 =	vand.u32 $0x1F, v2  }
0x487: {  	v3 =	vor.u32 v1, v3;
	_ =	sdelay $0x3  }
0x488: {  	v2 =	vand.u32 $0xFFFFFFE0, v2  }
0x489: {  	[tilespmem:v3+s15+$0x0] =	vst.idx.add.f32.msk $0xffff, v2  }
0x48a: {  	v2 =	vld [tilespmem:s22+$0x830];
	_ =	sdelay $0x4  }
0x48b: {  	v3 =	vand.u32 $0x1F, v2  }
0x48c: {  	v3 =	vor.u32 v1, v3;
	_ =	sdelay $0x3  }
0x48d: {  	v2 =	vand.u32 $0xFFFFFFE0, v2  }
0x48e: {  	[tilespmem:v3+s15+$0x0] =	vst.idx.add.f32.msk $0xffff, v2  }
0x48f: {  	v2 =	vld [tilespmem:s22+$0x840];
	_ =	sdelay $0x4  }
0x490: {  	v3 =	vand.u32 $0x1F, v2  }
0x491: {  	v3 =	vor.u32 v1, v3;
	_ =	sdelay $0x3  }
0x492: {  	v2 =	vand.u32 $0xFFFFFFE0, v2  }
0x493: {  	[tilespmem:v3+s15+$0x0] =	vst.idx.add.f32.msk $0xffff, v2  }
0x494: {  	v2 =	vld [tilespmem:s22+$0x850];
	_ =	sdelay $0x4  }
0x495: {  	v3 =	vand.u32 $0x1F, v2  }
0x496: {  	v3 =	vor.u32 v1, v3;
	_ =	sdelay $0x3  }
0x497: {  	v2 =	vand.u32 $0xFFFFFFE0, v2  }
0x498: {  	[tilespmem:v3+s15+$0x0] =	vst.idx.add.f32.msk $0xffff, v2  }
0x499: {  	v2 =	vld [tilespmem:s22+$0x860];
	_ =	sdelay $0x4  }
0x49a: {  	v3 =	vand.u32 $0x1F, v2  }
0x49b: {  	v3 =	vor.u32 v1, v3;
	_ =	sdelay $0x3  }
0x49c: {  	v2 =	vand.u32 $0xFFFFFFE0, v2  }
0x49d: {  	[tilespmem:v3+s15+$0x0] =	vst.idx.add.f32.msk $0xffff, v2  }
0x49e: {  	v2 =	vld [tilespmem:s22+$0x870];
	_ =	sdelay $0x4  }
0x49f: {  	v3 =	vand.u32 $0x1F, v2  }
0x4a0: {  	v3 =	vor.u32 v1, v3;
	_ =	sdelay $0x3  }
0x4a1: {  	v2 =	vand.u32 $0xFFFFFFE0, v2  }
0x4a2: {  	[tilespmem:v3+s15+$0x0] =	vst.idx.add.f32.msk $0xffff, v2  }
0x4a3: {  	v2 =	vld [tilespmem:s22+$0xC00];
	_ =	sdelay $0x4  }
0x4a4: {  	v3 =	vand.u32 $0x1F, v2  }
0x4a5: {  	v3 =	vor.u32 v1, v3;
	_ =	sdelay $0x3  }
0x4a6: {  	v2 =	vand.u32 $0xFFFFFFE0, v2  }
0x4a7: {  	[tilespmem:v3+s15+$0x0] =	vst.idx.add.f32.msk $0xffff, v2  }
0x4a8: {  	v2 =	vld [tilespmem:s22+$0xC10];
	_ =	sdelay $0x4  }
0x4a9: {  	v3 =	vand.u32 $0x1F, v2  }
0x4aa: {  	v3 =	vor.u32 v1, v3;
	_ =	sdelay $0x3  }
0x4ab: {  	v2 =	vand.u32 $0xFFFFFFE0, v2  }
0x4ac: {  	[tilespmem:v3+s15+$0x0] =	vst.idx.add.f32.msk $0xffff, v2  }
0x4ad: {  	v2 =	vld [tilespmem:s22+$0xC20];
	_ =	sdelay $0x4  }
0x4ae: {  	v3 =	vand.u32 $0x1F, v2  }
0x4af: {  	v3 =	vor.u32 v1, v3;
	_ =	sdelay $0x3  }
0x4b0: {  	v2 =	vand.u32 $0xFFFFFFE0, v2  }
0x4b1: {  	[tilespmem:v3+s15+$0x0] =	vst.idx.add.f32.msk $0xffff, v2  }
0x4b2: {  	v2 =	vld [tilespmem:s22+$0xC30];
	_ =	sdelay $0x4  }
0x4b3: {  	v3 =	vand.u32 $0x1F, v2  }
0x4b4: {  	v3 =	vor.u32 v1, v3;
	_ =	sdelay $0x3  }
0x4b5: {  	v2 =	vand.u32 $0xFFFFFFE0, v2  }
0x4b6: {  	[tilespmem:v3+s15+$0x0] =	vst.idx.add.f32.msk $0xffff, v2  }
0x4b7: {  	v2 =	vld [tilespmem:s22+$0xC40];
	_ =	sdelay $0x4  }
0x4b8: {  	v3 =	vand.u32 $0x1F, v2  }
0x4b9: {  	v3 =	vor.u32 v1, v3;
	_ =	sdelay $0x3  }
0x4ba: {  	v2 =	vand.u32 $0xFFFFFFE0, v2  }
0x4bb: {  	[tilespmem:v3+s15+$0x0] =	vst.idx.add.f32.msk $0xffff, v2  }
0x4bc: {  	v2 =	vld [tilespmem:s22+$0xC50];
	_ =	sdelay $0x4  }
0x4bd: {  	v3 =	vand.u32 $0x1F, v2  }
0x4be: {  	v3 =	vor.u32 v1, v3;
	_ =	sdelay $0x3  }
0x4bf: {  	v2 =	vand.u32 $0xFFFFFFE0, v2  }
0x4c0: {  	[tilespmem:v3+s15+$0x0] =	vst.idx.add.f32.msk $0xffff, v2  }
0x4c1: {  	v2 =	vld [tilespmem:s22+$0xC60];
	_ =	sdelay $0x4  }
0x4c2: {  	v3 =	vand.u32 $0x1F, v2  }
0x4c3: {  	v3 =	vor.u32 v1, v3;
	_ =	sdelay $0x3  }
0x4c4: {  	v2 =	vand.u32 $0xFFFFFFE0, v2  }
0x4c5: {  	[tilespmem:v3+s15+$0x0] =	vst.idx.add.f32.msk $0xffff, v2  }
0x4c6: {  	v2 =	vld [tilespmem:s22+$0xC70];
	_ =	sdelay $0x4  }
0x4c7: {  	v3 =	vand.u32 $0x1F, v2  }
0x4c8: {  	p0 =	sne.s32 s21, $0x1E00;
	v3 =	vor.u32 v1, v3  }
.Ltmp6:
0x4c9: {  	_ = 	snop;
	(pc) =	sbr.rel @p0 .LBB2_14-.Ltmp6, $3  }
0x4ca: {  	_ =	sdelay $0x1  }
0x4cb: {  	v2 =	vand.u32 $0xFFFFFFE0, v2  }
0x4cc: {  	s20 =	sadd.s32 $0x80, s20;
	s21 =	sadd.s32 $0x200, s21;
	[tilespmem:v3+s15+$0x0] =	vst.idx.add.f32.msk $0xffff, v2  }
0x4cd: {  	_ =	swait.ge [sflag:s16], $0x2000  }
0x4ce: {  	[sflag:s16] =	ssyncset.done $0x0  }
0x4cf: {  	s20 =	simm.s32 $0x0;
	s21 =	simm.s32 $0x0;
	[sflag:s16] =	ssyncadd.s32 $0xFFFFE000  }
.LBB2_16:
0x4d0: {  	s22 =	sand.u32 $0x1000, s21;
	s23 =	sand.u32 $0x380, s20  }
0x4d1: {  	s22 =	sor.u32 s23, s22  }
0x4d2: {  	v2 =	vld [tilespmem:s22+$0x2000];
	_ =	sdelay $0x4  }
0x4d3: {  	v3 =	vand.u32 $0x1F, v2  }
0x4d4: {  	v3 =	vor.u32 v1, v3;
	_ =	sdelay $0x3  }
0x4d5: {  	v2 =	vand.u32 $0xFFFFFFE0, v2  }
0x4d6: {  	[tilespmem:v3+s15+$0x0] =	vst.idx.add.f32.msk $0xffff, v2  }
0x4d7: {  	v2 =	vld [tilespmem:s22+$0x2010];
	_ =	sdelay $0x4  }
0x4d8: {  	v3 =	vand.u32 $0x1F, v2  }
0x4d9: {  	v3 =	vor.u32 v1, v3;
	_ =	sdelay $0x3  }
0x4da: {  	v2 =	vand.u32 $0xFFFFFFE0, v2  }
0x4db: {  	[tilespmem:v3+s15+$0x0] =	vst.idx.add.f32.msk $0xffff, v2  }
0x4dc: {  	v2 =	vld [tilespmem:s22+$0x2020];
	_ =	sdelay $0x4  }
0x4dd: {  	v3 =	vand.u32 $0x1F, v2  }
0x4de: {  	v3 =	vor.u32 v1, v3;
	_ =	sdelay $0x3  }
0x4df: {  	v2 =	vand.u32 $0xFFFFFFE0, v2  }
0x4e0: {  	[tilespmem:v3+s15+$0x0] =	vst.idx.add.f32.msk $0xffff, v2  }
0x4e1: {  	v2 =	vld [tilespmem:s22+$0x2030];
	_ =	sdelay $0x4  }
0x4e2: {  	v3 =	vand.u32 $0x1F, v2  }
0x4e3: {  	v3 =	vor.u32 v1, v3;
	_ =	sdelay $0x3  }
0x4e4: {  	v2 =	vand.u32 $0xFFFFFFE0, v2  }
0x4e5: {  	[tilespmem:v3+s15+$0x0] =	vst.idx.add.f32.msk $0xffff, v2  }
0x4e6: {  	v2 =	vld [tilespmem:s22+$0x2040];
	_ =	sdelay $0x4  }
0x4e7: {  	v3 =	vand.u32 $0x1F, v2  }
0x4e8: {  	v3 =	vor.u32 v1, v3;
	_ =	sdelay $0x3  }
0x4e9: {  	v2 =	vand.u32 $0xFFFFFFE0, v2  }
0x4ea: {  	[tilespmem:v3+s15+$0x0] =	vst.idx.add.f32.msk $0xffff, v2  }
0x4eb: {  	v2 =	vld [tilespmem:s22+$0x2050];
	_ =	sdelay $0x4  }
0x4ec: {  	v3 =	vand.u32 $0x1F, v2  }
0x4ed: {  	v3 =	vor.u32 v1, v3;
	_ =	sdelay $0x3  }
0x4ee: {  	v2 =	vand.u32 $0xFFFFFFE0, v2  }
0x4ef: {  	[tilespmem:v3+s15+$0x0] =	vst.idx.add.f32.msk $0xffff, v2  }
0x4f0: {  	v2 =	vld [tilespmem:s22+$0x2060];
	_ =	sdelay $0x4  }
0x4f1: {  	v3 =	vand.u32 $0x1F, v2  }
0x4f2: {  	v3 =	vor.u32 v1, v3;
	_ =	sdelay $0x3  }
0x4f3: {  	v2 =	vand.u32 $0xFFFFFFE0, v2  }
0x4f4: {  	[tilespmem:v3+s15+$0x0] =	vst.idx.add.f32.msk $0xffff, v2  }
0x4f5: {  	v2 =	vld [tilespmem:s22+$0x2070];
	_ =	sdelay $0x4  }
0x4f6: {  	v3 =	vand.u32 $0x1F, v2  }
0x4f7: {  	v3 =	vor.u32 v1, v3;
	_ =	sdelay $0x3  }
0x4f8: {  	v2 =	vand.u32 $0xFFFFFFE0, v2  }
0x4f9: {  	[tilespmem:v3+s15+$0x0] =	vst.idx.add.f32.msk $0xffff, v2  }
0x4fa: {  	v2 =	vld [tilespmem:s22+$0x2400];
	_ =	sdelay $0x4  }
0x4fb: {  	v3 =	vand.u32 $0x1F, v2  }
0x4fc: {  	v3 =	vor.u32 v1, v3;
	_ =	sdelay $0x3  }
0x4fd: {  	v2 =	vand.u32 $0xFFFFFFE0, v2  }
0x4fe: {  	[tilespmem:v3+s15+$0x0] =	vst.idx.add.f32.msk $0xffff, v2  }
0x4ff: {  	v2 =	vld [tilespmem:s22+$0x2410];
	_ =	sdelay $0x4  }
0x500: {  	v3 =	vand.u32 $0x1F, v2  }
0x501: {  	v3 =	vor.u32 v1, v3;
	_ =	sdelay $0x3  }
0x502: {  	v2 =	vand.u32 $0xFFFFFFE0, v2  }
0x503: {  	[tilespmem:v3+s15+$0x0] =	vst.idx.add.f32.msk $0xffff, v2  }
0x504: {  	v2 =	vld [tilespmem:s22+$0x2420];
	_ =	sdelay $0x4  }
0x505: {  	v3 =	vand.u32 $0x1F, v2  }
0x506: {  	v3 =	vor.u32 v1, v3;
	_ =	sdelay $0x3  }
0x507: {  	v2 =	vand.u32 $0xFFFFFFE0, v2  }
0x508: {  	[tilespmem:v3+s15+$0x0] =	vst.idx.add.f32.msk $0xffff, v2  }
0x509: {  	v2 =	vld [tilespmem:s22+$0x2430];
	_ =	sdelay $0x4  }
0x50a: {  	v3 =	vand.u32 $0x1F, v2  }
0x50b: {  	v3 =	vor.u32 v1, v3;
	_ =	sdelay $0x3  }
0x50c: {  	v2 =	vand.u32 $0xFFFFFFE0, v2  }
0x50d: {  	[tilespmem:v3+s15+$0x0] =	vst.idx.add.f32.msk $0xffff, v2  }
0x50e: {  	v2 =	vld [tilespmem:s22+$0x2440];
	_ =	sdelay $0x4  }
0x50f: {  	v3 =	vand.u32 $0x1F, v2  }
0x510: {  	v3 =	vor.u32 v1, v3;
	_ =	sdelay $0x3  }
0x511: {  	v2 =	vand.u32 $0xFFFFFFE0, v2  }
0x512: {  	[tilespmem:v3+s15+$0x0] =	vst.idx.add.f32.msk $0xffff, v2  }
0x513: {  	v2 =	vld [tilespmem:s22+$0x2450];
	_ =	sdelay $0x4  }
0x514: {  	v3 =	vand.u32 $0x1F, v2  }
0x515: {  	v3 =	vor.u32 v1, v3;
	_ =	sdelay $0x3  }
0x516: {  	v2 =	vand.u32 $0xFFFFFFE0, v2  }
0x517: {  	[tilespmem:v3+s15+$0x0] =	vst.idx.add.f32.msk $0xffff, v2  }
0x518: {  	v2 =	vld [tilespmem:s22+$0x2460];
	_ =	sdelay $0x4  }
0x519: {  	v3 =	vand.u32 $0x1F, v2  }
0x51a: {  	v3 =	vor.u32 v1, v3;
	_ =	sdelay $0x3  }
0x51b: {  	v2 =	vand.u32 $0xFFFFFFE0, v2  }
0x51c: {  	[tilespmem:v3+s15+$0x0] =	vst.idx.add.f32.msk $0xffff, v2  }
0x51d: {  	v2 =	vld [tilespmem:s22+$0x2470];
	_ =	sdelay $0x4  }
0x51e: {  	v3 =	vand.u32 $0x1F, v2  }
0x51f: {  	v3 =	vor.u32 v1, v3;
	_ =	sdelay $0x3  }
0x520: {  	v2 =	vand.u32 $0xFFFFFFE0, v2  }
0x521: {  	[tilespmem:v3+s15+$0x0] =	vst.idx.add.f32.msk $0xffff, v2  }
0x522: {  	v2 =	vld [tilespmem:s22+$0x2800];
	_ =	sdelay $0x4  }
0x523: {  	v3 =	vand.u32 $0x1F, v2  }
0x524: {  	v3 =	vor.u32 v1, v3;
	_ =	sdelay $0x3  }
0x525: {  	v2 =	vand.u32 $0xFFFFFFE0, v2  }
0x526: {  	[tilespmem:v3+s15+$0x0] =	vst.idx.add.f32.msk $0xffff, v2  }
0x527: {  	v2 =	vld [tilespmem:s22+$0x2810];
	_ =	sdelay $0x4  }
0x528: {  	v3 =	vand.u32 $0x1F, v2  }
0x529: {  	v3 =	vor.u32 v1, v3;
	_ =	sdelay $0x3  }
0x52a: {  	v2 =	vand.u32 $0xFFFFFFE0, v2  }
0x52b: {  	[tilespmem:v3+s15+$0x0] =	vst.idx.add.f32.msk $0xffff, v2  }
0x52c: {  	v2 =	vld [tilespmem:s22+$0x2820];
	_ =	sdelay $0x4  }
0x52d: {  	v3 =	vand.u32 $0x1F, v2  }
0x52e: {  	v3 =	vor.u32 v1, v3;
	_ =	sdelay $0x3  }
0x52f: {  	v2 =	vand.u32 $0xFFFFFFE0, v2  }
0x530: {  	[tilespmem:v3+s15+$0x0] =	vst.idx.add.f32.msk $0xffff, v2  }
0x531: {  	v2 =	vld [tilespmem:s22+$0x2830];
	_ =	sdelay $0x4  }
0x532: {  	v3 =	vand.u32 $0x1F, v2  }
0x533: {  	v3 =	vor.u32 v1, v3;
	_ =	sdelay $0x3  }
0x534: {  	v2 =	vand.u32 $0xFFFFFFE0, v2  }
0x535: {  	[tilespmem:v3+s15+$0x0] =	vst.idx.add.f32.msk $0xffff, v2  }
0x536: {  	v2 =	vld [tilespmem:s22+$0x2840];
	_ =	sdelay $0x4  }
0x537: {  	v3 =	vand.u32 $0x1F, v2  }
0x538: {  	v3 =	vor.u32 v1, v3;
	_ =	sdelay $0x3  }
0x539: {  	v2 =	vand.u32 $0xFFFFFFE0, v2  }
0x53a: {  	[tilespmem:v3+s15+$0x0] =	vst.idx.add.f32.msk $0xffff, v2  }
0x53b: {  	v2 =	vld [tilespmem:s22+$0x2850];
	_ =	sdelay $0x4  }
0x53c: {  	v3 =	vand.u32 $0x1F, v2  }
0x53d: {  	v3 =	vor.u32 v1, v3;
	_ =	sdelay $0x3  }
0x53e: {  	v2 =	vand.u32 $0xFFFFFFE0, v2  }
0x53f: {  	[tilespmem:v3+s15+$0x0] =	vst.idx.add.f32.msk $0xffff, v2  }
0x540: {  	v2 =	vld [tilespmem:s22+$0x2860];
	_ =	sdelay $0x4  }
0x541: {  	v3 =	vand.u32 $0x1F, v2  }
0x542: {  	v3 =	vor.u32 v1, v3;
	_ =	sdelay $0x3  }
0x543: {  	v2 =	vand.u32 $0xFFFFFFE0, v2  }
0x544: {  	[tilespmem:v3+s15+$0x0] =	vst.idx.add.f32.msk $0xffff, v2  }
0x545: {  	v2 =	vld [tilespmem:s22+$0x2870];
	_ =	sdelay $0x4  }
0x546: {  	v3 =	vand.u32 $0x1F, v2  }
0x547: {  	v3 =	vor.u32 v1, v3;
	_ =	sdelay $0x3  }
0x548: {  	v2 =	vand.u32 $0xFFFFFFE0, v2  }
0x549: {  	[tilespmem:v3+s15+$0x0] =	vst.idx.add.f32.msk $0xffff, v2  }
0x54a: {  	v2 =	vld [tilespmem:s22+$0x2C00];
	_ =	sdelay $0x4  }
0x54b: {  	v3 =	vand.u32 $0x1F, v2  }
0x54c: {  	v3 =	vor.u32 v1, v3;
	_ =	sdelay $0x3  }
0x54d: {  	v2 =	vand.u32 $0xFFFFFFE0, v2  }
0x54e: {  	[tilespmem:v3+s15+$0x0] =	vst.idx.add.f32.msk $0xffff, v2  }
0x54f: {  	v2 =	vld [tilespmem:s22+$0x2C10];
	_ =	sdelay $0x4  }
0x550: {  	v3 =	vand.u32 $0x1F, v2  }
0x551: {  	v3 =	vor.u32 v1, v3;
	_ =	sdelay $0x3  }
0x552: {  	v2 =	vand.u32 $0xFFFFFFE0, v2  }
0x553: {  	[tilespmem:v3+s15+$0x0] =	vst.idx.add.f32.msk $0xffff, v2  }
0x554: {  	v2 =	vld [tilespmem:s22+$0x2C20];
	_ =	sdelay $0x4  }
0x555: {  	v3 =	vand.u32 $0x1F, v2  }
0x556: {  	v3 =	vor.u32 v1, v3;
	_ =	sdelay $0x3  }
0x557: {  	v2 =	vand.u32 $0xFFFFFFE0, v2  }
0x558: {  	[tilespmem:v3+s15+$0x0] =	vst.idx.add.f32.msk $0xffff, v2  }
0x559: {  	v2 =	vld [tilespmem:s22+$0x2C30];
	_ =	sdelay $0x4  }
0x55a: {  	v3 =	vand.u32 $0x1F, v2  }
0x55b: {  	v3 =	vor.u32 v1, v3;
	_ =	sdelay $0x3  }
0x55c: {  	v2 =	vand.u32 $0xFFFFFFE0, v2  }
0x55d: {  	[tilespmem:v3+s15+$0x0] =	vst.idx.add.f32.msk $0xffff, v2  }
0x55e: {  	v2 =	vld [tilespmem:s22+$0x2C40];
	_ =	sdelay $0x4  }
0x55f: {  	v3 =	vand.u32 $0x1F, v2  }
0x560: {  	v3 =	vor.u32 v1, v3;
	_ =	sdelay $0x3  }
0x561: {  	v2 =	vand.u32 $0xFFFFFFE0, v2  }
0x562: {  	[tilespmem:v3+s15+$0x0] =	vst.idx.add.f32.msk $0xffff, v2  }
0x563: {  	v2 =	vld [tilespmem:s22+$0x2C50];
	_ =	sdelay $0x4  }
0x564: {  	v3 =	vand.u32 $0x1F, v2  }
0x565: {  	v3 =	vor.u32 v1, v3;
	_ =	sdelay $0x3  }
0x566: {  	v2 =	vand.u32 $0xFFFFFFE0, v2  }
0x567: {  	[tilespmem:v3+s15+$0x0] =	vst.idx.add.f32.msk $0xffff, v2  }
0x568: {  	v2 =	vld [tilespmem:s22+$0x2C60];
	_ =	sdelay $0x4  }
0x569: {  	v3 =	vand.u32 $0x1F, v2  }
0x56a: {  	v3 =	vor.u32 v1, v3;
	_ =	sdelay $0x3  }
0x56b: {  	v2 =	vand.u32 $0xFFFFFFE0, v2  }
0x56c: {  	[tilespmem:v3+s15+$0x0] =	vst.idx.add.f32.msk $0xffff, v2  }
0x56d: {  	v2 =	vld [tilespmem:s22+$0x2C70];
	_ =	sdelay $0x4  }
0x56e: {  	v3 =	vand.u32 $0x1F, v2  }
0x56f: {  	p0 =	sne.s32 s21, $0x1E00;
	v3 =	vor.u32 v1, v3  }
.Ltmp7:
0x570: {  	_ = 	snop;
	(pc) =	sbr.rel @p0 .LBB2_16-.Ltmp7, $3  }
0x571: {  	_ =	sdelay $0x1  }
0x572: {  	v2 =	vand.u32 $0xFFFFFFE0, v2  }
0x573: {  	s20 =	sadd.s32 $0x80, s20;
	s21 =	sadd.s32 $0x200, s21;
	[tilespmem:v3+s15+$0x0] =	vst.idx.add.f32.msk $0xffff, v2  }
0x574: {  	v2 =	vld [tilespmem:$0x4000]  }
0x575: {  	v3 =	vld [tilespmem:$0x4010]  }
0x576: {  	v4 =	vld [tilespmem:$0x4080]  }
0x577: {  	v5 =	vld [tilespmem:$0x4090]  }
0x578: {  	v6 =	vld [tilespmem:$0x4100]  }
0x579: {  	v7 =	vld [tilespmem:$0x4110]  }
0x57a: {  	v8 =	vld [tilespmem:$0x4180]  }
0x57b: {  	v39 =	vld [tilespmem:$0x4190];
	v2 =	vadd.f32 v4, v2  }
0x57c: {  	v40 =	vld [tilespmem:$0x4200];
	v3 =	vadd.f32 v5, v3  }
0x57d: {  	v41 =	vld [tilespmem:$0x4210];
	v2 =	vadd.f32 v6, v2  }
0x57e: {  	v42 =	vld [tilespmem:$0x4280];
	v3 =	vadd.f32 v7, v3  }
0x57f: {  	v43 =	vld [tilespmem:$0x4290];
	v2 =	vadd.f32 v8, v2  }
0x580: {  	v44 =	vld [tilespmem:$0x4300];
	v3 =	vadd.f32 v39, v3  }
0x581: {  	v45 =	vld [tilespmem:$0x4310];
	v2 =	vadd.f32 v40, v2  }
0x582: {  	v46 =	vld [tilespmem:$0x4380];
	v3 =	vadd.f32 v41, v3  }
0x583: {  	v47 =	vld [tilespmem:$0x4390];
	v2 =	vadd.f32 v42, v2  }
0x584: {  	v48 =	vld [tilespmem:$0x4400];
	v3 =	vadd.f32 v43, v3  }
0x585: {  	v49 =	vld [tilespmem:$0x4410];
	v2 =	vadd.f32 v44, v2  }
0x586: {  	v50 =	vld [tilespmem:$0x4480];
	v3 =	vadd.f32 v45, v3  }
0x587: {  	v51 =	vld [tilespmem:$0x4490];
	v2 =	vadd.f32 v46, v2  }
0x588: {  	v52 =	vld [tilespmem:$0x4500];
	v3 =	vadd.f32 v47, v3  }
0x589: {  	v53 =	vld [tilespmem:$0x4510];
	v2 =	vadd.f32 v48, v2  }
0x58a: {  	v54 =	vld [tilespmem:$0x4580];
	v3 =	vadd.f32 v49, v3  }
0x58b: {  	v55 =	vld [tilespmem:$0x4590];
	v2 =	vadd.f32 v50, v2  }
0x58c: {  	v56 =	vld [tilespmem:$0x4600];
	v3 =	vadd.f32 v51, v3  }
0x58d: {  	v57 =	vld [tilespmem:$0x4610];
	v2 =	vadd.f32 v52, v2  }
0x58e: {  	v58 =	vld [tilespmem:$0x4680];
	v3 =	vadd.f32 v53, v3  }
0x58f: {  	v59 =	vld [tilespmem:$0x4690];
	v2 =	vadd.f32 v54, v2  }
0x590: {  	v60 =	vld [tilespmem:$0x4700];
	v3 =	vadd.f32 v55, v3  }
0x591: {  	v61 =	vld [tilespmem:$0x4710];
	v2 =	vadd.f32 v56, v2  }
0x592: {  	v62 =	vld [tilespmem:$0x4780];
	v3 =	vadd.f32 v57, v3  }
0x593: {  	v63 =	vld [tilespmem:$0x4790];
	v2 =	vadd.f32 v58, v2  }
0x594: {  	v3 =	vadd.f32 v59, v3  }
0x595: {  	v2 =	vadd.f32 v60, v2  }
0x596: {  	v3 =	vadd.f32 v61, v3  }
0x597: {  	v2 =	vadd.f32 v62, v2  }
0x598: {  	s19 =	sadd.s32 $0x1, s19;
	v3 =	vadd.f32 v63, v3  }
0x599: {  	p0 =	sne.s32 s19, s12;
	[tilespmem:$0x4800] =	vst v2  }
.Ltmp8:
0x59a: {  	[tilespmem:$0x4810] =	vst v3;
	(pc) =	sbr.rel @p0 .LBB2_1-.Ltmp8, $4  }
0x59b: {  	[hbm4b:s11+s2] =	stream.linear.scatter [tilespmem:s17], [sflag:$0x3], $0x80, $0x38;
	[tilespmem:$0x4880] =	vst v63  }
0x59c: {  	_ =	swait.ge [sflag:s18], $0x80  }
0x59d: {  	[sflag:s18] =	ssyncset.done $0x0  }
0x59e: {  	[sflag:s18] =	ssyncadd.s32 $0xFFFFFF80  }
0x59f: {  	_ =	sfence.sel $0x180000  }
0x5a0: {  	[bflag:$0x0] =	sbarrier.arrive $0xFFFF  }
0x5a1: {  	p0 =	sne.s32 s1, $0x0;
	_ =	strace $0x90000047  }
0x5a2: {  	s0 =	sadd.s32 @!p0 $0x100000, s0;
	[bflag:$0x2] =	sbarrier.arrive $0xFFFF  }
0x5a3: {  	[sflag:s0] =	ssyncadd.tile.s32 @!p0 $0x1;
	_ =	shalt  }
.Lfunc_end2:
_tile_overlayer_lowered:
.L_overlay_start_2:
0x5a4: {  	(tag) =	ssettag $0x2  }
0x5a5: {  	s0 =	rddreg [dreg:$0x0];
	s2 =	stileid.u32  }
0x5a6: {  	s1 =	rddreg [dreg:$0x1];
	p0 =	sne.s32 s2, $0x0  }
0x5a7: {  	s3 =	rddreg [dreg:$0x2];
	[bflag:$0x3] =	sbarrier.arrive $0xFFFF;
	s2 =	simm.s32 @!p0 $0x1C03  }
0x5a8: {  	[timem:s3], [sflag:s2] =	dma.local @!p0 [hbm:s0], s1  }
0x5a9: {  	s0 =	simm.s32 @!p0 $0x3  }
0x5aa: {  	_ =	swait.ge @!p0 [sflag:s0], s1  }
0x5ab: {  	s1 =	ssub.s32 @!p0 $0x0, s1;
	[sflag:s0] =	ssyncset.done @!p0 $0x0  }
0x5ac: {  	[sflag:s0] =	ssyncadd.s32 @!p0 s1  }
0x5ad: {  	[bflag:$0x3] =	sbarrier.arrive $0xFFFF  }
0x5ae: {  	_ =	shalt  }

</sc_bundles>
